<compile_context>
chip_gen: v7x
topology: tpu7x:2x2x1
jax: 0.10.2.dev20260603
libtpu: 0.0.44.dev20260713+nightly
codegen_flags: <defaults>
</compile_context>

<pallas_src>
import jax
import jax.numpy as jnp
from jax import lax
from jax.experimental import pallas as pl
from jax.experimental.pallas import tpu as pltpu
from jax.experimental.pallas import tpu_sc as plsc

VOCAB = 8192
N_TOK = 8192
NC, NS, L = 2, 16, 16
NW = NC * NS
RPW = N_TOK // NW
G = 2
NBUF = 4
K = 2
NG = RPW // G
CH = 8
INNER = VOCAB // (L * CH)


def _sc_body(x_hbm, y_hbm, table_hbm, out_hbm, se_hbm, vy_hbm,
             xv, yv, rows, sev, vyv, *sems):
    gsem = sems[:NBUF]
    ssem = sems[NBUF:]
    wid = lax.axis_index("s") * NC + lax.axis_index("c")
    base = wid * RPW
    pltpu.sync_copy(x_hbm.at[wid], xv)
    pltpu.sync_copy(y_hbm.at[pl.ds(base, RPW)], yv)
    iota = lax.broadcasted_iota(jnp.int32, (L,), 0)

    for b in range(K):
        pltpu.async_copy(table_hbm.at[xv.at[b]], rows.at[b], gsem[b])

    def process(g, b, q, vy_acc, yvec):
        b2 = (b + K) % NBUF
        @pl.when(g >= NBUF - K)
        def _():
            pltpu.make_async_copy(rows.at[b2],
                                  out_hbm.at[pl.ds(base, G)],
                                  ssem[b2]).wait()

        @pl.when(g + K < NG)
        def _():
            pltpu.async_copy(table_hbm.at[xv.at[g + K]], rows.at[b2],
                             gsem[b2])

        pltpu.make_async_copy(table_hbm.at[xv.at[g]], rows.at[b],
                              gsem[b]).wait()
        pltpu.async_copy(rows.at[b], out_hbm.at[pl.ds(base + g * G, G)],
                         ssem[b])
        for r in range(G):
            def body(j, accs, _r=r):
                o = j * (L * CH)
                return tuple(
                    a + jnp.exp(rows[b, _r,
                                     pl.ds(pl.multiple_of(o + k * L, L), L)])
                    for k, a in enumerate(accs))
            accs = lax.fori_loop(
                0, INNER, body,
                tuple(jnp.zeros((L,), jnp.float32) for _ in range(CH)))
            tot = accs[0]
            for a in accs[1:]:
                tot = tot + a
            sev[g * G + r, :] = tot
            ysc = yvec[q * G + r]
            chunk = rows[b, r, pl.ds(pl.multiple_of(ysc & (-L), L), L)]
            vy_acc = vy_acc + jnp.where(iota == (ysc & (L - 1)), chunk, 0.0)
        return vy_acc

    def outer(oo, vy_acc):
        yvec = yv[pl.ds(pl.multiple_of(oo * L, L), L)]
        for q in range(2 * NBUF):
            vy_acc = process(oo * 2 * NBUF + q, q % NBUF, q, vy_acc, yvec)
        return vy_acc

    vy_acc = lax.fori_loop(0, NG // (2 * NBUF), outer,
                           jnp.zeros((L,), jnp.float32))
    vyv[...] = vy_acc
    for g in range(NG - (NBUF - K), NG):
        pltpu.make_async_copy(rows.at[g % NBUF],
                              out_hbm.at[pl.ds(base, G)],
                              ssem[g % NBUF]).wait()
    pltpu.sync_copy(sev, se_hbm.at[pl.ds(base, RPW)])
    pltpu.sync_copy(vyv, vy_hbm.at[wid])


def _loss_body(s_ref, v_ref, o_ref):
    lse = jnp.log(jnp.sum(s_ref[...], axis=-1))
    o_ref[0, 0] = (jnp.sum(lse) - jnp.sum(v_ref[...])) * (1.0 / N_TOK)


def kernel(x, y, table):
    x = x.reshape(NW, NG, G).astype(jnp.int32)
    y = y.reshape(N_TOK).astype(jnp.int32)
    sc = pl.kernel(
        _sc_body,
        out_type=[
            jax.ShapeDtypeStruct((N_TOK, VOCAB), jnp.float32),
            jax.ShapeDtypeStruct((N_TOK, L), jnp.float32),
            jax.ShapeDtypeStruct((NW, L), jnp.float32),
        ],
        mesh=plsc.VectorSubcoreMesh(core_axis_name="c", subcore_axis_name="s"),
        scratch_types=[
            pltpu.VMEM((NG, G), jnp.int32),
            pltpu.VMEM((RPW,), jnp.int32),
            pltpu.VMEM((NBUF, G, VOCAB), jnp.float32),
            pltpu.VMEM((RPW, L), jnp.float32),
            pltpu.VMEM((L,), jnp.float32),
        ] + [pltpu.SemaphoreType.DMA] * (2 * NBUF),
    )
    logits, se, vy = sc(x, y, table)
    loss = pl.pallas_call(
        _loss_body,
        out_shape=jax.ShapeDtypeStruct((1, 1), jnp.float32),
        out_specs=pl.BlockSpec(memory_space=pltpu.SMEM),
    )(se, vy)
    return logits, loss[0, 0]

# --- scband reference (transcript-rebuilt; emitter-appended) ---
"""Pipeline reference for scband-bi-gram-model-17291538334500 (READ-ONLY COPY).

The authoritative reference and input builder live on the scoring server;
editing this copy changes nothing except your own understanding.
"""

import jax, jax.numpy as jnp
import numpy as np

VOCAB = 8192
B, T = 8, 1024

def setup_inputs(seed: int = 0) -> dict:
    key = jax.random.key(seed)
    k1, k2, k3 = jax.random.split(key, 3)
    x = jax.random.randint(k1, (B, T), 0, VOCAB, dtype=jnp.int64) if jax.config.jax_enable_x64 else jax.random.randint(k1, (B, T), 0, VOCAB, dtype=jnp.int32)
    y = jax.random.randint(k2, (B, T), 0, VOCAB, dtype=x.dtype)
    table = jax.random.normal(k3, (VOCAB, VOCAB), dtype=jnp.float32) * 0.02
    return {"x": x, "y": y, "table": table}

def reference(x, y, table):
    # logits = embedding lookup: each token id maps to a row of size VOCAB
    logits = jnp.take(table, x, axis=0)  # [B, T, VOCAB]
    Bs, Ts, C = logits.shape
    logits = logits.reshape(Bs * Ts, C)
    # cross entropy (mean reduction), matching F.cross_entropy
    yf = y.reshape(Bs * Ts)
    logp = jax.nn.log_softmax(logits, axis=-1)
    nll = -jnp.take_along_axis(logp, yf[:, None], axis=1)[:, 0]
    loss = jnp.mean(nll)
    return (logits, loss)

if __name__ == "__main__":
    import jax
    _d = setup_inputs()
    print(jax.jit(kernel)(*tuple(_d.values())))

</pallas_src>

<mosaic_0001>
#map = affine_map<(d0, d1) -> (0, 0, 0)>
#map1 = affine_map<(d0, d1) -> (0)>
#map2 = affine_map<(d0, d1) -> (0, 0)>
module attributes {stable_mosaic.version = 14 : i64} {
  func.func @_sc_body(%arg0: i32, %arg1: i32, %arg2: memref<32x128x2xi32, #tpu.memory_space<hbm>>, %arg3: memref<8192xi32, #tpu.memory_space<hbm>>, %arg4: memref<8192x8192xf32, #tpu.memory_space<hbm>>, %arg5: memref<8192x8192xf32, #tpu.memory_space<hbm>>, %arg6: memref<8192x16xf32, #tpu.memory_space<hbm>>, %arg7: memref<32x16xf32, #tpu.memory_space<hbm>>, %arg8: memref<128x2xi32, #tpu.memory_space<vmem>>, %arg9: memref<256xi32, #tpu.memory_space<vmem>>, %arg10: memref<4x2x8192xf32, #tpu.memory_space<vmem>>, %arg11: memref<256x16xf32, #tpu.memory_space<vmem>>, %arg12: memref<16xf32, #tpu.memory_space<vmem>>, %arg13: memref<!tpu.dma_semaphore, #tpu.memory_space<semaphore_mem>>, %arg14: memref<!tpu.dma_semaphore, #tpu.memory_space<semaphore_mem>>, %arg15: memref<!tpu.dma_semaphore, #tpu.memory_space<semaphore_mem>>, %arg16: memref<!tpu.dma_semaphore, #tpu.memory_space<semaphore_mem>>, %arg17: memref<!tpu.dma_semaphore, #tpu.memory_space<semaphore_mem>>, %arg18: memref<!tpu.dma_semaphore, #tpu.memory_space<semaphore_mem>>, %arg19: memref<!tpu.dma_semaphore, #tpu.memory_space<semaphore_mem>>, %arg20: memref<!tpu.dma_semaphore, #tpu.memory_space<semaphore_mem>>) attributes {dimension_semantics = [#tpu.dimension_semantics<core_parallel>, #tpu.dimension_semantics<subcore_parallel>], iteration_bounds = array<i64: 2, 16>, scalar_prefetch = 0 : i64, scratch_operands = 13 : i64, tpu.core_type = #tpu.core_type<sc_vector_subcore>, window_params = [{transform_indices = #map}, {transform_indices = #map1}, {transform_indices = #map2}, {transform_indices = #map2}, {transform_indices = #map2}, {transform_indices = #map2}]} {
    %mul3A = arith.constant 2 : i32
    %mul3A_0 = arith.muli %arg1, %mul3A : i32
    %add3A = arith.addi %mul3A_0, %arg0 : i32
    %mul3A_1 = arith.constant 256 : i32
    %mul3A_2 = arith.muli %add3A, %mul3A_1 : i32
    "tpu.region"() ({
      %run_scoped3A = tpu.sem_alloc : memref<!tpu.dma_semaphore, #tpu.memory_space<semaphore_mem>>
      %dma_start3A_60 = arith.constant 0 : i32
      %dma_start3A_61 = arith.constant 0 : i32
      %dma_start3A_62 = tpu.memref_slice %arg2[%add3A, %dma_start3A_60, %dma_start3A_61] : memref<32x128x2xi32, #tpu.memory_space<hbm>> -> memref<1x128x2xi32, #tpu.memory_space<hbm>>
      %dma_start3A_63 = tpu.memref_squeeze %dma_start3A_62 : memref<1x128x2xi32, #tpu.memory_space<hbm>> -> memref<128x2xi32, #tpu.memory_space<hbm>>
      %dma_start3A_64 = arith.constant 0 : i32
      %dma_start3A_65 = arith.constant 0 : i32
      %dma_start3A_66 = tpu.memref_slice %arg2[%add3A, %dma_start3A_64, %dma_start3A_65] : memref<32x128x2xi32, #tpu.memory_space<hbm>> -> memref<1x128x2xi32, #tpu.memory_space<hbm>>
      %dma_start3A_67 = tpu.memref_squeeze %dma_start3A_66 : memref<1x128x2xi32, #tpu.memory_space<hbm>> -> memref<128x2xi32, #tpu.memory_space<hbm>>
      tpu.enqueue_dma source(%dma_start3A_67 : memref<128x2xi32, #tpu.memory_space<hbm>>) target(%arg8 : memref<128x2xi32, #tpu.memory_space<vmem>>) target_semaphore(%run_scoped3A : memref<!tpu.dma_semaphore, #tpu.memory_space<semaphore_mem>>)
      %dma_wait3A_68 = arith.constant 0 : i32
      %dma_wait3A_69 = arith.constant 0 : i32
      %dma_wait3A_70 = tpu.memref_slice %arg2[%add3A, %dma_wait3A_68, %dma_wait3A_69] : memref<32x128x2xi32, #tpu.memory_space<hbm>> -> memref<1x128x2xi32, #tpu.memory_space<hbm>>
      %dma_wait3A_71 = tpu.memref_squeeze %dma_wait3A_70 : memref<1x128x2xi32, #tpu.memory_space<hbm>> -> memref<128x2xi32, #tpu.memory_space<hbm>>
      %dma_wait3A_72 = arith.constant 0 : i32
      %dma_wait3A_73 = arith.constant 0 : i32
      %dma_wait3A_74 = tpu.memref_slice %arg2[%add3A, %dma_wait3A_72, %dma_wait3A_73] : memref<32x128x2xi32, #tpu.memory_space<hbm>> -> memref<1x128x2xi32, #tpu.memory_space<hbm>>
      %dma_wait3A_75 = tpu.memref_squeeze %dma_wait3A_74 : memref<1x128x2xi32, #tpu.memory_space<hbm>> -> memref<128x2xi32, #tpu.memory_space<hbm>>
      tpu.wait_dma2 semaphore(%run_scoped3A : memref<!tpu.dma_semaphore, #tpu.memory_space<semaphore_mem>>) src(%dma_wait3A_75 : memref<128x2xi32, #tpu.memory_space<hbm>>) dst(%arg8 : memref<128x2xi32, #tpu.memory_space<vmem>>)
      tpu.yield
    }) : () -> ()
    "tpu.region"() ({
      %run_scoped3A = tpu.sem_alloc : memref<!tpu.dma_semaphore, #tpu.memory_space<semaphore_mem>>
      %dma_start3A_60 = tpu.memref_slice %arg3[%mul3A_2] : memref<8192xi32, #tpu.memory_space<hbm>> -> memref<256xi32, #tpu.memory_space<hbm>>
      %dma_start3A_61 = tpu.memref_slice %arg3[%mul3A_2] : memref<8192xi32, #tpu.memory_space<hbm>> -> memref<256xi32, #tpu.memory_space<hbm>>
      tpu.enqueue_dma source(%dma_start3A_61 : memref<256xi32, #tpu.memory_space<hbm>>) target(%arg9 : memref<256xi32, #tpu.memory_space<vmem>>) target_semaphore(%run_scoped3A : memref<!tpu.dma_semaphore, #tpu.memory_space<semaphore_mem>>)
      %dma_wait3A_62 = tpu.memref_slice %arg3[%mul3A_2] : memref<8192xi32, #tpu.memory_space<hbm>> -> memref<256xi32, #tpu.memory_space<hbm>>
      %dma_wait3A_63 = tpu.memref_slice %arg3[%mul3A_2] : memref<8192xi32, #tpu.memory_space<hbm>> -> memref<256xi32, #tpu.memory_space<hbm>>
      tpu.wait_dma2 semaphore(%run_scoped3A : memref<!tpu.dma_semaphore, #tpu.memory_space<semaphore_mem>>) src(%dma_wait3A_63 : memref<256xi32, #tpu.memory_space<hbm>>) dst(%arg9 : memref<256xi32, #tpu.memory_space<vmem>>)
      tpu.yield
    }) : () -> ()
    %iota3A = tpu.iota {dimensions = array<i32: 0>} : vector<16xi32>
    %dma_start3A = arith.constant 0 : i32
    %dma_start3A_3 = arith.constant 0 : i32
    %dma_start3A_4 = arith.constant 0 : i32
    %dma_start3A_5 = arith.constant 0 : i32
    %dma_start3A_6 = tpu.memref_slice %arg10[%dma_start3A_3, %dma_start3A_4, %dma_start3A_5] : memref<4x2x8192xf32, #tpu.memory_space<vmem>> -> memref<1x2x8192xf32, #tpu.memory_space<vmem>>
    %dma_start3A_7 = tpu.memref_squeeze %dma_start3A_6 : memref<1x2x8192xf32, #tpu.memory_space<vmem>> -> memref<2x8192xf32, #tpu.memory_space<vmem>>
    %dma_start3A_8 = arith.constant 0 : i32
    %dma_start3A_9 = tpu.memref_slice %arg8[%dma_start3A, %dma_start3A_8] : memref<128x2xi32, #tpu.memory_space<vmem>> -> memref<1x2xi32, #tpu.memory_space<vmem>>
    %dma_start3A_10 = tpu.memref_squeeze %dma_start3A_9 : memref<1x2xi32, #tpu.memory_space<vmem>> -> memref<2xi32, #tpu.memory_space<vmem>>
    %dma_start3A_11 = arith.constant 0 : i32
    %dma_start3A_12 = arith.constant 0 : i32
    %dma_start3A_13 = tpu.memref_slice %arg4[%dma_start3A_11, %dma_start3A_12] : memref<8192x8192xf32, #tpu.memory_space<hbm>> -> memref<8192x8192xf32, #tpu.memory_space<hbm>>
    tpu.enqueue_indirect_dma source(%dma_start3A_13 : memref<8192x8192xf32, #tpu.memory_space<hbm>>) target(%dma_start3A_7 : memref<2x8192xf32, #tpu.memory_space<vmem>>) offsets(%dma_start3A_10 : memref<2xi32, #tpu.memory_space<vmem>>) semaphore(%arg13 : memref<!tpu.dma_semaphore, #tpu.memory_space<semaphore_mem>>)
    %dma_start3A_14 = arith.constant 1 : i32
    %dma_start3A_15 = arith.constant 1 : i32
    %dma_start3A_16 = arith.constant 0 : i32
    %dma_start3A_17 = arith.constant 0 : i32
    %dma_start3A_18 = tpu.memref_slice %arg10[%dma_start3A_15, %dma_start3A_16, %dma_start3A_17] : memref<4x2x8192xf32, #tpu.memory_space<vmem>> -> memref<1x2x8192xf32, #tpu.memory_space<vmem>>
    %dma_start3A_19 = tpu.memref_squeeze %dma_start3A_18 : memref<1x2x8192xf32, #tpu.memory_space<vmem>> -> memref<2x8192xf32, #tpu.memory_space<vmem>>
    %dma_start3A_20 = arith.constant 0 : i32
    %dma_start3A_21 = tpu.memref_slice %arg8[%dma_start3A_14, %dma_start3A_20] : memref<128x2xi32, #tpu.memory_space<vmem>> -> memref<1x2xi32, #tpu.memory_space<vmem>>
    %dma_start3A_22 = tpu.memref_squeeze %dma_start3A_21 : memref<1x2xi32, #tpu.memory_space<vmem>> -> memref<2xi32, #tpu.memory_space<vmem>>
    %dma_start3A_23 = arith.constant 0 : i32
    %dma_start3A_24 = arith.constant 0 : i32
    %dma_start3A_25 = tpu.memref_slice %arg4[%dma_start3A_23, %dma_start3A_24] : memref<8192x8192xf32, #tpu.memory_space<hbm>> -> memref<8192x8192xf32, #tpu.memory_space<hbm>>
    tpu.enqueue_indirect_dma source(%dma_start3A_25 : memref<8192x8192xf32, #tpu.memory_space<hbm>>) target(%dma_start3A_19 : memref<2x8192xf32, #tpu.memory_space<vmem>>) offsets(%dma_start3A_22 : memref<2xi32, #tpu.memory_space<vmem>>) semaphore(%arg14 : memref<!tpu.dma_semaphore, #tpu.memory_space<semaphore_mem>>)
    %broadcast_in_dim3A = arith.constant 0.000000e+00 : f32
    %broadcast_in_dim3A_26 = vector.broadcast %broadcast_in_dim3A : f32 to vector<16xf32>
    %scan3A = arith.constant 0 : i32
    %scan3A_27 = arith.constant 16 : i32
    %scan3A_28 = arith.addi %scan3A, %scan3A_27 : i32
    %scan3A_29 = arith.constant 1 : i32
    %scan3A_30 = scf.for %scan3A_60 = %scan3A to %scan3A_28 step %scan3A_29 iter_args(%scan3A_61 = %broadcast_in_dim3A_26) -> (vector<16xf32>)  : i32 {
      %mul3A_62 = arith.constant 16 : i32
      %mul3A_63 = arith.muli %scan3A_60, %mul3A_62 : i32
      %multiple_of3A = tpu.assume_multiple %mul3A_63, 16 : i32
      %get3A = arith.index_cast %multiple_of3A : i32 to index
      %get3A_64 = tpu.vector_load %arg9[%get3A] {strides = array<i32>} : memref<256xi32, #tpu.memory_space<vmem>>, vector<16xi32>,
      %get3A_65 = vector.shape_cast %get3A_64 : vector<16xi32> to vector<16xi32>
      %mul3A_66 = arith.constant 2 : i32
      %mul3A_67 = arith.muli %scan3A_60, %mul3A_66 : i32
      %mul3A_68 = arith.constant 4 : i32
      %mul3A_69 = arith.muli %mul3A_67, %mul3A_68 : i32
      %add3A_70 = arith.constant 0 : i32
      %add3A_71 = arith.addi %mul3A_69, %add3A_70 : i32
      %ge3A = arith.constant 2 : i32
      %ge3A_72 = arith.cmpi sge, %add3A_71, %ge3A : i32
      %convert_element_type3A = arith.extui %ge3A_72 : i1 to i32
      %cond3A = arith.constant 0 : i32
      %cond3A_73 = arith.cmpi ne, %convert_element_type3A, %cond3A : i32
      scf.if %cond3A_73 {
        %dma_wait3A_1344 = arith.constant 2 : i32
        %dma_wait3A_1345 = arith.constant 0 : i32
        %dma_wait3A_1346 = arith.constant 0 : i32
        %dma_wait3A_1347 = tpu.memref_slice %arg10[%dma_wait3A_1344, %dma_wait3A_1345, %dma_wait3A_1346] : memref<4x2x8192xf32, #tpu.memory_space<vmem>> -> memref<1x2x8192xf32, #tpu.memory_space<vmem>>
        %dma_wait3A_1348 = tpu.memref_squeeze %dma_wait3A_1347 : memref<1x2x8192xf32, #tpu.memory_space<vmem>> -> memref<2x8192xf32, #tpu.memory_space<vmem>>
        %dma_wait3A_1349 = arith.constant 0 : i32
        %dma_wait3A_1350 = tpu.memref_slice %arg5[%mul3A_2, %dma_wait3A_1349] : memref<8192x8192xf32, #tpu.memory_space<hbm>> -> memref<2x8192xf32, #tpu.memory_space<hbm>>
        %dma_wait3A_1351 = arith.constant 0 : i32
        %dma_wait3A_1352 = tpu.memref_slice %arg5[%mul3A_2, %dma_wait3A_1351] : memref<8192x8192xf32, #tpu.memory_space<hbm>> -> memref<2x8192xf32, #tpu.memory_space<hbm>>
        %dma_wait3A_1353 = arith.constant 0 : i32
        %dma_wait3A_1354 = arith.constant 0 : i32
        %dma_wait3A_1355 = tpu.memref_slice %arg10[%dma_wait3A_1344, %dma_wait3A_1353, %dma_wait3A_1354] : memref<4x2x8192xf32, #tpu.memory_space<vmem>> -> memref<1x2x8192xf32, #tpu.memory_space<vmem>>
        %dma_wait3A_1356 = tpu.memref_squeeze %dma_wait3A_1355 : memref<1x2x8192xf32, #tpu.memory_space<vmem>> -> memref<2x8192xf32, #tpu.memory_space<vmem>>
        tpu.wait_dma2 semaphore(%arg19 : memref<!tpu.dma_semaphore, #tpu.memory_space<semaphore_mem>>) src(%dma_wait3A_1356 : memref<2x8192xf32, #tpu.memory_space<vmem>>) dst(%dma_wait3A_1352 : memref<2x8192xf32, #tpu.memory_space<hbm>>)
      } else {
      }
      %add3A_74 = arith.constant 2 : i32
      %add3A_75 = arith.addi %add3A_71, %add3A_74 : i32
      %lt3A = arith.constant 128 : i32
      %lt3A_76 = arith.cmpi slt, %add3A_75, %lt3A : i32
      %convert_element_type3A_77 = arith.extui %lt3A_76 : i1 to i32
      %cond3A_78 = arith.constant 0 : i32
      %cond3A_79 = arith.cmpi ne, %convert_element_type3A_77, %cond3A_78 : i32
      scf.if %cond3A_79 {
        %add3A_1344 = arith.constant 2 : i32
        %add3A_1345 = arith.addi %add3A_71, %add3A_1344 : i32
        %dma_start3A_1346 = arith.constant 2 : i32
        %dma_start3A_1347 = arith.constant 0 : i32
        %dma_start3A_1348 = arith.constant 0 : i32
        %dma_start3A_1349 = tpu.memref_slice %arg10[%dma_start3A_1346, %dma_start3A_1347, %dma_start3A_1348] : memref<4x2x8192xf32, #tpu.memory_space<vmem>> -> memref<1x2x8192xf32, #tpu.memory_space<vmem>>
        %dma_start3A_1350 = tpu.memref_squeeze %dma_start3A_1349 : memref<1x2x8192xf32, #tpu.memory_space<vmem>> -> memref<2x8192xf32, #tpu.memory_space<vmem>>
        %dma_start3A_1351 = arith.constant 0 : i32
        %dma_start3A_1352 = tpu.memref_slice %arg8[%add3A_1345, %dma_start3A_1351] : memref<128x2xi32, #tpu.memory_space<vmem>> -> memref<1x2xi32, #tpu.memory_space<vmem>>
        %dma_start3A_1353 = tpu.memref_squeeze %dma_start3A_1352 : memref<1x2xi32, #tpu.memory_space<vmem>> -> memref<2xi32, #tpu.memory_space<vmem>>
        %dma_start3A_1354 = arith.constant 0 : i32
        %dma_start3A_1355 = arith.constant 0 : i32
        %dma_start3A_1356 = tpu.memref_slice %arg4[%dma_start3A_1354, %dma_start3A_1355] : memref<8192x8192xf32, #tpu.memory_space<hbm>> -> memref<8192x8192xf32, #tpu.memory_space<hbm>>
        tpu.enqueue_indirect_dma source(%dma_start3A_1356 : memref<8192x8192xf32, #tpu.memory_space<hbm>>) target(%dma_start3A_1350 : memref<2x8192xf32, #tpu.memory_space<vmem>>) offsets(%dma_start3A_1353 : memref<2xi32, #tpu.memory_space<vmem>>) semaphore(%arg15 : memref<!tpu.dma_semaphore, #tpu.memory_space<semaphore_mem>>)
      } else {
      }
      %dma_wait3A_80 = arith.constant 0 : i32
      %dma_wait3A_81 = arith.constant 0 : i32
      %dma_wait3A_82 = arith.constant 0 : i32
      %dma_wait3A_83 = tpu.memref_slice %arg10[%dma_wait3A_80, %dma_wait3A_81, %dma_wait3A_82] : memref<4x2x8192xf32, #tpu.memory_space<vmem>> -> memref<1x2x8192xf32, #tpu.memory_space<vmem>>
      %dma_wait3A_84 = tpu.memref_squeeze %dma_wait3A_83 : memref<1x2x8192xf32, #tpu.memory_space<vmem>> -> memref<2x8192xf32, #tpu.memory_space<vmem>>
      %dma_wait3A_85 = arith.constant 0 : i32
      %dma_wait3A_86 = tpu.memref_slice %arg8[%add3A_71, %dma_wait3A_85] : memref<128x2xi32, #tpu.memory_space<vmem>> -> memref<1x2xi32, #tpu.memory_space<vmem>>
      %dma_wait3A_87 = tpu.memref_squeeze %dma_wait3A_86 : memref<1x2xi32, #tpu.memory_space<vmem>> -> memref<2xi32, #tpu.memory_space<vmem>>
      %dma_wait3A_88 = arith.constant 0 : i32
      %dma_wait3A_89 = arith.constant 0 : i32
      %dma_wait3A_90 = tpu.memref_slice %arg4[%dma_wait3A_88, %dma_wait3A_89] : memref<8192x8192xf32, #tpu.memory_space<hbm>> -> memref<8192x8192xf32, #tpu.memory_space<hbm>>
      tpu.wait_indirect_dma semaphore(%arg13 : memref<!tpu.dma_semaphore, #tpu.memory_space<semaphore_mem>>) src(%dma_wait3A_90 : memref<8192x8192xf32, #tpu.memory_space<hbm>>) dst(%dma_wait3A_84 : memref<2x8192xf32, #tpu.memory_space<vmem>>)
      %mul3A_91 = arith.constant 2 : i32
      %mul3A_92 = arith.muli %add3A_71, %mul3A_91 : i32
      %add3A_93 = arith.addi %mul3A_2, %mul3A_92 : i32
      %dma_start3A_94 = arith.constant 0 : i32
      %dma_start3A_95 = arith.constant 0 : i32
      %dma_start3A_96 = arith.constant 0 : i32
      %dma_start3A_97 = tpu.memref_slice %arg10[%dma_start3A_94, %dma_start3A_95, %dma_start3A_96] : memref<4x2x8192xf32, #tpu.memory_space<vmem>> -> memref<1x2x8192xf32, #tpu.memory_space<vmem>>
      %dma_start3A_98 = tpu.memref_squeeze %dma_start3A_97 : memref<1x2x8192xf32, #tpu.memory_space<vmem>> -> memref<2x8192xf32, #tpu.memory_space<vmem>>
      %dma_start3A_99 = arith.constant 0 : i32
      %dma_start3A_100 = tpu.memref_slice %arg5[%add3A_93, %dma_start3A_99] : memref<8192x8192xf32, #tpu.memory_space<hbm>> -> memref<2x8192xf32, #tpu.memory_space<hbm>>
      %dma_start3A_101 = arith.constant 0 : i32
      %dma_start3A_102 = tpu.memref_slice %arg5[%add3A_93, %dma_start3A_101] : memref<8192x8192xf32, #tpu.memory_space<hbm>> -> memref<2x8192xf32, #tpu.memory_space<hbm>>
      %dma_start3A_103 = arith.constant 0 : i32
      %dma_start3A_104 = arith.constant 0 : i32
      %dma_start3A_105 = tpu.memref_slice %arg10[%dma_start3A_94, %dma_start3A_103, %dma_start3A_104] : memref<4x2x8192xf32, #tpu.memory_space<vmem>> -> memref<1x2x8192xf32, #tpu.memory_space<vmem>>
      %dma_start3A_106 = tpu.memref_squeeze %dma_start3A_105 : memref<1x2x8192xf32, #tpu.memory_space<vmem>> -> memref<2x8192xf32, #tpu.memory_space<vmem>>
      tpu.enqueue_dma source(%dma_start3A_106 : memref<2x8192xf32, #tpu.memory_space<vmem>>) target(%dma_start3A_102 : memref<2x8192xf32, #tpu.memory_space<hbm>>) target_semaphore(%arg17 : memref<!tpu.dma_semaphore, #tpu.memory_space<semaphore_mem>>)
      %broadcast_in_dim3A_107 = arith.constant 0.000000e+00 : f32
      %broadcast_in_dim3A_108 = vector.broadcast %broadcast_in_dim3A_107 : f32 to vector<16xf32>
      %broadcast_in_dim3A_109 = arith.constant 0.000000e+00 : f32
      %broadcast_in_dim3A_110 = vector.broadcast %broadcast_in_dim3A_109 : f32 to vector<16xf32>
      %broadcast_in_dim3A_111 = arith.constant 0.000000e+00 : f32
      %broadcast_in_dim3A_112 = vector.broadcast %broadcast_in_dim3A_111 : f32 to vector<16xf32>
      %broadcast_in_dim3A_113 = arith.constant 0.000000e+00 : f32
      %broadcast_in_dim3A_114 = vector.broadcast %broadcast_in_dim3A_113 : f32 to vector<16xf32>
      %broadcast_in_dim3A_115 = arith.constant 0.000000e+00 : f32
      %broadcast_in_dim3A_116 = vector.broadcast %broadcast_in_dim3A_115 : f32 to vector<16xf32>
      %broadcast_in_dim3A_117 = arith.constant 0.000000e+00 : f32
      %broadcast_in_dim3A_118 = vector.broadcast %broadcast_in_dim3A_117 : f32 to vector<16xf32>
      %broadcast_in_dim3A_119 = arith.constant 0.000000e+00 : f32
      %broadcast_in_dim3A_120 = vector.broadcast %broadcast_in_dim3A_119 : f32 to vector<16xf32>
      %broadcast_in_dim3A_121 = arith.constant 0.000000e+00 : f32
      %broadcast_in_dim3A_122 = vector.broadcast %broadcast_in_dim3A_121 : f32 to vector<16xf32>
      %scan3A_123 = arith.constant 0 : i32
      %scan3A_124 = arith.constant 64 : i32
      %scan3A_125 = arith.addi %scan3A_123, %scan3A_124 : i32
      %scan3A_126 = arith.constant 1 : i32
      %scan3A_127:8 = scf.for %scan3A_1344 = %scan3A_123 to %scan3A_125 step %scan3A_126 iter_args(%scan3A_1345 = %broadcast_in_dim3A_108, %scan3A_1346 = %broadcast_in_dim3A_110, %scan3A_1347 = %broadcast_in_dim3A_112, %scan3A_1348 = %broadcast_in_dim3A_114, %scan3A_1349 = %broadcast_in_dim3A_116, %scan3A_1350 = %broadcast_in_dim3A_118, %scan3A_1351 = %broadcast_in_dim3A_120, %scan3A_1352 = %broadcast_in_dim3A_122) -> (vector<16xf32>, vector<16xf32>, vector<16xf32>, vector<16xf32>, vector<16xf32>, vector<16xf32>, vector<16xf32>, vector<16xf32>)  : i32 {
        %mul3A_1353 = arith.constant 128 : i32
        %mul3A_1354 = arith.muli %scan3A_1344, %mul3A_1353 : i32
        %add3A_1355 = arith.constant 0 : i32
        %add3A_1356 = arith.addi %mul3A_1354, %add3A_1355 : i32
        %multiple_of3A_1357 = tpu.assume_multiple %add3A_1356, 16 : i32
        %get3A_1358 = arith.constant 0 : i32
        %get3A_1359 = arith.constant 0 : i32
        %get3A_1360 = arith.index_cast %get3A_1358 : i32 to index
        %get3A_1361 = arith.index_cast %get3A_1359 : i32 to index
        %get3A_1362 = arith.index_cast %multiple_of3A_1357 : i32 to index
        %get3A_1363 = tpu.vector_load %arg10[%get3A_1360, %get3A_1361, %get3A_1362] {strides = array<i32>} : memref<4x2x8192xf32, #tpu.memory_space<vmem>>, vector<1x1x16xf32>,
        %get3A_1364 = vector.shape_cast %get3A_1363 : vector<1x1x16xf32> to vector<16xf32>
        %exp3A = math.exp %get3A_1364 : vector<16xf32>
        %add3A_1365 = arith.addf %scan3A_1345, %exp3A : vector<16xf32>
        %add3A_1366 = arith.constant 16 : i32
        %add3A_1367 = arith.addi %mul3A_1354, %add3A_1366 : i32
        %multiple_of3A_1368 = tpu.assume_multiple %add3A_1367, 16 : i32
        %get3A_1369 = arith.constant 0 : i32
        %get3A_1370 = arith.constant 0 : i32
        %get3A_1371 = arith.index_cast %get3A_1369 : i32 to index
        %get3A_1372 = arith.index_cast %get3A_1370 : i32 to index
        %get3A_1373 = arith.index_cast %multiple_of3A_1368 : i32 to index
        %get3A_1374 = tpu.vector_load %arg10[%get3A_1371, %get3A_1372, %get3A_1373] {strides = array<i32>} : memref<4x2x8192xf32, #tpu.memory_space<vmem>>, vector<1x1x16xf32>,
        %get3A_1375 = vector.shape_cast %get3A_1374 : vector<1x1x16xf32> to vector<16xf32>
        %exp3A_1376 = math.exp %get3A_1375 : vector<16xf32>
        %add3A_1377 = arith.addf %scan3A_1346, %exp3A_1376 : vector<16xf32>
        %add3A_1378 = arith.constant 32 : i32
        %add3A_1379 = arith.addi %mul3A_1354, %add3A_1378 : i32
        %multiple_of3A_1380 = tpu.assume_multiple %add3A_1379, 16 : i32
        %get3A_1381 = arith.constant 0 : i32
        %get3A_1382 = arith.constant 0 : i32
        %get3A_1383 = arith.index_cast %get3A_1381 : i32 to index
        %get3A_1384 = arith.index_cast %get3A_1382 : i32 to index
        %get3A_1385 = arith.index_cast %multiple_of3A_1380 : i32 to index
        %get3A_1386 = tpu.vector_load %arg10[%get3A_1383, %get3A_1384, %get3A_1385] {strides = array<i32>} : memref<4x2x8192xf32, #tpu.memory_space<vmem>>, vector<1x1x16xf32>,
        %get3A_1387 = vector.shape_cast %get3A_1386 : vector<1x1x16xf32> to vector<16xf32>
        %exp3A_1388 = math.exp %get3A_1387 : vector<16xf32>
        %add3A_1389 = arith.addf %scan3A_1347, %exp3A_1388 : vector<16xf32>
        %add3A_1390 = arith.constant 48 : i32
        %add3A_1391 = arith.addi %mul3A_1354, %add3A_1390 : i32
        %multiple_of3A_1392 = tpu.assume_multiple %add3A_1391, 16 : i32
        %get3A_1393 = arith.constant 0 : i32
        %get3A_1394 = arith.constant 0 : i32
        %get3A_1395 = arith.index_cast %get3A_1393 : i32 to index
        %get3A_1396 = arith.index_cast %get3A_1394 : i32 to index
        %get3A_1397 = arith.index_cast %multiple_of3A_1392 : i32 to index
        %get3A_1398 = tpu.vector_load %arg10[%get3A_1395, %get3A_1396, %get3A_1397] {strides = array<i32>} : memref<4x2x8192xf32, #tpu.memory_space<vmem>>, vector<1x1x16xf32>,
        %get3A_1399 = vector.shape_cast %get3A_1398 : vector<1x1x16xf32> to vector<16xf32>
        %exp3A_1400 = math.exp %get3A_1399 : vector<16xf32>
        %add3A_1401 = arith.addf %scan3A_1348, %exp3A_1400 : vector<16xf32>
        %add3A_1402 = arith.constant 64 : i32
        %add3A_1403 = arith.addi %mul3A_1354, %add3A_1402 : i32
        %multiple_of3A_1404 = tpu.assume_multiple %add3A_1403, 16 : i32
        %get3A_1405 = arith.constant 0 : i32
        %get3A_1406 = arith.constant 0 : i32
        %get3A_1407 = arith.index_cast %get3A_1405 : i32 to index
        %get3A_1408 = arith.index_cast %get3A_1406 : i32 to index
        %get3A_1409 = arith.index_cast %multiple_of3A_1404 : i32 to index
        %get3A_1410 = tpu.vector_load %arg10[%get3A_1407, %get3A_1408, %get3A_1409] {strides = array<i32>} : memref<4x2x8192xf32, #tpu.memory_space<vmem>>, vector<1x1x16xf32>,
        %get3A_1411 = vector.shape_cast %get3A_1410 : vector<1x1x16xf32> to vector<16xf32>
        %exp3A_1412 = math.exp %get3A_1411 : vector<16xf32>
        %add3A_1413 = arith.addf %scan3A_1349, %exp3A_1412 : vector<16xf32>
        %add3A_1414 = arith.constant 80 : i32
        %add3A_1415 = arith.addi %mul3A_1354, %add3A_1414 : i32
        %multiple_of3A_1416 = tpu.assume_multiple %add3A_1415, 16 : i32
        %get3A_1417 = arith.constant 0 : i32
        %get3A_1418 = arith.constant 0 : i32
        %get3A_1419 = arith.index_cast %get3A_1417 : i32 to index
        %get3A_1420 = arith.index_cast %get3A_1418 : i32 to index
        %get3A_1421 = arith.index_cast %multiple_of3A_1416 : i32 to index
        %get3A_1422 = tpu.vector_load %arg10[%get3A_1419, %get3A_1420, %get3A_1421] {strides = array<i32>} : memref<4x2x8192xf32, #tpu.memory_space<vmem>>, vector<1x1x16xf32>,
        %get3A_1423 = vector.shape_cast %get3A_1422 : vector<1x1x16xf32> to vector<16xf32>
        %exp3A_1424 = math.exp %get3A_1423 : vector<16xf32>
        %add3A_1425 = arith.addf %scan3A_1350, %exp3A_1424 : vector<16xf32>
        %add3A_1426 = arith.constant 96 : i32
        %add3A_1427 = arith.addi %mul3A_1354, %add3A_1426 : i32
        %multiple_of3A_1428 = tpu.assume_multiple %add3A_1427, 16 : i32
        %get3A_1429 = arith.constant 0 : i32
        %get3A_1430 = arith.constant 0 : i32
        %get3A_1431 = arith.index_cast %get3A_1429 : i32 to index
        %get3A_1432 = arith.index_cast %get3A_1430 : i32 to index
        %get3A_1433 = arith.index_cast %multiple_of3A_1428 : i32 to index
        %get3A_1434 = tpu.vector_load %arg10[%get3A_1431, %get3A_1432, %get3A_1433] {strides = array<i32>} : memref<4x2x8192xf32, #tpu.memory_space<vmem>>, vector<1x1x16xf32>,
        %get3A_1435 = vector.shape_cast %get3A_1434 : vector<1x1x16xf32> to vector<16xf32>
        %exp3A_1436 = math.exp %get3A_1435 : vector<16xf32>
        %add3A_1437 = arith.addf %scan3A_1351, %exp3A_1436 : vector<16xf32>
        %add3A_1438 = arith.constant 112 : i32
        %add3A_1439 = arith.addi %mul3A_1354, %add3A_1438 : i32
        %multiple_of3A_1440 = tpu.assume_multiple %add3A_1439, 16 : i32
        %get3A_1441 = arith.constant 0 : i32
        %get3A_1442 = arith.constant 0 : i32
        %get3A_1443 = arith.index_cast %get3A_1441 : i32 to index
        %get3A_1444 = arith.index_cast %get3A_1442 : i32 to index
        %get3A_1445 = arith.index_cast %multiple_of3A_1440 : i32 to index
        %get3A_1446 = tpu.vector_load %arg10[%get3A_1443, %get3A_1444, %get3A_1445] {strides = array<i32>} : memref<4x2x8192xf32, #tpu.memory_space<vmem>>, vector<1x1x16xf32>,
        %get3A_1447 = vector.shape_cast %get3A_1446 : vector<1x1x16xf32> to vector<16xf32>
        %exp3A_1448 = math.exp %get3A_1447 : vector<16xf32>
        %add3A_1449 = arith.addf %scan3A_1352, %exp3A_1448 : vector<16xf32>
        scf.yield %add3A_1365, %add3A_1377, %add3A_1389, %add3A_1401, %add3A_1413, %add3A_1425, %add3A_1437, %add3A_1449 : vector<16xf32>, vector<16xf32>, vector<16xf32>, vector<16xf32>, vector<16xf32>, vector<16xf32>, vector<16xf32>, vector<16xf32>
      }
      %scan3A_128 = arith.constant 64 : i32
      %add3A_129 = arith.addf %scan3A_127#0, %scan3A_127#1 : vector<16xf32>
      %add3A_130 = arith.addf %add3A_129, %scan3A_127#2 : vector<16xf32>
      %add3A_131 = arith.addf %add3A_130, %scan3A_127#3 : vector<16xf32>
      %add3A_132 = arith.addf %add3A_131, %scan3A_127#4 : vector<16xf32>
      %add3A_133 = arith.addf %add3A_132, %scan3A_127#5 : vector<16xf32>
      %add3A_134 = arith.addf %add3A_133, %scan3A_127#6 : vector<16xf32>
      %add3A_135 = arith.addf %add3A_134, %scan3A_127#7 : vector<16xf32>
      %mul3A_136 = arith.constant 2 : i32
      %mul3A_137 = arith.muli %add3A_71, %mul3A_136 : i32
      %add3A_138 = arith.constant 0 : i32
      %add3A_139 = arith.addi %mul3A_137, %add3A_138 : i32
      %swap3A_140 = arith.index_cast %add3A_139 : i32 to index
      %swap3A_141 = arith.constant 0 : index
      %swap3A_142 = tpu.vector_load %arg11[%swap3A_140, %swap3A_141] {strides = array<i32>} : memref<256x16xf32, #tpu.memory_space<vmem>>, vector<1x16xf32>,
      %swap3A_143 = vector.shape_cast %swap3A_142 : vector<1x16xf32> to vector<16xf32>
      %swap3A_144 = vector.shape_cast %add3A_135 : vector<16xf32> to vector<1x16xf32>
      tpu.vector_store %arg11[%swap3A_140, %swap3A_141], %swap3A_144 {strides = array<i32>} : memref<256x16xf32, #tpu.memory_space<vmem>>, vector<1x16xf32>,
      %slice3A = vector.extract_strided_slice %get3A_65 {offsets = [0], sizes = [1], strides = [1]} : vector<16xi32> to vector<1xi32>
      %squeeze3A = vector.extract %slice3A[0] : i32 from vector<1xi32>
      %and3A = arith.constant -16 : i32
      %and3A_145 = arith.andi %squeeze3A, %and3A : i32
      %multiple_of3A_146 = tpu.assume_multiple %and3A_145, 16 : i32
      %get3A_147 = arith.constant 0 : i32
      %get3A_148 = arith.constant 0 : i32
      %get3A_149 = arith.index_cast %get3A_147 : i32 to index
      %get3A_150 = arith.index_cast %get3A_148 : i32 to index
      %get3A_151 = arith.index_cast %multiple_of3A_146 : i32 to index
      %get3A_152 = tpu.vector_load %arg10[%get3A_149, %get3A_150, %get3A_151] {strides = array<i32>} : memref<4x2x8192xf32, #tpu.memory_space<vmem>>, vector<1x1x16xf32>,
      %get3A_153 = vector.shape_cast %get3A_152 : vector<1x1x16xf32> to vector<16xf32>
      %and3A_154 = arith.constant 15 : i32
      %and3A_155 = arith.andi %squeeze3A, %and3A_154 : i32
      %eq3A = vector.broadcast %and3A_155 : i32 to vector<16xi32>
      %eq3A_156 = arith.cmpi eq, %iota3A, %eq3A : vector<16xi32>
      %jit3A = arith.constant 0.000000e+00 : f32
      %broadcast_in_dim3A_157 = vector.broadcast %jit3A : f32 to vector<16xf32>
      %select_n3A = arith.select %eq3A_156, %get3A_153, %broadcast_in_dim3A_157 : vector<16xi1>, vector<16xf32>
      %add3A_158 = arith.addf %scan3A_61, %select_n3A : vector<16xf32>
      %broadcast_in_dim3A_159 = arith.constant 0.000000e+00 : f32
      %broadcast_in_dim3A_160 = vector.broadcast %broadcast_in_dim3A_159 : f32 to vector<16xf32>
      %broadcast_in_dim3A_161 = arith.constant 0.000000e+00 : f32
      %broadcast_in_dim3A_162 = vector.broadcast %broadcast_in_dim3A_161 : f32 to vector<16xf32>
      %broadcast_in_dim3A_163 = arith.constant 0.000000e+00 : f32
      %broadcast_in_dim3A_164 = vector.broadcast %broadcast_in_dim3A_163 : f32 to vector<16xf32>
      %broadcast_in_dim3A_165 = arith.constant 0.000000e+00 : f32
      %broadcast_in_dim3A_166 = vector.broadcast %broadcast_in_dim3A_165 : f32 to vector<16xf32>
      %broadcast_in_dim3A_167 = arith.constant 0.000000e+00 : f32
      %broadcast_in_dim3A_168 = vector.broadcast %broadcast_in_dim3A_167 : f32 to vector<16xf32>
      %broadcast_in_dim3A_169 = arith.constant 0.000000e+00 : f32
      %broadcast_in_dim3A_170 = vector.broadcast %broadcast_in_dim3A_169 : f32 to vector<16xf32>
      %broadcast_in_dim3A_171 = arith.constant 0.000000e+00 : f32
      %broadcast_in_dim3A_172 = vector.broadcast %broadcast_in_dim3A_171 : f32 to vector<16xf32>
      %broadcast_in_dim3A_173 = arith.constant 0.000000e+00 : f32
      %broadcast_in_dim3A_174 = vector.broadcast %broadcast_in_dim3A_173 : f32 to vector<16xf32>
      %scan3A_175 = arith.constant 0 : i32
      %scan3A_176 = arith.constant 64 : i32
      %scan3A_177 = arith.addi %scan3A_175, %scan3A_176 : i32
      %scan3A_178 = arith.constant 1 : i32
      %scan3A_179:8 = scf.for %scan3A_1344 = %scan3A_175 to %scan3A_177 step %scan3A_178 iter_args(%scan3A_1345 = %broadcast_in_dim3A_160, %scan3A_1346 = %broadcast_in_dim3A_162, %scan3A_1347 = %broadcast_in_dim3A_164, %scan3A_1348 = %broadcast_in_dim3A_166, %scan3A_1349 = %broadcast_in_dim3A_168, %scan3A_1350 = %broadcast_in_dim3A_170, %scan3A_1351 = %broadcast_in_dim3A_172, %scan3A_1352 = %broadcast_in_dim3A_174) -> (vector<16xf32>, vector<16xf32>, vector<16xf32>, vector<16xf32>, vector<16xf32>, vector<16xf32>, vector<16xf32>, vector<16xf32>)  : i32 {
        %mul3A_1353 = arith.constant 128 : i32
        %mul3A_1354 = arith.muli %scan3A_1344, %mul3A_1353 : i32
        %add3A_1355 = arith.constant 0 : i32
        %add3A_1356 = arith.addi %mul3A_1354, %add3A_1355 : i32
        %multiple_of3A_1357 = tpu.assume_multiple %add3A_1356, 16 : i32
        %get3A_1358 = arith.constant 0 : i32
        %get3A_1359 = arith.constant 1 : i32
        %get3A_1360 = arith.index_cast %get3A_1358 : i32 to index
        %get3A_1361 = arith.index_cast %get3A_1359 : i32 to index
        %get3A_1362 = arith.index_cast %multiple_of3A_1357 : i32 to index
        %get3A_1363 = tpu.vector_load %arg10[%get3A_1360, %get3A_1361, %get3A_1362] {strides = array<i32>} : memref<4x2x8192xf32, #tpu.memory_space<vmem>>, vector<1x1x16xf32>,
        %get3A_1364 = vector.shape_cast %get3A_1363 : vector<1x1x16xf32> to vector<16xf32>
        %exp3A = math.exp %get3A_1364 : vector<16xf32>
        %add3A_1365 = arith.addf %scan3A_1345, %exp3A : vector<16xf32>
        %add3A_1366 = arith.constant 16 : i32
        %add3A_1367 = arith.addi %mul3A_1354, %add3A_1366 : i32
        %multiple_of3A_1368 = tpu.assume_multiple %add3A_1367, 16 : i32
        %get3A_1369 = arith.constant 0 : i32
        %get3A_1370 = arith.constant 1 : i32
        %get3A_1371 = arith.index_cast %get3A_1369 : i32 to index
        %get3A_1372 = arith.index_cast %get3A_1370 : i32 to index
        %get3A_1373 = arith.index_cast %multiple_of3A_1368 : i32 to index
        %get3A_1374 = tpu.vector_load %arg10[%get3A_1371, %get3A_1372, %get3A_1373] {strides = array<i32>} : memref<4x2x8192xf32, #tpu.memory_space<vmem>>, vector<1x1x16xf32>,
        %get3A_1375 = vector.shape_cast %get3A_1374 : vector<1x1x16xf32> to vector<16xf32>
        %exp3A_1376 = math.exp %get3A_1375 : vector<16xf32>
        %add3A_1377 = arith.addf %scan3A_1346, %exp3A_1376 : vector<16xf32>
        %add3A_1378 = arith.constant 32 : i32
        %add3A_1379 = arith.addi %mul3A_1354, %add3A_1378 : i32
        %multiple_of3A_1380 = tpu.assume_multiple %add3A_1379, 16 : i32
        %get3A_1381 = arith.constant 0 : i32
        %get3A_1382 = arith.constant 1 : i32
        %get3A_1383 = arith.index_cast %get3A_1381 : i32 to index
        %get3A_1384 = arith.index_cast %get3A_1382 : i32 to index
        %get3A_1385 = arith.index_cast %multiple_of3A_1380 : i32 to index
        %get3A_1386 = tpu.vector_load %arg10[%get3A_1383, %get3A_1384, %get3A_1385] {strides = array<i32>} : memref<4x2x8192xf32, #tpu.memory_space<vmem>>, vector<1x1x16xf32>,
        %get3A_1387 = vector.shape_cast %get3A_1386 : vector<1x1x16xf32> to vector<16xf32>
        %exp3A_1388 = math.exp %get3A_1387 : vector<16xf32>
        %add3A_1389 = arith.addf %scan3A_1347, %exp3A_1388 : vector<16xf32>
        %add3A_1390 = arith.constant 48 : i32
        %add3A_1391 = arith.addi %mul3A_1354, %add3A_1390 : i32
        %multiple_of3A_1392 = tpu.assume_multiple %add3A_1391, 16 : i32
        %get3A_1393 = arith.constant 0 : i32
        %get3A_1394 = arith.constant 1 : i32
        %get3A_1395 = arith.index_cast %get3A_1393 : i32 to index
        %get3A_1396 = arith.index_cast %get3A_1394 : i32 to index
        %get3A_1397 = arith.index_cast %multiple_of3A_1392 : i32 to index
        %get3A_1398 = tpu.vector_load %arg10[%get3A_1395, %get3A_1396, %get3A_1397] {strides = array<i32>} : memref<4x2x8192xf32, #tpu.memory_space<vmem>>, vector<1x1x16xf32>,
        %get3A_1399 = vector.shape_cast %get3A_1398 : vector<1x1x16xf32> to vector<16xf32>
        %exp3A_1400 = math.exp %get3A_1399 : vector<16xf32>
        %add3A_1401 = arith.addf %scan3A_1348, %exp3A_1400 : vector<16xf32>
        %add3A_1402 = arith.constant 64 : i32
        %add3A_1403 = arith.addi %mul3A_1354, %add3A_1402 : i32
        %multiple_of3A_1404 = tpu.assume_multiple %add3A_1403, 16 : i32
        %get3A_1405 = arith.constant 0 : i32
        %get3A_1406 = arith.constant 1 : i32
        %get3A_1407 = arith.index_cast %get3A_1405 : i32 to index
        %get3A_1408 = arith.index_cast %get3A_1406 : i32 to index
        %get3A_1409 = arith.index_cast %multiple_of3A_1404 : i32 to index
        %get3A_1410 = tpu.vector_load %arg10[%get3A_1407, %get3A_1408, %get3A_1409] {strides = array<i32>} : memref<4x2x8192xf32, #tpu.memory_space<vmem>>, vector<1x1x16xf32>,
        %get3A_1411 = vector.shape_cast %get3A_1410 : vector<1x1x16xf32> to vector<16xf32>
        %exp3A_1412 = math.exp %get3A_1411 : vector<16xf32>
        %add3A_1413 = arith.addf %scan3A_1349, %exp3A_1412 : vector<16xf32>
        %add3A_1414 = arith.constant 80 : i32
        %add3A_1415 = arith.addi %mul3A_1354, %add3A_1414 : i32
        %multiple_of3A_1416 = tpu.assume_multiple %add3A_1415, 16 : i32
        %get3A_1417 = arith.constant 0 : i32
        %get3A_1418 = arith.constant 1 : i32
        %get3A_1419 = arith.index_cast %get3A_1417 : i32 to index
        %get3A_1420 = arith.index_cast %get3A_1418 : i32 to index
        %get3A_1421 = arith.index_cast %multiple_of3A_1416 : i32 to index
        %get3A_1422 = tpu.vector_load %arg10[%get3A_1419, %get3A_1420, %get3A_1421] {strides = array<i32>} : memref<4x2x8192xf32, #tpu.memory_space<vmem>>, vector<1x1x16xf32>,
        %get3A_1423 = vector.shape_cast %get3A_1422 : vector<1x1x16xf32> to vector<16xf32>
        %exp3A_1424 = math.exp %get3A_1423 : vector<16xf32>
        %add3A_1425 = arith.addf %scan3A_1350, %exp3A_1424 : vector<16xf32>
        %add3A_1426 = arith.constant 96 : i32
        %add3A_1427 = arith.addi %mul3A_1354, %add3A_1426 : i32
        %multiple_of3A_1428 = tpu.assume_multiple %add3A_1427, 16 : i32
        %get3A_1429 = arith.constant 0 : i32
        %get3A_1430 = arith.constant 1 : i32
        %get3A_1431 = arith.index_cast %get3A_1429 : i32 to index
        %get3A_1432 = arith.index_cast %get3A_1430 : i32 to index
        %get3A_1433 = arith.index_cast %multiple_of3A_1428 : i32 to index
        %get3A_1434 = tpu.vector_load %arg10[%get3A_1431, %get3A_1432, %get3A_1433] {strides = array<i32>} : memref<4x2x8192xf32, #tpu.memory_space<vmem>>, vector<1x1x16xf32>,
        %get3A_1435 = vector.shape_cast %get3A_1434 : vector<1x1x16xf32> to vector<16xf32>
        %exp3A_1436 = math.exp %get3A_1435 : vector<16xf32>
        %add3A_1437 = arith.addf %scan3A_1351, %exp3A_1436 : vector<16xf32>
        %add3A_1438 = arith.constant 112 : i32
        %add3A_1439 = arith.addi %mul3A_1354, %add3A_1438 : i32
        %multiple_of3A_1440 = tpu.assume_multiple %add3A_1439, 16 : i32
        %get3A_1441 = arith.constant 0 : i32
        %get3A_1442 = arith.constant 1 : i32
        %get3A_1443 = arith.index_cast %get3A_1441 : i32 to index
        %get3A_1444 = arith.index_cast %get3A_1442 : i32 to index
        %get3A_1445 = arith.index_cast %multiple_of3A_1440 : i32 to index
        %get3A_1446 = tpu.vector_load %arg10[%get3A_1443, %get3A_1444, %get3A_1445] {strides = array<i32>} : memref<4x2x8192xf32, #tpu.memory_space<vmem>>, vector<1x1x16xf32>,
        %get3A_1447 = vector.shape_cast %get3A_1446 : vector<1x1x16xf32> to vector<16xf32>
        %exp3A_1448 = math.exp %get3A_1447 : vector<16xf32>
        %add3A_1449 = arith.addf %scan3A_1352, %exp3A_1448 : vector<16xf32>
        scf.yield %add3A_1365, %add3A_1377, %add3A_1389, %add3A_1401, %add3A_1413, %add3A_1425, %add3A_1437, %add3A_1449 : vector<16xf32>, vector<16xf32>, vector<16xf32>, vector<16xf32>, vector<16xf32>, vector<16xf32>, vector<16xf32>, vector<16xf32>
      }
      %scan3A_180 = arith.constant 64 : i32
      %add3A_181 = arith.addf %scan3A_179#0, %scan3A_179#1 : vector<16xf32>
      %add3A_182 = arith.addf %add3A_181, %scan3A_179#2 : vector<16xf32>
      %add3A_183 = arith.addf %add3A_182, %scan3A_179#3 : vector<16xf32>
      %add3A_184 = arith.addf %add3A_183, %scan3A_179#4 : vector<16xf32>
      %add3A_185 = arith.addf %add3A_184, %scan3A_179#5 : vector<16xf32>
      %add3A_186 = arith.addf %add3A_185, %scan3A_179#6 : vector<16xf32>
      %add3A_187 = arith.addf %add3A_186, %scan3A_179#7 : vector<16xf32>
      %mul3A_188 = arith.constant 2 : i32
      %mul3A_189 = arith.muli %add3A_71, %mul3A_188 : i32
      %add3A_190 = arith.constant 1 : i32
      %add3A_191 = arith.addi %mul3A_189, %add3A_190 : i32
      %swap3A_192 = arith.index_cast %add3A_191 : i32 to index
      %swap3A_193 = arith.constant 0 : index
      %swap3A_194 = tpu.vector_load %arg11[%swap3A_192, %swap3A_193] {strides = array<i32>} : memref<256x16xf32, #tpu.memory_space<vmem>>, vector<1x16xf32>,
      %swap3A_195 = vector.shape_cast %swap3A_194 : vector<1x16xf32> to vector<16xf32>
      %swap3A_196 = vector.shape_cast %add3A_187 : vector<16xf32> to vector<1x16xf32>
      tpu.vector_store %arg11[%swap3A_192, %swap3A_193], %swap3A_196 {strides = array<i32>} : memref<256x16xf32, #tpu.memory_space<vmem>>, vector<1x16xf32>,
      %slice3A_197 = vector.extract_strided_slice %get3A_65 {offsets = [1], sizes = [1], strides = [1]} : vector<16xi32> to vector<1xi32>
      %squeeze3A_198 = vector.extract %slice3A_197[0] : i32 from vector<1xi32>
      %and3A_199 = arith.constant -16 : i32
      %and3A_200 = arith.andi %squeeze3A_198, %and3A_199 : i32
      %multiple_of3A_201 = tpu.assume_multiple %and3A_200, 16 : i32
      %get3A_202 = arith.constant 0 : i32
      %get3A_203 = arith.constant 1 : i32
      %get3A_204 = arith.index_cast %get3A_202 : i32 to index
      %get3A_205 = arith.index_cast %get3A_203 : i32 to index
      %get3A_206 = arith.index_cast %multiple_of3A_201 : i32 to index
      %get3A_207 = tpu.vector_load %arg10[%get3A_204, %get3A_205, %get3A_206] {strides = array<i32>} : memref<4x2x8192xf32, #tpu.memory_space<vmem>>, vector<1x1x16xf32>,
      %get3A_208 = vector.shape_cast %get3A_207 : vector<1x1x16xf32> to vector<16xf32>
      %and3A_209 = arith.constant 15 : i32
      %and3A_210 = arith.andi %squeeze3A_198, %and3A_209 : i32
      %eq3A_211 = vector.broadcast %and3A_210 : i32 to vector<16xi32>
      %eq3A_212 = arith.cmpi eq, %iota3A, %eq3A_211 : vector<16xi32>
      %jit3A_213 = arith.constant 0.000000e+00 : f32
      %broadcast_in_dim3A_214 = vector.broadcast %jit3A_213 : f32 to vector<16xf32>
      %select_n3A_215 = arith.select %eq3A_212, %get3A_208, %broadcast_in_dim3A_214 : vector<16xi1>, vector<16xf32>
      %add3A_216 = arith.addf %add3A_158, %select_n3A_215 : vector<16xf32>
      %mul3A_217 = arith.constant 2 : i32
      %mul3A_218 = arith.muli %scan3A_60, %mul3A_217 : i32
      %mul3A_219 = arith.constant 4 : i32
      %mul3A_220 = arith.muli %mul3A_218, %mul3A_219 : i32
      %add3A_221 = arith.constant 1 : i32
      %add3A_222 = arith.addi %mul3A_220, %add3A_221 : i32
      %ge3A_223 = arith.constant 2 : i32
      %ge3A_224 = arith.cmpi sge, %add3A_222, %ge3A_223 : i32
      %convert_element_type3A_225 = arith.extui %ge3A_224 : i1 to i32
      %cond3A_226 = arith.constant 0 : i32
      %cond3A_227 = arith.cmpi ne, %convert_element_type3A_225, %cond3A_226 : i32
      scf.if %cond3A_227 {
        %dma_wait3A_1344 = arith.constant 3 : i32
        %dma_wait3A_1345 = arith.constant 0 : i32
        %dma_wait3A_1346 = arith.constant 0 : i32
        %dma_wait3A_1347 = tpu.memref_slice %arg10[%dma_wait3A_1344, %dma_wait3A_1345, %dma_wait3A_1346] : memref<4x2x8192xf32, #tpu.memory_space<vmem>> -> memref<1x2x8192xf32, #tpu.memory_space<vmem>>
        %dma_wait3A_1348 = tpu.memref_squeeze %dma_wait3A_1347 : memref<1x2x8192xf32, #tpu.memory_space<vmem>> -> memref<2x8192xf32, #tpu.memory_space<vmem>>
        %dma_wait3A_1349 = arith.constant 0 : i32
        %dma_wait3A_1350 = tpu.memref_slice %arg5[%mul3A_2, %dma_wait3A_1349] : memref<8192x8192xf32, #tpu.memory_space<hbm>> -> memref<2x8192xf32, #tpu.memory_space<hbm>>
        %dma_wait3A_1351 = arith.constant 0 : i32
        %dma_wait3A_1352 = tpu.memref_slice %arg5[%mul3A_2, %dma_wait3A_1351] : memref<8192x8192xf32, #tpu.memory_space<hbm>> -> memref<2x8192xf32, #tpu.memory_space<hbm>>
        %dma_wait3A_1353 = arith.constant 0 : i32
        %dma_wait3A_1354 = arith.constant 0 : i32
        %dma_wait3A_1355 = tpu.memref_slice %arg10[%dma_wait3A_1344, %dma_wait3A_1353, %dma_wait3A_1354] : memref<4x2x8192xf32, #tpu.memory_space<vmem>> -> memref<1x2x8192xf32, #tpu.memory_space<vmem>>
        %dma_wait3A_1356 = tpu.memref_squeeze %dma_wait3A_1355 : memref<1x2x8192xf32, #tpu.memory_space<vmem>> -> memref<2x8192xf32, #tpu.memory_space<vmem>>
        tpu.wait_dma2 semaphore(%arg20 : memref<!tpu.dma_semaphore, #tpu.memory_space<semaphore_mem>>) src(%dma_wait3A_1356 : memref<2x8192xf32, #tpu.memory_space<vmem>>) dst(%dma_wait3A_1352 : memref<2x8192xf32, #tpu.memory_space<hbm>>)
      } else {
      }
      %add3A_228 = arith.constant 2 : i32
      %add3A_229 = arith.addi %add3A_222, %add3A_228 : i32
      %lt3A_230 = arith.constant 128 : i32
      %lt3A_231 = arith.cmpi slt, %add3A_229, %lt3A_230 : i32
      %convert_element_type3A_232 = arith.extui %lt3A_231 : i1 to i32
      %cond3A_233 = arith.constant 0 : i32
      %cond3A_234 = arith.cmpi ne, %convert_element_type3A_232, %cond3A_233 : i32
      scf.if %cond3A_234 {
        %add3A_1344 = arith.constant 2 : i32
        %add3A_1345 = arith.addi %add3A_222, %add3A_1344 : i32
        %dma_start3A_1346 = arith.constant 3 : i32
        %dma_start3A_1347 = arith.constant 0 : i32
        %dma_start3A_1348 = arith.constant 0 : i32
        %dma_start3A_1349 = tpu.memref_slice %arg10[%dma_start3A_1346, %dma_start3A_1347, %dma_start3A_1348] : memref<4x2x8192xf32, #tpu.memory_space<vmem>> -> memref<1x2x8192xf32, #tpu.memory_space<vmem>>
        %dma_start3A_1350 = tpu.memref_squeeze %dma_start3A_1349 : memref<1x2x8192xf32, #tpu.memory_space<vmem>> -> memref<2x8192xf32, #tpu.memory_space<vmem>>
        %dma_start3A_1351 = arith.constant 0 : i32
        %dma_start3A_1352 = tpu.memref_slice %arg8[%add3A_1345, %dma_start3A_1351] : memref<128x2xi32, #tpu.memory_space<vmem>> -> memref<1x2xi32, #tpu.memory_space<vmem>>
        %dma_start3A_1353 = tpu.memref_squeeze %dma_start3A_1352 : memref<1x2xi32, #tpu.memory_space<vmem>> -> memref<2xi32, #tpu.memory_space<vmem>>
        %dma_start3A_1354 = arith.constant 0 : i32
        %dma_start3A_1355 = arith.constant 0 : i32
        %dma_start3A_1356 = tpu.memref_slice %arg4[%dma_start3A_1354, %dma_start3A_1355] : memref<8192x8192xf32, #tpu.memory_space<hbm>> -> memref<8192x8192xf32, #tpu.memory_space<hbm>>
        tpu.enqueue_indirect_dma source(%dma_start3A_1356 : memref<8192x8192xf32, #tpu.memory_space<hbm>>) target(%dma_start3A_1350 : memref<2x8192xf32, #tpu.memory_space<vmem>>) offsets(%dma_start3A_1353 : memref<2xi32, #tpu.memory_space<vmem>>) semaphore(%arg16 : memref<!tpu.dma_semaphore, #tpu.memory_space<semaphore_mem>>)
      } else {
      }
      %dma_wait3A_235 = arith.constant 1 : i32
      %dma_wait3A_236 = arith.constant 0 : i32
      %dma_wait3A_237 = arith.constant 0 : i32
      %dma_wait3A_238 = tpu.memref_slice %arg10[%dma_wait3A_235, %dma_wait3A_236, %dma_wait3A_237] : memref<4x2x8192xf32, #tpu.memory_space<vmem>> -> memref<1x2x8192xf32, #tpu.memory_space<vmem>>
      %dma_wait3A_239 = tpu.memref_squeeze %dma_wait3A_238 : memref<1x2x8192xf32, #tpu.memory_space<vmem>> -> memref<2x8192xf32, #tpu.memory_space<vmem>>
      %dma_wait3A_240 = arith.constant 0 : i32
      %dma_wait3A_241 = tpu.memref_slice %arg8[%add3A_222, %dma_wait3A_240] : memref<128x2xi32, #tpu.memory_space<vmem>> -> memref<1x2xi32, #tpu.memory_space<vmem>>
      %dma_wait3A_242 = tpu.memref_squeeze %dma_wait3A_241 : memref<1x2xi32, #tpu.memory_space<vmem>> -> memref<2xi32, #tpu.memory_space<vmem>>
      %dma_wait3A_243 = arith.constant 0 : i32
      %dma_wait3A_244 = arith.constant 0 : i32
      %dma_wait3A_245 = tpu.memref_slice %arg4[%dma_wait3A_243, %dma_wait3A_244] : memref<8192x8192xf32, #tpu.memory_space<hbm>> -> memref<8192x8192xf32, #tpu.memory_space<hbm>>
      tpu.wait_indirect_dma semaphore(%arg14 : memref<!tpu.dma_semaphore, #tpu.memory_space<semaphore_mem>>) src(%dma_wait3A_245 : memref<8192x8192xf32, #tpu.memory_space<hbm>>) dst(%dma_wait3A_239 : memref<2x8192xf32, #tpu.memory_space<vmem>>)
      %mul3A_246 = arith.constant 2 : i32
      %mul3A_247 = arith.muli %add3A_222, %mul3A_246 : i32
      %add3A_248 = arith.addi %mul3A_2, %mul3A_247 : i32
      %dma_start3A_249 = arith.constant 1 : i32
      %dma_start3A_250 = arith.constant 0 : i32
      %dma_start3A_251 = arith.constant 0 : i32
      %dma_start3A_252 = tpu.memref_slice %arg10[%dma_start3A_249, %dma_start3A_250, %dma_start3A_251] : memref<4x2x8192xf32, #tpu.memory_space<vmem>> -> memref<1x2x8192xf32, #tpu.memory_space<vmem>>
      %dma_start3A_253 = tpu.memref_squeeze %dma_start3A_252 : memref<1x2x8192xf32, #tpu.memory_space<vmem>> -> memref<2x8192xf32, #tpu.memory_space<vmem>>
      %dma_start3A_254 = arith.constant 0 : i32
      %dma_start3A_255 = tpu.memref_slice %arg5[%add3A_248, %dma_start3A_254] : memref<8192x8192xf32, #tpu.memory_space<hbm>> -> memref<2x8192xf32, #tpu.memory_space<hbm>>
      %dma_start3A_256 = arith.constant 0 : i32
      %dma_start3A_257 = tpu.memref_slice %arg5[%add3A_248, %dma_start3A_256] : memref<8192x8192xf32, #tpu.memory_space<hbm>> -> memref<2x8192xf32, #tpu.memory_space<hbm>>
      %dma_start3A_258 = arith.constant 0 : i32
      %dma_start3A_259 = arith.constant 0 : i32
      %dma_start3A_260 = tpu.memref_slice %arg10[%dma_start3A_249, %dma_start3A_258, %dma_start3A_259] : memref<4x2x8192xf32, #tpu.memory_space<vmem>> -> memref<1x2x8192xf32, #tpu.memory_space<vmem>>
      %dma_start3A_261 = tpu.memref_squeeze %dma_start3A_260 : memref<1x2x8192xf32, #tpu.memory_space<vmem>> -> memref<2x8192xf32, #tpu.memory_space<vmem>>
      tpu.enqueue_dma source(%dma_start3A_261 : memref<2x8192xf32, #tpu.memory_space<vmem>>) target(%dma_start3A_257 : memref<2x8192xf32, #tpu.memory_space<hbm>>) target_semaphore(%arg18 : memref<!tpu.dma_semaphore, #tpu.memory_space<semaphore_mem>>)
      %broadcast_in_dim3A_262 = arith.constant 0.000000e+00 : f32
      %broadcast_in_dim3A_263 = vector.broadcast %broadcast_in_dim3A_262 : f32 to vector<16xf32>
      %broadcast_in_dim3A_264 = arith.constant 0.000000e+00 : f32
      %broadcast_in_dim3A_265 = vector.broadcast %broadcast_in_dim3A_264 : f32 to vector<16xf32>
      %broadcast_in_dim3A_266 = arith.constant 0.000000e+00 : f32
      %broadcast_in_dim3A_267 = vector.broadcast %broadcast_in_dim3A_266 : f32 to vector<16xf32>
      %broadcast_in_dim3A_268 = arith.constant 0.000000e+00 : f32
      %broadcast_in_dim3A_269 = vector.broadcast %broadcast_in_dim3A_268 : f32 to vector<16xf32>
      %broadcast_in_dim3A_270 = arith.constant 0.000000e+00 : f32
      %broadcast_in_dim3A_271 = vector.broadcast %broadcast_in_dim3A_270 : f32 to vector<16xf32>
      %broadcast_in_dim3A_272 = arith.constant 0.000000e+00 : f32
      %broadcast_in_dim3A_273 = vector.broadcast %broadcast_in_dim3A_272 : f32 to vector<16xf32>
      %broadcast_in_dim3A_274 = arith.constant 0.000000e+00 : f32
      %broadcast_in_dim3A_275 = vector.broadcast %broadcast_in_dim3A_274 : f32 to vector<16xf32>
      %broadcast_in_dim3A_276 = arith.constant 0.000000e+00 : f32
      %broadcast_in_dim3A_277 = vector.broadcast %broadcast_in_dim3A_276 : f32 to vector<16xf32>
      %scan3A_278 = arith.constant 0 : i32
      %scan3A_279 = arith.constant 64 : i32
      %scan3A_280 = arith.addi %scan3A_278, %scan3A_279 : i32
      %scan3A_281 = arith.constant 1 : i32
      %scan3A_282:8 = scf.for %scan3A_1344 = %scan3A_278 to %scan3A_280 step %scan3A_281 iter_args(%scan3A_1345 = %broadcast_in_dim3A_263, %scan3A_1346 = %broadcast_in_dim3A_265, %scan3A_1347 = %broadcast_in_dim3A_267, %scan3A_1348 = %broadcast_in_dim3A_269, %scan3A_1349 = %broadcast_in_dim3A_271, %scan3A_1350 = %broadcast_in_dim3A_273, %scan3A_1351 = %broadcast_in_dim3A_275, %scan3A_1352 = %broadcast_in_dim3A_277) -> (vector<16xf32>, vector<16xf32>, vector<16xf32>, vector<16xf32>, vector<16xf32>, vector<16xf32>, vector<16xf32>, vector<16xf32>)  : i32 {
        %mul3A_1353 = arith.constant 128 : i32
        %mul3A_1354 = arith.muli %scan3A_1344, %mul3A_1353 : i32
        %add3A_1355 = arith.constant 0 : i32
        %add3A_1356 = arith.addi %mul3A_1354, %add3A_1355 : i32
        %multiple_of3A_1357 = tpu.assume_multiple %add3A_1356, 16 : i32
        %get3A_1358 = arith.constant 1 : i32
        %get3A_1359 = arith.constant 0 : i32
        %get3A_1360 = arith.index_cast %get3A_1358 : i32 to index
        %get3A_1361 = arith.index_cast %get3A_1359 : i32 to index
        %get3A_1362 = arith.index_cast %multiple_of3A_1357 : i32 to index
        %get3A_1363 = tpu.vector_load %arg10[%get3A_1360, %get3A_1361, %get3A_1362] {strides = array<i32>} : memref<4x2x8192xf32, #tpu.memory_space<vmem>>, vector<1x1x16xf32>,
        %get3A_1364 = vector.shape_cast %get3A_1363 : vector<1x1x16xf32> to vector<16xf32>
        %exp3A = math.exp %get3A_1364 : vector<16xf32>
        %add3A_1365 = arith.addf %scan3A_1345, %exp3A : vector<16xf32>
        %add3A_1366 = arith.constant 16 : i32
        %add3A_1367 = arith.addi %mul3A_1354, %add3A_1366 : i32
        %multiple_of3A_1368 = tpu.assume_multiple %add3A_1367, 16 : i32
        %get3A_1369 = arith.constant 1 : i32
        %get3A_1370 = arith.constant 0 : i32
        %get3A_1371 = arith.index_cast %get3A_1369 : i32 to index
        %get3A_1372 = arith.index_cast %get3A_1370 : i32 to index
        %get3A_1373 = arith.index_cast %multiple_of3A_1368 : i32 to index
        %get3A_1374 = tpu.vector_load %arg10[%get3A_1371, %get3A_1372, %get3A_1373] {strides = array<i32>} : memref<4x2x8192xf32, #tpu.memory_space<vmem>>, vector<1x1x16xf32>,
        %get3A_1375 = vector.shape_cast %get3A_1374 : vector<1x1x16xf32> to vector<16xf32>
        %exp3A_1376 = math.exp %get3A_1375 : vector<16xf32>
        %add3A_1377 = arith.addf %scan3A_1346, %exp3A_1376 : vector<16xf32>
        %add3A_1378 = arith.constant 32 : i32
        %add3A_1379 = arith.addi %mul3A_1354, %add3A_1378 : i32
        %multiple_of3A_1380 = tpu.assume_multiple %add3A_1379, 16 : i32
        %get3A_1381 = arith.constant 1 : i32
        %get3A_1382 = arith.constant 0 : i32
        %get3A_1383 = arith.index_cast %get3A_1381 : i32 to index
        %get3A_1384 = arith.index_cast %get3A_1382 : i32 to index
        %get3A_1385 = arith.index_cast %multiple_of3A_1380 : i32 to index
        %get3A_1386 = tpu.vector_load %arg10[%get3A_1383, %get3A_1384, %get3A_1385] {strides = array<i32>} : memref<4x2x8192xf32, #tpu.memory_space<vmem>>, vector<1x1x16xf32>,
        %get3A_1387 = vector.shape_cast %get3A_1386 : vector<1x1x16xf32> to vector<16xf32>
        %exp3A_1388 = math.exp %get3A_1387 : vector<16xf32>
        %add3A_1389 = arith.addf %scan3A_1347, %exp3A_1388 : vector<16xf32>
        %add3A_1390 = arith.constant 48 : i32
        %add3A_1391 = arith.addi %mul3A_1354, %add3A_1390 : i32
        %multiple_of3A_1392 = tpu.assume_multiple %add3A_1391, 16 : i32
        %get3A_1393 = arith.constant 1 : i32
        %get3A_1394 = arith.constant 0 : i32
        %get3A_1395 = arith.index_cast %get3A_1393 : i32 to index
        %get3A_1396 = arith.index_cast %get3A_1394 : i32 to index
        %get3A_1397 = arith.index_cast %multiple_of3A_1392 : i32 to index
        %get3A_1398 = tpu.vector_load %arg10[%get3A_1395, %get3A_1396, %get3A_1397] {strides = array<i32>} : memref<4x2x8192xf32, #tpu.memory_space<vmem>>, vector<1x1x16xf32>,
        %get3A_1399 = vector.shape_cast %get3A_1398 : vector<1x1x16xf32> to vector<16xf32>
        %exp3A_1400 = math.exp %get3A_1399 : vector<16xf32>
        %add3A_1401 = arith.addf %scan3A_1348, %exp3A_1400 : vector<16xf32>
        %add3A_1402 = arith.constant 64 : i32
        %add3A_1403 = arith.addi %mul3A_1354, %add3A_1402 : i32
        %multiple_of3A_1404 = tpu.assume_multiple %add3A_1403, 16 : i32
        %get3A_1405 = arith.constant 1 : i32
        %get3A_1406 = arith.constant 0 : i32
        %get3A_1407 = arith.index_cast %get3A_1405 : i32 to index
        %get3A_1408 = arith.index_cast %get3A_1406 : i32 to index
        %get3A_1409 = arith.index_cast %multiple_of3A_1404 : i32 to index
        %get3A_1410 = tpu.vector_load %arg10[%get3A_1407, %get3A_1408, %get3A_1409] {strides = array<i32>} : memref<4x2x8192xf32, #tpu.memory_space<vmem>>, vector<1x1x16xf32>,
        %get3A_1411 = vector.shape_cast %get3A_1410 : vector<1x1x16xf32> to vector<16xf32>
        %exp3A_1412 = math.exp %get3A_1411 : vector<16xf32>
        %add3A_1413 = arith.addf %scan3A_1349, %exp3A_1412 : vector<16xf32>
        %add3A_1414 = arith.constant 80 : i32
        %add3A_1415 = arith.addi %mul3A_1354, %add3A_1414 : i32
        %multiple_of3A_1416 = tpu.assume_multiple %add3A_1415, 16 : i32
        %get3A_1417 = arith.constant 1 : i32
        %get3A_1418 = arith.constant 0 : i32
        %get3A_1419 = arith.index_cast %get3A_1417 : i32 to index
        %get3A_1420 = arith.index_cast %get3A_1418 : i32 to index
        %get3A_1421 = arith.index_cast %multiple_of3A_1416 : i32 to index
        %get3A_1422 = tpu.vector_load %arg10[%get3A_1419, %get3A_1420, %get3A_1421] {strides = array<i32>} : memref<4x2x8192xf32, #tpu.memory_space<vmem>>, vector<1x1x16xf32>,
        %get3A_1423 = vector.shape_cast %get3A_1422 : vector<1x1x16xf32> to vector<16xf32>
        %exp3A_1424 = math.exp %get3A_1423 : vector<16xf32>
        %add3A_1425 = arith.addf %scan3A_1350, %exp3A_1424 : vector<16xf32>
        %add3A_1426 = arith.constant 96 : i32
        %add3A_1427 = arith.addi %mul3A_1354, %add3A_1426 : i32
        %multiple_of3A_1428 = tpu.assume_multiple %add3A_1427, 16 : i32
        %get3A_1429 = arith.constant 1 : i32
        %get3A_1430 = arith.constant 0 : i32
        %get3A_1431 = arith.index_cast %get3A_1429 : i32 to index
        %get3A_1432 = arith.index_cast %get3A_1430 : i32 to index
        %get3A_1433 = arith.index_cast %multiple_of3A_1428 : i32 to index
        %get3A_1434 = tpu.vector_load %arg10[%get3A_1431, %get3A_1432, %get3A_1433] {strides = array<i32>} : memref<4x2x8192xf32, #tpu.memory_space<vmem>>, vector<1x1x16xf32>,
        %get3A_1435 = vector.shape_cast %get3A_1434 : vector<1x1x16xf32> to vector<16xf32>
        %exp3A_1436 = math.exp %get3A_1435 : vector<16xf32>
        %add3A_1437 = arith.addf %scan3A_1351, %exp3A_1436 : vector<16xf32>
        %add3A_1438 = arith.constant 112 : i32
        %add3A_1439 = arith.addi %mul3A_1354, %add3A_1438 : i32
        %multiple_of3A_1440 = tpu.assume_multiple %add3A_1439, 16 : i32
        %get3A_1441 = arith.constant 1 : i32
        %get3A_1442 = arith.constant 0 : i32
        %get3A_1443 = arith.index_cast %get3A_1441 : i32 to index
        %get3A_1444 = arith.index_cast %get3A_1442 : i32 to index
        %get3A_1445 = arith.index_cast %multiple_of3A_1440 : i32 to index
        %get3A_1446 = tpu.vector_load %arg10[%get3A_1443, %get3A_1444, %get3A_1445] {strides = array<i32>} : memref<4x2x8192xf32, #tpu.memory_space<vmem>>, vector<1x1x16xf32>,
        %get3A_1447 = vector.shape_cast %get3A_1446 : vector<1x1x16xf32> to vector<16xf32>
        %exp3A_1448 = math.exp %get3A_1447 : vector<16xf32>
        %add3A_1449 = arith.addf %scan3A_1352, %exp3A_1448 : vector<16xf32>
        scf.yield %add3A_1365, %add3A_1377, %add3A_1389, %add3A_1401, %add3A_1413, %add3A_1425, %add3A_1437, %add3A_1449 : vector<16xf32>, vector<16xf32>, vector<16xf32>, vector<16xf32>, vector<16xf32>, vector<16xf32>, vector<16xf32>, vector<16xf32>
      }
      %scan3A_283 = arith.constant 64 : i32
      %add3A_284 = arith.addf %scan3A_282#0, %scan3A_282#1 : vector<16xf32>
      %add3A_285 = arith.addf %add3A_284, %scan3A_282#2 : vector<16xf32>
      %add3A_286 = arith.addf %add3A_285, %scan3A_282#3 : vector<16xf32>
      %add3A_287 = arith.addf %add3A_286, %scan3A_282#4 : vector<16xf32>
      %add3A_288 = arith.addf %add3A_287, %scan3A_282#5 : vector<16xf32>
      %add3A_289 = arith.addf %add3A_288, %scan3A_282#6 : vector<16xf32>
      %add3A_290 = arith.addf %add3A_289, %scan3A_282#7 : vector<16xf32>
      %mul3A_291 = arith.constant 2 : i32
      %mul3A_292 = arith.muli %add3A_222, %mul3A_291 : i32
      %add3A_293 = arith.constant 0 : i32
      %add3A_294 = arith.addi %mul3A_292, %add3A_293 : i32
      %swap3A_295 = arith.index_cast %add3A_294 : i32 to index
      %swap3A_296 = arith.constant 0 : index
      %swap3A_297 = tpu.vector_load %arg11[%swap3A_295, %swap3A_296] {strides = array<i32>} : memref<256x16xf32, #tpu.memory_space<vmem>>, vector<1x16xf32>,
      %swap3A_298 = vector.shape_cast %swap3A_297 : vector<1x16xf32> to vector<16xf32>
      %swap3A_299 = vector.shape_cast %add3A_290 : vector<16xf32> to vector<1x16xf32>
      tpu.vector_store %arg11[%swap3A_295, %swap3A_296], %swap3A_299 {strides = array<i32>} : memref<256x16xf32, #tpu.memory_space<vmem>>, vector<1x16xf32>,
      %slice3A_300 = vector.extract_strided_slice %get3A_65 {offsets = [2], sizes = [1], strides = [1]} : vector<16xi32> to vector<1xi32>
      %squeeze3A_301 = vector.extract %slice3A_300[0] : i32 from vector<1xi32>
      %and3A_302 = arith.constant -16 : i32
      %and3A_303 = arith.andi %squeeze3A_301, %and3A_302 : i32
      %multiple_of3A_304 = tpu.assume_multiple %and3A_303, 16 : i32
      %get3A_305 = arith.constant 1 : i32
      %get3A_306 = arith.constant 0 : i32
      %get3A_307 = arith.index_cast %get3A_305 : i32 to index
      %get3A_308 = arith.index_cast %get3A_306 : i32 to index
      %get3A_309 = arith.index_cast %multiple_of3A_304 : i32 to index
      %get3A_310 = tpu.vector_load %arg10[%get3A_307, %get3A_308, %get3A_309] {strides = array<i32>} : memref<4x2x8192xf32, #tpu.memory_space<vmem>>, vector<1x1x16xf32>,
      %get3A_311 = vector.shape_cast %get3A_310 : vector<1x1x16xf32> to vector<16xf32>
      %and3A_312 = arith.constant 15 : i32
      %and3A_313 = arith.andi %squeeze3A_301, %and3A_312 : i32
      %eq3A_314 = vector.broadcast %and3A_313 : i32 to vector<16xi32>
      %eq3A_315 = arith.cmpi eq, %iota3A, %eq3A_314 : vector<16xi32>
      %jit3A_316 = arith.constant 0.000000e+00 : f32
      %broadcast_in_dim3A_317 = vector.broadcast %jit3A_316 : f32 to vector<16xf32>
      %select_n3A_318 = arith.select %eq3A_315, %get3A_311, %broadcast_in_dim3A_317 : vector<16xi1>, vector<16xf32>
      %add3A_319 = arith.addf %add3A_216, %select_n3A_318 : vector<16xf32>
      %broadcast_in_dim3A_320 = arith.constant 0.000000e+00 : f32
      %broadcast_in_dim3A_321 = vector.broadcast %broadcast_in_dim3A_320 : f32 to vector<16xf32>
      %broadcast_in_dim3A_322 = arith.constant 0.000000e+00 : f32
      %broadcast_in_dim3A_323 = vector.broadcast %broadcast_in_dim3A_322 : f32 to vector<16xf32>
      %broadcast_in_dim3A_324 = arith.constant 0.000000e+00 : f32
      %broadcast_in_dim3A_325 = vector.broadcast %broadcast_in_dim3A_324 : f32 to vector<16xf32>
      %broadcast_in_dim3A_326 = arith.constant 0.000000e+00 : f32
      %broadcast_in_dim3A_327 = vector.broadcast %broadcast_in_dim3A_326 : f32 to vector<16xf32>
      %broadcast_in_dim3A_328 = arith.constant 0.000000e+00 : f32
      %broadcast_in_dim3A_329 = vector.broadcast %broadcast_in_dim3A_328 : f32 to vector<16xf32>
      %broadcast_in_dim3A_330 = arith.constant 0.000000e+00 : f32
      %broadcast_in_dim3A_331 = vector.broadcast %broadcast_in_dim3A_330 : f32 to vector<16xf32>
      %broadcast_in_dim3A_332 = arith.constant 0.000000e+00 : f32
      %broadcast_in_dim3A_333 = vector.broadcast %broadcast_in_dim3A_332 : f32 to vector<16xf32>
      %broadcast_in_dim3A_334 = arith.constant 0.000000e+00 : f32
      %broadcast_in_dim3A_335 = vector.broadcast %broadcast_in_dim3A_334 : f32 to vector<16xf32>
      %scan3A_336 = arith.constant 0 : i32
      %scan3A_337 = arith.constant 64 : i32
      %scan3A_338 = arith.addi %scan3A_336, %scan3A_337 : i32
      %scan3A_339 = arith.constant 1 : i32
      %scan3A_340:8 = scf.for %scan3A_1344 = %scan3A_336 to %scan3A_338 step %scan3A_339 iter_args(%scan3A_1345 = %broadcast_in_dim3A_321, %scan3A_1346 = %broadcast_in_dim3A_323, %scan3A_1347 = %broadcast_in_dim3A_325, %scan3A_1348 = %broadcast_in_dim3A_327, %scan3A_1349 = %broadcast_in_dim3A_329, %scan3A_1350 = %broadcast_in_dim3A_331, %scan3A_1351 = %broadcast_in_dim3A_333, %scan3A_1352 = %broadcast_in_dim3A_335) -> (vector<16xf32>, vector<16xf32>, vector<16xf32>, vector<16xf32>, vector<16xf32>, vector<16xf32>, vector<16xf32>, vector<16xf32>)  : i32 {
        %mul3A_1353 = arith.constant 128 : i32
        %mul3A_1354 = arith.muli %scan3A_1344, %mul3A_1353 : i32
        %add3A_1355 = arith.constant 0 : i32
        %add3A_1356 = arith.addi %mul3A_1354, %add3A_1355 : i32
        %multiple_of3A_1357 = tpu.assume_multiple %add3A_1356, 16 : i32
        %get3A_1358 = arith.constant 1 : i32
        %get3A_1359 = arith.constant 1 : i32
        %get3A_1360 = arith.index_cast %get3A_1358 : i32 to index
        %get3A_1361 = arith.index_cast %get3A_1359 : i32 to index
        %get3A_1362 = arith.index_cast %multiple_of3A_1357 : i32 to index
        %get3A_1363 = tpu.vector_load %arg10[%get3A_1360, %get3A_1361, %get3A_1362] {strides = array<i32>} : memref<4x2x8192xf32, #tpu.memory_space<vmem>>, vector<1x1x16xf32>,
        %get3A_1364 = vector.shape_cast %get3A_1363 : vector<1x1x16xf32> to vector<16xf32>
        %exp3A = math.exp %get3A_1364 : vector<16xf32>
        %add3A_1365 = arith.addf %scan3A_1345, %exp3A : vector<16xf32>
        %add3A_1366 = arith.constant 16 : i32
        %add3A_1367 = arith.addi %mul3A_1354, %add3A_1366 : i32
        %multiple_of3A_1368 = tpu.assume_multiple %add3A_1367, 16 : i32
        %get3A_1369 = arith.constant 1 : i32
        %get3A_1370 = arith.constant 1 : i32
        %get3A_1371 = arith.index_cast %get3A_1369 : i32 to index
        %get3A_1372 = arith.index_cast %get3A_1370 : i32 to index
        %get3A_1373 = arith.index_cast %multiple_of3A_1368 : i32 to index
        %get3A_1374 = tpu.vector_load %arg10[%get3A_1371, %get3A_1372, %get3A_1373] {strides = array<i32>} : memref<4x2x8192xf32, #tpu.memory_space<vmem>>, vector<1x1x16xf32>,
        %get3A_1375 = vector.shape_cast %get3A_1374 : vector<1x1x16xf32> to vector<16xf32>
        %exp3A_1376 = math.exp %get3A_1375 : vector<16xf32>
        %add3A_1377 = arith.addf %scan3A_1346, %exp3A_1376 : vector<16xf32>
        %add3A_1378 = arith.constant 32 : i32
        %add3A_1379 = arith.addi %mul3A_1354, %add3A_1378 : i32
        %multiple_of3A_1380 = tpu.assume_multiple %add3A_1379, 16 : i32
        %get3A_1381 = arith.constant 1 : i32
        %get3A_1382 = arith.constant 1 : i32
        %get3A_1383 = arith.index_cast %get3A_1381 : i32 to index
        %get3A_1384 = arith.index_cast %get3A_1382 : i32 to index
        %get3A_1385 = arith.index_cast %multiple_of3A_1380 : i32 to index
        %get3A_1386 = tpu.vector_load %arg10[%get3A_1383, %get3A_1384, %get3A_1385] {strides = array<i32>} : memref<4x2x8192xf32, #tpu.memory_space<vmem>>, vector<1x1x16xf32>,
        %get3A_1387 = vector.shape_cast %get3A_1386 : vector<1x1x16xf32> to vector<16xf32>
        %exp3A_1388 = math.exp %get3A_1387 : vector<16xf32>
        %add3A_1389 = arith.addf %scan3A_1347, %exp3A_1388 : vector<16xf32>
        %add3A_1390 = arith.constant 48 : i32
        %add3A_1391 = arith.addi %mul3A_1354, %add3A_1390 : i32
        %multiple_of3A_1392 = tpu.assume_multiple %add3A_1391, 16 : i32
        %get3A_1393 = arith.constant 1 : i32
        %get3A_1394 = arith.constant 1 : i32
        %get3A_1395 = arith.index_cast %get3A_1393 : i32 to index
        %get3A_1396 = arith.index_cast %get3A_1394 : i32 to index
        %get3A_1397 = arith.index_cast %multiple_of3A_1392 : i32 to index
        %get3A_1398 = tpu.vector_load %arg10[%get3A_1395, %get3A_1396, %get3A_1397] {strides = array<i32>} : memref<4x2x8192xf32, #tpu.memory_space<vmem>>, vector<1x1x16xf32>,
        %get3A_1399 = vector.shape_cast %get3A_1398 : vector<1x1x16xf32> to vector<16xf32>
        %exp3A_1400 = math.exp %get3A_1399 : vector<16xf32>
        %add3A_1401 = arith.addf %scan3A_1348, %exp3A_1400 : vector<16xf32>
        %add3A_1402 = arith.constant 64 : i32
        %add3A_1403 = arith.addi %mul3A_1354, %add3A_1402 : i32
        %multiple_of3A_1404 = tpu.assume_multiple %add3A_1403, 16 : i32
        %get3A_1405 = arith.constant 1 : i32
        %get3A_1406 = arith.constant 1 : i32
        %get3A_1407 = arith.index_cast %get3A_1405 : i32 to index
        %get3A_1408 = arith.index_cast %get3A_1406 : i32 to index
        %get3A_1409 = arith.index_cast %multiple_of3A_1404 : i32 to index
        %get3A_1410 = tpu.vector_load %arg10[%get3A_1407, %get3A_1408, %get3A_1409] {strides = array<i32>} : memref<4x2x8192xf32, #tpu.memory_space<vmem>>, vector<1x1x16xf32>,
        %get3A_1411 = vector.shape_cast %get3A_1410 : vector<1x1x16xf32> to vector<16xf32>
        %exp3A_1412 = math.exp %get3A_1411 : vector<16xf32>
        %add3A_1413 = arith.addf %scan3A_1349, %exp3A_1412 : vector<16xf32>
        %add3A_1414 = arith.constant 80 : i32
        %add3A_1415 = arith.addi %mul3A_1354, %add3A_1414 : i32
        %multiple_of3A_1416 = tpu.assume_multiple %add3A_1415, 16 : i32
        %get3A_1417 = arith.constant 1 : i32
        %get3A_1418 = arith.constant 1 : i32
        %get3A_1419 = arith.index_cast %get3A_1417 : i32 to index
        %get3A_1420 = arith.index_cast %get3A_1418 : i32 to index
        %get3A_1421 = arith.index_cast %multiple_of3A_1416 : i32 to index
        %get3A_1422 = tpu.vector_load %arg10[%get3A_1419, %get3A_1420, %get3A_1421] {strides = array<i32>} : memref<4x2x8192xf32, #tpu.memory_space<vmem>>, vector<1x1x16xf32>,
        %get3A_1423 = vector.shape_cast %get3A_1422 : vector<1x1x16xf32> to vector<16xf32>
        %exp3A_1424 = math.exp %get3A_1423 : vector<16xf32>
        %add3A_1425 = arith.addf %scan3A_1350, %exp3A_1424 : vector<16xf32>
        %add3A_1426 = arith.constant 96 : i32
        %add3A_1427 = arith.addi %mul3A_1354, %add3A_1426 : i32
        %multiple_of3A_1428 = tpu.assume_multiple %add3A_1427, 16 : i32
        %get3A_1429 = arith.constant 1 : i32
        %get3A_1430 = arith.constant 1 : i32
        %get3A_1431 = arith.index_cast %get3A_1429 : i32 to index
        %get3A_1432 = arith.index_cast %get3A_1430 : i32 to index
        %get3A_1433 = arith.index_cast %multiple_of3A_1428 : i32 to index
        %get3A_1434 = tpu.vector_load %arg10[%get3A_1431, %get3A_1432, %get3A_1433] {strides = array<i32>} : memref<4x2x8192xf32, #tpu.memory_space<vmem>>, vector<1x1x16xf32>,
        %get3A_1435 = vector.shape_cast %get3A_1434 : vector<1x1x16xf32> to vector<16xf32>
        %exp3A_1436 = math.exp %get3A_1435 : vector<16xf32>
        %add3A_1437 = arith.addf %scan3A_1351, %exp3A_1436 : vector<16xf32>
        %add3A_1438 = arith.constant 112 : i32
        %add3A_1439 = arith.addi %mul3A_1354, %add3A_1438 : i32
        %multiple_of3A_1440 = tpu.assume_multiple %add3A_1439, 16 : i32
        %get3A_1441 = arith.constant 1 : i32
        %get3A_1442 = arith.constant 1 : i32
        %get3A_1443 = arith.index_cast %get3A_1441 : i32 to index
        %get3A_1444 = arith.index_cast %get3A_1442 : i32 to index
        %get3A_1445 = arith.index_cast %multiple_of3A_1440 : i32 to index
        %get3A_1446 = tpu.vector_load %arg10[%get3A_1443, %get3A_1444, %get3A_1445] {strides = array<i32>} : memref<4x2x8192xf32, #tpu.memory_space<vmem>>, vector<1x1x16xf32>,
        %get3A_1447 = vector.shape_cast %get3A_1446 : vector<1x1x16xf32> to vector<16xf32>
        %exp3A_1448 = math.exp %get3A_1447 : vector<16xf32>
        %add3A_1449 = arith.addf %scan3A_1352, %exp3A_1448 : vector<16xf32>
        scf.yield %add3A_1365, %add3A_1377, %add3A_1389, %add3A_1401, %add3A_1413, %add3A_1425, %add3A_1437, %add3A_1449 : vector<16xf32>, vector<16xf32>, vector<16xf32>, vector<16xf32>, vector<16xf32>, vector<16xf32>, vector<16xf32>, vector<16xf32>
      }
      %scan3A_341 = arith.constant 64 : i32
      %add3A_342 = arith.addf %scan3A_340#0, %scan3A_340#1 : vector<16xf32>
      %add3A_343 = arith.addf %add3A_342, %scan3A_340#2 : vector<16xf32>
      %add3A_344 = arith.addf %add3A_343, %scan3A_340#3 : vector<16xf32>
      %add3A_345 = arith.addf %add3A_344, %scan3A_340#4 : vector<16xf32>
      %add3A_346 = arith.addf %add3A_345, %scan3A_340#5 : vector<16xf32>
      %add3A_347 = arith.addf %add3A_346, %scan3A_340#6 : vector<16xf32>
      %add3A_348 = arith.addf %add3A_347, %scan3A_340#7 : vector<16xf32>
      %mul3A_349 = arith.constant 2 : i32
      %mul3A_350 = arith.muli %add3A_222, %mul3A_349 : i32
      %add3A_351 = arith.constant 1 : i32
      %add3A_352 = arith.addi %mul3A_350, %add3A_351 : i32
      %swap3A_353 = arith.index_cast %add3A_352 : i32 to index
      %swap3A_354 = arith.constant 0 : index
      %swap3A_355 = tpu.vector_load %arg11[%swap3A_353, %swap3A_354] {strides = array<i32>} : memref<256x16xf32, #tpu.memory_space<vmem>>, vector<1x16xf32>,
      %swap3A_356 = vector.shape_cast %swap3A_355 : vector<1x16xf32> to vector<16xf32>
      %swap3A_357 = vector.shape_cast %add3A_348 : vector<16xf32> to vector<1x16xf32>
      tpu.vector_store %arg11[%swap3A_353, %swap3A_354], %swap3A_357 {strides = array<i32>} : memref<256x16xf32, #tpu.memory_space<vmem>>, vector<1x16xf32>,
      %slice3A_358 = vector.extract_strided_slice %get3A_65 {offsets = [3], sizes = [1], strides = [1]} : vector<16xi32> to vector<1xi32>
      %squeeze3A_359 = vector.extract %slice3A_358[0] : i32 from vector<1xi32>
      %and3A_360 = arith.constant -16 : i32
      %and3A_361 = arith.andi %squeeze3A_359, %and3A_360 : i32
      %multiple_of3A_362 = tpu.assume_multiple %and3A_361, 16 : i32
      %get3A_363 = arith.constant 1 : i32
      %get3A_364 = arith.constant 1 : i32
      %get3A_365 = arith.index_cast %get3A_363 : i32 to index
      %get3A_366 = arith.index_cast %get3A_364 : i32 to index
      %get3A_367 = arith.index_cast %multiple_of3A_362 : i32 to index
      %get3A_368 = tpu.vector_load %arg10[%get3A_365, %get3A_366, %get3A_367] {strides = array<i32>} : memref<4x2x8192xf32, #tpu.memory_space<vmem>>, vector<1x1x16xf32>,
      %get3A_369 = vector.shape_cast %get3A_368 : vector<1x1x16xf32> to vector<16xf32>
      %and3A_370 = arith.constant 15 : i32
      %and3A_371 = arith.andi %squeeze3A_359, %and3A_370 : i32
      %eq3A_372 = vector.broadcast %and3A_371 : i32 to vector<16xi32>
      %eq3A_373 = arith.cmpi eq, %iota3A, %eq3A_372 : vector<16xi32>
      %jit3A_374 = arith.constant 0.000000e+00 : f32
      %broadcast_in_dim3A_375 = vector.broadcast %jit3A_374 : f32 to vector<16xf32>
      %select_n3A_376 = arith.select %eq3A_373, %get3A_369, %broadcast_in_dim3A_375 : vector<16xi1>, vector<16xf32>
      %add3A_377 = arith.addf %add3A_319, %select_n3A_376 : vector<16xf32>
      %mul3A_378 = arith.constant 2 : i32
      %mul3A_379 = arith.muli %scan3A_60, %mul3A_378 : i32
      %mul3A_380 = arith.constant 4 : i32
      %mul3A_381 = arith.muli %mul3A_379, %mul3A_380 : i32
      %add3A_382 = arith.constant 2 : i32
      %add3A_383 = arith.addi %mul3A_381, %add3A_382 : i32
      %ge3A_384 = arith.constant 2 : i32
      %ge3A_385 = arith.cmpi sge, %add3A_383, %ge3A_384 : i32
      %convert_element_type3A_386 = arith.extui %ge3A_385 : i1 to i32
      %cond3A_387 = arith.constant 0 : i32
      %cond3A_388 = arith.cmpi ne, %convert_element_type3A_386, %cond3A_387 : i32
      scf.if %cond3A_388 {
        %dma_wait3A_1344 = arith.constant 0 : i32
        %dma_wait3A_1345 = arith.constant 0 : i32
        %dma_wait3A_1346 = arith.constant 0 : i32
        %dma_wait3A_1347 = tpu.memref_slice %arg10[%dma_wait3A_1344, %dma_wait3A_1345, %dma_wait3A_1346] : memref<4x2x8192xf32, #tpu.memory_space<vmem>> -> memref<1x2x8192xf32, #tpu.memory_space<vmem>>
        %dma_wait3A_1348 = tpu.memref_squeeze %dma_wait3A_1347 : memref<1x2x8192xf32, #tpu.memory_space<vmem>> -> memref<2x8192xf32, #tpu.memory_space<vmem>>
        %dma_wait3A_1349 = arith.constant 0 : i32
        %dma_wait3A_1350 = tpu.memref_slice %arg5[%mul3A_2, %dma_wait3A_1349] : memref<8192x8192xf32, #tpu.memory_space<hbm>> -> memref<2x8192xf32, #tpu.memory_space<hbm>>
        %dma_wait3A_1351 = arith.constant 0 : i32
        %dma_wait3A_1352 = tpu.memref_slice %arg5[%mul3A_2, %dma_wait3A_1351] : memref<8192x8192xf32, #tpu.memory_space<hbm>> -> memref<2x8192xf32, #tpu.memory_space<hbm>>
        %dma_wait3A_1353 = arith.constant 0 : i32
        %dma_wait3A_1354 = arith.constant 0 : i32
        %dma_wait3A_1355 = tpu.memref_slice %arg10[%dma_wait3A_1344, %dma_wait3A_1353, %dma_wait3A_1354] : memref<4x2x8192xf32, #tpu.memory_space<vmem>> -> memref<1x2x8192xf32, #tpu.memory_space<vmem>>
        %dma_wait3A_1356 = tpu.memref_squeeze %dma_wait3A_1355 : memref<1x2x8192xf32, #tpu.memory_space<vmem>> -> memref<2x8192xf32, #tpu.memory_space<vmem>>
        tpu.wait_dma2 semaphore(%arg17 : memref<!tpu.dma_semaphore, #tpu.memory_space<semaphore_mem>>) src(%dma_wait3A_1356 : memref<2x8192xf32, #tpu.memory_space<vmem>>) dst(%dma_wait3A_1352 : memref<2x8192xf32, #tpu.memory_space<hbm>>)
      } else {
      }
      %add3A_389 = arith.constant 2 : i32
      %add3A_390 = arith.addi %add3A_383, %add3A_389 : i32
      %lt3A_391 = arith.constant 128 : i32
      %lt3A_392 = arith.cmpi slt, %add3A_390, %lt3A_391 : i32
      %convert_element_type3A_393 = arith.extui %lt3A_392 : i1 to i32
      %cond3A_394 = arith.constant 0 : i32
      %cond3A_395 = arith.cmpi ne, %convert_element_type3A_393, %cond3A_394 : i32
      scf.if %cond3A_395 {
        %add3A_1344 = arith.constant 2 : i32
        %add3A_1345 = arith.addi %add3A_383, %add3A_1344 : i32
        %dma_start3A_1346 = arith.constant 0 : i32
        %dma_start3A_1347 = arith.constant 0 : i32
        %dma_start3A_1348 = arith.constant 0 : i32
        %dma_start3A_1349 = tpu.memref_slice %arg10[%dma_start3A_1346, %dma_start3A_1347, %dma_start3A_1348] : memref<4x2x8192xf32, #tpu.memory_space<vmem>> -> memref<1x2x8192xf32, #tpu.memory_space<vmem>>
        %dma_start3A_1350 = tpu.memref_squeeze %dma_start3A_1349 : memref<1x2x8192xf32, #tpu.memory_space<vmem>> -> memref<2x8192xf32, #tpu.memory_space<vmem>>
        %dma_start3A_1351 = arith.constant 0 : i32
        %dma_start3A_1352 = tpu.memref_slice %arg8[%add3A_1345, %dma_start3A_1351] : memref<128x2xi32, #tpu.memory_space<vmem>> -> memref<1x2xi32, #tpu.memory_space<vmem>>
        %dma_start3A_1353 = tpu.memref_squeeze %dma_start3A_1352 : memref<1x2xi32, #tpu.memory_space<vmem>> -> memref<2xi32, #tpu.memory_space<vmem>>
        %dma_start3A_1354 = arith.constant 0 : i32
        %dma_start3A_1355 = arith.constant 0 : i32
        %dma_start3A_1356 = tpu.memref_slice %arg4[%dma_start3A_1354, %dma_start3A_1355] : memref<8192x8192xf32, #tpu.memory_space<hbm>> -> memref<8192x8192xf32, #tpu.memory_space<hbm>>
        tpu.enqueue_indirect_dma source(%dma_start3A_1356 : memref<8192x8192xf32, #tpu.memory_space<hbm>>) target(%dma_start3A_1350 : memref<2x8192xf32, #tpu.memory_space<vmem>>) offsets(%dma_start3A_1353 : memref<2xi32, #tpu.memory_space<vmem>>) semaphore(%arg13 : memref<!tpu.dma_semaphore, #tpu.memory_space<semaphore_mem>>)
      } else {
      }
      %dma_wait3A_396 = arith.constant 2 : i32
      %dma_wait3A_397 = arith.constant 0 : i32
      %dma_wait3A_398 = arith.constant 0 : i32
      %dma_wait3A_399 = tpu.memref_slice %arg10[%dma_wait3A_396, %dma_wait3A_397, %dma_wait3A_398] : memref<4x2x8192xf32, #tpu.memory_space<vmem>> -> memref<1x2x8192xf32, #tpu.memory_space<vmem>>
      %dma_wait3A_400 = tpu.memref_squeeze %dma_wait3A_399 : memref<1x2x8192xf32, #tpu.memory_space<vmem>> -> memref<2x8192xf32, #tpu.memory_space<vmem>>
      %dma_wait3A_401 = arith.constant 0 : i32
      %dma_wait3A_402 = tpu.memref_slice %arg8[%add3A_383, %dma_wait3A_401] : memref<128x2xi32, #tpu.memory_space<vmem>> -> memref<1x2xi32, #tpu.memory_space<vmem>>
      %dma_wait3A_403 = tpu.memref_squeeze %dma_wait3A_402 : memref<1x2xi32, #tpu.memory_space<vmem>> -> memref<2xi32, #tpu.memory_space<vmem>>
      %dma_wait3A_404 = arith.constant 0 : i32
      %dma_wait3A_405 = arith.constant 0 : i32
      %dma_wait3A_406 = tpu.memref_slice %arg4[%dma_wait3A_404, %dma_wait3A_405] : memref<8192x8192xf32, #tpu.memory_space<hbm>> -> memref<8192x8192xf32, #tpu.memory_space<hbm>>
      tpu.wait_indirect_dma semaphore(%arg15 : memref<!tpu.dma_semaphore, #tpu.memory_space<semaphore_mem>>) src(%dma_wait3A_406 : memref<8192x8192xf32, #tpu.memory_space<hbm>>) dst(%dma_wait3A_400 : memref<2x8192xf32, #tpu.memory_space<vmem>>)
      %mul3A_407 = arith.constant 2 : i32
      %mul3A_408 = arith.muli %add3A_383, %mul3A_407 : i32
      %add3A_409 = arith.addi %mul3A_2, %mul3A_408 : i32
      %dma_start3A_410 = arith.constant 2 : i32
      %dma_start3A_411 = arith.constant 0 : i32
      %dma_start3A_412 = arith.constant 0 : i32
      %dma_start3A_413 = tpu.memref_slice %arg10[%dma_start3A_410, %dma_start3A_411, %dma_start3A_412] : memref<4x2x8192xf32, #tpu.memory_space<vmem>> -> memref<1x2x8192xf32, #tpu.memory_space<vmem>>
      %dma_start3A_414 = tpu.memref_squeeze %dma_start3A_413 : memref<1x2x8192xf32, #tpu.memory_space<vmem>> -> memref<2x8192xf32, #tpu.memory_space<vmem>>
      %dma_start3A_415 = arith.constant 0 : i32
      %dma_start3A_416 = tpu.memref_slice %arg5[%add3A_409, %dma_start3A_415] : memref<8192x8192xf32, #tpu.memory_space<hbm>> -> memref<2x8192xf32, #tpu.memory_space<hbm>>
      %dma_start3A_417 = arith.constant 0 : i32
      %dma_start3A_418 = tpu.memref_slice %arg5[%add3A_409, %dma_start3A_417] : memref<8192x8192xf32, #tpu.memory_space<hbm>> -> memref<2x8192xf32, #tpu.memory_space<hbm>>
      %dma_start3A_419 = arith.constant 0 : i32
      %dma_start3A_420 = arith.constant 0 : i32
      %dma_start3A_421 = tpu.memref_slice %arg10[%dma_start3A_410, %dma_start3A_419, %dma_start3A_420] : memref<4x2x8192xf32, #tpu.memory_space<vmem>> -> memref<1x2x8192xf32, #tpu.memory_space<vmem>>
      %dma_start3A_422 = tpu.memref_squeeze %dma_start3A_421 : memref<1x2x8192xf32, #tpu.memory_space<vmem>> -> memref<2x8192xf32, #tpu.memory_space<vmem>>
      tpu.enqueue_dma source(%dma_start3A_422 : memref<2x8192xf32, #tpu.memory_space<vmem>>) target(%dma_start3A_418 : memref<2x8192xf32, #tpu.memory_space<hbm>>) target_semaphore(%arg19 : memref<!tpu.dma_semaphore, #tpu.memory_space<semaphore_mem>>)
      %broadcast_in_dim3A_423 = arith.constant 0.000000e+00 : f32
      %broadcast_in_dim3A_424 = vector.broadcast %broadcast_in_dim3A_423 : f32 to vector<16xf32>
      %broadcast_in_dim3A_425 = arith.constant 0.000000e+00 : f32
      %broadcast_in_dim3A_426 = vector.broadcast %broadcast_in_dim3A_425 : f32 to vector<16xf32>
      %broadcast_in_dim3A_427 = arith.constant 0.000000e+00 : f32
      %broadcast_in_dim3A_428 = vector.broadcast %broadcast_in_dim3A_427 : f32 to vector<16xf32>
      %broadcast_in_dim3A_429 = arith.constant 0.000000e+00 : f32
      %broadcast_in_dim3A_430 = vector.broadcast %broadcast_in_dim3A_429 : f32 to vector<16xf32>
      %broadcast_in_dim3A_431 = arith.constant 0.000000e+00 : f32
      %broadcast_in_dim3A_432 = vector.broadcast %broadcast_in_dim3A_431 : f32 to vector<16xf32>
      %broadcast_in_dim3A_433 = arith.constant 0.000000e+00 : f32
      %broadcast_in_dim3A_434 = vector.broadcast %broadcast_in_dim3A_433 : f32 to vector<16xf32>
      %broadcast_in_dim3A_435 = arith.constant 0.000000e+00 : f32
      %broadcast_in_dim3A_436 = vector.broadcast %broadcast_in_dim3A_435 : f32 to vector<16xf32>
      %broadcast_in_dim3A_437 = arith.constant 0.000000e+00 : f32
      %broadcast_in_dim3A_438 = vector.broadcast %broadcast_in_dim3A_437 : f32 to vector<16xf32>
      %scan3A_439 = arith.constant 0 : i32
      %scan3A_440 = arith.constant 64 : i32
      %scan3A_441 = arith.addi %scan3A_439, %scan3A_440 : i32
      %scan3A_442 = arith.constant 1 : i32
      %scan3A_443:8 = scf.for %scan3A_1344 = %scan3A_439 to %scan3A_441 step %scan3A_442 iter_args(%scan3A_1345 = %broadcast_in_dim3A_424, %scan3A_1346 = %broadcast_in_dim3A_426, %scan3A_1347 = %broadcast_in_dim3A_428, %scan3A_1348 = %broadcast_in_dim3A_430, %scan3A_1349 = %broadcast_in_dim3A_432, %scan3A_1350 = %broadcast_in_dim3A_434, %scan3A_1351 = %broadcast_in_dim3A_436, %scan3A_1352 = %broadcast_in_dim3A_438) -> (vector<16xf32>, vector<16xf32>, vector<16xf32>, vector<16xf32>, vector<16xf32>, vector<16xf32>, vector<16xf32>, vector<16xf32>)  : i32 {
        %mul3A_1353 = arith.constant 128 : i32
        %mul3A_1354 = arith.muli %scan3A_1344, %mul3A_1353 : i32
        %add3A_1355 = arith.constant 0 : i32
        %add3A_1356 = arith.addi %mul3A_1354, %add3A_1355 : i32
        %multiple_of3A_1357 = tpu.assume_multiple %add3A_1356, 16 : i32
        %get3A_1358 = arith.constant 2 : i32
        %get3A_1359 = arith.constant 0 : i32
        %get3A_1360 = arith.index_cast %get3A_1358 : i32 to index
        %get3A_1361 = arith.index_cast %get3A_1359 : i32 to index
        %get3A_1362 = arith.index_cast %multiple_of3A_1357 : i32 to index
        %get3A_1363 = tpu.vector_load %arg10[%get3A_1360, %get3A_1361, %get3A_1362] {strides = array<i32>} : memref<4x2x8192xf32, #tpu.memory_space<vmem>>, vector<1x1x16xf32>,
        %get3A_1364 = vector.shape_cast %get3A_1363 : vector<1x1x16xf32> to vector<16xf32>
        %exp3A = math.exp %get3A_1364 : vector<16xf32>
        %add3A_1365 = arith.addf %scan3A_1345, %exp3A : vector<16xf32>
        %add3A_1366 = arith.constant 16 : i32
        %add3A_1367 = arith.addi %mul3A_1354, %add3A_1366 : i32
        %multiple_of3A_1368 = tpu.assume_multiple %add3A_1367, 16 : i32
        %get3A_1369 = arith.constant 2 : i32
        %get3A_1370 = arith.constant 0 : i32
        %get3A_1371 = arith.index_cast %get3A_1369 : i32 to index
        %get3A_1372 = arith.index_cast %get3A_1370 : i32 to index
        %get3A_1373 = arith.index_cast %multiple_of3A_1368 : i32 to index
        %get3A_1374 = tpu.vector_load %arg10[%get3A_1371, %get3A_1372, %get3A_1373] {strides = array<i32>} : memref<4x2x8192xf32, #tpu.memory_space<vmem>>, vector<1x1x16xf32>,
        %get3A_1375 = vector.shape_cast %get3A_1374 : vector<1x1x16xf32> to vector<16xf32>
        %exp3A_1376 = math.exp %get3A_1375 : vector<16xf32>
        %add3A_1377 = arith.addf %scan3A_1346, %exp3A_1376 : vector<16xf32>
        %add3A_1378 = arith.constant 32 : i32
        %add3A_1379 = arith.addi %mul3A_1354, %add3A_1378 : i32
        %multiple_of3A_1380 = tpu.assume_multiple %add3A_1379, 16 : i32
        %get3A_1381 = arith.constant 2 : i32
        %get3A_1382 = arith.constant 0 : i32
        %get3A_1383 = arith.index_cast %get3A_1381 : i32 to index
        %get3A_1384 = arith.index_cast %get3A_1382 : i32 to index
        %get3A_1385 = arith.index_cast %multiple_of3A_1380 : i32 to index
        %get3A_1386 = tpu.vector_load %arg10[%get3A_1383, %get3A_1384, %get3A_1385] {strides = array<i32>} : memref<4x2x8192xf32, #tpu.memory_space<vmem>>, vector<1x1x16xf32>,
        %get3A_1387 = vector.shape_cast %get3A_1386 : vector<1x1x16xf32> to vector<16xf32>
        %exp3A_1388 = math.exp %get3A_1387 : vector<16xf32>
        %add3A_1389 = arith.addf %scan3A_1347, %exp3A_1388 : vector<16xf32>
        %add3A_1390 = arith.constant 48 : i32
        %add3A_1391 = arith.addi %mul3A_1354, %add3A_1390 : i32
        %multiple_of3A_1392 = tpu.assume_multiple %add3A_1391, 16 : i32
        %get3A_1393 = arith.constant 2 : i32
        %get3A_1394 = arith.constant 0 : i32
        %get3A_1395 = arith.index_cast %get3A_1393 : i32 to index
        %get3A_1396 = arith.index_cast %get3A_1394 : i32 to index
        %get3A_1397 = arith.index_cast %multiple_of3A_1392 : i32 to index
        %get3A_1398 = tpu.vector_load %arg10[%get3A_1395, %get3A_1396, %get3A_1397] {strides = array<i32>} : memref<4x2x8192xf32, #tpu.memory_space<vmem>>, vector<1x1x16xf32>,
        %get3A_1399 = vector.shape_cast %get3A_1398 : vector<1x1x16xf32> to vector<16xf32>
        %exp3A_1400 = math.exp %get3A_1399 : vector<16xf32>
        %add3A_1401 = arith.addf %scan3A_1348, %exp3A_1400 : vector<16xf32>
        %add3A_1402 = arith.constant 64 : i32
        %add3A_1403 = arith.addi %mul3A_1354, %add3A_1402 : i32
        %multiple_of3A_1404 = tpu.assume_multiple %add3A_1403, 16 : i32
        %get3A_1405 = arith.constant 2 : i32
        %get3A_1406 = arith.constant 0 : i32
        %get3A_1407 = arith.index_cast %get3A_1405 : i32 to index
        %get3A_1408 = arith.index_cast %get3A_1406 : i32 to index
        %get3A_1409 = arith.index_cast %multiple_of3A_1404 : i32 to index
        %get3A_1410 = tpu.vector_load %arg10[%get3A_1407, %get3A_1408, %get3A_1409] {strides = array<i32>} : memref<4x2x8192xf32, #tpu.memory_space<vmem>>, vector<1x1x16xf32>,
        %get3A_1411 = vector.shape_cast %get3A_1410 : vector<1x1x16xf32> to vector<16xf32>
        %exp3A_1412 = math.exp %get3A_1411 : vector<16xf32>
        %add3A_1413 = arith.addf %scan3A_1349, %exp3A_1412 : vector<16xf32>
        %add3A_1414 = arith.constant 80 : i32
        %add3A_1415 = arith.addi %mul3A_1354, %add3A_1414 : i32
        %multiple_of3A_1416 = tpu.assume_multiple %add3A_1415, 16 : i32
        %get3A_1417 = arith.constant 2 : i32
        %get3A_1418 = arith.constant 0 : i32
        %get3A_1419 = arith.index_cast %get3A_1417 : i32 to index
        %get3A_1420 = arith.index_cast %get3A_1418 : i32 to index
        %get3A_1421 = arith.index_cast %multiple_of3A_1416 : i32 to index
        %get3A_1422 = tpu.vector_load %arg10[%get3A_1419, %get3A_1420, %get3A_1421] {strides = array<i32>} : memref<4x2x8192xf32, #tpu.memory_space<vmem>>, vector<1x1x16xf32>,
        %get3A_1423 = vector.shape_cast %get3A_1422 : vector<1x1x16xf32> to vector<16xf32>
        %exp3A_1424 = math.exp %get3A_1423 : vector<16xf32>
        %add3A_1425 = arith.addf %scan3A_1350, %exp3A_1424 : vector<16xf32>
        %add3A_1426 = arith.constant 96 : i32
        %add3A_1427 = arith.addi %mul3A_1354, %add3A_1426 : i32
        %multiple_of3A_1428 = tpu.assume_multiple %add3A_1427, 16 : i32
        %get3A_1429 = arith.constant 2 : i32
        %get3A_1430 = arith.constant 0 : i32
        %get3A_1431 = arith.index_cast %get3A_1429 : i32 to index
        %get3A_1432 = arith.index_cast %get3A_1430 : i32 to index
        %get3A_1433 = arith.index_cast %multiple_of3A_1428 : i32 to index
        %get3A_1434 = tpu.vector_load %arg10[%get3A_1431, %get3A_1432, %get3A_1433] {strides = array<i32>} : memref<4x2x8192xf32, #tpu.memory_space<vmem>>, vector<1x1x16xf32>,
        %get3A_1435 = vector.shape_cast %get3A_1434 : vector<1x1x16xf32> to vector<16xf32>
        %exp3A_1436 = math.exp %get3A_1435 : vector<16xf32>
        %add3A_1437 = arith.addf %scan3A_1351, %exp3A_1436 : vector<16xf32>
        %add3A_1438 = arith.constant 112 : i32
        %add3A_1439 = arith.addi %mul3A_1354, %add3A_1438 : i32
        %multiple_of3A_1440 = tpu.assume_multiple %add3A_1439, 16 : i32
        %get3A_1441 = arith.constant 2 : i32
        %get3A_1442 = arith.constant 0 : i32
        %get3A_1443 = arith.index_cast %get3A_1441 : i32 to index
        %get3A_1444 = arith.index_cast %get3A_1442 : i32 to index
        %get3A_1445 = arith.index_cast %multiple_of3A_1440 : i32 to index
        %get3A_1446 = tpu.vector_load %arg10[%get3A_1443, %get3A_1444, %get3A_1445] {strides = array<i32>} : memref<4x2x8192xf32, #tpu.memory_space<vmem>>, vector<1x1x16xf32>,
        %get3A_1447 = vector.shape_cast %get3A_1446 : vector<1x1x16xf32> to vector<16xf32>
        %exp3A_1448 = math.exp %get3A_1447 : vector<16xf32>
        %add3A_1449 = arith.addf %scan3A_1352, %exp3A_1448 : vector<16xf32>
        scf.yield %add3A_1365, %add3A_1377, %add3A_1389, %add3A_1401, %add3A_1413, %add3A_1425, %add3A_1437, %add3A_1449 : vector<16xf32>, vector<16xf32>, vector<16xf32>, vector<16xf32>, vector<16xf32>, vector<16xf32>, vector<16xf32>, vector<16xf32>
      }
      %scan3A_444 = arith.constant 64 : i32
      %add3A_445 = arith.addf %scan3A_443#0, %scan3A_443#1 : vector<16xf32>
      %add3A_446 = arith.addf %add3A_445, %scan3A_443#2 : vector<16xf32>
      %add3A_447 = arith.addf %add3A_446, %scan3A_443#3 : vector<16xf32>
      %add3A_448 = arith.addf %add3A_447, %scan3A_443#4 : vector<16xf32>
      %add3A_449 = arith.addf %add3A_448, %scan3A_443#5 : vector<16xf32>
      %add3A_450 = arith.addf %add3A_449, %scan3A_443#6 : vector<16xf32>
      %add3A_451 = arith.addf %add3A_450, %scan3A_443#7 : vector<16xf32>
      %mul3A_452 = arith.constant 2 : i32
      %mul3A_453 = arith.muli %add3A_383, %mul3A_452 : i32
      %add3A_454 = arith.constant 0 : i32
      %add3A_455 = arith.addi %mul3A_453, %add3A_454 : i32
      %swap3A_456 = arith.index_cast %add3A_455 : i32 to index
      %swap3A_457 = arith.constant 0 : index
      %swap3A_458 = tpu.vector_load %arg11[%swap3A_456, %swap3A_457] {strides = array<i32>} : memref<256x16xf32, #tpu.memory_space<vmem>>, vector<1x16xf32>,
      %swap3A_459 = vector.shape_cast %swap3A_458 : vector<1x16xf32> to vector<16xf32>
      %swap3A_460 = vector.shape_cast %add3A_451 : vector<16xf32> to vector<1x16xf32>
      tpu.vector_store %arg11[%swap3A_456, %swap3A_457], %swap3A_460 {strides = array<i32>} : memref<256x16xf32, #tpu.memory_space<vmem>>, vector<1x16xf32>,
      %slice3A_461 = vector.extract_strided_slice %get3A_65 {offsets = [4], sizes = [1], strides = [1]} : vector<16xi32> to vector<1xi32>
      %squeeze3A_462 = vector.extract %slice3A_461[0] : i32 from vector<1xi32>
      %and3A_463 = arith.constant -16 : i32
      %and3A_464 = arith.andi %squeeze3A_462, %and3A_463 : i32
      %multiple_of3A_465 = tpu.assume_multiple %and3A_464, 16 : i32
      %get3A_466 = arith.constant 2 : i32
      %get3A_467 = arith.constant 0 : i32
      %get3A_468 = arith.index_cast %get3A_466 : i32 to index
      %get3A_469 = arith.index_cast %get3A_467 : i32 to index
      %get3A_470 = arith.index_cast %multiple_of3A_465 : i32 to index
      %get3A_471 = tpu.vector_load %arg10[%get3A_468, %get3A_469, %get3A_470] {strides = array<i32>} : memref<4x2x8192xf32, #tpu.memory_space<vmem>>, vector<1x1x16xf32>,
      %get3A_472 = vector.shape_cast %get3A_471 : vector<1x1x16xf32> to vector<16xf32>
      %and3A_473 = arith.constant 15 : i32
      %and3A_474 = arith.andi %squeeze3A_462, %and3A_473 : i32
      %eq3A_475 = vector.broadcast %and3A_474 : i32 to vector<16xi32>
      %eq3A_476 = arith.cmpi eq, %iota3A, %eq3A_475 : vector<16xi32>
      %jit3A_477 = arith.constant 0.000000e+00 : f32
      %broadcast_in_dim3A_478 = vector.broadcast %jit3A_477 : f32 to vector<16xf32>
      %select_n3A_479 = arith.select %eq3A_476, %get3A_472, %broadcast_in_dim3A_478 : vector<16xi1>, vector<16xf32>
      %add3A_480 = arith.addf %add3A_377, %select_n3A_479 : vector<16xf32>
      %broadcast_in_dim3A_481 = arith.constant 0.000000e+00 : f32
      %broadcast_in_dim3A_482 = vector.broadcast %broadcast_in_dim3A_481 : f32 to vector<16xf32>
      %broadcast_in_dim3A_483 = arith.constant 0.000000e+00 : f32
      %broadcast_in_dim3A_484 = vector.broadcast %broadcast_in_dim3A_483 : f32 to vector<16xf32>
      %broadcast_in_dim3A_485 = arith.constant 0.000000e+00 : f32
      %broadcast_in_dim3A_486 = vector.broadcast %broadcast_in_dim3A_485 : f32 to vector<16xf32>
      %broadcast_in_dim3A_487 = arith.constant 0.000000e+00 : f32
      %broadcast_in_dim3A_488 = vector.broadcast %broadcast_in_dim3A_487 : f32 to vector<16xf32>
      %broadcast_in_dim3A_489 = arith.constant 0.000000e+00 : f32
      %broadcast_in_dim3A_490 = vector.broadcast %broadcast_in_dim3A_489 : f32 to vector<16xf32>
      %broadcast_in_dim3A_491 = arith.constant 0.000000e+00 : f32
      %broadcast_in_dim3A_492 = vector.broadcast %broadcast_in_dim3A_491 : f32 to vector<16xf32>
      %broadcast_in_dim3A_493 = arith.constant 0.000000e+00 : f32
      %broadcast_in_dim3A_494 = vector.broadcast %broadcast_in_dim3A_493 : f32 to vector<16xf32>
      %broadcast_in_dim3A_495 = arith.constant 0.000000e+00 : f32
      %broadcast_in_dim3A_496 = vector.broadcast %broadcast_in_dim3A_495 : f32 to vector<16xf32>
      %scan3A_497 = arith.constant 0 : i32
      %scan3A_498 = arith.constant 64 : i32
      %scan3A_499 = arith.addi %scan3A_497, %scan3A_498 : i32
      %scan3A_500 = arith.constant 1 : i32
      %scan3A_501:8 = scf.for %scan3A_1344 = %scan3A_497 to %scan3A_499 step %scan3A_500 iter_args(%scan3A_1345 = %broadcast_in_dim3A_482, %scan3A_1346 = %broadcast_in_dim3A_484, %scan3A_1347 = %broadcast_in_dim3A_486, %scan3A_1348 = %broadcast_in_dim3A_488, %scan3A_1349 = %broadcast_in_dim3A_490, %scan3A_1350 = %broadcast_in_dim3A_492, %scan3A_1351 = %broadcast_in_dim3A_494, %scan3A_1352 = %broadcast_in_dim3A_496) -> (vector<16xf32>, vector<16xf32>, vector<16xf32>, vector<16xf32>, vector<16xf32>, vector<16xf32>, vector<16xf32>, vector<16xf32>)  : i32 {
        %mul3A_1353 = arith.constant 128 : i32
        %mul3A_1354 = arith.muli %scan3A_1344, %mul3A_1353 : i32
        %add3A_1355 = arith.constant 0 : i32
        %add3A_1356 = arith.addi %mul3A_1354, %add3A_1355 : i32
        %multiple_of3A_1357 = tpu.assume_multiple %add3A_1356, 16 : i32
        %get3A_1358 = arith.constant 2 : i32
        %get3A_1359 = arith.constant 1 : i32
        %get3A_1360 = arith.index_cast %get3A_1358 : i32 to index
        %get3A_1361 = arith.index_cast %get3A_1359 : i32 to index
        %get3A_1362 = arith.index_cast %multiple_of3A_1357 : i32 to index
        %get3A_1363 = tpu.vector_load %arg10[%get3A_1360, %get3A_1361, %get3A_1362] {strides = array<i32>} : memref<4x2x8192xf32, #tpu.memory_space<vmem>>, vector<1x1x16xf32>,
        %get3A_1364 = vector.shape_cast %get3A_1363 : vector<1x1x16xf32> to vector<16xf32>
        %exp3A = math.exp %get3A_1364 : vector<16xf32>
        %add3A_1365 = arith.addf %scan3A_1345, %exp3A : vector<16xf32>
        %add3A_1366 = arith.constant 16 : i32
        %add3A_1367 = arith.addi %mul3A_1354, %add3A_1366 : i32
        %multiple_of3A_1368 = tpu.assume_multiple %add3A_1367, 16 : i32
        %get3A_1369 = arith.constant 2 : i32
        %get3A_1370 = arith.constant 1 : i32
        %get3A_1371 = arith.index_cast %get3A_1369 : i32 to index
        %get3A_1372 = arith.index_cast %get3A_1370 : i32 to index
        %get3A_1373 = arith.index_cast %multiple_of3A_1368 : i32 to index
        %get3A_1374 = tpu.vector_load %arg10[%get3A_1371, %get3A_1372, %get3A_1373] {strides = array<i32>} : memref<4x2x8192xf32, #tpu.memory_space<vmem>>, vector<1x1x16xf32>,
        %get3A_1375 = vector.shape_cast %get3A_1374 : vector<1x1x16xf32> to vector<16xf32>
        %exp3A_1376 = math.exp %get3A_1375 : vector<16xf32>
        %add3A_1377 = arith.addf %scan3A_1346, %exp3A_1376 : vector<16xf32>
        %add3A_1378 = arith.constant 32 : i32
        %add3A_1379 = arith.addi %mul3A_1354, %add3A_1378 : i32
        %multiple_of3A_1380 = tpu.assume_multiple %add3A_1379, 16 : i32
        %get3A_1381 = arith.constant 2 : i32
        %get3A_1382 = arith.constant 1 : i32
        %get3A_1383 = arith.index_cast %get3A_1381 : i32 to index
        %get3A_1384 = arith.index_cast %get3A_1382 : i32 to index
        %get3A_1385 = arith.index_cast %multiple_of3A_1380 : i32 to index
        %get3A_1386 = tpu.vector_load %arg10[%get3A_1383, %get3A_1384, %get3A_1385] {strides = array<i32>} : memref<4x2x8192xf32, #tpu.memory_space<vmem>>, vector<1x1x16xf32>,
        %get3A_1387 = vector.shape_cast %get3A_1386 : vector<1x1x16xf32> to vector<16xf32>
        %exp3A_1388 = math.exp %get3A_1387 : vector<16xf32>
        %add3A_1389 = arith.addf %scan3A_1347, %exp3A_1388 : vector<16xf32>
        %add3A_1390 = arith.constant 48 : i32
        %add3A_1391 = arith.addi %mul3A_1354, %add3A_1390 : i32
        %multiple_of3A_1392 = tpu.assume_multiple %add3A_1391, 16 : i32
        %get3A_1393 = arith.constant 2 : i32
        %get3A_1394 = arith.constant 1 : i32
        %get3A_1395 = arith.index_cast %get3A_1393 : i32 to index
        %get3A_1396 = arith.index_cast %get3A_1394 : i32 to index
        %get3A_1397 = arith.index_cast %multiple_of3A_1392 : i32 to index
        %get3A_1398 = tpu.vector_load %arg10[%get3A_1395, %get3A_1396, %get3A_1397] {strides = array<i32>} : memref<4x2x8192xf32, #tpu.memory_space<vmem>>, vector<1x1x16xf32>,
        %get3A_1399 = vector.shape_cast %get3A_1398 : vector<1x1x16xf32> to vector<16xf32>
        %exp3A_1400 = math.exp %get3A_1399 : vector<16xf32>
        %add3A_1401 = arith.addf %scan3A_1348, %exp3A_1400 : vector<16xf32>
        %add3A_1402 = arith.constant 64 : i32
        %add3A_1403 = arith.addi %mul3A_1354, %add3A_1402 : i32
        %multiple_of3A_1404 = tpu.assume_multiple %add3A_1403, 16 : i32
        %get3A_1405 = arith.constant 2 : i32
        %get3A_1406 = arith.constant 1 : i32
        %get3A_1407 = arith.index_cast %get3A_1405 : i32 to index
        %get3A_1408 = arith.index_cast %get3A_1406 : i32 to index
        %get3A_1409 = arith.index_cast %multiple_of3A_1404 : i32 to index
        %get3A_1410 = tpu.vector_load %arg10[%get3A_1407, %get3A_1408, %get3A_1409] {strides = array<i32>} : memref<4x2x8192xf32, #tpu.memory_space<vmem>>, vector<1x1x16xf32>,
        %get3A_1411 = vector.shape_cast %get3A_1410 : vector<1x1x16xf32> to vector<16xf32>
        %exp3A_1412 = math.exp %get3A_1411 : vector<16xf32>
        %add3A_1413 = arith.addf %scan3A_1349, %exp3A_1412 : vector<16xf32>
        %add3A_1414 = arith.constant 80 : i32
        %add3A_1415 = arith.addi %mul3A_1354, %add3A_1414 : i32
        %multiple_of3A_1416 = tpu.assume_multiple %add3A_1415, 16 : i32
        %get3A_1417 = arith.constant 2 : i32
        %get3A_1418 = arith.constant 1 : i32
        %get3A_1419 = arith.index_cast %get3A_1417 : i32 to index
        %get3A_1420 = arith.index_cast %get3A_1418 : i32 to index
        %get3A_1421 = arith.index_cast %multiple_of3A_1416 : i32 to index
        %get3A_1422 = tpu.vector_load %arg10[%get3A_1419, %get3A_1420, %get3A_1421] {strides = array<i32>} : memref<4x2x8192xf32, #tpu.memory_space<vmem>>, vector<1x1x16xf32>,
        %get3A_1423 = vector.shape_cast %get3A_1422 : vector<1x1x16xf32> to vector<16xf32>
        %exp3A_1424 = math.exp %get3A_1423 : vector<16xf32>
        %add3A_1425 = arith.addf %scan3A_1350, %exp3A_1424 : vector<16xf32>
        %add3A_1426 = arith.constant 96 : i32
        %add3A_1427 = arith.addi %mul3A_1354, %add3A_1426 : i32
        %multiple_of3A_1428 = tpu.assume_multiple %add3A_1427, 16 : i32
        %get3A_1429 = arith.constant 2 : i32
        %get3A_1430 = arith.constant 1 : i32
        %get3A_1431 = arith.index_cast %get3A_1429 : i32 to index
        %get3A_1432 = arith.index_cast %get3A_1430 : i32 to index
        %get3A_1433 = arith.index_cast %multiple_of3A_1428 : i32 to index
        %get3A_1434 = tpu.vector_load %arg10[%get3A_1431, %get3A_1432, %get3A_1433] {strides = array<i32>} : memref<4x2x8192xf32, #tpu.memory_space<vmem>>, vector<1x1x16xf32>,
        %get3A_1435 = vector.shape_cast %get3A_1434 : vector<1x1x16xf32> to vector<16xf32>
        %exp3A_1436 = math.exp %get3A_1435 : vector<16xf32>
        %add3A_1437 = arith.addf %scan3A_1351, %exp3A_1436 : vector<16xf32>
        %add3A_1438 = arith.constant 112 : i32
        %add3A_1439 = arith.addi %mul3A_1354, %add3A_1438 : i32
        %multiple_of3A_1440 = tpu.assume_multiple %add3A_1439, 16 : i32
        %get3A_1441 = arith.constant 2 : i32
        %get3A_1442 = arith.constant 1 : i32
        %get3A_1443 = arith.index_cast %get3A_1441 : i32 to index
        %get3A_1444 = arith.index_cast %get3A_1442 : i32 to index
        %get3A_1445 = arith.index_cast %multiple_of3A_1440 : i32 to index
        %get3A_1446 = tpu.vector_load %arg10[%get3A_1443, %get3A_1444, %get3A_1445] {strides = array<i32>} : memref<4x2x8192xf32, #tpu.memory_space<vmem>>, vector<1x1x16xf32>,
        %get3A_1447 = vector.shape_cast %get3A_1446 : vector<1x1x16xf32> to vector<16xf32>
        %exp3A_1448 = math.exp %get3A_1447 : vector<16xf32>
        %add3A_1449 = arith.addf %scan3A_1352, %exp3A_1448 : vector<16xf32>
        scf.yield %add3A_1365, %add3A_1377, %add3A_1389, %add3A_1401, %add3A_1413, %add3A_1425, %add3A_1437, %add3A_1449 : vector<16xf32>, vector<16xf32>, vector<16xf32>, vector<16xf32>, vector<16xf32>, vector<16xf32>, vector<16xf32>, vector<16xf32>
      }
      %scan3A_502 = arith.constant 64 : i32
      %add3A_503 = arith.addf %scan3A_501#0, %scan3A_501#1 : vector<16xf32>
      %add3A_504 = arith.addf %add3A_503, %scan3A_501#2 : vector<16xf32>
      %add3A_505 = arith.addf %add3A_504, %scan3A_501#3 : vector<16xf32>
      %add3A_506 = arith.addf %add3A_505, %scan3A_501#4 : vector<16xf32>
      %add3A_507 = arith.addf %add3A_506, %scan3A_501#5 : vector<16xf32>
      %add3A_508 = arith.addf %add3A_507, %scan3A_501#6 : vector<16xf32>
      %add3A_509 = arith.addf %add3A_508, %scan3A_501#7 : vector<16xf32>
      %mul3A_510 = arith.constant 2 : i32
      %mul3A_511 = arith.muli %add3A_383, %mul3A_510 : i32
      %add3A_512 = arith.constant 1 : i32
      %add3A_513 = arith.addi %mul3A_511, %add3A_512 : i32
      %swap3A_514 = arith.index_cast %add3A_513 : i32 to index
      %swap3A_515 = arith.constant 0 : index
      %swap3A_516 = tpu.vector_load %arg11[%swap3A_514, %swap3A_515] {strides = array<i32>} : memref<256x16xf32, #tpu.memory_space<vmem>>, vector<1x16xf32>,
      %swap3A_517 = vector.shape_cast %swap3A_516 : vector<1x16xf32> to vector<16xf32>
      %swap3A_518 = vector.shape_cast %add3A_509 : vector<16xf32> to vector<1x16xf32>
      tpu.vector_store %arg11[%swap3A_514, %swap3A_515], %swap3A_518 {strides = array<i32>} : memref<256x16xf32, #tpu.memory_space<vmem>>, vector<1x16xf32>,
      %slice3A_519 = vector.extract_strided_slice %get3A_65 {offsets = [5], sizes = [1], strides = [1]} : vector<16xi32> to vector<1xi32>
      %squeeze3A_520 = vector.extract %slice3A_519[0] : i32 from vector<1xi32>
      %and3A_521 = arith.constant -16 : i32
      %and3A_522 = arith.andi %squeeze3A_520, %and3A_521 : i32
      %multiple_of3A_523 = tpu.assume_multiple %and3A_522, 16 : i32
      %get3A_524 = arith.constant 2 : i32
      %get3A_525 = arith.constant 1 : i32
      %get3A_526 = arith.index_cast %get3A_524 : i32 to index
      %get3A_527 = arith.index_cast %get3A_525 : i32 to index
      %get3A_528 = arith.index_cast %multiple_of3A_523 : i32 to index
      %get3A_529 = tpu.vector_load %arg10[%get3A_526, %get3A_527, %get3A_528] {strides = array<i32>} : memref<4x2x8192xf32, #tpu.memory_space<vmem>>, vector<1x1x16xf32>,
      %get3A_530 = vector.shape_cast %get3A_529 : vector<1x1x16xf32> to vector<16xf32>
      %and3A_531 = arith.constant 15 : i32
      %and3A_532 = arith.andi %squeeze3A_520, %and3A_531 : i32
      %eq3A_533 = vector.broadcast %and3A_532 : i32 to vector<16xi32>
      %eq3A_534 = arith.cmpi eq, %iota3A, %eq3A_533 : vector<16xi32>
      %jit3A_535 = arith.constant 0.000000e+00 : f32
      %broadcast_in_dim3A_536 = vector.broadcast %jit3A_535 : f32 to vector<16xf32>
      %select_n3A_537 = arith.select %eq3A_534, %get3A_530, %broadcast_in_dim3A_536 : vector<16xi1>, vector<16xf32>
      %add3A_538 = arith.addf %add3A_480, %select_n3A_537 : vector<16xf32>
      %mul3A_539 = arith.constant 2 : i32
      %mul3A_540 = arith.muli %scan3A_60, %mul3A_539 : i32
      %mul3A_541 = arith.constant 4 : i32
      %mul3A_542 = arith.muli %mul3A_540, %mul3A_541 : i32
      %add3A_543 = arith.constant 3 : i32
      %add3A_544 = arith.addi %mul3A_542, %add3A_543 : i32
      %ge3A_545 = arith.constant 2 : i32
      %ge3A_546 = arith.cmpi sge, %add3A_544, %ge3A_545 : i32
      %convert_element_type3A_547 = arith.extui %ge3A_546 : i1 to i32
      %cond3A_548 = arith.constant 0 : i32
      %cond3A_549 = arith.cmpi ne, %convert_element_type3A_547, %cond3A_548 : i32
      scf.if %cond3A_549 {
        %dma_wait3A_1344 = arith.constant 1 : i32
        %dma_wait3A_1345 = arith.constant 0 : i32
        %dma_wait3A_1346 = arith.constant 0 : i32
        %dma_wait3A_1347 = tpu.memref_slice %arg10[%dma_wait3A_1344, %dma_wait3A_1345, %dma_wait3A_1346] : memref<4x2x8192xf32, #tpu.memory_space<vmem>> -> memref<1x2x8192xf32, #tpu.memory_space<vmem>>
        %dma_wait3A_1348 = tpu.memref_squeeze %dma_wait3A_1347 : memref<1x2x8192xf32, #tpu.memory_space<vmem>> -> memref<2x8192xf32, #tpu.memory_space<vmem>>
        %dma_wait3A_1349 = arith.constant 0 : i32
        %dma_wait3A_1350 = tpu.memref_slice %arg5[%mul3A_2, %dma_wait3A_1349] : memref<8192x8192xf32, #tpu.memory_space<hbm>> -> memref<2x8192xf32, #tpu.memory_space<hbm>>
        %dma_wait3A_1351 = arith.constant 0 : i32
        %dma_wait3A_1352 = tpu.memref_slice %arg5[%mul3A_2, %dma_wait3A_1351] : memref<8192x8192xf32, #tpu.memory_space<hbm>> -> memref<2x8192xf32, #tpu.memory_space<hbm>>
        %dma_wait3A_1353 = arith.constant 0 : i32
        %dma_wait3A_1354 = arith.constant 0 : i32
        %dma_wait3A_1355 = tpu.memref_slice %arg10[%dma_wait3A_1344, %dma_wait3A_1353, %dma_wait3A_1354] : memref<4x2x8192xf32, #tpu.memory_space<vmem>> -> memref<1x2x8192xf32, #tpu.memory_space<vmem>>
        %dma_wait3A_1356 = tpu.memref_squeeze %dma_wait3A_1355 : memref<1x2x8192xf32, #tpu.memory_space<vmem>> -> memref<2x8192xf32, #tpu.memory_space<vmem>>
        tpu.wait_dma2 semaphore(%arg18 : memref<!tpu.dma_semaphore, #tpu.memory_space<semaphore_mem>>) src(%dma_wait3A_1356 : memref<2x8192xf32, #tpu.memory_space<vmem>>) dst(%dma_wait3A_1352 : memref<2x8192xf32, #tpu.memory_space<hbm>>)
      } else {
      }
      %add3A_550 = arith.constant 2 : i32
      %add3A_551 = arith.addi %add3A_544, %add3A_550 : i32
      %lt3A_552 = arith.constant 128 : i32
      %lt3A_553 = arith.cmpi slt, %add3A_551, %lt3A_552 : i32
      %convert_element_type3A_554 = arith.extui %lt3A_553 : i1 to i32
      %cond3A_555 = arith.constant 0 : i32
      %cond3A_556 = arith.cmpi ne, %convert_element_type3A_554, %cond3A_555 : i32
      scf.if %cond3A_556 {
        %add3A_1344 = arith.constant 2 : i32
        %add3A_1345 = arith.addi %add3A_544, %add3A_1344 : i32
        %dma_start3A_1346 = arith.constant 1 : i32
        %dma_start3A_1347 = arith.constant 0 : i32
        %dma_start3A_1348 = arith.constant 0 : i32
        %dma_start3A_1349 = tpu.memref_slice %arg10[%dma_start3A_1346, %dma_start3A_1347, %dma_start3A_1348] : memref<4x2x8192xf32, #tpu.memory_space<vmem>> -> memref<1x2x8192xf32, #tpu.memory_space<vmem>>
        %dma_start3A_1350 = tpu.memref_squeeze %dma_start3A_1349 : memref<1x2x8192xf32, #tpu.memory_space<vmem>> -> memref<2x8192xf32, #tpu.memory_space<vmem>>
        %dma_start3A_1351 = arith.constant 0 : i32
        %dma_start3A_1352 = tpu.memref_slice %arg8[%add3A_1345, %dma_start3A_1351] : memref<128x2xi32, #tpu.memory_space<vmem>> -> memref<1x2xi32, #tpu.memory_space<vmem>>
        %dma_start3A_1353 = tpu.memref_squeeze %dma_start3A_1352 : memref<1x2xi32, #tpu.memory_space<vmem>> -> memref<2xi32, #tpu.memory_space<vmem>>
        %dma_start3A_1354 = arith.constant 0 : i32
        %dma_start3A_1355 = arith.constant 0 : i32
        %dma_start3A_1356 = tpu.memref_slice %arg4[%dma_start3A_1354, %dma_start3A_1355] : memref<8192x8192xf32, #tpu.memory_space<hbm>> -> memref<8192x8192xf32, #tpu.memory_space<hbm>>
        tpu.enqueue_indirect_dma source(%dma_start3A_1356 : memref<8192x8192xf32, #tpu.memory_space<hbm>>) target(%dma_start3A_1350 : memref<2x8192xf32, #tpu.memory_space<vmem>>) offsets(%dma_start3A_1353 : memref<2xi32, #tpu.memory_space<vmem>>) semaphore(%arg14 : memref<!tpu.dma_semaphore, #tpu.memory_space<semaphore_mem>>)
      } else {
      }
      %dma_wait3A_557 = arith.constant 3 : i32
      %dma_wait3A_558 = arith.constant 0 : i32
      %dma_wait3A_559 = arith.constant 0 : i32
      %dma_wait3A_560 = tpu.memref_slice %arg10[%dma_wait3A_557, %dma_wait3A_558, %dma_wait3A_559] : memref<4x2x8192xf32, #tpu.memory_space<vmem>> -> memref<1x2x8192xf32, #tpu.memory_space<vmem>>
      %dma_wait3A_561 = tpu.memref_squeeze %dma_wait3A_560 : memref<1x2x8192xf32, #tpu.memory_space<vmem>> -> memref<2x8192xf32, #tpu.memory_space<vmem>>
      %dma_wait3A_562 = arith.constant 0 : i32
      %dma_wait3A_563 = tpu.memref_slice %arg8[%add3A_544, %dma_wait3A_562] : memref<128x2xi32, #tpu.memory_space<vmem>> -> memref<1x2xi32, #tpu.memory_space<vmem>>
      %dma_wait3A_564 = tpu.memref_squeeze %dma_wait3A_563 : memref<1x2xi32, #tpu.memory_space<vmem>> -> memref<2xi32, #tpu.memory_space<vmem>>
      %dma_wait3A_565 = arith.constant 0 : i32
      %dma_wait3A_566 = arith.constant 0 : i32
      %dma_wait3A_567 = tpu.memref_slice %arg4[%dma_wait3A_565, %dma_wait3A_566] : memref<8192x8192xf32, #tpu.memory_space<hbm>> -> memref<8192x8192xf32, #tpu.memory_space<hbm>>
      tpu.wait_indirect_dma semaphore(%arg16 : memref<!tpu.dma_semaphore, #tpu.memory_space<semaphore_mem>>) src(%dma_wait3A_567 : memref<8192x8192xf32, #tpu.memory_space<hbm>>) dst(%dma_wait3A_561 : memref<2x8192xf32, #tpu.memory_space<vmem>>)
      %mul3A_568 = arith.constant 2 : i32
      %mul3A_569 = arith.muli %add3A_544, %mul3A_568 : i32
      %add3A_570 = arith.addi %mul3A_2, %mul3A_569 : i32
      %dma_start3A_571 = arith.constant 3 : i32
      %dma_start3A_572 = arith.constant 0 : i32
      %dma_start3A_573 = arith.constant 0 : i32
      %dma_start3A_574 = tpu.memref_slice %arg10[%dma_start3A_571, %dma_start3A_572, %dma_start3A_573] : memref<4x2x8192xf32, #tpu.memory_space<vmem>> -> memref<1x2x8192xf32, #tpu.memory_space<vmem>>
      %dma_start3A_575 = tpu.memref_squeeze %dma_start3A_574 : memref<1x2x8192xf32, #tpu.memory_space<vmem>> -> memref<2x8192xf32, #tpu.memory_space<vmem>>
      %dma_start3A_576 = arith.constant 0 : i32
      %dma_start3A_577 = tpu.memref_slice %arg5[%add3A_570, %dma_start3A_576] : memref<8192x8192xf32, #tpu.memory_space<hbm>> -> memref<2x8192xf32, #tpu.memory_space<hbm>>
      %dma_start3A_578 = arith.constant 0 : i32
      %dma_start3A_579 = tpu.memref_slice %arg5[%add3A_570, %dma_start3A_578] : memref<8192x8192xf32, #tpu.memory_space<hbm>> -> memref<2x8192xf32, #tpu.memory_space<hbm>>
      %dma_start3A_580 = arith.constant 0 : i32
      %dma_start3A_581 = arith.constant 0 : i32
      %dma_start3A_582 = tpu.memref_slice %arg10[%dma_start3A_571, %dma_start3A_580, %dma_start3A_581] : memref<4x2x8192xf32, #tpu.memory_space<vmem>> -> memref<1x2x8192xf32, #tpu.memory_space<vmem>>
      %dma_start3A_583 = tpu.memref_squeeze %dma_start3A_582 : memref<1x2x8192xf32, #tpu.memory_space<vmem>> -> memref<2x8192xf32, #tpu.memory_space<vmem>>
      tpu.enqueue_dma source(%dma_start3A_583 : memref<2x8192xf32, #tpu.memory_space<vmem>>) target(%dma_start3A_579 : memref<2x8192xf32, #tpu.memory_space<hbm>>) target_semaphore(%arg20 : memref<!tpu.dma_semaphore, #tpu.memory_space<semaphore_mem>>)
      %broadcast_in_dim3A_584 = arith.constant 0.000000e+00 : f32
      %broadcast_in_dim3A_585 = vector.broadcast %broadcast_in_dim3A_584 : f32 to vector<16xf32>
      %broadcast_in_dim3A_586 = arith.constant 0.000000e+00 : f32
      %broadcast_in_dim3A_587 = vector.broadcast %broadcast_in_dim3A_586 : f32 to vector<16xf32>
      %broadcast_in_dim3A_588 = arith.constant 0.000000e+00 : f32
      %broadcast_in_dim3A_589 = vector.broadcast %broadcast_in_dim3A_588 : f32 to vector<16xf32>
      %broadcast_in_dim3A_590 = arith.constant 0.000000e+00 : f32
      %broadcast_in_dim3A_591 = vector.broadcast %broadcast_in_dim3A_590 : f32 to vector<16xf32>
      %broadcast_in_dim3A_592 = arith.constant 0.000000e+00 : f32
      %broadcast_in_dim3A_593 = vector.broadcast %broadcast_in_dim3A_592 : f32 to vector<16xf32>
      %broadcast_in_dim3A_594 = arith.constant 0.000000e+00 : f32
      %broadcast_in_dim3A_595 = vector.broadcast %broadcast_in_dim3A_594 : f32 to vector<16xf32>
      %broadcast_in_dim3A_596 = arith.constant 0.000000e+00 : f32
      %broadcast_in_dim3A_597 = vector.broadcast %broadcast_in_dim3A_596 : f32 to vector<16xf32>
      %broadcast_in_dim3A_598 = arith.constant 0.000000e+00 : f32
      %broadcast_in_dim3A_599 = vector.broadcast %broadcast_in_dim3A_598 : f32 to vector<16xf32>
      %scan3A_600 = arith.constant 0 : i32
      %scan3A_601 = arith.constant 64 : i32
      %scan3A_602 = arith.addi %scan3A_600, %scan3A_601 : i32
      %scan3A_603 = arith.constant 1 : i32
      %scan3A_604:8 = scf.for %scan3A_1344 = %scan3A_600 to %scan3A_602 step %scan3A_603 iter_args(%scan3A_1345 = %broadcast_in_dim3A_585, %scan3A_1346 = %broadcast_in_dim3A_587, %scan3A_1347 = %broadcast_in_dim3A_589, %scan3A_1348 = %broadcast_in_dim3A_591, %scan3A_1349 = %broadcast_in_dim3A_593, %scan3A_1350 = %broadcast_in_dim3A_595, %scan3A_1351 = %broadcast_in_dim3A_597, %scan3A_1352 = %broadcast_in_dim3A_599) -> (vector<16xf32>, vector<16xf32>, vector<16xf32>, vector<16xf32>, vector<16xf32>, vector<16xf32>, vector<16xf32>, vector<16xf32>)  : i32 {
        %mul3A_1353 = arith.constant 128 : i32
        %mul3A_1354 = arith.muli %scan3A_1344, %mul3A_1353 : i32
        %add3A_1355 = arith.constant 0 : i32
        %add3A_1356 = arith.addi %mul3A_1354, %add3A_1355 : i32
        %multiple_of3A_1357 = tpu.assume_multiple %add3A_1356, 16 : i32
        %get3A_1358 = arith.constant 3 : i32
        %get3A_1359 = arith.constant 0 : i32
        %get3A_1360 = arith.index_cast %get3A_1358 : i32 to index
        %get3A_1361 = arith.index_cast %get3A_1359 : i32 to index
        %get3A_1362 = arith.index_cast %multiple_of3A_1357 : i32 to index
        %get3A_1363 = tpu.vector_load %arg10[%get3A_1360, %get3A_1361, %get3A_1362] {strides = array<i32>} : memref<4x2x8192xf32, #tpu.memory_space<vmem>>, vector<1x1x16xf32>,
        %get3A_1364 = vector.shape_cast %get3A_1363 : vector<1x1x16xf32> to vector<16xf32>
        %exp3A = math.exp %get3A_1364 : vector<16xf32>
        %add3A_1365 = arith.addf %scan3A_1345, %exp3A : vector<16xf32>
        %add3A_1366 = arith.constant 16 : i32
        %add3A_1367 = arith.addi %mul3A_1354, %add3A_1366 : i32
        %multiple_of3A_1368 = tpu.assume_multiple %add3A_1367, 16 : i32
        %get3A_1369 = arith.constant 3 : i32
        %get3A_1370 = arith.constant 0 : i32
        %get3A_1371 = arith.index_cast %get3A_1369 : i32 to index
        %get3A_1372 = arith.index_cast %get3A_1370 : i32 to index
        %get3A_1373 = arith.index_cast %multiple_of3A_1368 : i32 to index
        %get3A_1374 = tpu.vector_load %arg10[%get3A_1371, %get3A_1372, %get3A_1373] {strides = array<i32>} : memref<4x2x8192xf32, #tpu.memory_space<vmem>>, vector<1x1x16xf32>,
        %get3A_1375 = vector.shape_cast %get3A_1374 : vector<1x1x16xf32> to vector<16xf32>
        %exp3A_1376 = math.exp %get3A_1375 : vector<16xf32>
        %add3A_1377 = arith.addf %scan3A_1346, %exp3A_1376 : vector<16xf32>
        %add3A_1378 = arith.constant 32 : i32
        %add3A_1379 = arith.addi %mul3A_1354, %add3A_1378 : i32
        %multiple_of3A_1380 = tpu.assume_multiple %add3A_1379, 16 : i32
        %get3A_1381 = arith.constant 3 : i32
        %get3A_1382 = arith.constant 0 : i32
        %get3A_1383 = arith.index_cast %get3A_1381 : i32 to index
        %get3A_1384 = arith.index_cast %get3A_1382 : i32 to index
        %get3A_1385 = arith.index_cast %multiple_of3A_1380 : i32 to index
        %get3A_1386 = tpu.vector_load %arg10[%get3A_1383, %get3A_1384, %get3A_1385] {strides = array<i32>} : memref<4x2x8192xf32, #tpu.memory_space<vmem>>, vector<1x1x16xf32>,
        %get3A_1387 = vector.shape_cast %get3A_1386 : vector<1x1x16xf32> to vector<16xf32>
        %exp3A_1388 = math.exp %get3A_1387 : vector<16xf32>
        %add3A_1389 = arith.addf %scan3A_1347, %exp3A_1388 : vector<16xf32>
        %add3A_1390 = arith.constant 48 : i32
        %add3A_1391 = arith.addi %mul3A_1354, %add3A_1390 : i32
        %multiple_of3A_1392 = tpu.assume_multiple %add3A_1391, 16 : i32
        %get3A_1393 = arith.constant 3 : i32
        %get3A_1394 = arith.constant 0 : i32
        %get3A_1395 = arith.index_cast %get3A_1393 : i32 to index
        %get3A_1396 = arith.index_cast %get3A_1394 : i32 to index
        %get3A_1397 = arith.index_cast %multiple_of3A_1392 : i32 to index
        %get3A_1398 = tpu.vector_load %arg10[%get3A_1395, %get3A_1396, %get3A_1397] {strides = array<i32>} : memref<4x2x8192xf32, #tpu.memory_space<vmem>>, vector<1x1x16xf32>,
        %get3A_1399 = vector.shape_cast %get3A_1398 : vector<1x1x16xf32> to vector<16xf32>
        %exp3A_1400 = math.exp %get3A_1399 : vector<16xf32>
        %add3A_1401 = arith.addf %scan3A_1348, %exp3A_1400 : vector<16xf32>
        %add3A_1402 = arith.constant 64 : i32
        %add3A_1403 = arith.addi %mul3A_1354, %add3A_1402 : i32
        %multiple_of3A_1404 = tpu.assume_multiple %add3A_1403, 16 : i32
        %get3A_1405 = arith.constant 3 : i32
        %get3A_1406 = arith.constant 0 : i32
        %get3A_1407 = arith.index_cast %get3A_1405 : i32 to index
        %get3A_1408 = arith.index_cast %get3A_1406 : i32 to index
        %get3A_1409 = arith.index_cast %multiple_of3A_1404 : i32 to index
        %get3A_1410 = tpu.vector_load %arg10[%get3A_1407, %get3A_1408, %get3A_1409] {strides = array<i32>} : memref<4x2x8192xf32, #tpu.memory_space<vmem>>, vector<1x1x16xf32>,
        %get3A_1411 = vector.shape_cast %get3A_1410 : vector<1x1x16xf32> to vector<16xf32>
        %exp3A_1412 = math.exp %get3A_1411 : vector<16xf32>
        %add3A_1413 = arith.addf %scan3A_1349, %exp3A_1412 : vector<16xf32>
        %add3A_1414 = arith.constant 80 : i32
        %add3A_1415 = arith.addi %mul3A_1354, %add3A_1414 : i32
        %multiple_of3A_1416 = tpu.assume_multiple %add3A_1415, 16 : i32
        %get3A_1417 = arith.constant 3 : i32
        %get3A_1418 = arith.constant 0 : i32
        %get3A_1419 = arith.index_cast %get3A_1417 : i32 to index
        %get3A_1420 = arith.index_cast %get3A_1418 : i32 to index
        %get3A_1421 = arith.index_cast %multiple_of3A_1416 : i32 to index
        %get3A_1422 = tpu.vector_load %arg10[%get3A_1419, %get3A_1420, %get3A_1421] {strides = array<i32>} : memref<4x2x8192xf32, #tpu.memory_space<vmem>>, vector<1x1x16xf32>,
        %get3A_1423 = vector.shape_cast %get3A_1422 : vector<1x1x16xf32> to vector<16xf32>
        %exp3A_1424 = math.exp %get3A_1423 : vector<16xf32>
        %add3A_1425 = arith.addf %scan3A_1350, %exp3A_1424 : vector<16xf32>
        %add3A_1426 = arith.constant 96 : i32
        %add3A_1427 = arith.addi %mul3A_1354, %add3A_1426 : i32
        %multiple_of3A_1428 = tpu.assume_multiple %add3A_1427, 16 : i32
        %get3A_1429 = arith.constant 3 : i32
        %get3A_1430 = arith.constant 0 : i32
        %get3A_1431 = arith.index_cast %get3A_1429 : i32 to index
        %get3A_1432 = arith.index_cast %get3A_1430 : i32 to index
        %get3A_1433 = arith.index_cast %multiple_of3A_1428 : i32 to index
        %get3A_1434 = tpu.vector_load %arg10[%get3A_1431, %get3A_1432, %get3A_1433] {strides = array<i32>} : memref<4x2x8192xf32, #tpu.memory_space<vmem>>, vector<1x1x16xf32>,
        %get3A_1435 = vector.shape_cast %get3A_1434 : vector<1x1x16xf32> to vector<16xf32>
        %exp3A_1436 = math.exp %get3A_1435 : vector<16xf32>
        %add3A_1437 = arith.addf %scan3A_1351, %exp3A_1436 : vector<16xf32>
        %add3A_1438 = arith.constant 112 : i32
        %add3A_1439 = arith.addi %mul3A_1354, %add3A_1438 : i32
        %multiple_of3A_1440 = tpu.assume_multiple %add3A_1439, 16 : i32
        %get3A_1441 = arith.constant 3 : i32
        %get3A_1442 = arith.constant 0 : i32
        %get3A_1443 = arith.index_cast %get3A_1441 : i32 to index
        %get3A_1444 = arith.index_cast %get3A_1442 : i32 to index
        %get3A_1445 = arith.index_cast %multiple_of3A_1440 : i32 to index
        %get3A_1446 = tpu.vector_load %arg10[%get3A_1443, %get3A_1444, %get3A_1445] {strides = array<i32>} : memref<4x2x8192xf32, #tpu.memory_space<vmem>>, vector<1x1x16xf32>,
        %get3A_1447 = vector.shape_cast %get3A_1446 : vector<1x1x16xf32> to vector<16xf32>
        %exp3A_1448 = math.exp %get3A_1447 : vector<16xf32>
        %add3A_1449 = arith.addf %scan3A_1352, %exp3A_1448 : vector<16xf32>
        scf.yield %add3A_1365, %add3A_1377, %add3A_1389, %add3A_1401, %add3A_1413, %add3A_1425, %add3A_1437, %add3A_1449 : vector<16xf32>, vector<16xf32>, vector<16xf32>, vector<16xf32>, vector<16xf32>, vector<16xf32>, vector<16xf32>, vector<16xf32>
      }
      %scan3A_605 = arith.constant 64 : i32
      %add3A_606 = arith.addf %scan3A_604#0, %scan3A_604#1 : vector<16xf32>
      %add3A_607 = arith.addf %add3A_606, %scan3A_604#2 : vector<16xf32>
      %add3A_608 = arith.addf %add3A_607, %scan3A_604#3 : vector<16xf32>
      %add3A_609 = arith.addf %add3A_608, %scan3A_604#4 : vector<16xf32>
      %add3A_610 = arith.addf %add3A_609, %scan3A_604#5 : vector<16xf32>
      %add3A_611 = arith.addf %add3A_610, %scan3A_604#6 : vector<16xf32>
      %add3A_612 = arith.addf %add3A_611, %scan3A_604#7 : vector<16xf32>
      %mul3A_613 = arith.constant 2 : i32
      %mul3A_614 = arith.muli %add3A_544, %mul3A_613 : i32
      %add3A_615 = arith.constant 0 : i32
      %add3A_616 = arith.addi %mul3A_614, %add3A_615 : i32
      %swap3A_617 = arith.index_cast %add3A_616 : i32 to index
      %swap3A_618 = arith.constant 0 : index
      %swap3A_619 = tpu.vector_load %arg11[%swap3A_617, %swap3A_618] {strides = array<i32>} : memref<256x16xf32, #tpu.memory_space<vmem>>, vector<1x16xf32>,
      %swap3A_620 = vector.shape_cast %swap3A_619 : vector<1x16xf32> to vector<16xf32>
      %swap3A_621 = vector.shape_cast %add3A_612 : vector<16xf32> to vector<1x16xf32>
      tpu.vector_store %arg11[%swap3A_617, %swap3A_618], %swap3A_621 {strides = array<i32>} : memref<256x16xf32, #tpu.memory_space<vmem>>, vector<1x16xf32>,
      %slice3A_622 = vector.extract_strided_slice %get3A_65 {offsets = [6], sizes = [1], strides = [1]} : vector<16xi32> to vector<1xi32>
      %squeeze3A_623 = vector.extract %slice3A_622[0] : i32 from vector<1xi32>
      %and3A_624 = arith.constant -16 : i32
      %and3A_625 = arith.andi %squeeze3A_623, %and3A_624 : i32
      %multiple_of3A_626 = tpu.assume_multiple %and3A_625, 16 : i32
      %get3A_627 = arith.constant 3 : i32
      %get3A_628 = arith.constant 0 : i32
      %get3A_629 = arith.index_cast %get3A_627 : i32 to index
      %get3A_630 = arith.index_cast %get3A_628 : i32 to index
      %get3A_631 = arith.index_cast %multiple_of3A_626 : i32 to index
      %get3A_632 = tpu.vector_load %arg10[%get3A_629, %get3A_630, %get3A_631] {strides = array<i32>} : memref<4x2x8192xf32, #tpu.memory_space<vmem>>, vector<1x1x16xf32>,
      %get3A_633 = vector.shape_cast %get3A_632 : vector<1x1x16xf32> to vector<16xf32>
      %and3A_634 = arith.constant 15 : i32
      %and3A_635 = arith.andi %squeeze3A_623, %and3A_634 : i32
      %eq3A_636 = vector.broadcast %and3A_635 : i32 to vector<16xi32>
      %eq3A_637 = arith.cmpi eq, %iota3A, %eq3A_636 : vector<16xi32>
      %jit3A_638 = arith.constant 0.000000e+00 : f32
      %broadcast_in_dim3A_639 = vector.broadcast %jit3A_638 : f32 to vector<16xf32>
      %select_n3A_640 = arith.select %eq3A_637, %get3A_633, %broadcast_in_dim3A_639 : vector<16xi1>, vector<16xf32>
      %add3A_641 = arith.addf %add3A_538, %select_n3A_640 : vector<16xf32>
      %broadcast_in_dim3A_642 = arith.constant 0.000000e+00 : f32
      %broadcast_in_dim3A_643 = vector.broadcast %broadcast_in_dim3A_642 : f32 to vector<16xf32>
      %broadcast_in_dim3A_644 = arith.constant 0.000000e+00 : f32
      %broadcast_in_dim3A_645 = vector.broadcast %broadcast_in_dim3A_644 : f32 to vector<16xf32>
      %broadcast_in_dim3A_646 = arith.constant 0.000000e+00 : f32
      %broadcast_in_dim3A_647 = vector.broadcast %broadcast_in_dim3A_646 : f32 to vector<16xf32>
      %broadcast_in_dim3A_648 = arith.constant 0.000000e+00 : f32
      %broadcast_in_dim3A_649 = vector.broadcast %broadcast_in_dim3A_648 : f32 to vector<16xf32>
      %broadcast_in_dim3A_650 = arith.constant 0.000000e+00 : f32
      %broadcast_in_dim3A_651 = vector.broadcast %broadcast_in_dim3A_650 : f32 to vector<16xf32>
      %broadcast_in_dim3A_652 = arith.constant 0.000000e+00 : f32
      %broadcast_in_dim3A_653 = vector.broadcast %broadcast_in_dim3A_652 : f32 to vector<16xf32>
      %broadcast_in_dim3A_654 = arith.constant 0.000000e+00 : f32
      %broadcast_in_dim3A_655 = vector.broadcast %broadcast_in_dim3A_654 : f32 to vector<16xf32>
      %broadcast_in_dim3A_656 = arith.constant 0.000000e+00 : f32
      %broadcast_in_dim3A_657 = vector.broadcast %broadcast_in_dim3A_656 : f32 to vector<16xf32>
      %scan3A_658 = arith.constant 0 : i32
      %scan3A_659 = arith.constant 64 : i32
      %scan3A_660 = arith.addi %scan3A_658, %scan3A_659 : i32
      %scan3A_661 = arith.constant 1 : i32
      %scan3A_662:8 = scf.for %scan3A_1344 = %scan3A_658 to %scan3A_660 step %scan3A_661 iter_args(%scan3A_1345 = %broadcast_in_dim3A_643, %scan3A_1346 = %broadcast_in_dim3A_645, %scan3A_1347 = %broadcast_in_dim3A_647, %scan3A_1348 = %broadcast_in_dim3A_649, %scan3A_1349 = %broadcast_in_dim3A_651, %scan3A_1350 = %broadcast_in_dim3A_653, %scan3A_1351 = %broadcast_in_dim3A_655, %scan3A_1352 = %broadcast_in_dim3A_657) -> (vector<16xf32>, vector<16xf32>, vector<16xf32>, vector<16xf32>, vector<16xf32>, vector<16xf32>, vector<16xf32>, vector<16xf32>)  : i32 {
        %mul3A_1353 = arith.constant 128 : i32
        %mul3A_1354 = arith.muli %scan3A_1344, %mul3A_1353 : i32
        %add3A_1355 = arith.constant 0 : i32
        %add3A_1356 = arith.addi %mul3A_1354, %add3A_1355 : i32
        %multiple_of3A_1357 = tpu.assume_multiple %add3A_1356, 16 : i32
        %get3A_1358 = arith.constant 3 : i32
        %get3A_1359 = arith.constant 1 : i32
        %get3A_1360 = arith.index_cast %get3A_1358 : i32 to index
        %get3A_1361 = arith.index_cast %get3A_1359 : i32 to index
        %get3A_1362 = arith.index_cast %multiple_of3A_1357 : i32 to index
        %get3A_1363 = tpu.vector_load %arg10[%get3A_1360, %get3A_1361, %get3A_1362] {strides = array<i32>} : memref<4x2x8192xf32, #tpu.memory_space<vmem>>, vector<1x1x16xf32>,
        %get3A_1364 = vector.shape_cast %get3A_1363 : vector<1x1x16xf32> to vector<16xf32>
        %exp3A = math.exp %get3A_1364 : vector<16xf32>
        %add3A_1365 = arith.addf %scan3A_1345, %exp3A : vector<16xf32>
        %add3A_1366 = arith.constant 16 : i32
        %add3A_1367 = arith.addi %mul3A_1354, %add3A_1366 : i32
        %multiple_of3A_1368 = tpu.assume_multiple %add3A_1367, 16 : i32
        %get3A_1369 = arith.constant 3 : i32
        %get3A_1370 = arith.constant 1 : i32
        %get3A_1371 = arith.index_cast %get3A_1369 : i32 to index
        %get3A_1372 = arith.index_cast %get3A_1370 : i32 to index
        %get3A_1373 = arith.index_cast %multiple_of3A_1368 : i32 to index
        %get3A_1374 = tpu.vector_load %arg10[%get3A_1371, %get3A_1372, %get3A_1373] {strides = array<i32>} : memref<4x2x8192xf32, #tpu.memory_space<vmem>>, vector<1x1x16xf32>,
        %get3A_1375 = vector.shape_cast %get3A_1374 : vector<1x1x16xf32> to vector<16xf32>
        %exp3A_1376 = math.exp %get3A_1375 : vector<16xf32>
        %add3A_1377 = arith.addf %scan3A_1346, %exp3A_1376 : vector<16xf32>
        %add3A_1378 = arith.constant 32 : i32
        %add3A_1379 = arith.addi %mul3A_1354, %add3A_1378 : i32
        %multiple_of3A_1380 = tpu.assume_multiple %add3A_1379, 16 : i32
        %get3A_1381 = arith.constant 3 : i32
        %get3A_1382 = arith.constant 1 : i32
        %get3A_1383 = arith.index_cast %get3A_1381 : i32 to index
        %get3A_1384 = arith.index_cast %get3A_1382 : i32 to index
        %get3A_1385 = arith.index_cast %multiple_of3A_1380 : i32 to index
        %get3A_1386 = tpu.vector_load %arg10[%get3A_1383, %get3A_1384, %get3A_1385] {strides = array<i32>} : memref<4x2x8192xf32, #tpu.memory_space<vmem>>, vector<1x1x16xf32>,
        %get3A_1387 = vector.shape_cast %get3A_1386 : vector<1x1x16xf32> to vector<16xf32>
        %exp3A_1388 = math.exp %get3A_1387 : vector<16xf32>
        %add3A_1389 = arith.addf %scan3A_1347, %exp3A_1388 : vector<16xf32>
        %add3A_1390 = arith.constant 48 : i32
        %add3A_1391 = arith.addi %mul3A_1354, %add3A_1390 : i32
        %multiple_of3A_1392 = tpu.assume_multiple %add3A_1391, 16 : i32
        %get3A_1393 = arith.constant 3 : i32
        %get3A_1394 = arith.constant 1 : i32
        %get3A_1395 = arith.index_cast %get3A_1393 : i32 to index
        %get3A_1396 = arith.index_cast %get3A_1394 : i32 to index
        %get3A_1397 = arith.index_cast %multiple_of3A_1392 : i32 to index
        %get3A_1398 = tpu.vector_load %arg10[%get3A_1395, %get3A_1396, %get3A_1397] {strides = array<i32>} : memref<4x2x8192xf32, #tpu.memory_space<vmem>>, vector<1x1x16xf32>,
        %get3A_1399 = vector.shape_cast %get3A_1398 : vector<1x1x16xf32> to vector<16xf32>
        %exp3A_1400 = math.exp %get3A_1399 : vector<16xf32>
        %add3A_1401 = arith.addf %scan3A_1348, %exp3A_1400 : vector<16xf32>
        %add3A_1402 = arith.constant 64 : i32
        %add3A_1403 = arith.addi %mul3A_1354, %add3A_1402 : i32
        %multiple_of3A_1404 = tpu.assume_multiple %add3A_1403, 16 : i32
        %get3A_1405 = arith.constant 3 : i32
        %get3A_1406 = arith.constant 1 : i32
        %get3A_1407 = arith.index_cast %get3A_1405 : i32 to index
        %get3A_1408 = arith.index_cast %get3A_1406 : i32 to index
        %get3A_1409 = arith.index_cast %multiple_of3A_1404 : i32 to index
        %get3A_1410 = tpu.vector_load %arg10[%get3A_1407, %get3A_1408, %get3A_1409] {strides = array<i32>} : memref<4x2x8192xf32, #tpu.memory_space<vmem>>, vector<1x1x16xf32>,
        %get3A_1411 = vector.shape_cast %get3A_1410 : vector<1x1x16xf32> to vector<16xf32>
        %exp3A_1412 = math.exp %get3A_1411 : vector<16xf32>
        %add3A_1413 = arith.addf %scan3A_1349, %exp3A_1412 : vector<16xf32>
        %add3A_1414 = arith.constant 80 : i32
        %add3A_1415 = arith.addi %mul3A_1354, %add3A_1414 : i32
        %multiple_of3A_1416 = tpu.assume_multiple %add3A_1415, 16 : i32
        %get3A_1417 = arith.constant 3 : i32
        %get3A_1418 = arith.constant 1 : i32
        %get3A_1419 = arith.index_cast %get3A_1417 : i32 to index
        %get3A_1420 = arith.index_cast %get3A_1418 : i32 to index
        %get3A_1421 = arith.index_cast %multiple_of3A_1416 : i32 to index
        %get3A_1422 = tpu.vector_load %arg10[%get3A_1419, %get3A_1420, %get3A_1421] {strides = array<i32>} : memref<4x2x8192xf32, #tpu.memory_space<vmem>>, vector<1x1x16xf32>,
        %get3A_1423 = vector.shape_cast %get3A_1422 : vector<1x1x16xf32> to vector<16xf32>
        %exp3A_1424 = math.exp %get3A_1423 : vector<16xf32>
        %add3A_1425 = arith.addf %scan3A_1350, %exp3A_1424 : vector<16xf32>
        %add3A_1426 = arith.constant 96 : i32
        %add3A_1427 = arith.addi %mul3A_1354, %add3A_1426 : i32
        %multiple_of3A_1428 = tpu.assume_multiple %add3A_1427, 16 : i32
        %get3A_1429 = arith.constant 3 : i32
        %get3A_1430 = arith.constant 1 : i32
        %get3A_1431 = arith.index_cast %get3A_1429 : i32 to index
        %get3A_1432 = arith.index_cast %get3A_1430 : i32 to index
        %get3A_1433 = arith.index_cast %multiple_of3A_1428 : i32 to index
        %get3A_1434 = tpu.vector_load %arg10[%get3A_1431, %get3A_1432, %get3A_1433] {strides = array<i32>} : memref<4x2x8192xf32, #tpu.memory_space<vmem>>, vector<1x1x16xf32>,
        %get3A_1435 = vector.shape_cast %get3A_1434 : vector<1x1x16xf32> to vector<16xf32>
        %exp3A_1436 = math.exp %get3A_1435 : vector<16xf32>
        %add3A_1437 = arith.addf %scan3A_1351, %exp3A_1436 : vector<16xf32>
        %add3A_1438 = arith.constant 112 : i32
        %add3A_1439 = arith.addi %mul3A_1354, %add3A_1438 : i32
        %multiple_of3A_1440 = tpu.assume_multiple %add3A_1439, 16 : i32
        %get3A_1441 = arith.constant 3 : i32
        %get3A_1442 = arith.constant 1 : i32
        %get3A_1443 = arith.index_cast %get3A_1441 : i32 to index
        %get3A_1444 = arith.index_cast %get3A_1442 : i32 to index
        %get3A_1445 = arith.index_cast %multiple_of3A_1440 : i32 to index
        %get3A_1446 = tpu.vector_load %arg10[%get3A_1443, %get3A_1444, %get3A_1445] {strides = array<i32>} : memref<4x2x8192xf32, #tpu.memory_space<vmem>>, vector<1x1x16xf32>,
        %get3A_1447 = vector.shape_cast %get3A_1446 : vector<1x1x16xf32> to vector<16xf32>
        %exp3A_1448 = math.exp %get3A_1447 : vector<16xf32>
        %add3A_1449 = arith.addf %scan3A_1352, %exp3A_1448 : vector<16xf32>
        scf.yield %add3A_1365, %add3A_1377, %add3A_1389, %add3A_1401, %add3A_1413, %add3A_1425, %add3A_1437, %add3A_1449 : vector<16xf32>, vector<16xf32>, vector<16xf32>, vector<16xf32>, vector<16xf32>, vector<16xf32>, vector<16xf32>, vector<16xf32>
      }
      %scan3A_663 = arith.constant 64 : i32
      %add3A_664 = arith.addf %scan3A_662#0, %scan3A_662#1 : vector<16xf32>
      %add3A_665 = arith.addf %add3A_664, %scan3A_662#2 : vector<16xf32>
      %add3A_666 = arith.addf %add3A_665, %scan3A_662#3 : vector<16xf32>
      %add3A_667 = arith.addf %add3A_666, %scan3A_662#4 : vector<16xf32>
      %add3A_668 = arith.addf %add3A_667, %scan3A_662#5 : vector<16xf32>
      %add3A_669 = arith.addf %add3A_668, %scan3A_662#6 : vector<16xf32>
      %add3A_670 = arith.addf %add3A_669, %scan3A_662#7 : vector<16xf32>
      %mul3A_671 = arith.constant 2 : i32
      %mul3A_672 = arith.muli %add3A_544, %mul3A_671 : i32
      %add3A_673 = arith.constant 1 : i32
      %add3A_674 = arith.addi %mul3A_672, %add3A_673 : i32
      %swap3A_675 = arith.index_cast %add3A_674 : i32 to index
      %swap3A_676 = arith.constant 0 : index
      %swap3A_677 = tpu.vector_load %arg11[%swap3A_675, %swap3A_676] {strides = array<i32>} : memref<256x16xf32, #tpu.memory_space<vmem>>, vector<1x16xf32>,
      %swap3A_678 = vector.shape_cast %swap3A_677 : vector<1x16xf32> to vector<16xf32>
      %swap3A_679 = vector.shape_cast %add3A_670 : vector<16xf32> to vector<1x16xf32>
      tpu.vector_store %arg11[%swap3A_675, %swap3A_676], %swap3A_679 {strides = array<i32>} : memref<256x16xf32, #tpu.memory_space<vmem>>, vector<1x16xf32>,
      %slice3A_680 = vector.extract_strided_slice %get3A_65 {offsets = [7], sizes = [1], strides = [1]} : vector<16xi32> to vector<1xi32>
      %squeeze3A_681 = vector.extract %slice3A_680[0] : i32 from vector<1xi32>
      %and3A_682 = arith.constant -16 : i32
      %and3A_683 = arith.andi %squeeze3A_681, %and3A_682 : i32
      %multiple_of3A_684 = tpu.assume_multiple %and3A_683, 16 : i32
      %get3A_685 = arith.constant 3 : i32
      %get3A_686 = arith.constant 1 : i32
      %get3A_687 = arith.index_cast %get3A_685 : i32 to index
      %get3A_688 = arith.index_cast %get3A_686 : i32 to index
      %get3A_689 = arith.index_cast %multiple_of3A_684 : i32 to index
      %get3A_690 = tpu.vector_load %arg10[%get3A_687, %get3A_688, %get3A_689] {strides = array<i32>} : memref<4x2x8192xf32, #tpu.memory_space<vmem>>, vector<1x1x16xf32>,
      %get3A_691 = vector.shape_cast %get3A_690 : vector<1x1x16xf32> to vector<16xf32>
      %and3A_692 = arith.constant 15 : i32
      %and3A_693 = arith.andi %squeeze3A_681, %and3A_692 : i32
      %eq3A_694 = vector.broadcast %and3A_693 : i32 to vector<16xi32>
      %eq3A_695 = arith.cmpi eq, %iota3A, %eq3A_694 : vector<16xi32>
      %jit3A_696 = arith.constant 0.000000e+00 : f32
      %broadcast_in_dim3A_697 = vector.broadcast %jit3A_696 : f32 to vector<16xf32>
      %select_n3A_698 = arith.select %eq3A_695, %get3A_691, %broadcast_in_dim3A_697 : vector<16xi1>, vector<16xf32>
      %add3A_699 = arith.addf %add3A_641, %select_n3A_698 : vector<16xf32>
      %mul3A_700 = arith.constant 2 : i32
      %mul3A_701 = arith.muli %scan3A_60, %mul3A_700 : i32
      %mul3A_702 = arith.constant 4 : i32
      %mul3A_703 = arith.muli %mul3A_701, %mul3A_702 : i32
      %add3A_704 = arith.constant 4 : i32
      %add3A_705 = arith.addi %mul3A_703, %add3A_704 : i32
      %ge3A_706 = arith.constant 2 : i32
      %ge3A_707 = arith.cmpi sge, %add3A_705, %ge3A_706 : i32
      %convert_element_type3A_708 = arith.extui %ge3A_707 : i1 to i32
      %cond3A_709 = arith.constant 0 : i32
      %cond3A_710 = arith.cmpi ne, %convert_element_type3A_708, %cond3A_709 : i32
      scf.if %cond3A_710 {
        %dma_wait3A_1344 = arith.constant 2 : i32
        %dma_wait3A_1345 = arith.constant 0 : i32
        %dma_wait3A_1346 = arith.constant 0 : i32
        %dma_wait3A_1347 = tpu.memref_slice %arg10[%dma_wait3A_1344, %dma_wait3A_1345, %dma_wait3A_1346] : memref<4x2x8192xf32, #tpu.memory_space<vmem>> -> memref<1x2x8192xf32, #tpu.memory_space<vmem>>
        %dma_wait3A_1348 = tpu.memref_squeeze %dma_wait3A_1347 : memref<1x2x8192xf32, #tpu.memory_space<vmem>> -> memref<2x8192xf32, #tpu.memory_space<vmem>>
        %dma_wait3A_1349 = arith.constant 0 : i32
        %dma_wait3A_1350 = tpu.memref_slice %arg5[%mul3A_2, %dma_wait3A_1349] : memref<8192x8192xf32, #tpu.memory_space<hbm>> -> memref<2x8192xf32, #tpu.memory_space<hbm>>
        %dma_wait3A_1351 = arith.constant 0 : i32
        %dma_wait3A_1352 = tpu.memref_slice %arg5[%mul3A_2, %dma_wait3A_1351] : memref<8192x8192xf32, #tpu.memory_space<hbm>> -> memref<2x8192xf32, #tpu.memory_space<hbm>>
        %dma_wait3A_1353 = arith.constant 0 : i32
        %dma_wait3A_1354 = arith.constant 0 : i32
        %dma_wait3A_1355 = tpu.memref_slice %arg10[%dma_wait3A_1344, %dma_wait3A_1353, %dma_wait3A_1354] : memref<4x2x8192xf32, #tpu.memory_space<vmem>> -> memref<1x2x8192xf32, #tpu.memory_space<vmem>>
        %dma_wait3A_1356 = tpu.memref_squeeze %dma_wait3A_1355 : memref<1x2x8192xf32, #tpu.memory_space<vmem>> -> memref<2x8192xf32, #tpu.memory_space<vmem>>
        tpu.wait_dma2 semaphore(%arg19 : memref<!tpu.dma_semaphore, #tpu.memory_space<semaphore_mem>>) src(%dma_wait3A_1356 : memref<2x8192xf32, #tpu.memory_space<vmem>>) dst(%dma_wait3A_1352 : memref<2x8192xf32, #tpu.memory_space<hbm>>)
      } else {
      }
      %add3A_711 = arith.constant 2 : i32
      %add3A_712 = arith.addi %add3A_705, %add3A_711 : i32
      %lt3A_713 = arith.constant 128 : i32
      %lt3A_714 = arith.cmpi slt, %add3A_712, %lt3A_713 : i32
      %convert_element_type3A_715 = arith.extui %lt3A_714 : i1 to i32
      %cond3A_716 = arith.constant 0 : i32
      %cond3A_717 = arith.cmpi ne, %convert_element_type3A_715, %cond3A_716 : i32
      scf.if %cond3A_717 {
        %add3A_1344 = arith.constant 2 : i32
        %add3A_1345 = arith.addi %add3A_705, %add3A_1344 : i32
        %dma_start3A_1346 = arith.constant 2 : i32
        %dma_start3A_1347 = arith.constant 0 : i32
        %dma_start3A_1348 = arith.constant 0 : i32
        %dma_start3A_1349 = tpu.memref_slice %arg10[%dma_start3A_1346, %dma_start3A_1347, %dma_start3A_1348] : memref<4x2x8192xf32, #tpu.memory_space<vmem>> -> memref<1x2x8192xf32, #tpu.memory_space<vmem>>
        %dma_start3A_1350 = tpu.memref_squeeze %dma_start3A_1349 : memref<1x2x8192xf32, #tpu.memory_space<vmem>> -> memref<2x8192xf32, #tpu.memory_space<vmem>>
        %dma_start3A_1351 = arith.constant 0 : i32
        %dma_start3A_1352 = tpu.memref_slice %arg8[%add3A_1345, %dma_start3A_1351] : memref<128x2xi32, #tpu.memory_space<vmem>> -> memref<1x2xi32, #tpu.memory_space<vmem>>
        %dma_start3A_1353 = tpu.memref_squeeze %dma_start3A_1352 : memref<1x2xi32, #tpu.memory_space<vmem>> -> memref<2xi32, #tpu.memory_space<vmem>>
        %dma_start3A_1354 = arith.constant 0 : i32
        %dma_start3A_1355 = arith.constant 0 : i32
        %dma_start3A_1356 = tpu.memref_slice %arg4[%dma_start3A_1354, %dma_start3A_1355] : memref<8192x8192xf32, #tpu.memory_space<hbm>> -> memref<8192x8192xf32, #tpu.memory_space<hbm>>
        tpu.enqueue_indirect_dma source(%dma_start3A_1356 : memref<8192x8192xf32, #tpu.memory_space<hbm>>) target(%dma_start3A_1350 : memref<2x8192xf32, #tpu.memory_space<vmem>>) offsets(%dma_start3A_1353 : memref<2xi32, #tpu.memory_space<vmem>>) semaphore(%arg15 : memref<!tpu.dma_semaphore, #tpu.memory_space<semaphore_mem>>)
      } else {
      }
      %dma_wait3A_718 = arith.constant 0 : i32
      %dma_wait3A_719 = arith.constant 0 : i32
      %dma_wait3A_720 = arith.constant 0 : i32
      %dma_wait3A_721 = tpu.memref_slice %arg10[%dma_wait3A_718, %dma_wait3A_719, %dma_wait3A_720] : memref<4x2x8192xf32, #tpu.memory_space<vmem>> -> memref<1x2x8192xf32, #tpu.memory_space<vmem>>
      %dma_wait3A_722 = tpu.memref_squeeze %dma_wait3A_721 : memref<1x2x8192xf32, #tpu.memory_space<vmem>> -> memref<2x8192xf32, #tpu.memory_space<vmem>>
      %dma_wait3A_723 = arith.constant 0 : i32
      %dma_wait3A_724 = tpu.memref_slice %arg8[%add3A_705, %dma_wait3A_723] : memref<128x2xi32, #tpu.memory_space<vmem>> -> memref<1x2xi32, #tpu.memory_space<vmem>>
      %dma_wait3A_725 = tpu.memref_squeeze %dma_wait3A_724 : memref<1x2xi32, #tpu.memory_space<vmem>> -> memref<2xi32, #tpu.memory_space<vmem>>
      %dma_wait3A_726 = arith.constant 0 : i32
      %dma_wait3A_727 = arith.constant 0 : i32
      %dma_wait3A_728 = tpu.memref_slice %arg4[%dma_wait3A_726, %dma_wait3A_727] : memref<8192x8192xf32, #tpu.memory_space<hbm>> -> memref<8192x8192xf32, #tpu.memory_space<hbm>>
      tpu.wait_indirect_dma semaphore(%arg13 : memref<!tpu.dma_semaphore, #tpu.memory_space<semaphore_mem>>) src(%dma_wait3A_728 : memref<8192x8192xf32, #tpu.memory_space<hbm>>) dst(%dma_wait3A_722 : memref<2x8192xf32, #tpu.memory_space<vmem>>)
      %mul3A_729 = arith.constant 2 : i32
      %mul3A_730 = arith.muli %add3A_705, %mul3A_729 : i32
      %add3A_731 = arith.addi %mul3A_2, %mul3A_730 : i32
      %dma_start3A_732 = arith.constant 0 : i32
      %dma_start3A_733 = arith.constant 0 : i32
      %dma_start3A_734 = arith.constant 0 : i32
      %dma_start3A_735 = tpu.memref_slice %arg10[%dma_start3A_732, %dma_start3A_733, %dma_start3A_734] : memref<4x2x8192xf32, #tpu.memory_space<vmem>> -> memref<1x2x8192xf32, #tpu.memory_space<vmem>>
      %dma_start3A_736 = tpu.memref_squeeze %dma_start3A_735 : memref<1x2x8192xf32, #tpu.memory_space<vmem>> -> memref<2x8192xf32, #tpu.memory_space<vmem>>
      %dma_start3A_737 = arith.constant 0 : i32
      %dma_start3A_738 = tpu.memref_slice %arg5[%add3A_731, %dma_start3A_737] : memref<8192x8192xf32, #tpu.memory_space<hbm>> -> memref<2x8192xf32, #tpu.memory_space<hbm>>
      %dma_start3A_739 = arith.constant 0 : i32
      %dma_start3A_740 = tpu.memref_slice %arg5[%add3A_731, %dma_start3A_739] : memref<8192x8192xf32, #tpu.memory_space<hbm>> -> memref<2x8192xf32, #tpu.memory_space<hbm>>
      %dma_start3A_741 = arith.constant 0 : i32
      %dma_start3A_742 = arith.constant 0 : i32
      %dma_start3A_743 = tpu.memref_slice %arg10[%dma_start3A_732, %dma_start3A_741, %dma_start3A_742] : memref<4x2x8192xf32, #tpu.memory_space<vmem>> -> memref<1x2x8192xf32, #tpu.memory_space<vmem>>
      %dma_start3A_744 = tpu.memref_squeeze %dma_start3A_743 : memref<1x2x8192xf32, #tpu.memory_space<vmem>> -> memref<2x8192xf32, #tpu.memory_space<vmem>>
      tpu.enqueue_dma source(%dma_start3A_744 : memref<2x8192xf32, #tpu.memory_space<vmem>>) target(%dma_start3A_740 : memref<2x8192xf32, #tpu.memory_space<hbm>>) target_semaphore(%arg17 : memref<!tpu.dma_semaphore, #tpu.memory_space<semaphore_mem>>)
      %broadcast_in_dim3A_745 = arith.constant 0.000000e+00 : f32
      %broadcast_in_dim3A_746 = vector.broadcast %broadcast_in_dim3A_745 : f32 to vector<16xf32>
      %broadcast_in_dim3A_747 = arith.constant 0.000000e+00 : f32
      %broadcast_in_dim3A_748 = vector.broadcast %broadcast_in_dim3A_747 : f32 to vector<16xf32>
      %broadcast_in_dim3A_749 = arith.constant 0.000000e+00 : f32
      %broadcast_in_dim3A_750 = vector.broadcast %broadcast_in_dim3A_749 : f32 to vector<16xf32>
      %broadcast_in_dim3A_751 = arith.constant 0.000000e+00 : f32
      %broadcast_in_dim3A_752 = vector.broadcast %broadcast_in_dim3A_751 : f32 to vector<16xf32>
      %broadcast_in_dim3A_753 = arith.constant 0.000000e+00 : f32
      %broadcast_in_dim3A_754 = vector.broadcast %broadcast_in_dim3A_753 : f32 to vector<16xf32>
      %broadcast_in_dim3A_755 = arith.constant 0.000000e+00 : f32
      %broadcast_in_dim3A_756 = vector.broadcast %broadcast_in_dim3A_755 : f32 to vector<16xf32>
      %broadcast_in_dim3A_757 = arith.constant 0.000000e+00 : f32
      %broadcast_in_dim3A_758 = vector.broadcast %broadcast_in_dim3A_757 : f32 to vector<16xf32>
      %broadcast_in_dim3A_759 = arith.constant 0.000000e+00 : f32
      %broadcast_in_dim3A_760 = vector.broadcast %broadcast_in_dim3A_759 : f32 to vector<16xf32>
      %scan3A_761 = arith.constant 0 : i32
      %scan3A_762 = arith.constant 64 : i32
      %scan3A_763 = arith.addi %scan3A_761, %scan3A_762 : i32
      %scan3A_764 = arith.constant 1 : i32
      %scan3A_765:8 = scf.for %scan3A_1344 = %scan3A_761 to %scan3A_763 step %scan3A_764 iter_args(%scan3A_1345 = %broadcast_in_dim3A_746, %scan3A_1346 = %broadcast_in_dim3A_748, %scan3A_1347 = %broadcast_in_dim3A_750, %scan3A_1348 = %broadcast_in_dim3A_752, %scan3A_1349 = %broadcast_in_dim3A_754, %scan3A_1350 = %broadcast_in_dim3A_756, %scan3A_1351 = %broadcast_in_dim3A_758, %scan3A_1352 = %broadcast_in_dim3A_760) -> (vector<16xf32>, vector<16xf32>, vector<16xf32>, vector<16xf32>, vector<16xf32>, vector<16xf32>, vector<16xf32>, vector<16xf32>)  : i32 {
        %mul3A_1353 = arith.constant 128 : i32
        %mul3A_1354 = arith.muli %scan3A_1344, %mul3A_1353 : i32
        %add3A_1355 = arith.constant 0 : i32
        %add3A_1356 = arith.addi %mul3A_1354, %add3A_1355 : i32
        %multiple_of3A_1357 = tpu.assume_multiple %add3A_1356, 16 : i32
        %get3A_1358 = arith.constant 0 : i32
        %get3A_1359 = arith.constant 0 : i32
        %get3A_1360 = arith.index_cast %get3A_1358 : i32 to index
        %get3A_1361 = arith.index_cast %get3A_1359 : i32 to index
        %get3A_1362 = arith.index_cast %multiple_of3A_1357 : i32 to index
        %get3A_1363 = tpu.vector_load %arg10[%get3A_1360, %get3A_1361, %get3A_1362] {strides = array<i32>} : memref<4x2x8192xf32, #tpu.memory_space<vmem>>, vector<1x1x16xf32>,
        %get3A_1364 = vector.shape_cast %get3A_1363 : vector<1x1x16xf32> to vector<16xf32>
        %exp3A = math.exp %get3A_1364 : vector<16xf32>
        %add3A_1365 = arith.addf %scan3A_1345, %exp3A : vector<16xf32>
        %add3A_1366 = arith.constant 16 : i32
        %add3A_1367 = arith.addi %mul3A_1354, %add3A_1366 : i32
        %multiple_of3A_1368 = tpu.assume_multiple %add3A_1367, 16 : i32
        %get3A_1369 = arith.constant 0 : i32
        %get3A_1370 = arith.constant 0 : i32
        %get3A_1371 = arith.index_cast %get3A_1369 : i32 to index
        %get3A_1372 = arith.index_cast %get3A_1370 : i32 to index
        %get3A_1373 = arith.index_cast %multiple_of3A_1368 : i32 to index
        %get3A_1374 = tpu.vector_load %arg10[%get3A_1371, %get3A_1372, %get3A_1373] {strides = array<i32>} : memref<4x2x8192xf32, #tpu.memory_space<vmem>>, vector<1x1x16xf32>,
        %get3A_1375 = vector.shape_cast %get3A_1374 : vector<1x1x16xf32> to vector<16xf32>
        %exp3A_1376 = math.exp %get3A_1375 : vector<16xf32>
        %add3A_1377 = arith.addf %scan3A_1346, %exp3A_1376 : vector<16xf32>
        %add3A_1378 = arith.constant 32 : i32
        %add3A_1379 = arith.addi %mul3A_1354, %add3A_1378 : i32
        %multiple_of3A_1380 = tpu.assume_multiple %add3A_1379, 16 : i32
        %get3A_1381 = arith.constant 0 : i32
        %get3A_1382 = arith.constant 0 : i32
        %get3A_1383 = arith.index_cast %get3A_1381 : i32 to index
        %get3A_1384 = arith.index_cast %get3A_1382 : i32 to index
        %get3A_1385 = arith.index_cast %multiple_of3A_1380 : i32 to index
        %get3A_1386 = tpu.vector_load %arg10[%get3A_1383, %get3A_1384, %get3A_1385] {strides = array<i32>} : memref<4x2x8192xf32, #tpu.memory_space<vmem>>, vector<1x1x16xf32>,
        %get3A_1387 = vector.shape_cast %get3A_1386 : vector<1x1x16xf32> to vector<16xf32>
        %exp3A_1388 = math.exp %get3A_1387 : vector<16xf32>
        %add3A_1389 = arith.addf %scan3A_1347, %exp3A_1388 : vector<16xf32>
        %add3A_1390 = arith.constant 48 : i32
        %add3A_1391 = arith.addi %mul3A_1354, %add3A_1390 : i32
        %multiple_of3A_1392 = tpu.assume_multiple %add3A_1391, 16 : i32
        %get3A_1393 = arith.constant 0 : i32
        %get3A_1394 = arith.constant 0 : i32
        %get3A_1395 = arith.index_cast %get3A_1393 : i32 to index
        %get3A_1396 = arith.index_cast %get3A_1394 : i32 to index
        %get3A_1397 = arith.index_cast %multiple_of3A_1392 : i32 to index
        %get3A_1398 = tpu.vector_load %arg10[%get3A_1395, %get3A_1396, %get3A_1397] {strides = array<i32>} : memref<4x2x8192xf32, #tpu.memory_space<vmem>>, vector<1x1x16xf32>,
        %get3A_1399 = vector.shape_cast %get3A_1398 : vector<1x1x16xf32> to vector<16xf32>
        %exp3A_1400 = math.exp %get3A_1399 : vector<16xf32>
        %add3A_1401 = arith.addf %scan3A_1348, %exp3A_1400 : vector<16xf32>
        %add3A_1402 = arith.constant 64 : i32
        %add3A_1403 = arith.addi %mul3A_1354, %add3A_1402 : i32
        %multiple_of3A_1404 = tpu.assume_multiple %add3A_1403, 16 : i32
        %get3A_1405 = arith.constant 0 : i32
        %get3A_1406 = arith.constant 0 : i32
        %get3A_1407 = arith.index_cast %get3A_1405 : i32 to index
        %get3A_1408 = arith.index_cast %get3A_1406 : i32 to index
        %get3A_1409 = arith.index_cast %multiple_of3A_1404 : i32 to index
        %get3A_1410 = tpu.vector_load %arg10[%get3A_1407, %get3A_1408, %get3A_1409] {strides = array<i32>} : memref<4x2x8192xf32, #tpu.memory_space<vmem>>, vector<1x1x16xf32>,
        %get3A_1411 = vector.shape_cast %get3A_1410 : vector<1x1x16xf32> to vector<16xf32>
        %exp3A_1412 = math.exp %get3A_1411 : vector<16xf32>
        %add3A_1413 = arith.addf %scan3A_1349, %exp3A_1412 : vector<16xf32>
        %add3A_1414 = arith.constant 80 : i32
        %add3A_1415 = arith.addi %mul3A_1354, %add3A_1414 : i32
        %multiple_of3A_1416 = tpu.assume_multiple %add3A_1415, 16 : i32
        %get3A_1417 = arith.constant 0 : i32
        %get3A_1418 = arith.constant 0 : i32
        %get3A_1419 = arith.index_cast %get3A_1417 : i32 to index
        %get3A_1420 = arith.index_cast %get3A_1418 : i32 to index
        %get3A_1421 = arith.index_cast %multiple_of3A_1416 : i32 to index
        %get3A_1422 = tpu.vector_load %arg10[%get3A_1419, %get3A_1420, %get3A_1421] {strides = array<i32>} : memref<4x2x8192xf32, #tpu.memory_space<vmem>>, vector<1x1x16xf32>,
        %get3A_1423 = vector.shape_cast %get3A_1422 : vector<1x1x16xf32> to vector<16xf32>
        %exp3A_1424 = math.exp %get3A_1423 : vector<16xf32>
        %add3A_1425 = arith.addf %scan3A_1350, %exp3A_1424 : vector<16xf32>
        %add3A_1426 = arith.constant 96 : i32
        %add3A_1427 = arith.addi %mul3A_1354, %add3A_1426 : i32
        %multiple_of3A_1428 = tpu.assume_multiple %add3A_1427, 16 : i32
        %get3A_1429 = arith.constant 0 : i32
        %get3A_1430 = arith.constant 0 : i32
        %get3A_1431 = arith.index_cast %get3A_1429 : i32 to index
        %get3A_1432 = arith.index_cast %get3A_1430 : i32 to index
        %get3A_1433 = arith.index_cast %multiple_of3A_1428 : i32 to index
        %get3A_1434 = tpu.vector_load %arg10[%get3A_1431, %get3A_1432, %get3A_1433] {strides = array<i32>} : memref<4x2x8192xf32, #tpu.memory_space<vmem>>, vector<1x1x16xf32>,
        %get3A_1435 = vector.shape_cast %get3A_1434 : vector<1x1x16xf32> to vector<16xf32>
        %exp3A_1436 = math.exp %get3A_1435 : vector<16xf32>
        %add3A_1437 = arith.addf %scan3A_1351, %exp3A_1436 : vector<16xf32>
        %add3A_1438 = arith.constant 112 : i32
        %add3A_1439 = arith.addi %mul3A_1354, %add3A_1438 : i32
        %multiple_of3A_1440 = tpu.assume_multiple %add3A_1439, 16 : i32
        %get3A_1441 = arith.constant 0 : i32
        %get3A_1442 = arith.constant 0 : i32
        %get3A_1443 = arith.index_cast %get3A_1441 : i32 to index
        %get3A_1444 = arith.index_cast %get3A_1442 : i32 to index
        %get3A_1445 = arith.index_cast %multiple_of3A_1440 : i32 to index
        %get3A_1446 = tpu.vector_load %arg10[%get3A_1443, %get3A_1444, %get3A_1445] {strides = array<i32>} : memref<4x2x8192xf32, #tpu.memory_space<vmem>>, vector<1x1x16xf32>,
        %get3A_1447 = vector.shape_cast %get3A_1446 : vector<1x1x16xf32> to vector<16xf32>
        %exp3A_1448 = math.exp %get3A_1447 : vector<16xf32>
        %add3A_1449 = arith.addf %scan3A_1352, %exp3A_1448 : vector<16xf32>
        scf.yield %add3A_1365, %add3A_1377, %add3A_1389, %add3A_1401, %add3A_1413, %add3A_1425, %add3A_1437, %add3A_1449 : vector<16xf32>, vector<16xf32>, vector<16xf32>, vector<16xf32>, vector<16xf32>, vector<16xf32>, vector<16xf32>, vector<16xf32>
      }
      %scan3A_766 = arith.constant 64 : i32
      %add3A_767 = arith.addf %scan3A_765#0, %scan3A_765#1 : vector<16xf32>
      %add3A_768 = arith.addf %add3A_767, %scan3A_765#2 : vector<16xf32>
      %add3A_769 = arith.addf %add3A_768, %scan3A_765#3 : vector<16xf32>
      %add3A_770 = arith.addf %add3A_769, %scan3A_765#4 : vector<16xf32>
      %add3A_771 = arith.addf %add3A_770, %scan3A_765#5 : vector<16xf32>
      %add3A_772 = arith.addf %add3A_771, %scan3A_765#6 : vector<16xf32>
      %add3A_773 = arith.addf %add3A_772, %scan3A_765#7 : vector<16xf32>
      %mul3A_774 = arith.constant 2 : i32
      %mul3A_775 = arith.muli %add3A_705, %mul3A_774 : i32
      %add3A_776 = arith.constant 0 : i32
      %add3A_777 = arith.addi %mul3A_775, %add3A_776 : i32
      %swap3A_778 = arith.index_cast %add3A_777 : i32 to index
      %swap3A_779 = arith.constant 0 : index
      %swap3A_780 = tpu.vector_load %arg11[%swap3A_778, %swap3A_779] {strides = array<i32>} : memref<256x16xf32, #tpu.memory_space<vmem>>, vector<1x16xf32>,
      %swap3A_781 = vector.shape_cast %swap3A_780 : vector<1x16xf32> to vector<16xf32>
      %swap3A_782 = vector.shape_cast %add3A_773 : vector<16xf32> to vector<1x16xf32>
      tpu.vector_store %arg11[%swap3A_778, %swap3A_779], %swap3A_782 {strides = array<i32>} : memref<256x16xf32, #tpu.memory_space<vmem>>, vector<1x16xf32>,
      %slice3A_783 = vector.extract_strided_slice %get3A_65 {offsets = [8], sizes = [1], strides = [1]} : vector<16xi32> to vector<1xi32>
      %squeeze3A_784 = vector.extract %slice3A_783[0] : i32 from vector<1xi32>
      %and3A_785 = arith.constant -16 : i32
      %and3A_786 = arith.andi %squeeze3A_784, %and3A_785 : i32
      %multiple_of3A_787 = tpu.assume_multiple %and3A_786, 16 : i32
      %get3A_788 = arith.constant 0 : i32
      %get3A_789 = arith.constant 0 : i32
      %get3A_790 = arith.index_cast %get3A_788 : i32 to index
      %get3A_791 = arith.index_cast %get3A_789 : i32 to index
      %get3A_792 = arith.index_cast %multiple_of3A_787 : i32 to index
      %get3A_793 = tpu.vector_load %arg10[%get3A_790, %get3A_791, %get3A_792] {strides = array<i32>} : memref<4x2x8192xf32, #tpu.memory_space<vmem>>, vector<1x1x16xf32>,
      %get3A_794 = vector.shape_cast %get3A_793 : vector<1x1x16xf32> to vector<16xf32>
      %and3A_795 = arith.constant 15 : i32
      %and3A_796 = arith.andi %squeeze3A_784, %and3A_795 : i32
      %eq3A_797 = vector.broadcast %and3A_796 : i32 to vector<16xi32>
      %eq3A_798 = arith.cmpi eq, %iota3A, %eq3A_797 : vector<16xi32>
      %jit3A_799 = arith.constant 0.000000e+00 : f32
      %broadcast_in_dim3A_800 = vector.broadcast %jit3A_799 : f32 to vector<16xf32>
      %select_n3A_801 = arith.select %eq3A_798, %get3A_794, %broadcast_in_dim3A_800 : vector<16xi1>, vector<16xf32>
      %add3A_802 = arith.addf %add3A_699, %select_n3A_801 : vector<16xf32>
      %broadcast_in_dim3A_803 = arith.constant 0.000000e+00 : f32
      %broadcast_in_dim3A_804 = vector.broadcast %broadcast_in_dim3A_803 : f32 to vector<16xf32>
      %broadcast_in_dim3A_805 = arith.constant 0.000000e+00 : f32
      %broadcast_in_dim3A_806 = vector.broadcast %broadcast_in_dim3A_805 : f32 to vector<16xf32>
      %broadcast_in_dim3A_807 = arith.constant 0.000000e+00 : f32
      %broadcast_in_dim3A_808 = vector.broadcast %broadcast_in_dim3A_807 : f32 to vector<16xf32>
      %broadcast_in_dim3A_809 = arith.constant 0.000000e+00 : f32
      %broadcast_in_dim3A_810 = vector.broadcast %broadcast_in_dim3A_809 : f32 to vector<16xf32>
      %broadcast_in_dim3A_811 = arith.constant 0.000000e+00 : f32
      %broadcast_in_dim3A_812 = vector.broadcast %broadcast_in_dim3A_811 : f32 to vector<16xf32>
      %broadcast_in_dim3A_813 = arith.constant 0.000000e+00 : f32
      %broadcast_in_dim3A_814 = vector.broadcast %broadcast_in_dim3A_813 : f32 to vector<16xf32>
      %broadcast_in_dim3A_815 = arith.constant 0.000000e+00 : f32
      %broadcast_in_dim3A_816 = vector.broadcast %broadcast_in_dim3A_815 : f32 to vector<16xf32>
      %broadcast_in_dim3A_817 = arith.constant 0.000000e+00 : f32
      %broadcast_in_dim3A_818 = vector.broadcast %broadcast_in_dim3A_817 : f32 to vector<16xf32>
      %scan3A_819 = arith.constant 0 : i32
      %scan3A_820 = arith.constant 64 : i32
      %scan3A_821 = arith.addi %scan3A_819, %scan3A_820 : i32
      %scan3A_822 = arith.constant 1 : i32
      %scan3A_823:8 = scf.for %scan3A_1344 = %scan3A_819 to %scan3A_821 step %scan3A_822 iter_args(%scan3A_1345 = %broadcast_in_dim3A_804, %scan3A_1346 = %broadcast_in_dim3A_806, %scan3A_1347 = %broadcast_in_dim3A_808, %scan3A_1348 = %broadcast_in_dim3A_810, %scan3A_1349 = %broadcast_in_dim3A_812, %scan3A_1350 = %broadcast_in_dim3A_814, %scan3A_1351 = %broadcast_in_dim3A_816, %scan3A_1352 = %broadcast_in_dim3A_818) -> (vector<16xf32>, vector<16xf32>, vector<16xf32>, vector<16xf32>, vector<16xf32>, vector<16xf32>, vector<16xf32>, vector<16xf32>)  : i32 {
        %mul3A_1353 = arith.constant 128 : i32
        %mul3A_1354 = arith.muli %scan3A_1344, %mul3A_1353 : i32
        %add3A_1355 = arith.constant 0 : i32
        %add3A_1356 = arith.addi %mul3A_1354, %add3A_1355 : i32
        %multiple_of3A_1357 = tpu.assume_multiple %add3A_1356, 16 : i32
        %get3A_1358 = arith.constant 0 : i32
        %get3A_1359 = arith.constant 1 : i32
        %get3A_1360 = arith.index_cast %get3A_1358 : i32 to index
        %get3A_1361 = arith.index_cast %get3A_1359 : i32 to index
        %get3A_1362 = arith.index_cast %multiple_of3A_1357 : i32 to index
        %get3A_1363 = tpu.vector_load %arg10[%get3A_1360, %get3A_1361, %get3A_1362] {strides = array<i32>} : memref<4x2x8192xf32, #tpu.memory_space<vmem>>, vector<1x1x16xf32>,
        %get3A_1364 = vector.shape_cast %get3A_1363 : vector<1x1x16xf32> to vector<16xf32>
        %exp3A = math.exp %get3A_1364 : vector<16xf32>
        %add3A_1365 = arith.addf %scan3A_1345, %exp3A : vector<16xf32>
        %add3A_1366 = arith.constant 16 : i32
        %add3A_1367 = arith.addi %mul3A_1354, %add3A_1366 : i32
        %multiple_of3A_1368 = tpu.assume_multiple %add3A_1367, 16 : i32
        %get3A_1369 = arith.constant 0 : i32
        %get3A_1370 = arith.constant 1 : i32
        %get3A_1371 = arith.index_cast %get3A_1369 : i32 to index
        %get3A_1372 = arith.index_cast %get3A_1370 : i32 to index
        %get3A_1373 = arith.index_cast %multiple_of3A_1368 : i32 to index
        %get3A_1374 = tpu.vector_load %arg10[%get3A_1371, %get3A_1372, %get3A_1373] {strides = array<i32>} : memref<4x2x8192xf32, #tpu.memory_space<vmem>>, vector<1x1x16xf32>,
        %get3A_1375 = vector.shape_cast %get3A_1374 : vector<1x1x16xf32> to vector<16xf32>
        %exp3A_1376 = math.exp %get3A_1375 : vector<16xf32>
        %add3A_1377 = arith.addf %scan3A_1346, %exp3A_1376 : vector<16xf32>
        %add3A_1378 = arith.constant 32 : i32
        %add3A_1379 = arith.addi %mul3A_1354, %add3A_1378 : i32
        %multiple_of3A_1380 = tpu.assume_multiple %add3A_1379, 16 : i32
        %get3A_1381 = arith.constant 0 : i32
        %get3A_1382 = arith.constant 1 : i32
        %get3A_1383 = arith.index_cast %get3A_1381 : i32 to index
        %get3A_1384 = arith.index_cast %get3A_1382 : i32 to index
        %get3A_1385 = arith.index_cast %multiple_of3A_1380 : i32 to index
        %get3A_1386 = tpu.vector_load %arg10[%get3A_1383, %get3A_1384, %get3A_1385] {strides = array<i32>} : memref<4x2x8192xf32, #tpu.memory_space<vmem>>, vector<1x1x16xf32>,
        %get3A_1387 = vector.shape_cast %get3A_1386 : vector<1x1x16xf32> to vector<16xf32>
        %exp3A_1388 = math.exp %get3A_1387 : vector<16xf32>
        %add3A_1389 = arith.addf %scan3A_1347, %exp3A_1388 : vector<16xf32>
        %add3A_1390 = arith.constant 48 : i32
        %add3A_1391 = arith.addi %mul3A_1354, %add3A_1390 : i32
        %multiple_of3A_1392 = tpu.assume_multiple %add3A_1391, 16 : i32
        %get3A_1393 = arith.constant 0 : i32
        %get3A_1394 = arith.constant 1 : i32
        %get3A_1395 = arith.index_cast %get3A_1393 : i32 to index
        %get3A_1396 = arith.index_cast %get3A_1394 : i32 to index
        %get3A_1397 = arith.index_cast %multiple_of3A_1392 : i32 to index
        %get3A_1398 = tpu.vector_load %arg10[%get3A_1395, %get3A_1396, %get3A_1397] {strides = array<i32>} : memref<4x2x8192xf32, #tpu.memory_space<vmem>>, vector<1x1x16xf32>,
        %get3A_1399 = vector.shape_cast %get3A_1398 : vector<1x1x16xf32> to vector<16xf32>
        %exp3A_1400 = math.exp %get3A_1399 : vector<16xf32>
        %add3A_1401 = arith.addf %scan3A_1348, %exp3A_1400 : vector<16xf32>
        %add3A_1402 = arith.constant 64 : i32
        %add3A_1403 = arith.addi %mul3A_1354, %add3A_1402 : i32
        %multiple_of3A_1404 = tpu.assume_multiple %add3A_1403, 16 : i32
        %get3A_1405 = arith.constant 0 : i32
        %get3A_1406 = arith.constant 1 : i32
        %get3A_1407 = arith.index_cast %get3A_1405 : i32 to index
        %get3A_1408 = arith.index_cast %get3A_1406 : i32 to index
        %get3A_1409 = arith.index_cast %multiple_of3A_1404 : i32 to index
        %get3A_1410 = tpu.vector_load %arg10[%get3A_1407, %get3A_1408, %get3A_1409] {strides = array<i32>} : memref<4x2x8192xf32, #tpu.memory_space<vmem>>, vector<1x1x16xf32>,
        %get3A_1411 = vector.shape_cast %get3A_1410 : vector<1x1x16xf32> to vector<16xf32>
        %exp3A_1412 = math.exp %get3A_1411 : vector<16xf32>
        %add3A_1413 = arith.addf %scan3A_1349, %exp3A_1412 : vector<16xf32>
        %add3A_1414 = arith.constant 80 : i32
        %add3A_1415 = arith.addi %mul3A_1354, %add3A_1414 : i32
        %multiple_of3A_1416 = tpu.assume_multiple %add3A_1415, 16 : i32
        %get3A_1417 = arith.constant 0 : i32
        %get3A_1418 = arith.constant 1 : i32
        %get3A_1419 = arith.index_cast %get3A_1417 : i32 to index
        %get3A_1420 = arith.index_cast %get3A_1418 : i32 to index
        %get3A_1421 = arith.index_cast %multiple_of3A_1416 : i32 to index
        %get3A_1422 = tpu.vector_load %arg10[%get3A_1419, %get3A_1420, %get3A_1421] {strides = array<i32>} : memref<4x2x8192xf32, #tpu.memory_space<vmem>>, vector<1x1x16xf32>,
        %get3A_1423 = vector.shape_cast %get3A_1422 : vector<1x1x16xf32> to vector<16xf32>
        %exp3A_1424 = math.exp %get3A_1423 : vector<16xf32>
        %add3A_1425 = arith.addf %scan3A_1350, %exp3A_1424 : vector<16xf32>
        %add3A_1426 = arith.constant 96 : i32
        %add3A_1427 = arith.addi %mul3A_1354, %add3A_1426 : i32
        %multiple_of3A_1428 = tpu.assume_multiple %add3A_1427, 16 : i32
        %get3A_1429 = arith.constant 0 : i32
        %get3A_1430 = arith.constant 1 : i32
        %get3A_1431 = arith.index_cast %get3A_1429 : i32 to index
        %get3A_1432 = arith.index_cast %get3A_1430 : i32 to index
        %get3A_1433 = arith.index_cast %multiple_of3A_1428 : i32 to index
        %get3A_1434 = tpu.vector_load %arg10[%get3A_1431, %get3A_1432, %get3A_1433] {strides = array<i32>} : memref<4x2x8192xf32, #tpu.memory_space<vmem>>, vector<1x1x16xf32>,
        %get3A_1435 = vector.shape_cast %get3A_1434 : vector<1x1x16xf32> to vector<16xf32>
        %exp3A_1436 = math.exp %get3A_1435 : vector<16xf32>
        %add3A_1437 = arith.addf %scan3A_1351, %exp3A_1436 : vector<16xf32>
        %add3A_1438 = arith.constant 112 : i32
        %add3A_1439 = arith.addi %mul3A_1354, %add3A_1438 : i32
        %multiple_of3A_1440 = tpu.assume_multiple %add3A_1439, 16 : i32
        %get3A_1441 = arith.constant 0 : i32
        %get3A_1442 = arith.constant 1 : i32
        %get3A_1443 = arith.index_cast %get3A_1441 : i32 to index
        %get3A_1444 = arith.index_cast %get3A_1442 : i32 to index
        %get3A_1445 = arith.index_cast %multiple_of3A_1440 : i32 to index
        %get3A_1446 = tpu.vector_load %arg10[%get3A_1443, %get3A_1444, %get3A_1445] {strides = array<i32>} : memref<4x2x8192xf32, #tpu.memory_space<vmem>>, vector<1x1x16xf32>,
        %get3A_1447 = vector.shape_cast %get3A_1446 : vector<1x1x16xf32> to vector<16xf32>
        %exp3A_1448 = math.exp %get3A_1447 : vector<16xf32>
        %add3A_1449 = arith.addf %scan3A_1352, %exp3A_1448 : vector<16xf32>
        scf.yield %add3A_1365, %add3A_1377, %add3A_1389, %add3A_1401, %add3A_1413, %add3A_1425, %add3A_1437, %add3A_1449 : vector<16xf32>, vector<16xf32>, vector<16xf32>, vector<16xf32>, vector<16xf32>, vector<16xf32>, vector<16xf32>, vector<16xf32>
      }
      %scan3A_824 = arith.constant 64 : i32
      %add3A_825 = arith.addf %scan3A_823#0, %scan3A_823#1 : vector<16xf32>
      %add3A_826 = arith.addf %add3A_825, %scan3A_823#2 : vector<16xf32>
      %add3A_827 = arith.addf %add3A_826, %scan3A_823#3 : vector<16xf32>
      %add3A_828 = arith.addf %add3A_827, %scan3A_823#4 : vector<16xf32>
      %add3A_829 = arith.addf %add3A_828, %scan3A_823#5 : vector<16xf32>
      %add3A_830 = arith.addf %add3A_829, %scan3A_823#6 : vector<16xf32>
      %add3A_831 = arith.addf %add3A_830, %scan3A_823#7 : vector<16xf32>
      %mul3A_832 = arith.constant 2 : i32
      %mul3A_833 = arith.muli %add3A_705, %mul3A_832 : i32
      %add3A_834 = arith.constant 1 : i32
      %add3A_835 = arith.addi %mul3A_833, %add3A_834 : i32
      %swap3A_836 = arith.index_cast %add3A_835 : i32 to index
      %swap3A_837 = arith.constant 0 : index
      %swap3A_838 = tpu.vector_load %arg11[%swap3A_836, %swap3A_837] {strides = array<i32>} : memref<256x16xf32, #tpu.memory_space<vmem>>, vector<1x16xf32>,
      %swap3A_839 = vector.shape_cast %swap3A_838 : vector<1x16xf32> to vector<16xf32>
      %swap3A_840 = vector.shape_cast %add3A_831 : vector<16xf32> to vector<1x16xf32>
      tpu.vector_store %arg11[%swap3A_836, %swap3A_837], %swap3A_840 {strides = array<i32>} : memref<256x16xf32, #tpu.memory_space<vmem>>, vector<1x16xf32>,
      %slice3A_841 = vector.extract_strided_slice %get3A_65 {offsets = [9], sizes = [1], strides = [1]} : vector<16xi32> to vector<1xi32>
      %squeeze3A_842 = vector.extract %slice3A_841[0] : i32 from vector<1xi32>
      %and3A_843 = arith.constant -16 : i32
      %and3A_844 = arith.andi %squeeze3A_842, %and3A_843 : i32
      %multiple_of3A_845 = tpu.assume_multiple %and3A_844, 16 : i32
      %get3A_846 = arith.constant 0 : i32
      %get3A_847 = arith.constant 1 : i32
      %get3A_848 = arith.index_cast %get3A_846 : i32 to index
      %get3A_849 = arith.index_cast %get3A_847 : i32 to index
      %get3A_850 = arith.index_cast %multiple_of3A_845 : i32 to index
      %get3A_851 = tpu.vector_load %arg10[%get3A_848, %get3A_849, %get3A_850] {strides = array<i32>} : memref<4x2x8192xf32, #tpu.memory_space<vmem>>, vector<1x1x16xf32>,
      %get3A_852 = vector.shape_cast %get3A_851 : vector<1x1x16xf32> to vector<16xf32>
      %and3A_853 = arith.constant 15 : i32
      %and3A_854 = arith.andi %squeeze3A_842, %and3A_853 : i32
      %eq3A_855 = vector.broadcast %and3A_854 : i32 to vector<16xi32>
      %eq3A_856 = arith.cmpi eq, %iota3A, %eq3A_855 : vector<16xi32>
      %jit3A_857 = arith.constant 0.000000e+00 : f32
      %broadcast_in_dim3A_858 = vector.broadcast %jit3A_857 : f32 to vector<16xf32>
      %select_n3A_859 = arith.select %eq3A_856, %get3A_852, %broadcast_in_dim3A_858 : vector<16xi1>, vector<16xf32>
      %add3A_860 = arith.addf %add3A_802, %select_n3A_859 : vector<16xf32>
      %mul3A_861 = arith.constant 2 : i32
      %mul3A_862 = arith.muli %scan3A_60, %mul3A_861 : i32
      %mul3A_863 = arith.constant 4 : i32
      %mul3A_864 = arith.muli %mul3A_862, %mul3A_863 : i32
      %add3A_865 = arith.constant 5 : i32
      %add3A_866 = arith.addi %mul3A_864, %add3A_865 : i32
      %ge3A_867 = arith.constant 2 : i32
      %ge3A_868 = arith.cmpi sge, %add3A_866, %ge3A_867 : i32
      %convert_element_type3A_869 = arith.extui %ge3A_868 : i1 to i32
      %cond3A_870 = arith.constant 0 : i32
      %cond3A_871 = arith.cmpi ne, %convert_element_type3A_869, %cond3A_870 : i32
      scf.if %cond3A_871 {
        %dma_wait3A_1344 = arith.constant 3 : i32
        %dma_wait3A_1345 = arith.constant 0 : i32
        %dma_wait3A_1346 = arith.constant 0 : i32
        %dma_wait3A_1347 = tpu.memref_slice %arg10[%dma_wait3A_1344, %dma_wait3A_1345, %dma_wait3A_1346] : memref<4x2x8192xf32, #tpu.memory_space<vmem>> -> memref<1x2x8192xf32, #tpu.memory_space<vmem>>
        %dma_wait3A_1348 = tpu.memref_squeeze %dma_wait3A_1347 : memref<1x2x8192xf32, #tpu.memory_space<vmem>> -> memref<2x8192xf32, #tpu.memory_space<vmem>>
        %dma_wait3A_1349 = arith.constant 0 : i32
        %dma_wait3A_1350 = tpu.memref_slice %arg5[%mul3A_2, %dma_wait3A_1349] : memref<8192x8192xf32, #tpu.memory_space<hbm>> -> memref<2x8192xf32, #tpu.memory_space<hbm>>
        %dma_wait3A_1351 = arith.constant 0 : i32
        %dma_wait3A_1352 = tpu.memref_slice %arg5[%mul3A_2, %dma_wait3A_1351] : memref<8192x8192xf32, #tpu.memory_space<hbm>> -> memref<2x8192xf32, #tpu.memory_space<hbm>>
        %dma_wait3A_1353 = arith.constant 0 : i32
        %dma_wait3A_1354 = arith.constant 0 : i32
        %dma_wait3A_1355 = tpu.memref_slice %arg10[%dma_wait3A_1344, %dma_wait3A_1353, %dma_wait3A_1354] : memref<4x2x8192xf32, #tpu.memory_space<vmem>> -> memref<1x2x8192xf32, #tpu.memory_space<vmem>>
        %dma_wait3A_1356 = tpu.memref_squeeze %dma_wait3A_1355 : memref<1x2x8192xf32, #tpu.memory_space<vmem>> -> memref<2x8192xf32, #tpu.memory_space<vmem>>
        tpu.wait_dma2 semaphore(%arg20 : memref<!tpu.dma_semaphore, #tpu.memory_space<semaphore_mem>>) src(%dma_wait3A_1356 : memref<2x8192xf32, #tpu.memory_space<vmem>>) dst(%dma_wait3A_1352 : memref<2x8192xf32, #tpu.memory_space<hbm>>)
      } else {
      }
      %add3A_872 = arith.constant 2 : i32
      %add3A_873 = arith.addi %add3A_866, %add3A_872 : i32
      %lt3A_874 = arith.constant 128 : i32
      %lt3A_875 = arith.cmpi slt, %add3A_873, %lt3A_874 : i32
      %convert_element_type3A_876 = arith.extui %lt3A_875 : i1 to i32
      %cond3A_877 = arith.constant 0 : i32
      %cond3A_878 = arith.cmpi ne, %convert_element_type3A_876, %cond3A_877 : i32
      scf.if %cond3A_878 {
        %add3A_1344 = arith.constant 2 : i32
        %add3A_1345 = arith.addi %add3A_866, %add3A_1344 : i32
        %dma_start3A_1346 = arith.constant 3 : i32
        %dma_start3A_1347 = arith.constant 0 : i32
        %dma_start3A_1348 = arith.constant 0 : i32
        %dma_start3A_1349 = tpu.memref_slice %arg10[%dma_start3A_1346, %dma_start3A_1347, %dma_start3A_1348] : memref<4x2x8192xf32, #tpu.memory_space<vmem>> -> memref<1x2x8192xf32, #tpu.memory_space<vmem>>
        %dma_start3A_1350 = tpu.memref_squeeze %dma_start3A_1349 : memref<1x2x8192xf32, #tpu.memory_space<vmem>> -> memref<2x8192xf32, #tpu.memory_space<vmem>>
        %dma_start3A_1351 = arith.constant 0 : i32
        %dma_start3A_1352 = tpu.memref_slice %arg8[%add3A_1345, %dma_start3A_1351] : memref<128x2xi32, #tpu.memory_space<vmem>> -> memref<1x2xi32, #tpu.memory_space<vmem>>
        %dma_start3A_1353 = tpu.memref_squeeze %dma_start3A_1352 : memref<1x2xi32, #tpu.memory_space<vmem>> -> memref<2xi32, #tpu.memory_space<vmem>>
        %dma_start3A_1354 = arith.constant 0 : i32
        %dma_start3A_1355 = arith.constant 0 : i32
        %dma_start3A_1356 = tpu.memref_slice %arg4[%dma_start3A_1354, %dma_start3A_1355] : memref<8192x8192xf32, #tpu.memory_space<hbm>> -> memref<8192x8192xf32, #tpu.memory_space<hbm>>
        tpu.enqueue_indirect_dma source(%dma_start3A_1356 : memref<8192x8192xf32, #tpu.memory_space<hbm>>) target(%dma_start3A_1350 : memref<2x8192xf32, #tpu.memory_space<vmem>>) offsets(%dma_start3A_1353 : memref<2xi32, #tpu.memory_space<vmem>>) semaphore(%arg16 : memref<!tpu.dma_semaphore, #tpu.memory_space<semaphore_mem>>)
      } else {
      }
      %dma_wait3A_879 = arith.constant 1 : i32
      %dma_wait3A_880 = arith.constant 0 : i32
      %dma_wait3A_881 = arith.constant 0 : i32
      %dma_wait3A_882 = tpu.memref_slice %arg10[%dma_wait3A_879, %dma_wait3A_880, %dma_wait3A_881] : memref<4x2x8192xf32, #tpu.memory_space<vmem>> -> memref<1x2x8192xf32, #tpu.memory_space<vmem>>
      %dma_wait3A_883 = tpu.memref_squeeze %dma_wait3A_882 : memref<1x2x8192xf32, #tpu.memory_space<vmem>> -> memref<2x8192xf32, #tpu.memory_space<vmem>>
      %dma_wait3A_884 = arith.constant 0 : i32
      %dma_wait3A_885 = tpu.memref_slice %arg8[%add3A_866, %dma_wait3A_884] : memref<128x2xi32, #tpu.memory_space<vmem>> -> memref<1x2xi32, #tpu.memory_space<vmem>>
      %dma_wait3A_886 = tpu.memref_squeeze %dma_wait3A_885 : memref<1x2xi32, #tpu.memory_space<vmem>> -> memref<2xi32, #tpu.memory_space<vmem>>
      %dma_wait3A_887 = arith.constant 0 : i32
      %dma_wait3A_888 = arith.constant 0 : i32
      %dma_wait3A_889 = tpu.memref_slice %arg4[%dma_wait3A_887, %dma_wait3A_888] : memref<8192x8192xf32, #tpu.memory_space<hbm>> -> memref<8192x8192xf32, #tpu.memory_space<hbm>>
      tpu.wait_indirect_dma semaphore(%arg14 : memref<!tpu.dma_semaphore, #tpu.memory_space<semaphore_mem>>) src(%dma_wait3A_889 : memref<8192x8192xf32, #tpu.memory_space<hbm>>) dst(%dma_wait3A_883 : memref<2x8192xf32, #tpu.memory_space<vmem>>)
      %mul3A_890 = arith.constant 2 : i32
      %mul3A_891 = arith.muli %add3A_866, %mul3A_890 : i32
      %add3A_892 = arith.addi %mul3A_2, %mul3A_891 : i32
      %dma_start3A_893 = arith.constant 1 : i32
      %dma_start3A_894 = arith.constant 0 : i32
      %dma_start3A_895 = arith.constant 0 : i32
      %dma_start3A_896 = tpu.memref_slice %arg10[%dma_start3A_893, %dma_start3A_894, %dma_start3A_895] : memref<4x2x8192xf32, #tpu.memory_space<vmem>> -> memref<1x2x8192xf32, #tpu.memory_space<vmem>>
      %dma_start3A_897 = tpu.memref_squeeze %dma_start3A_896 : memref<1x2x8192xf32, #tpu.memory_space<vmem>> -> memref<2x8192xf32, #tpu.memory_space<vmem>>
      %dma_start3A_898 = arith.constant 0 : i32
      %dma_start3A_899 = tpu.memref_slice %arg5[%add3A_892, %dma_start3A_898] : memref<8192x8192xf32, #tpu.memory_space<hbm>> -> memref<2x8192xf32, #tpu.memory_space<hbm>>
      %dma_start3A_900 = arith.constant 0 : i32
      %dma_start3A_901 = tpu.memref_slice %arg5[%add3A_892, %dma_start3A_900] : memref<8192x8192xf32, #tpu.memory_space<hbm>> -> memref<2x8192xf32, #tpu.memory_space<hbm>>
      %dma_start3A_902 = arith.constant 0 : i32
      %dma_start3A_903 = arith.constant 0 : i32
      %dma_start3A_904 = tpu.memref_slice %arg10[%dma_start3A_893, %dma_start3A_902, %dma_start3A_903] : memref<4x2x8192xf32, #tpu.memory_space<vmem>> -> memref<1x2x8192xf32, #tpu.memory_space<vmem>>
      %dma_start3A_905 = tpu.memref_squeeze %dma_start3A_904 : memref<1x2x8192xf32, #tpu.memory_space<vmem>> -> memref<2x8192xf32, #tpu.memory_space<vmem>>
      tpu.enqueue_dma source(%dma_start3A_905 : memref<2x8192xf32, #tpu.memory_space<vmem>>) target(%dma_start3A_901 : memref<2x8192xf32, #tpu.memory_space<hbm>>) target_semaphore(%arg18 : memref<!tpu.dma_semaphore, #tpu.memory_space<semaphore_mem>>)
      %broadcast_in_dim3A_906 = arith.constant 0.000000e+00 : f32
      %broadcast_in_dim3A_907 = vector.broadcast %broadcast_in_dim3A_906 : f32 to vector<16xf32>
      %broadcast_in_dim3A_908 = arith.constant 0.000000e+00 : f32
      %broadcast_in_dim3A_909 = vector.broadcast %broadcast_in_dim3A_908 : f32 to vector<16xf32>
      %broadcast_in_dim3A_910 = arith.constant 0.000000e+00 : f32
      %broadcast_in_dim3A_911 = vector.broadcast %broadcast_in_dim3A_910 : f32 to vector<16xf32>
      %broadcast_in_dim3A_912 = arith.constant 0.000000e+00 : f32
      %broadcast_in_dim3A_913 = vector.broadcast %broadcast_in_dim3A_912 : f32 to vector<16xf32>
      %broadcast_in_dim3A_914 = arith.constant 0.000000e+00 : f32
      %broadcast_in_dim3A_915 = vector.broadcast %broadcast_in_dim3A_914 : f32 to vector<16xf32>
      %broadcast_in_dim3A_916 = arith.constant 0.000000e+00 : f32
      %broadcast_in_dim3A_917 = vector.broadcast %broadcast_in_dim3A_916 : f32 to vector<16xf32>
      %broadcast_in_dim3A_918 = arith.constant 0.000000e+00 : f32
      %broadcast_in_dim3A_919 = vector.broadcast %broadcast_in_dim3A_918 : f32 to vector<16xf32>
      %broadcast_in_dim3A_920 = arith.constant 0.000000e+00 : f32
      %broadcast_in_dim3A_921 = vector.broadcast %broadcast_in_dim3A_920 : f32 to vector<16xf32>
      %scan3A_922 = arith.constant 0 : i32
      %scan3A_923 = arith.constant 64 : i32
      %scan3A_924 = arith.addi %scan3A_922, %scan3A_923 : i32
      %scan3A_925 = arith.constant 1 : i32
      %scan3A_926:8 = scf.for %scan3A_1344 = %scan3A_922 to %scan3A_924 step %scan3A_925 iter_args(%scan3A_1345 = %broadcast_in_dim3A_907, %scan3A_1346 = %broadcast_in_dim3A_909, %scan3A_1347 = %broadcast_in_dim3A_911, %scan3A_1348 = %broadcast_in_dim3A_913, %scan3A_1349 = %broadcast_in_dim3A_915, %scan3A_1350 = %broadcast_in_dim3A_917, %scan3A_1351 = %broadcast_in_dim3A_919, %scan3A_1352 = %broadcast_in_dim3A_921) -> (vector<16xf32>, vector<16xf32>, vector<16xf32>, vector<16xf32>, vector<16xf32>, vector<16xf32>, vector<16xf32>, vector<16xf32>)  : i32 {
        %mul3A_1353 = arith.constant 128 : i32
        %mul3A_1354 = arith.muli %scan3A_1344, %mul3A_1353 : i32
        %add3A_1355 = arith.constant 0 : i32
        %add3A_1356 = arith.addi %mul3A_1354, %add3A_1355 : i32
        %multiple_of3A_1357 = tpu.assume_multiple %add3A_1356, 16 : i32
        %get3A_1358 = arith.constant 1 : i32
        %get3A_1359 = arith.constant 0 : i32
        %get3A_1360 = arith.index_cast %get3A_1358 : i32 to index
        %get3A_1361 = arith.index_cast %get3A_1359 : i32 to index
        %get3A_1362 = arith.index_cast %multiple_of3A_1357 : i32 to index
        %get3A_1363 = tpu.vector_load %arg10[%get3A_1360, %get3A_1361, %get3A_1362] {strides = array<i32>} : memref<4x2x8192xf32, #tpu.memory_space<vmem>>, vector<1x1x16xf32>,
        %get3A_1364 = vector.shape_cast %get3A_1363 : vector<1x1x16xf32> to vector<16xf32>
        %exp3A = math.exp %get3A_1364 : vector<16xf32>
        %add3A_1365 = arith.addf %scan3A_1345, %exp3A : vector<16xf32>
        %add3A_1366 = arith.constant 16 : i32
        %add3A_1367 = arith.addi %mul3A_1354, %add3A_1366 : i32
        %multiple_of3A_1368 = tpu.assume_multiple %add3A_1367, 16 : i32
        %get3A_1369 = arith.constant 1 : i32
        %get3A_1370 = arith.constant 0 : i32
        %get3A_1371 = arith.index_cast %get3A_1369 : i32 to index
        %get3A_1372 = arith.index_cast %get3A_1370 : i32 to index
        %get3A_1373 = arith.index_cast %multiple_of3A_1368 : i32 to index
        %get3A_1374 = tpu.vector_load %arg10[%get3A_1371, %get3A_1372, %get3A_1373] {strides = array<i32>} : memref<4x2x8192xf32, #tpu.memory_space<vmem>>, vector<1x1x16xf32>,
        %get3A_1375 = vector.shape_cast %get3A_1374 : vector<1x1x16xf32> to vector<16xf32>
        %exp3A_1376 = math.exp %get3A_1375 : vector<16xf32>
        %add3A_1377 = arith.addf %scan3A_1346, %exp3A_1376 : vector<16xf32>
        %add3A_1378 = arith.constant 32 : i32
        %add3A_1379 = arith.addi %mul3A_1354, %add3A_1378 : i32
        %multiple_of3A_1380 = tpu.assume_multiple %add3A_1379, 16 : i32
        %get3A_1381 = arith.constant 1 : i32
        %get3A_1382 = arith.constant 0 : i32
        %get3A_1383 = arith.index_cast %get3A_1381 : i32 to index
        %get3A_1384 = arith.index_cast %get3A_1382 : i32 to index
        %get3A_1385 = arith.index_cast %multiple_of3A_1380 : i32 to index
        %get3A_1386 = tpu.vector_load %arg10[%get3A_1383, %get3A_1384, %get3A_1385] {strides = array<i32>} : memref<4x2x8192xf32, #tpu.memory_space<vmem>>, vector<1x1x16xf32>,
        %get3A_1387 = vector.shape_cast %get3A_1386 : vector<1x1x16xf32> to vector<16xf32>
        %exp3A_1388 = math.exp %get3A_1387 : vector<16xf32>
        %add3A_1389 = arith.addf %scan3A_1347, %exp3A_1388 : vector<16xf32>
        %add3A_1390 = arith.constant 48 : i32
        %add3A_1391 = arith.addi %mul3A_1354, %add3A_1390 : i32
        %multiple_of3A_1392 = tpu.assume_multiple %add3A_1391, 16 : i32
        %get3A_1393 = arith.constant 1 : i32
        %get3A_1394 = arith.constant 0 : i32
        %get3A_1395 = arith.index_cast %get3A_1393 : i32 to index
        %get3A_1396 = arith.index_cast %get3A_1394 : i32 to index
        %get3A_1397 = arith.index_cast %multiple_of3A_1392 : i32 to index
        %get3A_1398 = tpu.vector_load %arg10[%get3A_1395, %get3A_1396, %get3A_1397] {strides = array<i32>} : memref<4x2x8192xf32, #tpu.memory_space<vmem>>, vector<1x1x16xf32>,
        %get3A_1399 = vector.shape_cast %get3A_1398 : vector<1x1x16xf32> to vector<16xf32>
        %exp3A_1400 = math.exp %get3A_1399 : vector<16xf32>
        %add3A_1401 = arith.addf %scan3A_1348, %exp3A_1400 : vector<16xf32>
        %add3A_1402 = arith.constant 64 : i32
        %add3A_1403 = arith.addi %mul3A_1354, %add3A_1402 : i32
        %multiple_of3A_1404 = tpu.assume_multiple %add3A_1403, 16 : i32
        %get3A_1405 = arith.constant 1 : i32
        %get3A_1406 = arith.constant 0 : i32
        %get3A_1407 = arith.index_cast %get3A_1405 : i32 to index
        %get3A_1408 = arith.index_cast %get3A_1406 : i32 to index
        %get3A_1409 = arith.index_cast %multiple_of3A_1404 : i32 to index
        %get3A_1410 = tpu.vector_load %arg10[%get3A_1407, %get3A_1408, %get3A_1409] {strides = array<i32>} : memref<4x2x8192xf32, #tpu.memory_space<vmem>>, vector<1x1x16xf32>,
        %get3A_1411 = vector.shape_cast %get3A_1410 : vector<1x1x16xf32> to vector<16xf32>
        %exp3A_1412 = math.exp %get3A_1411 : vector<16xf32>
        %add3A_1413 = arith.addf %scan3A_1349, %exp3A_1412 : vector<16xf32>
        %add3A_1414 = arith.constant 80 : i32
        %add3A_1415 = arith.addi %mul3A_1354, %add3A_1414 : i32
        %multiple_of3A_1416 = tpu.assume_multiple %add3A_1415, 16 : i32
        %get3A_1417 = arith.constant 1 : i32
        %get3A_1418 = arith.constant 0 : i32
        %get3A_1419 = arith.index_cast %get3A_1417 : i32 to index
        %get3A_1420 = arith.index_cast %get3A_1418 : i32 to index
        %get3A_1421 = arith.index_cast %multiple_of3A_1416 : i32 to index
        %get3A_1422 = tpu.vector_load %arg10[%get3A_1419, %get3A_1420, %get3A_1421] {strides = array<i32>} : memref<4x2x8192xf32, #tpu.memory_space<vmem>>, vector<1x1x16xf32>,
        %get3A_1423 = vector.shape_cast %get3A_1422 : vector<1x1x16xf32> to vector<16xf32>
        %exp3A_1424 = math.exp %get3A_1423 : vector<16xf32>
        %add3A_1425 = arith.addf %scan3A_1350, %exp3A_1424 : vector<16xf32>
        %add3A_1426 = arith.constant 96 : i32
        %add3A_1427 = arith.addi %mul3A_1354, %add3A_1426 : i32
        %multiple_of3A_1428 = tpu.assume_multiple %add3A_1427, 16 : i32
        %get3A_1429 = arith.constant 1 : i32
        %get3A_1430 = arith.constant 0 : i32
        %get3A_1431 = arith.index_cast %get3A_1429 : i32 to index
        %get3A_1432 = arith.index_cast %get3A_1430 : i32 to index
        %get3A_1433 = arith.index_cast %multiple_of3A_1428 : i32 to index
        %get3A_1434 = tpu.vector_load %arg10[%get3A_1431, %get3A_1432, %get3A_1433] {strides = array<i32>} : memref<4x2x8192xf32, #tpu.memory_space<vmem>>, vector<1x1x16xf32>,
        %get3A_1435 = vector.shape_cast %get3A_1434 : vector<1x1x16xf32> to vector<16xf32>
        %exp3A_1436 = math.exp %get3A_1435 : vector<16xf32>
        %add3A_1437 = arith.addf %scan3A_1351, %exp3A_1436 : vector<16xf32>
        %add3A_1438 = arith.constant 112 : i32
        %add3A_1439 = arith.addi %mul3A_1354, %add3A_1438 : i32
        %multiple_of3A_1440 = tpu.assume_multiple %add3A_1439, 16 : i32
        %get3A_1441 = arith.constant 1 : i32
        %get3A_1442 = arith.constant 0 : i32
        %get3A_1443 = arith.index_cast %get3A_1441 : i32 to index
        %get3A_1444 = arith.index_cast %get3A_1442 : i32 to index
        %get3A_1445 = arith.index_cast %multiple_of3A_1440 : i32 to index
        %get3A_1446 = tpu.vector_load %arg10[%get3A_1443, %get3A_1444, %get3A_1445] {strides = array<i32>} : memref<4x2x8192xf32, #tpu.memory_space<vmem>>, vector<1x1x16xf32>,
        %get3A_1447 = vector.shape_cast %get3A_1446 : vector<1x1x16xf32> to vector<16xf32>
        %exp3A_1448 = math.exp %get3A_1447 : vector<16xf32>
        %add3A_1449 = arith.addf %scan3A_1352, %exp3A_1448 : vector<16xf32>
        scf.yield %add3A_1365, %add3A_1377, %add3A_1389, %add3A_1401, %add3A_1413, %add3A_1425, %add3A_1437, %add3A_1449 : vector<16xf32>, vector<16xf32>, vector<16xf32>, vector<16xf32>, vector<16xf32>, vector<16xf32>, vector<16xf32>, vector<16xf32>
      }
      %scan3A_927 = arith.constant 64 : i32
      %add3A_928 = arith.addf %scan3A_926#0, %scan3A_926#1 : vector<16xf32>
      %add3A_929 = arith.addf %add3A_928, %scan3A_926#2 : vector<16xf32>
      %add3A_930 = arith.addf %add3A_929, %scan3A_926#3 : vector<16xf32>
      %add3A_931 = arith.addf %add3A_930, %scan3A_926#4 : vector<16xf32>
      %add3A_932 = arith.addf %add3A_931, %scan3A_926#5 : vector<16xf32>
      %add3A_933 = arith.addf %add3A_932, %scan3A_926#6 : vector<16xf32>
      %add3A_934 = arith.addf %add3A_933, %scan3A_926#7 : vector<16xf32>
      %mul3A_935 = arith.constant 2 : i32
      %mul3A_936 = arith.muli %add3A_866, %mul3A_935 : i32
      %add3A_937 = arith.constant 0 : i32
      %add3A_938 = arith.addi %mul3A_936, %add3A_937 : i32
      %swap3A_939 = arith.index_cast %add3A_938 : i32 to index
      %swap3A_940 = arith.constant 0 : index
      %swap3A_941 = tpu.vector_load %arg11[%swap3A_939, %swap3A_940] {strides = array<i32>} : memref<256x16xf32, #tpu.memory_space<vmem>>, vector<1x16xf32>,
      %swap3A_942 = vector.shape_cast %swap3A_941 : vector<1x16xf32> to vector<16xf32>
      %swap3A_943 = vector.shape_cast %add3A_934 : vector<16xf32> to vector<1x16xf32>
      tpu.vector_store %arg11[%swap3A_939, %swap3A_940], %swap3A_943 {strides = array<i32>} : memref<256x16xf32, #tpu.memory_space<vmem>>, vector<1x16xf32>,
      %slice3A_944 = vector.extract_strided_slice %get3A_65 {offsets = [10], sizes = [1], strides = [1]} : vector<16xi32> to vector<1xi32>
      %squeeze3A_945 = vector.extract %slice3A_944[0] : i32 from vector<1xi32>
      %and3A_946 = arith.constant -16 : i32
      %and3A_947 = arith.andi %squeeze3A_945, %and3A_946 : i32
      %multiple_of3A_948 = tpu.assume_multiple %and3A_947, 16 : i32
      %get3A_949 = arith.constant 1 : i32
      %get3A_950 = arith.constant 0 : i32
      %get3A_951 = arith.index_cast %get3A_949 : i32 to index
      %get3A_952 = arith.index_cast %get3A_950 : i32 to index
      %get3A_953 = arith.index_cast %multiple_of3A_948 : i32 to index
      %get3A_954 = tpu.vector_load %arg10[%get3A_951, %get3A_952, %get3A_953] {strides = array<i32>} : memref<4x2x8192xf32, #tpu.memory_space<vmem>>, vector<1x1x16xf32>,
      %get3A_955 = vector.shape_cast %get3A_954 : vector<1x1x16xf32> to vector<16xf32>
      %and3A_956 = arith.constant 15 : i32
      %and3A_957 = arith.andi %squeeze3A_945, %and3A_956 : i32
      %eq3A_958 = vector.broadcast %and3A_957 : i32 to vector<16xi32>
      %eq3A_959 = arith.cmpi eq, %iota3A, %eq3A_958 : vector<16xi32>
      %jit3A_960 = arith.constant 0.000000e+00 : f32
      %broadcast_in_dim3A_961 = vector.broadcast %jit3A_960 : f32 to vector<16xf32>
      %select_n3A_962 = arith.select %eq3A_959, %get3A_955, %broadcast_in_dim3A_961 : vector<16xi1>, vector<16xf32>
      %add3A_963 = arith.addf %add3A_860, %select_n3A_962 : vector<16xf32>
      %broadcast_in_dim3A_964 = arith.constant 0.000000e+00 : f32
      %broadcast_in_dim3A_965 = vector.broadcast %broadcast_in_dim3A_964 : f32 to vector<16xf32>
      %broadcast_in_dim3A_966 = arith.constant 0.000000e+00 : f32
      %broadcast_in_dim3A_967 = vector.broadcast %broadcast_in_dim3A_966 : f32 to vector<16xf32>
      %broadcast_in_dim3A_968 = arith.constant 0.000000e+00 : f32
      %broadcast_in_dim3A_969 = vector.broadcast %broadcast_in_dim3A_968 : f32 to vector<16xf32>
      %broadcast_in_dim3A_970 = arith.constant 0.000000e+00 : f32
      %broadcast_in_dim3A_971 = vector.broadcast %broadcast_in_dim3A_970 : f32 to vector<16xf32>
      %broadcast_in_dim3A_972 = arith.constant 0.000000e+00 : f32
      %broadcast_in_dim3A_973 = vector.broadcast %broadcast_in_dim3A_972 : f32 to vector<16xf32>
      %broadcast_in_dim3A_974 = arith.constant 0.000000e+00 : f32
      %broadcast_in_dim3A_975 = vector.broadcast %broadcast_in_dim3A_974 : f32 to vector<16xf32>
      %broadcast_in_dim3A_976 = arith.constant 0.000000e+00 : f32
      %broadcast_in_dim3A_977 = vector.broadcast %broadcast_in_dim3A_976 : f32 to vector<16xf32>
      %broadcast_in_dim3A_978 = arith.constant 0.000000e+00 : f32
      %broadcast_in_dim3A_979 = vector.broadcast %broadcast_in_dim3A_978 : f32 to vector<16xf32>
      %scan3A_980 = arith.constant 0 : i32
      %scan3A_981 = arith.constant 64 : i32
      %scan3A_982 = arith.addi %scan3A_980, %scan3A_981 : i32
      %scan3A_983 = arith.constant 1 : i32
      %scan3A_984:8 = scf.for %scan3A_1344 = %scan3A_980 to %scan3A_982 step %scan3A_983 iter_args(%scan3A_1345 = %broadcast_in_dim3A_965, %scan3A_1346 = %broadcast_in_dim3A_967, %scan3A_1347 = %broadcast_in_dim3A_969, %scan3A_1348 = %broadcast_in_dim3A_971, %scan3A_1349 = %broadcast_in_dim3A_973, %scan3A_1350 = %broadcast_in_dim3A_975, %scan3A_1351 = %broadcast_in_dim3A_977, %scan3A_1352 = %broadcast_in_dim3A_979) -> (vector<16xf32>, vector<16xf32>, vector<16xf32>, vector<16xf32>, vector<16xf32>, vector<16xf32>, vector<16xf32>, vector<16xf32>)  : i32 {
        %mul3A_1353 = arith.constant 128 : i32
        %mul3A_1354 = arith.muli %scan3A_1344, %mul3A_1353 : i32
        %add3A_1355 = arith.constant 0 : i32
        %add3A_1356 = arith.addi %mul3A_1354, %add3A_1355 : i32
        %multiple_of3A_1357 = tpu.assume_multiple %add3A_1356, 16 : i32
        %get3A_1358 = arith.constant 1 : i32
        %get3A_1359 = arith.constant 1 : i32
        %get3A_1360 = arith.index_cast %get3A_1358 : i32 to index
        %get3A_1361 = arith.index_cast %get3A_1359 : i32 to index
        %get3A_1362 = arith.index_cast %multiple_of3A_1357 : i32 to index
        %get3A_1363 = tpu.vector_load %arg10[%get3A_1360, %get3A_1361, %get3A_1362] {strides = array<i32>} : memref<4x2x8192xf32, #tpu.memory_space<vmem>>, vector<1x1x16xf32>,
        %get3A_1364 = vector.shape_cast %get3A_1363 : vector<1x1x16xf32> to vector<16xf32>
        %exp3A = math.exp %get3A_1364 : vector<16xf32>
        %add3A_1365 = arith.addf %scan3A_1345, %exp3A : vector<16xf32>
        %add3A_1366 = arith.constant 16 : i32
        %add3A_1367 = arith.addi %mul3A_1354, %add3A_1366 : i32
        %multiple_of3A_1368 = tpu.assume_multiple %add3A_1367, 16 : i32
        %get3A_1369 = arith.constant 1 : i32
        %get3A_1370 = arith.constant 1 : i32
        %get3A_1371 = arith.index_cast %get3A_1369 : i32 to index
        %get3A_1372 = arith.index_cast %get3A_1370 : i32 to index
        %get3A_1373 = arith.index_cast %multiple_of3A_1368 : i32 to index
        %get3A_1374 = tpu.vector_load %arg10[%get3A_1371, %get3A_1372, %get3A_1373] {strides = array<i32>} : memref<4x2x8192xf32, #tpu.memory_space<vmem>>, vector<1x1x16xf32>,
        %get3A_1375 = vector.shape_cast %get3A_1374 : vector<1x1x16xf32> to vector<16xf32>
        %exp3A_1376 = math.exp %get3A_1375 : vector<16xf32>
        %add3A_1377 = arith.addf %scan3A_1346, %exp3A_1376 : vector<16xf32>
        %add3A_1378 = arith.constant 32 : i32
        %add3A_1379 = arith.addi %mul3A_1354, %add3A_1378 : i32
        %multiple_of3A_1380 = tpu.assume_multiple %add3A_1379, 16 : i32
        %get3A_1381 = arith.constant 1 : i32
        %get3A_1382 = arith.constant 1 : i32
        %get3A_1383 = arith.index_cast %get3A_1381 : i32 to index
        %get3A_1384 = arith.index_cast %get3A_1382 : i32 to index
        %get3A_1385 = arith.index_cast %multiple_of3A_1380 : i32 to index
        %get3A_1386 = tpu.vector_load %arg10[%get3A_1383, %get3A_1384, %get3A_1385] {strides = array<i32>} : memref<4x2x8192xf32, #tpu.memory_space<vmem>>, vector<1x1x16xf32>,
        %get3A_1387 = vector.shape_cast %get3A_1386 : vector<1x1x16xf32> to vector<16xf32>
        %exp3A_1388 = math.exp %get3A_1387 : vector<16xf32>
        %add3A_1389 = arith.addf %scan3A_1347, %exp3A_1388 : vector<16xf32>
        %add3A_1390 = arith.constant 48 : i32
        %add3A_1391 = arith.addi %mul3A_1354, %add3A_1390 : i32
        %multiple_of3A_1392 = tpu.assume_multiple %add3A_1391, 16 : i32
        %get3A_1393 = arith.constant 1 : i32
        %get3A_1394 = arith.constant 1 : i32
        %get3A_1395 = arith.index_cast %get3A_1393 : i32 to index
        %get3A_1396 = arith.index_cast %get3A_1394 : i32 to index
        %get3A_1397 = arith.index_cast %multiple_of3A_1392 : i32 to index
        %get3A_1398 = tpu.vector_load %arg10[%get3A_1395, %get3A_1396, %get3A_1397] {strides = array<i32>} : memref<4x2x8192xf32, #tpu.memory_space<vmem>>, vector<1x1x16xf32>,
        %get3A_1399 = vector.shape_cast %get3A_1398 : vector<1x1x16xf32> to vector<16xf32>
        %exp3A_1400 = math.exp %get3A_1399 : vector<16xf32>
        %add3A_1401 = arith.addf %scan3A_1348, %exp3A_1400 : vector<16xf32>
        %add3A_1402 = arith.constant 64 : i32
        %add3A_1403 = arith.addi %mul3A_1354, %add3A_1402 : i32
        %multiple_of3A_1404 = tpu.assume_multiple %add3A_1403, 16 : i32
        %get3A_1405 = arith.constant 1 : i32
        %get3A_1406 = arith.constant 1 : i32
        %get3A_1407 = arith.index_cast %get3A_1405 : i32 to index
        %get3A_1408 = arith.index_cast %get3A_1406 : i32 to index
        %get3A_1409 = arith.index_cast %multiple_of3A_1404 : i32 to index
        %get3A_1410 = tpu.vector_load %arg10[%get3A_1407, %get3A_1408, %get3A_1409] {strides = array<i32>} : memref<4x2x8192xf32, #tpu.memory_space<vmem>>, vector<1x1x16xf32>,
        %get3A_1411 = vector.shape_cast %get3A_1410 : vector<1x1x16xf32> to vector<16xf32>
        %exp3A_1412 = math.exp %get3A_1411 : vector<16xf32>
        %add3A_1413 = arith.addf %scan3A_1349, %exp3A_1412 : vector<16xf32>
        %add3A_1414 = arith.constant 80 : i32
        %add3A_1415 = arith.addi %mul3A_1354, %add3A_1414 : i32
        %multiple_of3A_1416 = tpu.assume_multiple %add3A_1415, 16 : i32
        %get3A_1417 = arith.constant 1 : i32
        %get3A_1418 = arith.constant 1 : i32
        %get3A_1419 = arith.index_cast %get3A_1417 : i32 to index
        %get3A_1420 = arith.index_cast %get3A_1418 : i32 to index
        %get3A_1421 = arith.index_cast %multiple_of3A_1416 : i32 to index
        %get3A_1422 = tpu.vector_load %arg10[%get3A_1419, %get3A_1420, %get3A_1421] {strides = array<i32>} : memref<4x2x8192xf32, #tpu.memory_space<vmem>>, vector<1x1x16xf32>,
        %get3A_1423 = vector.shape_cast %get3A_1422 : vector<1x1x16xf32> to vector<16xf32>
        %exp3A_1424 = math.exp %get3A_1423 : vector<16xf32>
        %add3A_1425 = arith.addf %scan3A_1350, %exp3A_1424 : vector<16xf32>
        %add3A_1426 = arith.constant 96 : i32
        %add3A_1427 = arith.addi %mul3A_1354, %add3A_1426 : i32
        %multiple_of3A_1428 = tpu.assume_multiple %add3A_1427, 16 : i32
        %get3A_1429 = arith.constant 1 : i32
        %get3A_1430 = arith.constant 1 : i32
        %get3A_1431 = arith.index_cast %get3A_1429 : i32 to index
        %get3A_1432 = arith.index_cast %get3A_1430 : i32 to index
        %get3A_1433 = arith.index_cast %multiple_of3A_1428 : i32 to index
        %get3A_1434 = tpu.vector_load %arg10[%get3A_1431, %get3A_1432, %get3A_1433] {strides = array<i32>} : memref<4x2x8192xf32, #tpu.memory_space<vmem>>, vector<1x1x16xf32>,
        %get3A_1435 = vector.shape_cast %get3A_1434 : vector<1x1x16xf32> to vector<16xf32>
        %exp3A_1436 = math.exp %get3A_1435 : vector<16xf32>
        %add3A_1437 = arith.addf %scan3A_1351, %exp3A_1436 : vector<16xf32>
        %add3A_1438 = arith.constant 112 : i32
        %add3A_1439 = arith.addi %mul3A_1354, %add3A_1438 : i32
        %multiple_of3A_1440 = tpu.assume_multiple %add3A_1439, 16 : i32
        %get3A_1441 = arith.constant 1 : i32
        %get3A_1442 = arith.constant 1 : i32
        %get3A_1443 = arith.index_cast %get3A_1441 : i32 to index
        %get3A_1444 = arith.index_cast %get3A_1442 : i32 to index
        %get3A_1445 = arith.index_cast %multiple_of3A_1440 : i32 to index
        %get3A_1446 = tpu.vector_load %arg10[%get3A_1443, %get3A_1444, %get3A_1445] {strides = array<i32>} : memref<4x2x8192xf32, #tpu.memory_space<vmem>>, vector<1x1x16xf32>,
        %get3A_1447 = vector.shape_cast %get3A_1446 : vector<1x1x16xf32> to vector<16xf32>
        %exp3A_1448 = math.exp %get3A_1447 : vector<16xf32>
        %add3A_1449 = arith.addf %scan3A_1352, %exp3A_1448 : vector<16xf32>
        scf.yield %add3A_1365, %add3A_1377, %add3A_1389, %add3A_1401, %add3A_1413, %add3A_1425, %add3A_1437, %add3A_1449 : vector<16xf32>, vector<16xf32>, vector<16xf32>, vector<16xf32>, vector<16xf32>, vector<16xf32>, vector<16xf32>, vector<16xf32>
      }
      %scan3A_985 = arith.constant 64 : i32
      %add3A_986 = arith.addf %scan3A_984#0, %scan3A_984#1 : vector<16xf32>
      %add3A_987 = arith.addf %add3A_986, %scan3A_984#2 : vector<16xf32>
      %add3A_988 = arith.addf %add3A_987, %scan3A_984#3 : vector<16xf32>
      %add3A_989 = arith.addf %add3A_988, %scan3A_984#4 : vector<16xf32>
      %add3A_990 = arith.addf %add3A_989, %scan3A_984#5 : vector<16xf32>
      %add3A_991 = arith.addf %add3A_990, %scan3A_984#6 : vector<16xf32>
      %add3A_992 = arith.addf %add3A_991, %scan3A_984#7 : vector<16xf32>
      %mul3A_993 = arith.constant 2 : i32
      %mul3A_994 = arith.muli %add3A_866, %mul3A_993 : i32
      %add3A_995 = arith.constant 1 : i32
      %add3A_996 = arith.addi %mul3A_994, %add3A_995 : i32
      %swap3A_997 = arith.index_cast %add3A_996 : i32 to index
      %swap3A_998 = arith.constant 0 : index
      %swap3A_999 = tpu.vector_load %arg11[%swap3A_997, %swap3A_998] {strides = array<i32>} : memref<256x16xf32, #tpu.memory_space<vmem>>, vector<1x16xf32>,
      %swap3A_1000 = vector.shape_cast %swap3A_999 : vector<1x16xf32> to vector<16xf32>
      %swap3A_1001 = vector.shape_cast %add3A_992 : vector<16xf32> to vector<1x16xf32>
      tpu.vector_store %arg11[%swap3A_997, %swap3A_998], %swap3A_1001 {strides = array<i32>} : memref<256x16xf32, #tpu.memory_space<vmem>>, vector<1x16xf32>,
      %slice3A_1002 = vector.extract_strided_slice %get3A_65 {offsets = [11], sizes = [1], strides = [1]} : vector<16xi32> to vector<1xi32>
      %squeeze3A_1003 = vector.extract %slice3A_1002[0] : i32 from vector<1xi32>
      %and3A_1004 = arith.constant -16 : i32
      %and3A_1005 = arith.andi %squeeze3A_1003, %and3A_1004 : i32
      %multiple_of3A_1006 = tpu.assume_multiple %and3A_1005, 16 : i32
      %get3A_1007 = arith.constant 1 : i32
      %get3A_1008 = arith.constant 1 : i32
      %get3A_1009 = arith.index_cast %get3A_1007 : i32 to index
      %get3A_1010 = arith.index_cast %get3A_1008 : i32 to index
      %get3A_1011 = arith.index_cast %multiple_of3A_1006 : i32 to index
      %get3A_1012 = tpu.vector_load %arg10[%get3A_1009, %get3A_1010, %get3A_1011] {strides = array<i32>} : memref<4x2x8192xf32, #tpu.memory_space<vmem>>, vector<1x1x16xf32>,
      %get3A_1013 = vector.shape_cast %get3A_1012 : vector<1x1x16xf32> to vector<16xf32>
      %and3A_1014 = arith.constant 15 : i32
      %and3A_1015 = arith.andi %squeeze3A_1003, %and3A_1014 : i32
      %eq3A_1016 = vector.broadcast %and3A_1015 : i32 to vector<16xi32>
      %eq3A_1017 = arith.cmpi eq, %iota3A, %eq3A_1016 : vector<16xi32>
      %jit3A_1018 = arith.constant 0.000000e+00 : f32
      %broadcast_in_dim3A_1019 = vector.broadcast %jit3A_1018 : f32 to vector<16xf32>
      %select_n3A_1020 = arith.select %eq3A_1017, %get3A_1013, %broadcast_in_dim3A_1019 : vector<16xi1>, vector<16xf32>
      %add3A_1021 = arith.addf %add3A_963, %select_n3A_1020 : vector<16xf32>
      %mul3A_1022 = arith.constant 2 : i32
      %mul3A_1023 = arith.muli %scan3A_60, %mul3A_1022 : i32
      %mul3A_1024 = arith.constant 4 : i32
      %mul3A_1025 = arith.muli %mul3A_1023, %mul3A_1024 : i32
      %add3A_1026 = arith.constant 6 : i32
      %add3A_1027 = arith.addi %mul3A_1025, %add3A_1026 : i32
      %ge3A_1028 = arith.constant 2 : i32
      %ge3A_1029 = arith.cmpi sge, %add3A_1027, %ge3A_1028 : i32
      %convert_element_type3A_1030 = arith.extui %ge3A_1029 : i1 to i32
      %cond3A_1031 = arith.constant 0 : i32
      %cond3A_1032 = arith.cmpi ne, %convert_element_type3A_1030, %cond3A_1031 : i32
      scf.if %cond3A_1032 {
        %dma_wait3A_1344 = arith.constant 0 : i32
        %dma_wait3A_1345 = arith.constant 0 : i32
        %dma_wait3A_1346 = arith.constant 0 : i32
        %dma_wait3A_1347 = tpu.memref_slice %arg10[%dma_wait3A_1344, %dma_wait3A_1345, %dma_wait3A_1346] : memref<4x2x8192xf32, #tpu.memory_space<vmem>> -> memref<1x2x8192xf32, #tpu.memory_space<vmem>>
        %dma_wait3A_1348 = tpu.memref_squeeze %dma_wait3A_1347 : memref<1x2x8192xf32, #tpu.memory_space<vmem>> -> memref<2x8192xf32, #tpu.memory_space<vmem>>
        %dma_wait3A_1349 = arith.constant 0 : i32
        %dma_wait3A_1350 = tpu.memref_slice %arg5[%mul3A_2, %dma_wait3A_1349] : memref<8192x8192xf32, #tpu.memory_space<hbm>> -> memref<2x8192xf32, #tpu.memory_space<hbm>>
        %dma_wait3A_1351 = arith.constant 0 : i32
        %dma_wait3A_1352 = tpu.memref_slice %arg5[%mul3A_2, %dma_wait3A_1351] : memref<8192x8192xf32, #tpu.memory_space<hbm>> -> memref<2x8192xf32, #tpu.memory_space<hbm>>
        %dma_wait3A_1353 = arith.constant 0 : i32
        %dma_wait3A_1354 = arith.constant 0 : i32
        %dma_wait3A_1355 = tpu.memref_slice %arg10[%dma_wait3A_1344, %dma_wait3A_1353, %dma_wait3A_1354] : memref<4x2x8192xf32, #tpu.memory_space<vmem>> -> memref<1x2x8192xf32, #tpu.memory_space<vmem>>
        %dma_wait3A_1356 = tpu.memref_squeeze %dma_wait3A_1355 : memref<1x2x8192xf32, #tpu.memory_space<vmem>> -> memref<2x8192xf32, #tpu.memory_space<vmem>>
        tpu.wait_dma2 semaphore(%arg17 : memref<!tpu.dma_semaphore, #tpu.memory_space<semaphore_mem>>) src(%dma_wait3A_1356 : memref<2x8192xf32, #tpu.memory_space<vmem>>) dst(%dma_wait3A_1352 : memref<2x8192xf32, #tpu.memory_space<hbm>>)
      } else {
      }
      %add3A_1033 = arith.constant 2 : i32
      %add3A_1034 = arith.addi %add3A_1027, %add3A_1033 : i32
      %lt3A_1035 = arith.constant 128 : i32
      %lt3A_1036 = arith.cmpi slt, %add3A_1034, %lt3A_1035 : i32
      %convert_element_type3A_1037 = arith.extui %lt3A_1036 : i1 to i32
      %cond3A_1038 = arith.constant 0 : i32
      %cond3A_1039 = arith.cmpi ne, %convert_element_type3A_1037, %cond3A_1038 : i32
      scf.if %cond3A_1039 {
        %add3A_1344 = arith.constant 2 : i32
        %add3A_1345 = arith.addi %add3A_1027, %add3A_1344 : i32
        %dma_start3A_1346 = arith.constant 0 : i32
        %dma_start3A_1347 = arith.constant 0 : i32
        %dma_start3A_1348 = arith.constant 0 : i32
        %dma_start3A_1349 = tpu.memref_slice %arg10[%dma_start3A_1346, %dma_start3A_1347, %dma_start3A_1348] : memref<4x2x8192xf32, #tpu.memory_space<vmem>> -> memref<1x2x8192xf32, #tpu.memory_space<vmem>>
        %dma_start3A_1350 = tpu.memref_squeeze %dma_start3A_1349 : memref<1x2x8192xf32, #tpu.memory_space<vmem>> -> memref<2x8192xf32, #tpu.memory_space<vmem>>
        %dma_start3A_1351 = arith.constant 0 : i32
        %dma_start3A_1352 = tpu.memref_slice %arg8[%add3A_1345, %dma_start3A_1351] : memref<128x2xi32, #tpu.memory_space<vmem>> -> memref<1x2xi32, #tpu.memory_space<vmem>>
        %dma_start3A_1353 = tpu.memref_squeeze %dma_start3A_1352 : memref<1x2xi32, #tpu.memory_space<vmem>> -> memref<2xi32, #tpu.memory_space<vmem>>
        %dma_start3A_1354 = arith.constant 0 : i32
        %dma_start3A_1355 = arith.constant 0 : i32
        %dma_start3A_1356 = tpu.memref_slice %arg4[%dma_start3A_1354, %dma_start3A_1355] : memref<8192x8192xf32, #tpu.memory_space<hbm>> -> memref<8192x8192xf32, #tpu.memory_space<hbm>>
        tpu.enqueue_indirect_dma source(%dma_start3A_1356 : memref<8192x8192xf32, #tpu.memory_space<hbm>>) target(%dma_start3A_1350 : memref<2x8192xf32, #tpu.memory_space<vmem>>) offsets(%dma_start3A_1353 : memref<2xi32, #tpu.memory_space<vmem>>) semaphore(%arg13 : memref<!tpu.dma_semaphore, #tpu.memory_space<semaphore_mem>>)
      } else {
      }
      %dma_wait3A_1040 = arith.constant 2 : i32
      %dma_wait3A_1041 = arith.constant 0 : i32
      %dma_wait3A_1042 = arith.constant 0 : i32
      %dma_wait3A_1043 = tpu.memref_slice %arg10[%dma_wait3A_1040, %dma_wait3A_1041, %dma_wait3A_1042] : memref<4x2x8192xf32, #tpu.memory_space<vmem>> -> memref<1x2x8192xf32, #tpu.memory_space<vmem>>
      %dma_wait3A_1044 = tpu.memref_squeeze %dma_wait3A_1043 : memref<1x2x8192xf32, #tpu.memory_space<vmem>> -> memref<2x8192xf32, #tpu.memory_space<vmem>>
      %dma_wait3A_1045 = arith.constant 0 : i32
      %dma_wait3A_1046 = tpu.memref_slice %arg8[%add3A_1027, %dma_wait3A_1045] : memref<128x2xi32, #tpu.memory_space<vmem>> -> memref<1x2xi32, #tpu.memory_space<vmem>>
      %dma_wait3A_1047 = tpu.memref_squeeze %dma_wait3A_1046 : memref<1x2xi32, #tpu.memory_space<vmem>> -> memref<2xi32, #tpu.memory_space<vmem>>
      %dma_wait3A_1048 = arith.constant 0 : i32
      %dma_wait3A_1049 = arith.constant 0 : i32
      %dma_wait3A_1050 = tpu.memref_slice %arg4[%dma_wait3A_1048, %dma_wait3A_1049] : memref<8192x8192xf32, #tpu.memory_space<hbm>> -> memref<8192x8192xf32, #tpu.memory_space<hbm>>
      tpu.wait_indirect_dma semaphore(%arg15 : memref<!tpu.dma_semaphore, #tpu.memory_space<semaphore_mem>>) src(%dma_wait3A_1050 : memref<8192x8192xf32, #tpu.memory_space<hbm>>) dst(%dma_wait3A_1044 : memref<2x8192xf32, #tpu.memory_space<vmem>>)
      %mul3A_1051 = arith.constant 2 : i32
      %mul3A_1052 = arith.muli %add3A_1027, %mul3A_1051 : i32
      %add3A_1053 = arith.addi %mul3A_2, %mul3A_1052 : i32
      %dma_start3A_1054 = arith.constant 2 : i32
      %dma_start3A_1055 = arith.constant 0 : i32
      %dma_start3A_1056 = arith.constant 0 : i32
      %dma_start3A_1057 = tpu.memref_slice %arg10[%dma_start3A_1054, %dma_start3A_1055, %dma_start3A_1056] : memref<4x2x8192xf32, #tpu.memory_space<vmem>> -> memref<1x2x8192xf32, #tpu.memory_space<vmem>>
      %dma_start3A_1058 = tpu.memref_squeeze %dma_start3A_1057 : memref<1x2x8192xf32, #tpu.memory_space<vmem>> -> memref<2x8192xf32, #tpu.memory_space<vmem>>
      %dma_start3A_1059 = arith.constant 0 : i32
      %dma_start3A_1060 = tpu.memref_slice %arg5[%add3A_1053, %dma_start3A_1059] : memref<8192x8192xf32, #tpu.memory_space<hbm>> -> memref<2x8192xf32, #tpu.memory_space<hbm>>
      %dma_start3A_1061 = arith.constant 0 : i32
      %dma_start3A_1062 = tpu.memref_slice %arg5[%add3A_1053, %dma_start3A_1061] : memref<8192x8192xf32, #tpu.memory_space<hbm>> -> memref<2x8192xf32, #tpu.memory_space<hbm>>
      %dma_start3A_1063 = arith.constant 0 : i32
      %dma_start3A_1064 = arith.constant 0 : i32
      %dma_start3A_1065 = tpu.memref_slice %arg10[%dma_start3A_1054, %dma_start3A_1063, %dma_start3A_1064] : memref<4x2x8192xf32, #tpu.memory_space<vmem>> -> memref<1x2x8192xf32, #tpu.memory_space<vmem>>
      %dma_start3A_1066 = tpu.memref_squeeze %dma_start3A_1065 : memref<1x2x8192xf32, #tpu.memory_space<vmem>> -> memref<2x8192xf32, #tpu.memory_space<vmem>>
      tpu.enqueue_dma source(%dma_start3A_1066 : memref<2x8192xf32, #tpu.memory_space<vmem>>) target(%dma_start3A_1062 : memref<2x8192xf32, #tpu.memory_space<hbm>>) target_semaphore(%arg19 : memref<!tpu.dma_semaphore, #tpu.memory_space<semaphore_mem>>)
      %broadcast_in_dim3A_1067 = arith.constant 0.000000e+00 : f32
      %broadcast_in_dim3A_1068 = vector.broadcast %broadcast_in_dim3A_1067 : f32 to vector<16xf32>
      %broadcast_in_dim3A_1069 = arith.constant 0.000000e+00 : f32
      %broadcast_in_dim3A_1070 = vector.broadcast %broadcast_in_dim3A_1069 : f32 to vector<16xf32>
      %broadcast_in_dim3A_1071 = arith.constant 0.000000e+00 : f32
      %broadcast_in_dim3A_1072 = vector.broadcast %broadcast_in_dim3A_1071 : f32 to vector<16xf32>
      %broadcast_in_dim3A_1073 = arith.constant 0.000000e+00 : f32
      %broadcast_in_dim3A_1074 = vector.broadcast %broadcast_in_dim3A_1073 : f32 to vector<16xf32>
      %broadcast_in_dim3A_1075 = arith.constant 0.000000e+00 : f32
      %broadcast_in_dim3A_1076 = vector.broadcast %broadcast_in_dim3A_1075 : f32 to vector<16xf32>
      %broadcast_in_dim3A_1077 = arith.constant 0.000000e+00 : f32
      %broadcast_in_dim3A_1078 = vector.broadcast %broadcast_in_dim3A_1077 : f32 to vector<16xf32>
      %broadcast_in_dim3A_1079 = arith.constant 0.000000e+00 : f32
      %broadcast_in_dim3A_1080 = vector.broadcast %broadcast_in_dim3A_1079 : f32 to vector<16xf32>
      %broadcast_in_dim3A_1081 = arith.constant 0.000000e+00 : f32
      %broadcast_in_dim3A_1082 = vector.broadcast %broadcast_in_dim3A_1081 : f32 to vector<16xf32>
      %scan3A_1083 = arith.constant 0 : i32
      %scan3A_1084 = arith.constant 64 : i32
      %scan3A_1085 = arith.addi %scan3A_1083, %scan3A_1084 : i32
      %scan3A_1086 = arith.constant 1 : i32
      %scan3A_1087:8 = scf.for %scan3A_1344 = %scan3A_1083 to %scan3A_1085 step %scan3A_1086 iter_args(%scan3A_1345 = %broadcast_in_dim3A_1068, %scan3A_1346 = %broadcast_in_dim3A_1070, %scan3A_1347 = %broadcast_in_dim3A_1072, %scan3A_1348 = %broadcast_in_dim3A_1074, %scan3A_1349 = %broadcast_in_dim3A_1076, %scan3A_1350 = %broadcast_in_dim3A_1078, %scan3A_1351 = %broadcast_in_dim3A_1080, %scan3A_1352 = %broadcast_in_dim3A_1082) -> (vector<16xf32>, vector<16xf32>, vector<16xf32>, vector<16xf32>, vector<16xf32>, vector<16xf32>, vector<16xf32>, vector<16xf32>)  : i32 {
        %mul3A_1353 = arith.constant 128 : i32
        %mul3A_1354 = arith.muli %scan3A_1344, %mul3A_1353 : i32
        %add3A_1355 = arith.constant 0 : i32
        %add3A_1356 = arith.addi %mul3A_1354, %add3A_1355 : i32
        %multiple_of3A_1357 = tpu.assume_multiple %add3A_1356, 16 : i32
        %get3A_1358 = arith.constant 2 : i32
        %get3A_1359 = arith.constant 0 : i32
        %get3A_1360 = arith.index_cast %get3A_1358 : i32 to index
        %get3A_1361 = arith.index_cast %get3A_1359 : i32 to index
        %get3A_1362 = arith.index_cast %multiple_of3A_1357 : i32 to index
        %get3A_1363 = tpu.vector_load %arg10[%get3A_1360, %get3A_1361, %get3A_1362] {strides = array<i32>} : memref<4x2x8192xf32, #tpu.memory_space<vmem>>, vector<1x1x16xf32>,
        %get3A_1364 = vector.shape_cast %get3A_1363 : vector<1x1x16xf32> to vector<16xf32>
        %exp3A = math.exp %get3A_1364 : vector<16xf32>
        %add3A_1365 = arith.addf %scan3A_1345, %exp3A : vector<16xf32>
        %add3A_1366 = arith.constant 16 : i32
        %add3A_1367 = arith.addi %mul3A_1354, %add3A_1366 : i32
        %multiple_of3A_1368 = tpu.assume_multiple %add3A_1367, 16 : i32
        %get3A_1369 = arith.constant 2 : i32
        %get3A_1370 = arith.constant 0 : i32
        %get3A_1371 = arith.index_cast %get3A_1369 : i32 to index
        %get3A_1372 = arith.index_cast %get3A_1370 : i32 to index
        %get3A_1373 = arith.index_cast %multiple_of3A_1368 : i32 to index
        %get3A_1374 = tpu.vector_load %arg10[%get3A_1371, %get3A_1372, %get3A_1373] {strides = array<i32>} : memref<4x2x8192xf32, #tpu.memory_space<vmem>>, vector<1x1x16xf32>,
        %get3A_1375 = vector.shape_cast %get3A_1374 : vector<1x1x16xf32> to vector<16xf32>
        %exp3A_1376 = math.exp %get3A_1375 : vector<16xf32>
        %add3A_1377 = arith.addf %scan3A_1346, %exp3A_1376 : vector<16xf32>
        %add3A_1378 = arith.constant 32 : i32
        %add3A_1379 = arith.addi %mul3A_1354, %add3A_1378 : i32
        %multiple_of3A_1380 = tpu.assume_multiple %add3A_1379, 16 : i32
        %get3A_1381 = arith.constant 2 : i32
        %get3A_1382 = arith.constant 0 : i32
        %get3A_1383 = arith.index_cast %get3A_1381 : i32 to index
        %get3A_1384 = arith.index_cast %get3A_1382 : i32 to index
        %get3A_1385 = arith.index_cast %multiple_of3A_1380 : i32 to index
        %get3A_1386 = tpu.vector_load %arg10[%get3A_1383, %get3A_1384, %get3A_1385] {strides = array<i32>} : memref<4x2x8192xf32, #tpu.memory_space<vmem>>, vector<1x1x16xf32>,
        %get3A_1387 = vector.shape_cast %get3A_1386 : vector<1x1x16xf32> to vector<16xf32>
        %exp3A_1388 = math.exp %get3A_1387 : vector<16xf32>
        %add3A_1389 = arith.addf %scan3A_1347, %exp3A_1388 : vector<16xf32>
        %add3A_1390 = arith.constant 48 : i32
        %add3A_1391 = arith.addi %mul3A_1354, %add3A_1390 : i32
        %multiple_of3A_1392 = tpu.assume_multiple %add3A_1391, 16 : i32
        %get3A_1393 = arith.constant 2 : i32
        %get3A_1394 = arith.constant 0 : i32
        %get3A_1395 = arith.index_cast %get3A_1393 : i32 to index
        %get3A_1396 = arith.index_cast %get3A_1394 : i32 to index
        %get3A_1397 = arith.index_cast %multiple_of3A_1392 : i32 to index
        %get3A_1398 = tpu.vector_load %arg10[%get3A_1395, %get3A_1396, %get3A_1397] {strides = array<i32>} : memref<4x2x8192xf32, #tpu.memory_space<vmem>>, vector<1x1x16xf32>,
        %get3A_1399 = vector.shape_cast %get3A_1398 : vector<1x1x16xf32> to vector<16xf32>
        %exp3A_1400 = math.exp %get3A_1399 : vector<16xf32>
        %add3A_1401 = arith.addf %scan3A_1348, %exp3A_1400 : vector<16xf32>
        %add3A_1402 = arith.constant 64 : i32
        %add3A_1403 = arith.addi %mul3A_1354, %add3A_1402 : i32
        %multiple_of3A_1404 = tpu.assume_multiple %add3A_1403, 16 : i32
        %get3A_1405 = arith.constant 2 : i32
        %get3A_1406 = arith.constant 0 : i32
        %get3A_1407 = arith.index_cast %get3A_1405 : i32 to index
        %get3A_1408 = arith.index_cast %get3A_1406 : i32 to index
        %get3A_1409 = arith.index_cast %multiple_of3A_1404 : i32 to index
        %get3A_1410 = tpu.vector_load %arg10[%get3A_1407, %get3A_1408, %get3A_1409] {strides = array<i32>} : memref<4x2x8192xf32, #tpu.memory_space<vmem>>, vector<1x1x16xf32>,
        %get3A_1411 = vector.shape_cast %get3A_1410 : vector<1x1x16xf32> to vector<16xf32>
        %exp3A_1412 = math.exp %get3A_1411 : vector<16xf32>
        %add3A_1413 = arith.addf %scan3A_1349, %exp3A_1412 : vector<16xf32>
        %add3A_1414 = arith.constant 80 : i32
        %add3A_1415 = arith.addi %mul3A_1354, %add3A_1414 : i32
        %multiple_of3A_1416 = tpu.assume_multiple %add3A_1415, 16 : i32
        %get3A_1417 = arith.constant 2 : i32
        %get3A_1418 = arith.constant 0 : i32
        %get3A_1419 = arith.index_cast %get3A_1417 : i32 to index
        %get3A_1420 = arith.index_cast %get3A_1418 : i32 to index
        %get3A_1421 = arith.index_cast %multiple_of3A_1416 : i32 to index
        %get3A_1422 = tpu.vector_load %arg10[%get3A_1419, %get3A_1420, %get3A_1421] {strides = array<i32>} : memref<4x2x8192xf32, #tpu.memory_space<vmem>>, vector<1x1x16xf32>,
        %get3A_1423 = vector.shape_cast %get3A_1422 : vector<1x1x16xf32> to vector<16xf32>
        %exp3A_1424 = math.exp %get3A_1423 : vector<16xf32>
        %add3A_1425 = arith.addf %scan3A_1350, %exp3A_1424 : vector<16xf32>
        %add3A_1426 = arith.constant 96 : i32
        %add3A_1427 = arith.addi %mul3A_1354, %add3A_1426 : i32
        %multiple_of3A_1428 = tpu.assume_multiple %add3A_1427, 16 : i32
        %get3A_1429 = arith.constant 2 : i32
        %get3A_1430 = arith.constant 0 : i32
        %get3A_1431 = arith.index_cast %get3A_1429 : i32 to index
        %get3A_1432 = arith.index_cast %get3A_1430 : i32 to index
        %get3A_1433 = arith.index_cast %multiple_of3A_1428 : i32 to index
        %get3A_1434 = tpu.vector_load %arg10[%get3A_1431, %get3A_1432, %get3A_1433] {strides = array<i32>} : memref<4x2x8192xf32, #tpu.memory_space<vmem>>, vector<1x1x16xf32>,
        %get3A_1435 = vector.shape_cast %get3A_1434 : vector<1x1x16xf32> to vector<16xf32>
        %exp3A_1436 = math.exp %get3A_1435 : vector<16xf32>
        %add3A_1437 = arith.addf %scan3A_1351, %exp3A_1436 : vector<16xf32>
        %add3A_1438 = arith.constant 112 : i32
        %add3A_1439 = arith.addi %mul3A_1354, %add3A_1438 : i32
        %multiple_of3A_1440 = tpu.assume_multiple %add3A_1439, 16 : i32
        %get3A_1441 = arith.constant 2 : i32
        %get3A_1442 = arith.constant 0 : i32
        %get3A_1443 = arith.index_cast %get3A_1441 : i32 to index
        %get3A_1444 = arith.index_cast %get3A_1442 : i32 to index
        %get3A_1445 = arith.index_cast %multiple_of3A_1440 : i32 to index
        %get3A_1446 = tpu.vector_load %arg10[%get3A_1443, %get3A_1444, %get3A_1445] {strides = array<i32>} : memref<4x2x8192xf32, #tpu.memory_space<vmem>>, vector<1x1x16xf32>,
        %get3A_1447 = vector.shape_cast %get3A_1446 : vector<1x1x16xf32> to vector<16xf32>
        %exp3A_1448 = math.exp %get3A_1447 : vector<16xf32>
        %add3A_1449 = arith.addf %scan3A_1352, %exp3A_1448 : vector<16xf32>
        scf.yield %add3A_1365, %add3A_1377, %add3A_1389, %add3A_1401, %add3A_1413, %add3A_1425, %add3A_1437, %add3A_1449 : vector<16xf32>, vector<16xf32>, vector<16xf32>, vector<16xf32>, vector<16xf32>, vector<16xf32>, vector<16xf32>, vector<16xf32>
      }
      %scan3A_1088 = arith.constant 64 : i32
      %add3A_1089 = arith.addf %scan3A_1087#0, %scan3A_1087#1 : vector<16xf32>
      %add3A_1090 = arith.addf %add3A_1089, %scan3A_1087#2 : vector<16xf32>
      %add3A_1091 = arith.addf %add3A_1090, %scan3A_1087#3 : vector<16xf32>
      %add3A_1092 = arith.addf %add3A_1091, %scan3A_1087#4 : vector<16xf32>
      %add3A_1093 = arith.addf %add3A_1092, %scan3A_1087#5 : vector<16xf32>
      %add3A_1094 = arith.addf %add3A_1093, %scan3A_1087#6 : vector<16xf32>
      %add3A_1095 = arith.addf %add3A_1094, %scan3A_1087#7 : vector<16xf32>
      %mul3A_1096 = arith.constant 2 : i32
      %mul3A_1097 = arith.muli %add3A_1027, %mul3A_1096 : i32
      %add3A_1098 = arith.constant 0 : i32
      %add3A_1099 = arith.addi %mul3A_1097, %add3A_1098 : i32
      %swap3A_1100 = arith.index_cast %add3A_1099 : i32 to index
      %swap3A_1101 = arith.constant 0 : index
      %swap3A_1102 = tpu.vector_load %arg11[%swap3A_1100, %swap3A_1101] {strides = array<i32>} : memref<256x16xf32, #tpu.memory_space<vmem>>, vector<1x16xf32>,
      %swap3A_1103 = vector.shape_cast %swap3A_1102 : vector<1x16xf32> to vector<16xf32>
      %swap3A_1104 = vector.shape_cast %add3A_1095 : vector<16xf32> to vector<1x16xf32>
      tpu.vector_store %arg11[%swap3A_1100, %swap3A_1101], %swap3A_1104 {strides = array<i32>} : memref<256x16xf32, #tpu.memory_space<vmem>>, vector<1x16xf32>,
      %slice3A_1105 = vector.extract_strided_slice %get3A_65 {offsets = [12], sizes = [1], strides = [1]} : vector<16xi32> to vector<1xi32>
      %squeeze3A_1106 = vector.extract %slice3A_1105[0] : i32 from vector<1xi32>
      %and3A_1107 = arith.constant -16 : i32
      %and3A_1108 = arith.andi %squeeze3A_1106, %and3A_1107 : i32
      %multiple_of3A_1109 = tpu.assume_multiple %and3A_1108, 16 : i32
      %get3A_1110 = arith.constant 2 : i32
      %get3A_1111 = arith.constant 0 : i32
      %get3A_1112 = arith.index_cast %get3A_1110 : i32 to index
      %get3A_1113 = arith.index_cast %get3A_1111 : i32 to index
      %get3A_1114 = arith.index_cast %multiple_of3A_1109 : i32 to index
      %get3A_1115 = tpu.vector_load %arg10[%get3A_1112, %get3A_1113, %get3A_1114] {strides = array<i32>} : memref<4x2x8192xf32, #tpu.memory_space<vmem>>, vector<1x1x16xf32>,
      %get3A_1116 = vector.shape_cast %get3A_1115 : vector<1x1x16xf32> to vector<16xf32>
      %and3A_1117 = arith.constant 15 : i32
      %and3A_1118 = arith.andi %squeeze3A_1106, %and3A_1117 : i32
      %eq3A_1119 = vector.broadcast %and3A_1118 : i32 to vector<16xi32>
      %eq3A_1120 = arith.cmpi eq, %iota3A, %eq3A_1119 : vector<16xi32>
      %jit3A_1121 = arith.constant 0.000000e+00 : f32
      %broadcast_in_dim3A_1122 = vector.broadcast %jit3A_1121 : f32 to vector<16xf32>
      %select_n3A_1123 = arith.select %eq3A_1120, %get3A_1116, %broadcast_in_dim3A_1122 : vector<16xi1>, vector<16xf32>
      %add3A_1124 = arith.addf %add3A_1021, %select_n3A_1123 : vector<16xf32>
      %broadcast_in_dim3A_1125 = arith.constant 0.000000e+00 : f32
      %broadcast_in_dim3A_1126 = vector.broadcast %broadcast_in_dim3A_1125 : f32 to vector<16xf32>
      %broadcast_in_dim3A_1127 = arith.constant 0.000000e+00 : f32
      %broadcast_in_dim3A_1128 = vector.broadcast %broadcast_in_dim3A_1127 : f32 to vector<16xf32>
      %broadcast_in_dim3A_1129 = arith.constant 0.000000e+00 : f32
      %broadcast_in_dim3A_1130 = vector.broadcast %broadcast_in_dim3A_1129 : f32 to vector<16xf32>
      %broadcast_in_dim3A_1131 = arith.constant 0.000000e+00 : f32
      %broadcast_in_dim3A_1132 = vector.broadcast %broadcast_in_dim3A_1131 : f32 to vector<16xf32>
      %broadcast_in_dim3A_1133 = arith.constant 0.000000e+00 : f32
      %broadcast_in_dim3A_1134 = vector.broadcast %broadcast_in_dim3A_1133 : f32 to vector<16xf32>
      %broadcast_in_dim3A_1135 = arith.constant 0.000000e+00 : f32
      %broadcast_in_dim3A_1136 = vector.broadcast %broadcast_in_dim3A_1135 : f32 to vector<16xf32>
      %broadcast_in_dim3A_1137 = arith.constant 0.000000e+00 : f32
      %broadcast_in_dim3A_1138 = vector.broadcast %broadcast_in_dim3A_1137 : f32 to vector<16xf32>
      %broadcast_in_dim3A_1139 = arith.constant 0.000000e+00 : f32
      %broadcast_in_dim3A_1140 = vector.broadcast %broadcast_in_dim3A_1139 : f32 to vector<16xf32>
      %scan3A_1141 = arith.constant 0 : i32
      %scan3A_1142 = arith.constant 64 : i32
      %scan3A_1143 = arith.addi %scan3A_1141, %scan3A_1142 : i32
      %scan3A_1144 = arith.constant 1 : i32
      %scan3A_1145:8 = scf.for %scan3A_1344 = %scan3A_1141 to %scan3A_1143 step %scan3A_1144 iter_args(%scan3A_1345 = %broadcast_in_dim3A_1126, %scan3A_1346 = %broadcast_in_dim3A_1128, %scan3A_1347 = %broadcast_in_dim3A_1130, %scan3A_1348 = %broadcast_in_dim3A_1132, %scan3A_1349 = %broadcast_in_dim3A_1134, %scan3A_1350 = %broadcast_in_dim3A_1136, %scan3A_1351 = %broadcast_in_dim3A_1138, %scan3A_1352 = %broadcast_in_dim3A_1140) -> (vector<16xf32>, vector<16xf32>, vector<16xf32>, vector<16xf32>, vector<16xf32>, vector<16xf32>, vector<16xf32>, vector<16xf32>)  : i32 {
        %mul3A_1353 = arith.constant 128 : i32
        %mul3A_1354 = arith.muli %scan3A_1344, %mul3A_1353 : i32
        %add3A_1355 = arith.constant 0 : i32
        %add3A_1356 = arith.addi %mul3A_1354, %add3A_1355 : i32
        %multiple_of3A_1357 = tpu.assume_multiple %add3A_1356, 16 : i32
        %get3A_1358 = arith.constant 2 : i32
        %get3A_1359 = arith.constant 1 : i32
        %get3A_1360 = arith.index_cast %get3A_1358 : i32 to index
        %get3A_1361 = arith.index_cast %get3A_1359 : i32 to index
        %get3A_1362 = arith.index_cast %multiple_of3A_1357 : i32 to index
        %get3A_1363 = tpu.vector_load %arg10[%get3A_1360, %get3A_1361, %get3A_1362] {strides = array<i32>} : memref<4x2x8192xf32, #tpu.memory_space<vmem>>, vector<1x1x16xf32>,
        %get3A_1364 = vector.shape_cast %get3A_1363 : vector<1x1x16xf32> to vector<16xf32>
        %exp3A = math.exp %get3A_1364 : vector<16xf32>
        %add3A_1365 = arith.addf %scan3A_1345, %exp3A : vector<16xf32>
        %add3A_1366 = arith.constant 16 : i32
        %add3A_1367 = arith.addi %mul3A_1354, %add3A_1366 : i32
        %multiple_of3A_1368 = tpu.assume_multiple %add3A_1367, 16 : i32
        %get3A_1369 = arith.constant 2 : i32
        %get3A_1370 = arith.constant 1 : i32
        %get3A_1371 = arith.index_cast %get3A_1369 : i32 to index
        %get3A_1372 = arith.index_cast %get3A_1370 : i32 to index
        %get3A_1373 = arith.index_cast %multiple_of3A_1368 : i32 to index
        %get3A_1374 = tpu.vector_load %arg10[%get3A_1371, %get3A_1372, %get3A_1373] {strides = array<i32>} : memref<4x2x8192xf32, #tpu.memory_space<vmem>>, vector<1x1x16xf32>,
        %get3A_1375 = vector.shape_cast %get3A_1374 : vector<1x1x16xf32> to vector<16xf32>
        %exp3A_1376 = math.exp %get3A_1375 : vector<16xf32>
        %add3A_1377 = arith.addf %scan3A_1346, %exp3A_1376 : vector<16xf32>
        %add3A_1378 = arith.constant 32 : i32
        %add3A_1379 = arith.addi %mul3A_1354, %add3A_1378 : i32
        %multiple_of3A_1380 = tpu.assume_multiple %add3A_1379, 16 : i32
        %get3A_1381 = arith.constant 2 : i32
        %get3A_1382 = arith.constant 1 : i32
        %get3A_1383 = arith.index_cast %get3A_1381 : i32 to index
        %get3A_1384 = arith.index_cast %get3A_1382 : i32 to index
        %get3A_1385 = arith.index_cast %multiple_of3A_1380 : i32 to index
        %get3A_1386 = tpu.vector_load %arg10[%get3A_1383, %get3A_1384, %get3A_1385] {strides = array<i32>} : memref<4x2x8192xf32, #tpu.memory_space<vmem>>, vector<1x1x16xf32>,
        %get3A_1387 = vector.shape_cast %get3A_1386 : vector<1x1x16xf32> to vector<16xf32>
        %exp3A_1388 = math.exp %get3A_1387 : vector<16xf32>
        %add3A_1389 = arith.addf %scan3A_1347, %exp3A_1388 : vector<16xf32>
        %add3A_1390 = arith.constant 48 : i32
        %add3A_1391 = arith.addi %mul3A_1354, %add3A_1390 : i32
        %multiple_of3A_1392 = tpu.assume_multiple %add3A_1391, 16 : i32
        %get3A_1393 = arith.constant 2 : i32
        %get3A_1394 = arith.constant 1 : i32
        %get3A_1395 = arith.index_cast %get3A_1393 : i32 to index
        %get3A_1396 = arith.index_cast %get3A_1394 : i32 to index
        %get3A_1397 = arith.index_cast %multiple_of3A_1392 : i32 to index
        %get3A_1398 = tpu.vector_load %arg10[%get3A_1395, %get3A_1396, %get3A_1397] {strides = array<i32>} : memref<4x2x8192xf32, #tpu.memory_space<vmem>>, vector<1x1x16xf32>,
        %get3A_1399 = vector.shape_cast %get3A_1398 : vector<1x1x16xf32> to vector<16xf32>
        %exp3A_1400 = math.exp %get3A_1399 : vector<16xf32>
        %add3A_1401 = arith.addf %scan3A_1348, %exp3A_1400 : vector<16xf32>
        %add3A_1402 = arith.constant 64 : i32
        %add3A_1403 = arith.addi %mul3A_1354, %add3A_1402 : i32
        %multiple_of3A_1404 = tpu.assume_multiple %add3A_1403, 16 : i32
        %get3A_1405 = arith.constant 2 : i32
        %get3A_1406 = arith.constant 1 : i32
        %get3A_1407 = arith.index_cast %get3A_1405 : i32 to index
        %get3A_1408 = arith.index_cast %get3A_1406 : i32 to index
        %get3A_1409 = arith.index_cast %multiple_of3A_1404 : i32 to index
        %get3A_1410 = tpu.vector_load %arg10[%get3A_1407, %get3A_1408, %get3A_1409] {strides = array<i32>} : memref<4x2x8192xf32, #tpu.memory_space<vmem>>, vector<1x1x16xf32>,
        %get3A_1411 = vector.shape_cast %get3A_1410 : vector<1x1x16xf32> to vector<16xf32>
        %exp3A_1412 = math.exp %get3A_1411 : vector<16xf32>
        %add3A_1413 = arith.addf %scan3A_1349, %exp3A_1412 : vector<16xf32>
        %add3A_1414 = arith.constant 80 : i32
        %add3A_1415 = arith.addi %mul3A_1354, %add3A_1414 : i32
        %multiple_of3A_1416 = tpu.assume_multiple %add3A_1415, 16 : i32
        %get3A_1417 = arith.constant 2 : i32
        %get3A_1418 = arith.constant 1 : i32
        %get3A_1419 = arith.index_cast %get3A_1417 : i32 to index
        %get3A_1420 = arith.index_cast %get3A_1418 : i32 to index
        %get3A_1421 = arith.index_cast %multiple_of3A_1416 : i32 to index
        %get3A_1422 = tpu.vector_load %arg10[%get3A_1419, %get3A_1420, %get3A_1421] {strides = array<i32>} : memref<4x2x8192xf32, #tpu.memory_space<vmem>>, vector<1x1x16xf32>,
        %get3A_1423 = vector.shape_cast %get3A_1422 : vector<1x1x16xf32> to vector<16xf32>
        %exp3A_1424 = math.exp %get3A_1423 : vector<16xf32>
        %add3A_1425 = arith.addf %scan3A_1350, %exp3A_1424 : vector<16xf32>
        %add3A_1426 = arith.constant 96 : i32
        %add3A_1427 = arith.addi %mul3A_1354, %add3A_1426 : i32
        %multiple_of3A_1428 = tpu.assume_multiple %add3A_1427, 16 : i32
        %get3A_1429 = arith.constant 2 : i32
        %get3A_1430 = arith.constant 1 : i32
        %get3A_1431 = arith.index_cast %get3A_1429 : i32 to index
        %get3A_1432 = arith.index_cast %get3A_1430 : i32 to index
        %get3A_1433 = arith.index_cast %multiple_of3A_1428 : i32 to index
        %get3A_1434 = tpu.vector_load %arg10[%get3A_1431, %get3A_1432, %get3A_1433] {strides = array<i32>} : memref<4x2x8192xf32, #tpu.memory_space<vmem>>, vector<1x1x16xf32>,
        %get3A_1435 = vector.shape_cast %get3A_1434 : vector<1x1x16xf32> to vector<16xf32>
        %exp3A_1436 = math.exp %get3A_1435 : vector<16xf32>
        %add3A_1437 = arith.addf %scan3A_1351, %exp3A_1436 : vector<16xf32>
        %add3A_1438 = arith.constant 112 : i32
        %add3A_1439 = arith.addi %mul3A_1354, %add3A_1438 : i32
        %multiple_of3A_1440 = tpu.assume_multiple %add3A_1439, 16 : i32
        %get3A_1441 = arith.constant 2 : i32
        %get3A_1442 = arith.constant 1 : i32
        %get3A_1443 = arith.index_cast %get3A_1441 : i32 to index
        %get3A_1444 = arith.index_cast %get3A_1442 : i32 to index
        %get3A_1445 = arith.index_cast %multiple_of3A_1440 : i32 to index
        %get3A_1446 = tpu.vector_load %arg10[%get3A_1443, %get3A_1444, %get3A_1445] {strides = array<i32>} : memref<4x2x8192xf32, #tpu.memory_space<vmem>>, vector<1x1x16xf32>,
        %get3A_1447 = vector.shape_cast %get3A_1446 : vector<1x1x16xf32> to vector<16xf32>
        %exp3A_1448 = math.exp %get3A_1447 : vector<16xf32>
        %add3A_1449 = arith.addf %scan3A_1352, %exp3A_1448 : vector<16xf32>
        scf.yield %add3A_1365, %add3A_1377, %add3A_1389, %add3A_1401, %add3A_1413, %add3A_1425, %add3A_1437, %add3A_1449 : vector<16xf32>, vector<16xf32>, vector<16xf32>, vector<16xf32>, vector<16xf32>, vector<16xf32>, vector<16xf32>, vector<16xf32>
      }
      %scan3A_1146 = arith.constant 64 : i32
      %add3A_1147 = arith.addf %scan3A_1145#0, %scan3A_1145#1 : vector<16xf32>
      %add3A_1148 = arith.addf %add3A_1147, %scan3A_1145#2 : vector<16xf32>
      %add3A_1149 = arith.addf %add3A_1148, %scan3A_1145#3 : vector<16xf32>
      %add3A_1150 = arith.addf %add3A_1149, %scan3A_1145#4 : vector<16xf32>
      %add3A_1151 = arith.addf %add3A_1150, %scan3A_1145#5 : vector<16xf32>
      %add3A_1152 = arith.addf %add3A_1151, %scan3A_1145#6 : vector<16xf32>
      %add3A_1153 = arith.addf %add3A_1152, %scan3A_1145#7 : vector<16xf32>
      %mul3A_1154 = arith.constant 2 : i32
      %mul3A_1155 = arith.muli %add3A_1027, %mul3A_1154 : i32
      %add3A_1156 = arith.constant 1 : i32
      %add3A_1157 = arith.addi %mul3A_1155, %add3A_1156 : i32
      %swap3A_1158 = arith.index_cast %add3A_1157 : i32 to index
      %swap3A_1159 = arith.constant 0 : index
      %swap3A_1160 = tpu.vector_load %arg11[%swap3A_1158, %swap3A_1159] {strides = array<i32>} : memref<256x16xf32, #tpu.memory_space<vmem>>, vector<1x16xf32>,
      %swap3A_1161 = vector.shape_cast %swap3A_1160 : vector<1x16xf32> to vector<16xf32>
      %swap3A_1162 = vector.shape_cast %add3A_1153 : vector<16xf32> to vector<1x16xf32>
      tpu.vector_store %arg11[%swap3A_1158, %swap3A_1159], %swap3A_1162 {strides = array<i32>} : memref<256x16xf32, #tpu.memory_space<vmem>>, vector<1x16xf32>,
      %slice3A_1163 = vector.extract_strided_slice %get3A_65 {offsets = [13], sizes = [1], strides = [1]} : vector<16xi32> to vector<1xi32>
      %squeeze3A_1164 = vector.extract %slice3A_1163[0] : i32 from vector<1xi32>
      %and3A_1165 = arith.constant -16 : i32
      %and3A_1166 = arith.andi %squeeze3A_1164, %and3A_1165 : i32
      %multiple_of3A_1167 = tpu.assume_multiple %and3A_1166, 16 : i32
      %get3A_1168 = arith.constant 2 : i32
      %get3A_1169 = arith.constant 1 : i32
      %get3A_1170 = arith.index_cast %get3A_1168 : i32 to index
      %get3A_1171 = arith.index_cast %get3A_1169 : i32 to index
      %get3A_1172 = arith.index_cast %multiple_of3A_1167 : i32 to index
      %get3A_1173 = tpu.vector_load %arg10[%get3A_1170, %get3A_1171, %get3A_1172] {strides = array<i32>} : memref<4x2x8192xf32, #tpu.memory_space<vmem>>, vector<1x1x16xf32>,
      %get3A_1174 = vector.shape_cast %get3A_1173 : vector<1x1x16xf32> to vector<16xf32>
      %and3A_1175 = arith.constant 15 : i32
      %and3A_1176 = arith.andi %squeeze3A_1164, %and3A_1175 : i32
      %eq3A_1177 = vector.broadcast %and3A_1176 : i32 to vector<16xi32>
      %eq3A_1178 = arith.cmpi eq, %iota3A, %eq3A_1177 : vector<16xi32>
      %jit3A_1179 = arith.constant 0.000000e+00 : f32
      %broadcast_in_dim3A_1180 = vector.broadcast %jit3A_1179 : f32 to vector<16xf32>
      %select_n3A_1181 = arith.select %eq3A_1178, %get3A_1174, %broadcast_in_dim3A_1180 : vector<16xi1>, vector<16xf32>
      %add3A_1182 = arith.addf %add3A_1124, %select_n3A_1181 : vector<16xf32>
      %mul3A_1183 = arith.constant 2 : i32
      %mul3A_1184 = arith.muli %scan3A_60, %mul3A_1183 : i32
      %mul3A_1185 = arith.constant 4 : i32
      %mul3A_1186 = arith.muli %mul3A_1184, %mul3A_1185 : i32
      %add3A_1187 = arith.constant 7 : i32
      %add3A_1188 = arith.addi %mul3A_1186, %add3A_1187 : i32
      %ge3A_1189 = arith.constant 2 : i32
      %ge3A_1190 = arith.cmpi sge, %add3A_1188, %ge3A_1189 : i32
      %convert_element_type3A_1191 = arith.extui %ge3A_1190 : i1 to i32
      %cond3A_1192 = arith.constant 0 : i32
      %cond3A_1193 = arith.cmpi ne, %convert_element_type3A_1191, %cond3A_1192 : i32
      scf.if %cond3A_1193 {
        %dma_wait3A_1344 = arith.constant 1 : i32
        %dma_wait3A_1345 = arith.constant 0 : i32
        %dma_wait3A_1346 = arith.constant 0 : i32
        %dma_wait3A_1347 = tpu.memref_slice %arg10[%dma_wait3A_1344, %dma_wait3A_1345, %dma_wait3A_1346] : memref<4x2x8192xf32, #tpu.memory_space<vmem>> -> memref<1x2x8192xf32, #tpu.memory_space<vmem>>
        %dma_wait3A_1348 = tpu.memref_squeeze %dma_wait3A_1347 : memref<1x2x8192xf32, #tpu.memory_space<vmem>> -> memref<2x8192xf32, #tpu.memory_space<vmem>>
        %dma_wait3A_1349 = arith.constant 0 : i32
        %dma_wait3A_1350 = tpu.memref_slice %arg5[%mul3A_2, %dma_wait3A_1349] : memref<8192x8192xf32, #tpu.memory_space<hbm>> -> memref<2x8192xf32, #tpu.memory_space<hbm>>
        %dma_wait3A_1351 = arith.constant 0 : i32
        %dma_wait3A_1352 = tpu.memref_slice %arg5[%mul3A_2, %dma_wait3A_1351] : memref<8192x8192xf32, #tpu.memory_space<hbm>> -> memref<2x8192xf32, #tpu.memory_space<hbm>>
        %dma_wait3A_1353 = arith.constant 0 : i32
        %dma_wait3A_1354 = arith.constant 0 : i32
        %dma_wait3A_1355 = tpu.memref_slice %arg10[%dma_wait3A_1344, %dma_wait3A_1353, %dma_wait3A_1354] : memref<4x2x8192xf32, #tpu.memory_space<vmem>> -> memref<1x2x8192xf32, #tpu.memory_space<vmem>>
        %dma_wait3A_1356 = tpu.memref_squeeze %dma_wait3A_1355 : memref<1x2x8192xf32, #tpu.memory_space<vmem>> -> memref<2x8192xf32, #tpu.memory_space<vmem>>
        tpu.wait_dma2 semaphore(%arg18 : memref<!tpu.dma_semaphore, #tpu.memory_space<semaphore_mem>>) src(%dma_wait3A_1356 : memref<2x8192xf32, #tpu.memory_space<vmem>>) dst(%dma_wait3A_1352 : memref<2x8192xf32, #tpu.memory_space<hbm>>)
      } else {
      }
      %add3A_1194 = arith.constant 2 : i32
      %add3A_1195 = arith.addi %add3A_1188, %add3A_1194 : i32
      %lt3A_1196 = arith.constant 128 : i32
      %lt3A_1197 = arith.cmpi slt, %add3A_1195, %lt3A_1196 : i32
      %convert_element_type3A_1198 = arith.extui %lt3A_1197 : i1 to i32
      %cond3A_1199 = arith.constant 0 : i32
      %cond3A_1200 = arith.cmpi ne, %convert_element_type3A_1198, %cond3A_1199 : i32
      scf.if %cond3A_1200 {
        %add3A_1344 = arith.constant 2 : i32
        %add3A_1345 = arith.addi %add3A_1188, %add3A_1344 : i32
        %dma_start3A_1346 = arith.constant 1 : i32
        %dma_start3A_1347 = arith.constant 0 : i32
        %dma_start3A_1348 = arith.constant 0 : i32
        %dma_start3A_1349 = tpu.memref_slice %arg10[%dma_start3A_1346, %dma_start3A_1347, %dma_start3A_1348] : memref<4x2x8192xf32, #tpu.memory_space<vmem>> -> memref<1x2x8192xf32, #tpu.memory_space<vmem>>
        %dma_start3A_1350 = tpu.memref_squeeze %dma_start3A_1349 : memref<1x2x8192xf32, #tpu.memory_space<vmem>> -> memref<2x8192xf32, #tpu.memory_space<vmem>>
        %dma_start3A_1351 = arith.constant 0 : i32
        %dma_start3A_1352 = tpu.memref_slice %arg8[%add3A_1345, %dma_start3A_1351] : memref<128x2xi32, #tpu.memory_space<vmem>> -> memref<1x2xi32, #tpu.memory_space<vmem>>
        %dma_start3A_1353 = tpu.memref_squeeze %dma_start3A_1352 : memref<1x2xi32, #tpu.memory_space<vmem>> -> memref<2xi32, #tpu.memory_space<vmem>>
        %dma_start3A_1354 = arith.constant 0 : i32
        %dma_start3A_1355 = arith.constant 0 : i32
        %dma_start3A_1356 = tpu.memref_slice %arg4[%dma_start3A_1354, %dma_start3A_1355] : memref<8192x8192xf32, #tpu.memory_space<hbm>> -> memref<8192x8192xf32, #tpu.memory_space<hbm>>
        tpu.enqueue_indirect_dma source(%dma_start3A_1356 : memref<8192x8192xf32, #tpu.memory_space<hbm>>) target(%dma_start3A_1350 : memref<2x8192xf32, #tpu.memory_space<vmem>>) offsets(%dma_start3A_1353 : memref<2xi32, #tpu.memory_space<vmem>>) semaphore(%arg14 : memref<!tpu.dma_semaphore, #tpu.memory_space<semaphore_mem>>)
      } else {
      }
      %dma_wait3A_1201 = arith.constant 3 : i32
      %dma_wait3A_1202 = arith.constant 0 : i32
      %dma_wait3A_1203 = arith.constant 0 : i32
      %dma_wait3A_1204 = tpu.memref_slice %arg10[%dma_wait3A_1201, %dma_wait3A_1202, %dma_wait3A_1203] : memref<4x2x8192xf32, #tpu.memory_space<vmem>> -> memref<1x2x8192xf32, #tpu.memory_space<vmem>>
      %dma_wait3A_1205 = tpu.memref_squeeze %dma_wait3A_1204 : memref<1x2x8192xf32, #tpu.memory_space<vmem>> -> memref<2x8192xf32, #tpu.memory_space<vmem>>
      %dma_wait3A_1206 = arith.constant 0 : i32
      %dma_wait3A_1207 = tpu.memref_slice %arg8[%add3A_1188, %dma_wait3A_1206] : memref<128x2xi32, #tpu.memory_space<vmem>> -> memref<1x2xi32, #tpu.memory_space<vmem>>
      %dma_wait3A_1208 = tpu.memref_squeeze %dma_wait3A_1207 : memref<1x2xi32, #tpu.memory_space<vmem>> -> memref<2xi32, #tpu.memory_space<vmem>>
      %dma_wait3A_1209 = arith.constant 0 : i32
      %dma_wait3A_1210 = arith.constant 0 : i32
      %dma_wait3A_1211 = tpu.memref_slice %arg4[%dma_wait3A_1209, %dma_wait3A_1210] : memref<8192x8192xf32, #tpu.memory_space<hbm>> -> memref<8192x8192xf32, #tpu.memory_space<hbm>>
      tpu.wait_indirect_dma semaphore(%arg16 : memref<!tpu.dma_semaphore, #tpu.memory_space<semaphore_mem>>) src(%dma_wait3A_1211 : memref<8192x8192xf32, #tpu.memory_space<hbm>>) dst(%dma_wait3A_1205 : memref<2x8192xf32, #tpu.memory_space<vmem>>)
      %mul3A_1212 = arith.constant 2 : i32
      %mul3A_1213 = arith.muli %add3A_1188, %mul3A_1212 : i32
      %add3A_1214 = arith.addi %mul3A_2, %mul3A_1213 : i32
      %dma_start3A_1215 = arith.constant 3 : i32
      %dma_start3A_1216 = arith.constant 0 : i32
      %dma_start3A_1217 = arith.constant 0 : i32
      %dma_start3A_1218 = tpu.memref_slice %arg10[%dma_start3A_1215, %dma_start3A_1216, %dma_start3A_1217] : memref<4x2x8192xf32, #tpu.memory_space<vmem>> -> memref<1x2x8192xf32, #tpu.memory_space<vmem>>
      %dma_start3A_1219 = tpu.memref_squeeze %dma_start3A_1218 : memref<1x2x8192xf32, #tpu.memory_space<vmem>> -> memref<2x8192xf32, #tpu.memory_space<vmem>>
      %dma_start3A_1220 = arith.constant 0 : i32
      %dma_start3A_1221 = tpu.memref_slice %arg5[%add3A_1214, %dma_start3A_1220] : memref<8192x8192xf32, #tpu.memory_space<hbm>> -> memref<2x8192xf32, #tpu.memory_space<hbm>>
      %dma_start3A_1222 = arith.constant 0 : i32
      %dma_start3A_1223 = tpu.memref_slice %arg5[%add3A_1214, %dma_start3A_1222] : memref<8192x8192xf32, #tpu.memory_space<hbm>> -> memref<2x8192xf32, #tpu.memory_space<hbm>>
      %dma_start3A_1224 = arith.constant 0 : i32
      %dma_start3A_1225 = arith.constant 0 : i32
      %dma_start3A_1226 = tpu.memref_slice %arg10[%dma_start3A_1215, %dma_start3A_1224, %dma_start3A_1225] : memref<4x2x8192xf32, #tpu.memory_space<vmem>> -> memref<1x2x8192xf32, #tpu.memory_space<vmem>>
      %dma_start3A_1227 = tpu.memref_squeeze %dma_start3A_1226 : memref<1x2x8192xf32, #tpu.memory_space<vmem>> -> memref<2x8192xf32, #tpu.memory_space<vmem>>
      tpu.enqueue_dma source(%dma_start3A_1227 : memref<2x8192xf32, #tpu.memory_space<vmem>>) target(%dma_start3A_1223 : memref<2x8192xf32, #tpu.memory_space<hbm>>) target_semaphore(%arg20 : memref<!tpu.dma_semaphore, #tpu.memory_space<semaphore_mem>>)
      %broadcast_in_dim3A_1228 = arith.constant 0.000000e+00 : f32
      %broadcast_in_dim3A_1229 = vector.broadcast %broadcast_in_dim3A_1228 : f32 to vector<16xf32>
      %broadcast_in_dim3A_1230 = arith.constant 0.000000e+00 : f32
      %broadcast_in_dim3A_1231 = vector.broadcast %broadcast_in_dim3A_1230 : f32 to vector<16xf32>
      %broadcast_in_dim3A_1232 = arith.constant 0.000000e+00 : f32
      %broadcast_in_dim3A_1233 = vector.broadcast %broadcast_in_dim3A_1232 : f32 to vector<16xf32>
      %broadcast_in_dim3A_1234 = arith.constant 0.000000e+00 : f32
      %broadcast_in_dim3A_1235 = vector.broadcast %broadcast_in_dim3A_1234 : f32 to vector<16xf32>
      %broadcast_in_dim3A_1236 = arith.constant 0.000000e+00 : f32
      %broadcast_in_dim3A_1237 = vector.broadcast %broadcast_in_dim3A_1236 : f32 to vector<16xf32>
      %broadcast_in_dim3A_1238 = arith.constant 0.000000e+00 : f32
      %broadcast_in_dim3A_1239 = vector.broadcast %broadcast_in_dim3A_1238 : f32 to vector<16xf32>
      %broadcast_in_dim3A_1240 = arith.constant 0.000000e+00 : f32
      %broadcast_in_dim3A_1241 = vector.broadcast %broadcast_in_dim3A_1240 : f32 to vector<16xf32>
      %broadcast_in_dim3A_1242 = arith.constant 0.000000e+00 : f32
      %broadcast_in_dim3A_1243 = vector.broadcast %broadcast_in_dim3A_1242 : f32 to vector<16xf32>
      %scan3A_1244 = arith.constant 0 : i32
      %scan3A_1245 = arith.constant 64 : i32
      %scan3A_1246 = arith.addi %scan3A_1244, %scan3A_1245 : i32
      %scan3A_1247 = arith.constant 1 : i32
      %scan3A_1248:8 = scf.for %scan3A_1344 = %scan3A_1244 to %scan3A_1246 step %scan3A_1247 iter_args(%scan3A_1345 = %broadcast_in_dim3A_1229, %scan3A_1346 = %broadcast_in_dim3A_1231, %scan3A_1347 = %broadcast_in_dim3A_1233, %scan3A_1348 = %broadcast_in_dim3A_1235, %scan3A_1349 = %broadcast_in_dim3A_1237, %scan3A_1350 = %broadcast_in_dim3A_1239, %scan3A_1351 = %broadcast_in_dim3A_1241, %scan3A_1352 = %broadcast_in_dim3A_1243) -> (vector<16xf32>, vector<16xf32>, vector<16xf32>, vector<16xf32>, vector<16xf32>, vector<16xf32>, vector<16xf32>, vector<16xf32>)  : i32 {
        %mul3A_1353 = arith.constant 128 : i32
        %mul3A_1354 = arith.muli %scan3A_1344, %mul3A_1353 : i32
        %add3A_1355 = arith.constant 0 : i32
        %add3A_1356 = arith.addi %mul3A_1354, %add3A_1355 : i32
        %multiple_of3A_1357 = tpu.assume_multiple %add3A_1356, 16 : i32
        %get3A_1358 = arith.constant 3 : i32
        %get3A_1359 = arith.constant 0 : i32
        %get3A_1360 = arith.index_cast %get3A_1358 : i32 to index
        %get3A_1361 = arith.index_cast %get3A_1359 : i32 to index
        %get3A_1362 = arith.index_cast %multiple_of3A_1357 : i32 to index
        %get3A_1363 = tpu.vector_load %arg10[%get3A_1360, %get3A_1361, %get3A_1362] {strides = array<i32>} : memref<4x2x8192xf32, #tpu.memory_space<vmem>>, vector<1x1x16xf32>,
        %get3A_1364 = vector.shape_cast %get3A_1363 : vector<1x1x16xf32> to vector<16xf32>
        %exp3A = math.exp %get3A_1364 : vector<16xf32>
        %add3A_1365 = arith.addf %scan3A_1345, %exp3A : vector<16xf32>
        %add3A_1366 = arith.constant 16 : i32
        %add3A_1367 = arith.addi %mul3A_1354, %add3A_1366 : i32
        %multiple_of3A_1368 = tpu.assume_multiple %add3A_1367, 16 : i32
        %get3A_1369 = arith.constant 3 : i32
        %get3A_1370 = arith.constant 0 : i32
        %get3A_1371 = arith.index_cast %get3A_1369 : i32 to index
        %get3A_1372 = arith.index_cast %get3A_1370 : i32 to index
        %get3A_1373 = arith.index_cast %multiple_of3A_1368 : i32 to index
        %get3A_1374 = tpu.vector_load %arg10[%get3A_1371, %get3A_1372, %get3A_1373] {strides = array<i32>} : memref<4x2x8192xf32, #tpu.memory_space<vmem>>, vector<1x1x16xf32>,
        %get3A_1375 = vector.shape_cast %get3A_1374 : vector<1x1x16xf32> to vector<16xf32>
        %exp3A_1376 = math.exp %get3A_1375 : vector<16xf32>
        %add3A_1377 = arith.addf %scan3A_1346, %exp3A_1376 : vector<16xf32>
        %add3A_1378 = arith.constant 32 : i32
        %add3A_1379 = arith.addi %mul3A_1354, %add3A_1378 : i32
        %multiple_of3A_1380 = tpu.assume_multiple %add3A_1379, 16 : i32
        %get3A_1381 = arith.constant 3 : i32
        %get3A_1382 = arith.constant 0 : i32
        %get3A_1383 = arith.index_cast %get3A_1381 : i32 to index
        %get3A_1384 = arith.index_cast %get3A_1382 : i32 to index
        %get3A_1385 = arith.index_cast %multiple_of3A_1380 : i32 to index
        %get3A_1386 = tpu.vector_load %arg10[%get3A_1383, %get3A_1384, %get3A_1385] {strides = array<i32>} : memref<4x2x8192xf32, #tpu.memory_space<vmem>>, vector<1x1x16xf32>,
        %get3A_1387 = vector.shape_cast %get3A_1386 : vector<1x1x16xf32> to vector<16xf32>
        %exp3A_1388 = math.exp %get3A_1387 : vector<16xf32>
        %add3A_1389 = arith.addf %scan3A_1347, %exp3A_1388 : vector<16xf32>
        %add3A_1390 = arith.constant 48 : i32
        %add3A_1391 = arith.addi %mul3A_1354, %add3A_1390 : i32
        %multiple_of3A_1392 = tpu.assume_multiple %add3A_1391, 16 : i32
        %get3A_1393 = arith.constant 3 : i32
        %get3A_1394 = arith.constant 0 : i32
        %get3A_1395 = arith.index_cast %get3A_1393 : i32 to index
        %get3A_1396 = arith.index_cast %get3A_1394 : i32 to index
        %get3A_1397 = arith.index_cast %multiple_of3A_1392 : i32 to index
        %get3A_1398 = tpu.vector_load %arg10[%get3A_1395, %get3A_1396, %get3A_1397] {strides = array<i32>} : memref<4x2x8192xf32, #tpu.memory_space<vmem>>, vector<1x1x16xf32>,
        %get3A_1399 = vector.shape_cast %get3A_1398 : vector<1x1x16xf32> to vector<16xf32>
        %exp3A_1400 = math.exp %get3A_1399 : vector<16xf32>
        %add3A_1401 = arith.addf %scan3A_1348, %exp3A_1400 : vector<16xf32>
        %add3A_1402 = arith.constant 64 : i32
        %add3A_1403 = arith.addi %mul3A_1354, %add3A_1402 : i32
        %multiple_of3A_1404 = tpu.assume_multiple %add3A_1403, 16 : i32
        %get3A_1405 = arith.constant 3 : i32
        %get3A_1406 = arith.constant 0 : i32
        %get3A_1407 = arith.index_cast %get3A_1405 : i32 to index
        %get3A_1408 = arith.index_cast %get3A_1406 : i32 to index
        %get3A_1409 = arith.index_cast %multiple_of3A_1404 : i32 to index
        %get3A_1410 = tpu.vector_load %arg10[%get3A_1407, %get3A_1408, %get3A_1409] {strides = array<i32>} : memref<4x2x8192xf32, #tpu.memory_space<vmem>>, vector<1x1x16xf32>,
        %get3A_1411 = vector.shape_cast %get3A_1410 : vector<1x1x16xf32> to vector<16xf32>
        %exp3A_1412 = math.exp %get3A_1411 : vector<16xf32>
        %add3A_1413 = arith.addf %scan3A_1349, %exp3A_1412 : vector<16xf32>
        %add3A_1414 = arith.constant 80 : i32
        %add3A_1415 = arith.addi %mul3A_1354, %add3A_1414 : i32
        %multiple_of3A_1416 = tpu.assume_multiple %add3A_1415, 16 : i32
        %get3A_1417 = arith.constant 3 : i32
        %get3A_1418 = arith.constant 0 : i32
        %get3A_1419 = arith.index_cast %get3A_1417 : i32 to index
        %get3A_1420 = arith.index_cast %get3A_1418 : i32 to index
        %get3A_1421 = arith.index_cast %multiple_of3A_1416 : i32 to index
        %get3A_1422 = tpu.vector_load %arg10[%get3A_1419, %get3A_1420, %get3A_1421] {strides = array<i32>} : memref<4x2x8192xf32, #tpu.memory_space<vmem>>, vector<1x1x16xf32>,
        %get3A_1423 = vector.shape_cast %get3A_1422 : vector<1x1x16xf32> to vector<16xf32>
        %exp3A_1424 = math.exp %get3A_1423 : vector<16xf32>
        %add3A_1425 = arith.addf %scan3A_1350, %exp3A_1424 : vector<16xf32>
        %add3A_1426 = arith.constant 96 : i32
        %add3A_1427 = arith.addi %mul3A_1354, %add3A_1426 : i32
        %multiple_of3A_1428 = tpu.assume_multiple %add3A_1427, 16 : i32
        %get3A_1429 = arith.constant 3 : i32
        %get3A_1430 = arith.constant 0 : i32
        %get3A_1431 = arith.index_cast %get3A_1429 : i32 to index
        %get3A_1432 = arith.index_cast %get3A_1430 : i32 to index
        %get3A_1433 = arith.index_cast %multiple_of3A_1428 : i32 to index
        %get3A_1434 = tpu.vector_load %arg10[%get3A_1431, %get3A_1432, %get3A_1433] {strides = array<i32>} : memref<4x2x8192xf32, #tpu.memory_space<vmem>>, vector<1x1x16xf32>,
        %get3A_1435 = vector.shape_cast %get3A_1434 : vector<1x1x16xf32> to vector<16xf32>
        %exp3A_1436 = math.exp %get3A_1435 : vector<16xf32>
        %add3A_1437 = arith.addf %scan3A_1351, %exp3A_1436 : vector<16xf32>
        %add3A_1438 = arith.constant 112 : i32
        %add3A_1439 = arith.addi %mul3A_1354, %add3A_1438 : i32
        %multiple_of3A_1440 = tpu.assume_multiple %add3A_1439, 16 : i32
        %get3A_1441 = arith.constant 3 : i32
        %get3A_1442 = arith.constant 0 : i32
        %get3A_1443 = arith.index_cast %get3A_1441 : i32 to index
        %get3A_1444 = arith.index_cast %get3A_1442 : i32 to index
        %get3A_1445 = arith.index_cast %multiple_of3A_1440 : i32 to index
        %get3A_1446 = tpu.vector_load %arg10[%get3A_1443, %get3A_1444, %get3A_1445] {strides = array<i32>} : memref<4x2x8192xf32, #tpu.memory_space<vmem>>, vector<1x1x16xf32>,
        %get3A_1447 = vector.shape_cast %get3A_1446 : vector<1x1x16xf32> to vector<16xf32>
        %exp3A_1448 = math.exp %get3A_1447 : vector<16xf32>
        %add3A_1449 = arith.addf %scan3A_1352, %exp3A_1448 : vector<16xf32>
        scf.yield %add3A_1365, %add3A_1377, %add3A_1389, %add3A_1401, %add3A_1413, %add3A_1425, %add3A_1437, %add3A_1449 : vector<16xf32>, vector<16xf32>, vector<16xf32>, vector<16xf32>, vector<16xf32>, vector<16xf32>, vector<16xf32>, vector<16xf32>
      }
      %scan3A_1249 = arith.constant 64 : i32
      %add3A_1250 = arith.addf %scan3A_1248#0, %scan3A_1248#1 : vector<16xf32>
      %add3A_1251 = arith.addf %add3A_1250, %scan3A_1248#2 : vector<16xf32>
      %add3A_1252 = arith.addf %add3A_1251, %scan3A_1248#3 : vector<16xf32>
      %add3A_1253 = arith.addf %add3A_1252, %scan3A_1248#4 : vector<16xf32>
      %add3A_1254 = arith.addf %add3A_1253, %scan3A_1248#5 : vector<16xf32>
      %add3A_1255 = arith.addf %add3A_1254, %scan3A_1248#6 : vector<16xf32>
      %add3A_1256 = arith.addf %add3A_1255, %scan3A_1248#7 : vector<16xf32>
      %mul3A_1257 = arith.constant 2 : i32
      %mul3A_1258 = arith.muli %add3A_1188, %mul3A_1257 : i32
      %add3A_1259 = arith.constant 0 : i32
      %add3A_1260 = arith.addi %mul3A_1258, %add3A_1259 : i32
      %swap3A_1261 = arith.index_cast %add3A_1260 : i32 to index
      %swap3A_1262 = arith.constant 0 : index
      %swap3A_1263 = tpu.vector_load %arg11[%swap3A_1261, %swap3A_1262] {strides = array<i32>} : memref<256x16xf32, #tpu.memory_space<vmem>>, vector<1x16xf32>,
      %swap3A_1264 = vector.shape_cast %swap3A_1263 : vector<1x16xf32> to vector<16xf32>
      %swap3A_1265 = vector.shape_cast %add3A_1256 : vector<16xf32> to vector<1x16xf32>
      tpu.vector_store %arg11[%swap3A_1261, %swap3A_1262], %swap3A_1265 {strides = array<i32>} : memref<256x16xf32, #tpu.memory_space<vmem>>, vector<1x16xf32>,
      %slice3A_1266 = vector.extract_strided_slice %get3A_65 {offsets = [14], sizes = [1], strides = [1]} : vector<16xi32> to vector<1xi32>
      %squeeze3A_1267 = vector.extract %slice3A_1266[0] : i32 from vector<1xi32>
      %and3A_1268 = arith.constant -16 : i32
      %and3A_1269 = arith.andi %squeeze3A_1267, %and3A_1268 : i32
      %multiple_of3A_1270 = tpu.assume_multiple %and3A_1269, 16 : i32
      %get3A_1271 = arith.constant 3 : i32
      %get3A_1272 = arith.constant 0 : i32
      %get3A_1273 = arith.index_cast %get3A_1271 : i32 to index
      %get3A_1274 = arith.index_cast %get3A_1272 : i32 to index
      %get3A_1275 = arith.index_cast %multiple_of3A_1270 : i32 to index
      %get3A_1276 = tpu.vector_load %arg10[%get3A_1273, %get3A_1274, %get3A_1275] {strides = array<i32>} : memref<4x2x8192xf32, #tpu.memory_space<vmem>>, vector<1x1x16xf32>,
      %get3A_1277 = vector.shape_cast %get3A_1276 : vector<1x1x16xf32> to vector<16xf32>
      %and3A_1278 = arith.constant 15 : i32
      %and3A_1279 = arith.andi %squeeze3A_1267, %and3A_1278 : i32
      %eq3A_1280 = vector.broadcast %and3A_1279 : i32 to vector<16xi32>
      %eq3A_1281 = arith.cmpi eq, %iota3A, %eq3A_1280 : vector<16xi32>
      %jit3A_1282 = arith.constant 0.000000e+00 : f32
      %broadcast_in_dim3A_1283 = vector.broadcast %jit3A_1282 : f32 to vector<16xf32>
      %select_n3A_1284 = arith.select %eq3A_1281, %get3A_1277, %broadcast_in_dim3A_1283 : vector<16xi1>, vector<16xf32>
      %add3A_1285 = arith.addf %add3A_1182, %select_n3A_1284 : vector<16xf32>
      %broadcast_in_dim3A_1286 = arith.constant 0.000000e+00 : f32
      %broadcast_in_dim3A_1287 = vector.broadcast %broadcast_in_dim3A_1286 : f32 to vector<16xf32>
      %broadcast_in_dim3A_1288 = arith.constant 0.000000e+00 : f32
      %broadcast_in_dim3A_1289 = vector.broadcast %broadcast_in_dim3A_1288 : f32 to vector<16xf32>
      %broadcast_in_dim3A_1290 = arith.constant 0.000000e+00 : f32
      %broadcast_in_dim3A_1291 = vector.broadcast %broadcast_in_dim3A_1290 : f32 to vector<16xf32>
      %broadcast_in_dim3A_1292 = arith.constant 0.000000e+00 : f32
      %broadcast_in_dim3A_1293 = vector.broadcast %broadcast_in_dim3A_1292 : f32 to vector<16xf32>
      %broadcast_in_dim3A_1294 = arith.constant 0.000000e+00 : f32
      %broadcast_in_dim3A_1295 = vector.broadcast %broadcast_in_dim3A_1294 : f32 to vector<16xf32>
      %broadcast_in_dim3A_1296 = arith.constant 0.000000e+00 : f32
      %broadcast_in_dim3A_1297 = vector.broadcast %broadcast_in_dim3A_1296 : f32 to vector<16xf32>
      %broadcast_in_dim3A_1298 = arith.constant 0.000000e+00 : f32
      %broadcast_in_dim3A_1299 = vector.broadcast %broadcast_in_dim3A_1298 : f32 to vector<16xf32>
      %broadcast_in_dim3A_1300 = arith.constant 0.000000e+00 : f32
      %broadcast_in_dim3A_1301 = vector.broadcast %broadcast_in_dim3A_1300 : f32 to vector<16xf32>
      %scan3A_1302 = arith.constant 0 : i32
      %scan3A_1303 = arith.constant 64 : i32
      %scan3A_1304 = arith.addi %scan3A_1302, %scan3A_1303 : i32
      %scan3A_1305 = arith.constant 1 : i32
      %scan3A_1306:8 = scf.for %scan3A_1344 = %scan3A_1302 to %scan3A_1304 step %scan3A_1305 iter_args(%scan3A_1345 = %broadcast_in_dim3A_1287, %scan3A_1346 = %broadcast_in_dim3A_1289, %scan3A_1347 = %broadcast_in_dim3A_1291, %scan3A_1348 = %broadcast_in_dim3A_1293, %scan3A_1349 = %broadcast_in_dim3A_1295, %scan3A_1350 = %broadcast_in_dim3A_1297, %scan3A_1351 = %broadcast_in_dim3A_1299, %scan3A_1352 = %broadcast_in_dim3A_1301) -> (vector<16xf32>, vector<16xf32>, vector<16xf32>, vector<16xf32>, vector<16xf32>, vector<16xf32>, vector<16xf32>, vector<16xf32>)  : i32 {
        %mul3A_1353 = arith.constant 128 : i32
        %mul3A_1354 = arith.muli %scan3A_1344, %mul3A_1353 : i32
        %add3A_1355 = arith.constant 0 : i32
        %add3A_1356 = arith.addi %mul3A_1354, %add3A_1355 : i32
        %multiple_of3A_1357 = tpu.assume_multiple %add3A_1356, 16 : i32
        %get3A_1358 = arith.constant 3 : i32
        %get3A_1359 = arith.constant 1 : i32
        %get3A_1360 = arith.index_cast %get3A_1358 : i32 to index
        %get3A_1361 = arith.index_cast %get3A_1359 : i32 to index
        %get3A_1362 = arith.index_cast %multiple_of3A_1357 : i32 to index
        %get3A_1363 = tpu.vector_load %arg10[%get3A_1360, %get3A_1361, %get3A_1362] {strides = array<i32>} : memref<4x2x8192xf32, #tpu.memory_space<vmem>>, vector<1x1x16xf32>,
        %get3A_1364 = vector.shape_cast %get3A_1363 : vector<1x1x16xf32> to vector<16xf32>
        %exp3A = math.exp %get3A_1364 : vector<16xf32>
        %add3A_1365 = arith.addf %scan3A_1345, %exp3A : vector<16xf32>
        %add3A_1366 = arith.constant 16 : i32
        %add3A_1367 = arith.addi %mul3A_1354, %add3A_1366 : i32
        %multiple_of3A_1368 = tpu.assume_multiple %add3A_1367, 16 : i32
        %get3A_1369 = arith.constant 3 : i32
        %get3A_1370 = arith.constant 1 : i32
        %get3A_1371 = arith.index_cast %get3A_1369 : i32 to index
        %get3A_1372 = arith.index_cast %get3A_1370 : i32 to index
        %get3A_1373 = arith.index_cast %multiple_of3A_1368 : i32 to index
        %get3A_1374 = tpu.vector_load %arg10[%get3A_1371, %get3A_1372, %get3A_1373] {strides = array<i32>} : memref<4x2x8192xf32, #tpu.memory_space<vmem>>, vector<1x1x16xf32>,
        %get3A_1375 = vector.shape_cast %get3A_1374 : vector<1x1x16xf32> to vector<16xf32>
        %exp3A_1376 = math.exp %get3A_1375 : vector<16xf32>
        %add3A_1377 = arith.addf %scan3A_1346, %exp3A_1376 : vector<16xf32>
        %add3A_1378 = arith.constant 32 : i32
        %add3A_1379 = arith.addi %mul3A_1354, %add3A_1378 : i32
        %multiple_of3A_1380 = tpu.assume_multiple %add3A_1379, 16 : i32
        %get3A_1381 = arith.constant 3 : i32
        %get3A_1382 = arith.constant 1 : i32
        %get3A_1383 = arith.index_cast %get3A_1381 : i32 to index
        %get3A_1384 = arith.index_cast %get3A_1382 : i32 to index
        %get3A_1385 = arith.index_cast %multiple_of3A_1380 : i32 to index
        %get3A_1386 = tpu.vector_load %arg10[%get3A_1383, %get3A_1384, %get3A_1385] {strides = array<i32>} : memref<4x2x8192xf32, #tpu.memory_space<vmem>>, vector<1x1x16xf32>,
        %get3A_1387 = vector.shape_cast %get3A_1386 : vector<1x1x16xf32> to vector<16xf32>
        %exp3A_1388 = math.exp %get3A_1387 : vector<16xf32>
        %add3A_1389 = arith.addf %scan3A_1347, %exp3A_1388 : vector<16xf32>
        %add3A_1390 = arith.constant 48 : i32
        %add3A_1391 = arith.addi %mul3A_1354, %add3A_1390 : i32
        %multiple_of3A_1392 = tpu.assume_multiple %add3A_1391, 16 : i32
        %get3A_1393 = arith.constant 3 : i32
        %get3A_1394 = arith.constant 1 : i32
        %get3A_1395 = arith.index_cast %get3A_1393 : i32 to index
        %get3A_1396 = arith.index_cast %get3A_1394 : i32 to index
        %get3A_1397 = arith.index_cast %multiple_of3A_1392 : i32 to index
        %get3A_1398 = tpu.vector_load %arg10[%get3A_1395, %get3A_1396, %get3A_1397] {strides = array<i32>} : memref<4x2x8192xf32, #tpu.memory_space<vmem>>, vector<1x1x16xf32>,
        %get3A_1399 = vector.shape_cast %get3A_1398 : vector<1x1x16xf32> to vector<16xf32>
        %exp3A_1400 = math.exp %get3A_1399 : vector<16xf32>
        %add3A_1401 = arith.addf %scan3A_1348, %exp3A_1400 : vector<16xf32>
        %add3A_1402 = arith.constant 64 : i32
        %add3A_1403 = arith.addi %mul3A_1354, %add3A_1402 : i32
        %multiple_of3A_1404 = tpu.assume_multiple %add3A_1403, 16 : i32
        %get3A_1405 = arith.constant 3 : i32
        %get3A_1406 = arith.constant 1 : i32
        %get3A_1407 = arith.index_cast %get3A_1405 : i32 to index
        %get3A_1408 = arith.index_cast %get3A_1406 : i32 to index
        %get3A_1409 = arith.index_cast %multiple_of3A_1404 : i32 to index
        %get3A_1410 = tpu.vector_load %arg10[%get3A_1407, %get3A_1408, %get3A_1409] {strides = array<i32>} : memref<4x2x8192xf32, #tpu.memory_space<vmem>>, vector<1x1x16xf32>,
        %get3A_1411 = vector.shape_cast %get3A_1410 : vector<1x1x16xf32> to vector<16xf32>
        %exp3A_1412 = math.exp %get3A_1411 : vector<16xf32>
        %add3A_1413 = arith.addf %scan3A_1349, %exp3A_1412 : vector<16xf32>
        %add3A_1414 = arith.constant 80 : i32
        %add3A_1415 = arith.addi %mul3A_1354, %add3A_1414 : i32
        %multiple_of3A_1416 = tpu.assume_multiple %add3A_1415, 16 : i32
        %get3A_1417 = arith.constant 3 : i32
        %get3A_1418 = arith.constant 1 : i32
        %get3A_1419 = arith.index_cast %get3A_1417 : i32 to index
        %get3A_1420 = arith.index_cast %get3A_1418 : i32 to index
        %get3A_1421 = arith.index_cast %multiple_of3A_1416 : i32 to index
        %get3A_1422 = tpu.vector_load %arg10[%get3A_1419, %get3A_1420, %get3A_1421] {strides = array<i32>} : memref<4x2x8192xf32, #tpu.memory_space<vmem>>, vector<1x1x16xf32>,
        %get3A_1423 = vector.shape_cast %get3A_1422 : vector<1x1x16xf32> to vector<16xf32>
        %exp3A_1424 = math.exp %get3A_1423 : vector<16xf32>
        %add3A_1425 = arith.addf %scan3A_1350, %exp3A_1424 : vector<16xf32>
        %add3A_1426 = arith.constant 96 : i32
        %add3A_1427 = arith.addi %mul3A_1354, %add3A_1426 : i32
        %multiple_of3A_1428 = tpu.assume_multiple %add3A_1427, 16 : i32
        %get3A_1429 = arith.constant 3 : i32
        %get3A_1430 = arith.constant 1 : i32
        %get3A_1431 = arith.index_cast %get3A_1429 : i32 to index
        %get3A_1432 = arith.index_cast %get3A_1430 : i32 to index
        %get3A_1433 = arith.index_cast %multiple_of3A_1428 : i32 to index
        %get3A_1434 = tpu.vector_load %arg10[%get3A_1431, %get3A_1432, %get3A_1433] {strides = array<i32>} : memref<4x2x8192xf32, #tpu.memory_space<vmem>>, vector<1x1x16xf32>,
        %get3A_1435 = vector.shape_cast %get3A_1434 : vector<1x1x16xf32> to vector<16xf32>
        %exp3A_1436 = math.exp %get3A_1435 : vector<16xf32>
        %add3A_1437 = arith.addf %scan3A_1351, %exp3A_1436 : vector<16xf32>
        %add3A_1438 = arith.constant 112 : i32
        %add3A_1439 = arith.addi %mul3A_1354, %add3A_1438 : i32
        %multiple_of3A_1440 = tpu.assume_multiple %add3A_1439, 16 : i32
        %get3A_1441 = arith.constant 3 : i32
        %get3A_1442 = arith.constant 1 : i32
        %get3A_1443 = arith.index_cast %get3A_1441 : i32 to index
        %get3A_1444 = arith.index_cast %get3A_1442 : i32 to index
        %get3A_1445 = arith.index_cast %multiple_of3A_1440 : i32 to index
        %get3A_1446 = tpu.vector_load %arg10[%get3A_1443, %get3A_1444, %get3A_1445] {strides = array<i32>} : memref<4x2x8192xf32, #tpu.memory_space<vmem>>, vector<1x1x16xf32>,
        %get3A_1447 = vector.shape_cast %get3A_1446 : vector<1x1x16xf32> to vector<16xf32>
        %exp3A_1448 = math.exp %get3A_1447 : vector<16xf32>
        %add3A_1449 = arith.addf %scan3A_1352, %exp3A_1448 : vector<16xf32>
        scf.yield %add3A_1365, %add3A_1377, %add3A_1389, %add3A_1401, %add3A_1413, %add3A_1425, %add3A_1437, %add3A_1449 : vector<16xf32>, vector<16xf32>, vector<16xf32>, vector<16xf32>, vector<16xf32>, vector<16xf32>, vector<16xf32>, vector<16xf32>
      }
      %scan3A_1307 = arith.constant 64 : i32
      %add3A_1308 = arith.addf %scan3A_1306#0, %scan3A_1306#1 : vector<16xf32>
      %add3A_1309 = arith.addf %add3A_1308, %scan3A_1306#2 : vector<16xf32>
      %add3A_1310 = arith.addf %add3A_1309, %scan3A_1306#3 : vector<16xf32>
      %add3A_1311 = arith.addf %add3A_1310, %scan3A_1306#4 : vector<16xf32>
      %add3A_1312 = arith.addf %add3A_1311, %scan3A_1306#5 : vector<16xf32>
      %add3A_1313 = arith.addf %add3A_1312, %scan3A_1306#6 : vector<16xf32>
      %add3A_1314 = arith.addf %add3A_1313, %scan3A_1306#7 : vector<16xf32>
      %mul3A_1315 = arith.constant 2 : i32
      %mul3A_1316 = arith.muli %add3A_1188, %mul3A_1315 : i32
      %add3A_1317 = arith.constant 1 : i32
      %add3A_1318 = arith.addi %mul3A_1316, %add3A_1317 : i32
      %swap3A_1319 = arith.index_cast %add3A_1318 : i32 to index
      %swap3A_1320 = arith.constant 0 : index
      %swap3A_1321 = tpu.vector_load %arg11[%swap3A_1319, %swap3A_1320] {strides = array<i32>} : memref<256x16xf32, #tpu.memory_space<vmem>>, vector<1x16xf32>,
      %swap3A_1322 = vector.shape_cast %swap3A_1321 : vector<1x16xf32> to vector<16xf32>
      %swap3A_1323 = vector.shape_cast %add3A_1314 : vector<16xf32> to vector<1x16xf32>
      tpu.vector_store %arg11[%swap3A_1319, %swap3A_1320], %swap3A_1323 {strides = array<i32>} : memref<256x16xf32, #tpu.memory_space<vmem>>, vector<1x16xf32>,
      %slice3A_1324 = vector.extract_strided_slice %get3A_65 {offsets = [15], sizes = [1], strides = [1]} : vector<16xi32> to vector<1xi32>
      %squeeze3A_1325 = vector.extract %slice3A_1324[0] : i32 from vector<1xi32>
      %and3A_1326 = arith.constant -16 : i32
      %and3A_1327 = arith.andi %squeeze3A_1325, %and3A_1326 : i32
      %multiple_of3A_1328 = tpu.assume_multiple %and3A_1327, 16 : i32
      %get3A_1329 = arith.constant 3 : i32
      %get3A_1330 = arith.constant 1 : i32
      %get3A_1331 = arith.index_cast %get3A_1329 : i32 to index
      %get3A_1332 = arith.index_cast %get3A_1330 : i32 to index
      %get3A_1333 = arith.index_cast %multiple_of3A_1328 : i32 to index
      %get3A_1334 = tpu.vector_load %arg10[%get3A_1331, %get3A_1332, %get3A_1333] {strides = array<i32>} : memref<4x2x8192xf32, #tpu.memory_space<vmem>>, vector<1x1x16xf32>,
      %get3A_1335 = vector.shape_cast %get3A_1334 : vector<1x1x16xf32> to vector<16xf32>
      %and3A_1336 = arith.constant 15 : i32
      %and3A_1337 = arith.andi %squeeze3A_1325, %and3A_1336 : i32
      %eq3A_1338 = vector.broadcast %and3A_1337 : i32 to vector<16xi32>
      %eq3A_1339 = arith.cmpi eq, %iota3A, %eq3A_1338 : vector<16xi32>
      %jit3A_1340 = arith.constant 0.000000e+00 : f32
      %broadcast_in_dim3A_1341 = vector.broadcast %jit3A_1340 : f32 to vector<16xf32>
      %select_n3A_1342 = arith.select %eq3A_1339, %get3A_1335, %broadcast_in_dim3A_1341 : vector<16xi1>, vector<16xf32>
      %add3A_1343 = arith.addf %add3A_1285, %select_n3A_1342 : vector<16xf32>
      scf.yield %add3A_1343 : vector<16xf32>
    }
    %scan3A_31 = arith.constant 16 : i32
    %swap3A = arith.constant 0 : index
    %swap3A_32 = tpu.vector_load %arg12[%swap3A] {strides = array<i32>} : memref<16xf32, #tpu.memory_space<vmem>>, vector<16xf32>,
    %swap3A_33 = vector.shape_cast %swap3A_32 : vector<16xf32> to vector<16xf32>
    %swap3A_34 = vector.shape_cast %scan3A_30 : vector<16xf32> to vector<16xf32>
    tpu.vector_store %arg12[%swap3A], %swap3A_34 {strides = array<i32>} : memref<16xf32, #tpu.memory_space<vmem>>, vector<16xf32>,
    %dma_wait3A = arith.constant 2 : i32
    %dma_wait3A_35 = arith.constant 0 : i32
    %dma_wait3A_36 = arith.constant 0 : i32
    %dma_wait3A_37 = tpu.memref_slice %arg10[%dma_wait3A, %dma_wait3A_35, %dma_wait3A_36] : memref<4x2x8192xf32, #tpu.memory_space<vmem>> -> memref<1x2x8192xf32, #tpu.memory_space<vmem>>
    %dma_wait3A_38 = tpu.memref_squeeze %dma_wait3A_37 : memref<1x2x8192xf32, #tpu.memory_space<vmem>> -> memref<2x8192xf32, #tpu.memory_space<vmem>>
    %dma_wait3A_39 = arith.constant 0 : i32
    %dma_wait3A_40 = tpu.memref_slice %arg5[%mul3A_2, %dma_wait3A_39] : memref<8192x8192xf32, #tpu.memory_space<hbm>> -> memref<2x8192xf32, #tpu.memory_space<hbm>>
    %dma_wait3A_41 = arith.constant 0 : i32
    %dma_wait3A_42 = tpu.memref_slice %arg5[%mul3A_2, %dma_wait3A_41] : memref<8192x8192xf32, #tpu.memory_space<hbm>> -> memref<2x8192xf32, #tpu.memory_space<hbm>>
    %dma_wait3A_43 = arith.constant 0 : i32
    %dma_wait3A_44 = arith.constant 0 : i32
    %dma_wait3A_45 = tpu.memref_slice %arg10[%dma_wait3A, %dma_wait3A_43, %dma_wait3A_44] : memref<4x2x8192xf32, #tpu.memory_space<vmem>> -> memref<1x2x8192xf32, #tpu.memory_space<vmem>>
    %dma_wait3A_46 = tpu.memref_squeeze %dma_wait3A_45 : memref<1x2x8192xf32, #tpu.memory_space<vmem>> -> memref<2x8192xf32, #tpu.memory_space<vmem>>
    tpu.wait_dma2 semaphore(%arg19 : memref<!tpu.dma_semaphore, #tpu.memory_space<semaphore_mem>>) src(%dma_wait3A_46 : memref<2x8192xf32, #tpu.memory_space<vmem>>) dst(%dma_wait3A_42 : memref<2x8192xf32, #tpu.memory_space<hbm>>)
    %dma_wait3A_47 = arith.constant 3 : i32
    %dma_wait3A_48 = arith.constant 0 : i32
    %dma_wait3A_49 = arith.constant 0 : i32
    %dma_wait3A_50 = tpu.memref_slice %arg10[%dma_wait3A_47, %dma_wait3A_48, %dma_wait3A_49] : memref<4x2x8192xf32, #tpu.memory_space<vmem>> -> memref<1x2x8192xf32, #tpu.memory_space<vmem>>
    %dma_wait3A_51 = tpu.memref_squeeze %dma_wait3A_50 : memref<1x2x8192xf32, #tpu.memory_space<vmem>> -> memref<2x8192xf32, #tpu.memory_space<vmem>>
    %dma_wait3A_52 = arith.constant 0 : i32
    %dma_wait3A_53 = tpu.memref_slice %arg5[%mul3A_2, %dma_wait3A_52] : memref<8192x8192xf32, #tpu.memory_space<hbm>> -> memref<2x8192xf32, #tpu.memory_space<hbm>>
    %dma_wait3A_54 = arith.constant 0 : i32
    %dma_wait3A_55 = tpu.memref_slice %arg5[%mul3A_2, %dma_wait3A_54] : memref<8192x8192xf32, #tpu.memory_space<hbm>> -> memref<2x8192xf32, #tpu.memory_space<hbm>>
    %dma_wait3A_56 = arith.constant 0 : i32
    %dma_wait3A_57 = arith.constant 0 : i32
    %dma_wait3A_58 = tpu.memref_slice %arg10[%dma_wait3A_47, %dma_wait3A_56, %dma_wait3A_57] : memref<4x2x8192xf32, #tpu.memory_space<vmem>> -> memref<1x2x8192xf32, #tpu.memory_space<vmem>>
    %dma_wait3A_59 = tpu.memref_squeeze %dma_wait3A_58 : memref<1x2x8192xf32, #tpu.memory_space<vmem>> -> memref<2x8192xf32, #tpu.memory_space<vmem>>
    tpu.wait_dma2 semaphore(%arg20 : memref<!tpu.dma_semaphore, #tpu.memory_space<semaphore_mem>>) src(%dma_wait3A_59 : memref<2x8192xf32, #tpu.memory_space<vmem>>) dst(%dma_wait3A_55 : memref<2x8192xf32, #tpu.memory_space<hbm>>)
    "tpu.region"() ({
      %run_scoped3A = tpu.sem_alloc : memref<!tpu.dma_semaphore, #tpu.memory_space<semaphore_mem>>
      %dma_start3A_60 = arith.constant 0 : i32
      %dma_start3A_61 = tpu.memref_slice %arg6[%mul3A_2, %dma_start3A_60] : memref<8192x16xf32, #tpu.memory_space<hbm>> -> memref<256x16xf32, #tpu.memory_space<hbm>>
      %dma_start3A_62 = arith.constant 0 : i32
      %dma_start3A_63 = tpu.memref_slice %arg6[%mul3A_2, %dma_start3A_62] : memref<8192x16xf32, #tpu.memory_space<hbm>> -> memref<256x16xf32, #tpu.memory_space<hbm>>
      tpu.enqueue_dma source(%arg11 : memref<256x16xf32, #tpu.memory_space<vmem>>) target(%dma_start3A_63 : memref<256x16xf32, #tpu.memory_space<hbm>>) target_semaphore(%run_scoped3A : memref<!tpu.dma_semaphore, #tpu.memory_space<semaphore_mem>>)
      %dma_wait3A_64 = arith.constant 0 : i32
      %dma_wait3A_65 = tpu.memref_slice %arg6[%mul3A_2, %dma_wait3A_64] : memref<8192x16xf32, #tpu.memory_space<hbm>> -> memref<256x16xf32, #tpu.memory_space<hbm>>
      %dma_wait3A_66 = arith.constant 0 : i32
      %dma_wait3A_67 = tpu.memref_slice %arg6[%mul3A_2, %dma_wait3A_66] : memref<8192x16xf32, #tpu.memory_space<hbm>> -> memref<256x16xf32, #tpu.memory_space<hbm>>
      tpu.wait_dma2 semaphore(%run_scoped3A : memref<!tpu.dma_semaphore, #tpu.memory_space<semaphore_mem>>) src(%arg11 : memref<256x16xf32, #tpu.memory_space<vmem>>) dst(%dma_wait3A_67 : memref<256x16xf32, #tpu.memory_space<hbm>>)
      tpu.yield
    }) : () -> ()
    "tpu.region"() ({
      %run_scoped3A = tpu.sem_alloc : memref<!tpu.dma_semaphore, #tpu.memory_space<semaphore_mem>>
      %dma_start3A_60 = arith.constant 0 : i32
      %dma_start3A_61 = tpu.memref_slice %arg7[%add3A, %dma_start3A_60] : memref<32x16xf32, #tpu.memory_space<hbm>> -> memref<1x16xf32, #tpu.memory_space<hbm>>
      %dma_start3A_62 = tpu.memref_squeeze %dma_start3A_61 : memref<1x16xf32, #tpu.memory_space<hbm>> -> memref<16xf32, #tpu.memory_space<hbm>>
      %dma_start3A_63 = arith.constant 0 : i32
      %dma_start3A_64 = tpu.memref_slice %arg7[%add3A, %dma_start3A_63] : memref<32x16xf32, #tpu.memory_space<hbm>> -> memref<1x16xf32, #tpu.memory_space<hbm>>
      %dma_start3A_65 = tpu.memref_squeeze %dma_start3A_64 : memref<1x16xf32, #tpu.memory_space<hbm>> -> memref<16xf32, #tpu.memory_space<hbm>>
      tpu.enqueue_dma source(%arg12 : memref<16xf32, #tpu.memory_space<vmem>>) target(%dma_start3A_65 : memref<16xf32, #tpu.memory_space<hbm>>) target_semaphore(%run_scoped3A : memref<!tpu.dma_semaphore, #tpu.memory_space<semaphore_mem>>)
      %dma_wait3A_66 = arith.constant 0 : i32
      %dma_wait3A_67 = tpu.memref_slice %arg7[%add3A, %dma_wait3A_66] : memref<32x16xf32, #tpu.memory_space<hbm>> -> memref<1x16xf32, #tpu.memory_space<hbm>>
      %dma_wait3A_68 = tpu.memref_squeeze %dma_wait3A_67 : memref<1x16xf32, #tpu.memory_space<hbm>> -> memref<16xf32, #tpu.memory_space<hbm>>
      %dma_wait3A_69 = arith.constant 0 : i32
      %dma_wait3A_70 = tpu.memref_slice %arg7[%add3A, %dma_wait3A_69] : memref<32x16xf32, #tpu.memory_space<hbm>> -> memref<1x16xf32, #tpu.memory_space<hbm>>
      %dma_wait3A_71 = tpu.memref_squeeze %dma_wait3A_70 : memref<1x16xf32, #tpu.memory_space<hbm>> -> memref<16xf32, #tpu.memory_space<hbm>>
      tpu.wait_dma2 semaphore(%run_scoped3A : memref<!tpu.dma_semaphore, #tpu.memory_space<semaphore_mem>>) src(%arg12 : memref<16xf32, #tpu.memory_space<vmem>>) dst(%dma_wait3A_71 : memref<16xf32, #tpu.memory_space<hbm>>)
      tpu.yield
    }) : () -> ()
    return
  }
}

module attributes {stable_mosaic.version = 14 : i64} {
  func.func @_loss_body(%arg0: memref<8192x16xf32, #tpu.memory_space<vmem>>, %arg1: memref<32x16xf32, #tpu.memory_space<vmem>>, %arg2: memref<1x1xf32, #tpu.memory_space<smem>>) attributes {dimension_semantics = [], scalar_prefetch = 0 : i64, scratch_operands = 0 : i64, tpu.core_type = #tpu.core_type<tc>} {
    %get3A = arith.constant 0 : index
    %get3A_0 = arith.constant 0 : index
    %get3A_1 = vector.load %arg0[%get3A, %get3A_0] : memref<8192x16xf32, #tpu.memory_space<vmem>>, vector<8192x16xf32>
    %reduce_sum3A = arith.constant dense<0.000000e+00> : vector<8192xf32>
    %reduce_sum3A_2 = vector.multi_reduction <add>, %get3A_1, %reduce_sum3A [1] : vector<8192x16xf32> to vector<8192xf32>
    %log3A = math.log %reduce_sum3A_2 : vector<8192xf32>
    %reduce_sum3A_3 = vector.shape_cast %log3A : vector<8192xf32> to vector<1x8192xf32>
    %reduce_sum3A_4 = arith.constant dense<0.000000e+00> : vector<1xf32>
    %reduce_sum3A_5 = vector.multi_reduction <add>, %reduce_sum3A_3, %reduce_sum3A_4 [1] : vector<1x8192xf32> to vector<1xf32>
    %reduce_sum3A_6 = vector.shape_cast %reduce_sum3A_5 : vector<1xf32> to vector<1x1xf32>
    %reduce_sum3A_7 = vector.extract %reduce_sum3A_6[0, 0] : f32 from vector<1x1xf32>
    %get3A_8 = arith.constant 0 : index
    %get3A_9 = arith.constant 0 : index
    %get3A_10 = vector.load %arg1[%get3A_8, %get3A_9] : memref<32x16xf32, #tpu.memory_space<vmem>>, vector<32x16xf32>
    %reduce_sum3A_11 = vector.shape_cast %get3A_10 : vector<32x16xf32> to vector<1x32x16xf32>
    %reduce_sum3A_12 = arith.constant dense<0.000000e+00> : vector<1xf32>
    %reduce_sum3A_13 = vector.multi_reduction <add>, %reduce_sum3A_11, %reduce_sum3A_12 [1, 2] : vector<1x32x16xf32> to vector<1xf32>
    %reduce_sum3A_14 = vector.shape_cast %reduce_sum3A_13 : vector<1xf32> to vector<1x1x1xf32>
    %reduce_sum3A_15 = vector.extract %reduce_sum3A_14[0, 0, 0] : f32 from vector<1x1x1xf32>
    %sub3A = arith.subf %reduce_sum3A_7, %reduce_sum3A_15 : f32
    %mul3A = arith.constant 1.22070313E-4 : f32
    %mul3A_16 = arith.mulf %sub3A, %mul3A : f32
    %swap3A = arith.constant 0 : index
    %swap3A_17 = arith.constant 0 : index
    %swap3A_18 = memref.load %arg2[%swap3A, %swap3A_17] : memref<1x1xf32, #tpu.memory_space<smem>>
    memref.store %mul3A_16, %arg2[%swap3A, %swap3A_17] : memref<1x1xf32, #tpu.memory_space<smem>>
    return
  }
}

</mosaic_0001>

<sc_bundles>
// kernel: kernel.4.cloned.1.call-start
scs
__scs_entry_jumppad:
0x0: {  	(pc) =	sbr.rel $0x88, $3  }
0x1: {  	(tag) =	ssettag $0x0;
	lr =	simm.s32 $0x1  }
0x2: {  	[smem:$0x3F9E] =	sst lr;
	_ =	strace $0xD0000000  }
0x3: {  	_ = 	snop  }
0x4: {  	_ = 	snop  }
0x5: {  	_ = 	snop  }
0x6: {  	_ = 	snop  }
0x7: {  	_ = 	snop  }
__scs_overlays_trampoline_lowered:
0x8: {  	[smem:$0x3FAD] =	sst s0  }
0x9: {  	[smem:$0x3FAE] =	sst s1  }
0xa: {  	[smem:$0x3FAF] =	sst s2  }
0xb: {  	[smem:$0x3FB0] =	sst s3  }
0xc: {  	[smem:$0x3FB1] =	sst s4  }
0xd: {  	[smem:$0x3FB2] =	sst s5  }
0xe: {  	[smem:$0x3FB3] =	sst s6  }
0xf: {  	[smem:$0x3FB4] =	sst s7  }
0x10: {  	[smem:$0x3FB5] =	sst s8  }
0x11: {  	[smem:$0x3FB6] =	sst s9;
	s0 =	simm.s32 @!p0 $0x0  }
0x12: {  	s1 =	sld [smem:$0x3F9C];
	s0 =	simm.s32 @p0 $0x1  }
0x13: {  	[smem:$0x3FB7] =	sst s0;
	s0 =	simm.s32 @!p1 $0x0  }
0x14: {  	s2 =	sld [smem:$0x3F9B];
	s0 =	simm.s32 @p1 $0x1  }
0x15: {  	[smem:$0x3FB8] =	sst s0;
	s0 =	simm.s32 @!p2 $0x0  }
0x16: {  	s3 =	sld [smem:$0x3FDB];
	s0 =	simm.s32 @p2 $0x1  }
0x17: {  	s4 =	simm.s32 $0x1BF5;
	[smem:$0x3FBA] =	sst s0  }
0x18: {  	s0 =	sld [smem:$0x3F9D];
	_ =	swait.ge [sflag:s4], $0x0  }
0x19: {  	s7 =	sld [smem:$0x3F9E]  }
0x1a: {  	s8 =	sadd.s32 $0xFFFFE003, lr  }
0x1b: {  	s9 =	sadd.s32 $0xFFFFFEF7, lr;
	s5 =	simm.s32 $0xFFFFFFFF;
	p2 =	slt.u32 s8, $0xFFFFF086  }
0x1c: {  	p1 =	slt.u32 s9, $0xF7A;
	s5 =	simm.s32 @!p2 $0x0  }
0x1d: {  	s5 =	simm.s32 @p1 $0x1;
	p0 =	seq.s32 s7, s2  }
0x1e: {  	s7 =	smul.u32 @!p0 $0xF7A, s2;
	p2 =	seq.s32 @!p0 s5, $0x0  }
0x1f: {  	s9 =	smul.u32 $0xF7A, s1;
	s8 =	simm.s32 @!p0 $0x1BF5;
	p2 =	por !p2, p0  }
0x20: {  	[sflag:s8] =	ssyncset.s32 @!p0 $0xFFFFF086;
	s6 =	sadd.s32 @!p0 s3, s7;
	s7 =	simm.s32 @!p0 $0x108  }
0x21: {  	s3 =	sadd.s32 s3, s9;
	s6 =	sadd.s32 @!p0 $0x88, s6;
	s7 =	simm.s32 @p2 $0x1082  }
0x22: {  	[simem:s7], [sflag:s8] =	dma.local @!p0 [hbm:s6], $0xF7A  }
0x23: {  	s9 =	sor.u32 $0xD0000000, s2;
	s6 =	simm.s32 $0x108;
	_ =	swait.ge @!p0 [sflag:s8], $0x0  }
0x24: {  	s3 =	sadd.s32 $0x88, s3;
	s6 =	simm.s32 @!p1 $0x1082;
	[sflag:s4] =	ssyncset.s32 $0xFFFFF086  }
0x25: {  	[simem:s6], [sflag:s4] =	dma.local [hbm:s3], $0xF7A  }
0x26: {  	[smem:$0x3F9E] =	sst s1;
	(tag) =	ssettag s2;
	_ =	strace s9  }
0x27: {  	s1 =	sld [smem:$0x3FAE]  }
0x28: {  	s2 =	sld [smem:$0x3FAF]  }
0x29: {  	s4 =	sld [smem:$0x3FB1]  }
0x2a: {  	p0 =	seq.s32 s5, $0x0;
	s5 =	sld [smem:$0x3FB2]  }
0x2b: {  	s6 =	sld [smem:$0x3FB3]  }
0x2c: {  	s7 =	sld [smem:$0x3FB4]  }
0x2d: {  	s3 =	simm.s32 $0x108;
	s8 =	sld [smem:$0x3FB5]  }
0x2e: {  	s3 =	simm.s32 @!p0 $0x1082;
	s9 =	sld [smem:$0x3FB6]  }
0x2f: {  	lr =	sadd.s32 s0, s3;
	s0 =	sld [smem:$0x3FAD]  }
0x30: {  	s3 =	sld [smem:$0x3FB0]  }
0x31: {  	[smem:$0x3FB9] =	sst s10  }
0x32: {  	s10 =	sld [smem:$0x3FB7];
	_ =	sdelay $0x3  }
0x33: {  	p0 =	seq.s32 s10, $0x1;
	s10 =	sld [smem:$0x3FB9];
	_ =	sdelay $0x3  }
0x34: {  	[smem:$0x3FB9] =	sst s10  }
0x35: {  	s10 =	sld [smem:$0x3FB8];
	_ =	sdelay $0x3  }
0x36: {  	p1 =	seq.s32 s10, $0x1;
	s10 =	sld [smem:$0x3FB9];
	_ =	sdelay $0x3  }
0x37: {  	[smem:$0x3FB9] =	sst s10  }
0x38: {  	s10 =	sld [smem:$0x3FBA]  }
0x39: {  	_ = 	snop;
	(pc) =	sbr.ind lr, $3  }
0x3a: {  	_ = 	snop  }
0x3b: {  	_ = 	snop  }
0x3c: {  	p2 =	seq.s32 s10, $0x1;
	s10 =	sld [smem:$0x3FB9]  }
0x3d: {  	_ =	shalt  }
0x3e: {  	_ =	shalt  }
0x3f: {  	_ =	shalt  }
0x40: {  	_ =	shalt  }
0x41: {  	_ =	shalt  }
0x42: {  	_ =	shalt  }
0x43: {  	_ =	shalt  }
0x44: {  	_ =	shalt  }
0x45: {  	_ =	shalt  }
0x46: {  	_ =	shalt  }
0x47: {  	_ =	shalt  }
0x48: {  	_ =	shalt  }
0x49: {  	_ =	shalt  }
0x4a: {  	_ =	shalt  }
0x4b: {  	_ =	shalt  }
0x4c: {  	_ =	shalt  }
0x4d: {  	_ =	shalt  }
0x4e: {  	_ =	shalt  }
0x4f: {  	_ =	shalt  }
0x50: {  	_ =	shalt  }
0x51: {  	_ =	shalt  }
0x52: {  	_ =	shalt  }
0x53: {  	_ =	shalt  }
0x54: {  	_ =	shalt  }
0x55: {  	_ =	shalt  }
0x56: {  	_ =	shalt  }
0x57: {  	_ =	shalt  }
0x58: {  	_ =	shalt  }
0x59: {  	_ =	shalt  }
0x5a: {  	_ =	shalt  }
0x5b: {  	_ =	shalt  }
0x5c: {  	_ =	shalt  }
0x5d: {  	_ =	shalt  }
0x5e: {  	_ =	shalt  }
0x5f: {  	_ =	shalt  }
0x60: {  	_ =	shalt  }
0x61: {  	_ =	shalt  }
0x62: {  	_ =	shalt  }
0x63: {  	_ =	shalt  }
0x64: {  	_ =	shalt  }
0x65: {  	_ =	shalt  }
0x66: {  	_ =	shalt  }
0x67: {  	_ =	shalt  }
0x68: {  	_ =	shalt  }
0x69: {  	_ =	shalt  }
0x6a: {  	_ =	shalt  }
0x6b: {  	_ =	shalt  }
0x6c: {  	_ =	shalt  }
0x6d: {  	_ =	shalt  }
0x6e: {  	_ =	shalt  }
0x6f: {  	_ =	shalt  }
0x70: {  	_ =	shalt  }
0x71: {  	_ =	shalt  }
0x72: {  	_ =	shalt  }
0x73: {  	_ =	shalt  }
0x74: {  	_ =	shalt  }
0x75: {  	_ =	shalt  }
0x76: {  	_ =	shalt  }
0x77: {  	_ =	shalt  }
0x78: {  	_ =	shalt  }
0x79: {  	_ =	shalt  }
0x7a: {  	_ =	shalt  }
0x7b: {  	_ =	shalt  }
0x7c: {  	_ =	shalt  }
0x7d: {  	_ =	shalt  }
0x7e: {  	_ =	shalt  }
0x7f: {  	_ =	shalt  }
0x80: {  	_ =	shalt  }
0x81: {  	_ =	shalt  }
0x82: {  	_ =	shalt  }
0x83: {  	_ =	shalt  }
0x84: {  	_ =	shalt  }
0x85: {  	_ =	shalt  }
0x86: {  	_ =	shalt  }
0x87: {  	_ =	shalt  }
.Lfunc_end0:
.L_simem_size_0:
called_computation_lowered:
.L_overlay_start_0:
0x88: {  	s2 =	sld [smem:$0x3FD9]  }
0x89: {  	s3 =	sld [smem:$0x3FFE];
	_ =	sdelay $0x1  }
0x8a: {  	s1 =	srdreg.scid  }
0x8b: {  	s0 =	sand.u32 $0x1, s1  }
0x8c: {  	s14 =	sshll.u32 s0, $0xA;
	s2 =	sadd.s32 s3, s2  }
0x8d: {  	s2 =	sadd.s32 s2, s14  }
0x8e: {  	[smem:$0x3FC5] =	sst s2  }
0x8f: {  	_ = 	snop  }
0x90: {  	s2 =	sld [smem:$0x3FD0];
	_ =	sdelay $0x2  }
0x91: {  	s4 =	simm.s32 $0xA;
	s5 =	simm.s32 $0x10;
	s15 =	sld [smem:$0x3FC7]  }
0x92: {  	[smem:s5], [sflag:s4] =	dma.local [hbm:s2], $0x1  }
0x93: {  	_ =	swait.eq [sflag:s4], $0x1  }
0x94: {  	[sflag:s4] =	ssyncset.done $0x0  }
0x95: {  	[sflag:s4] =	ssyncadd.s32 $0xFFFFFFFF  }
0x96: {  	s16 =	sld [smem:$0x10];
	(tm) =	ssettm $0x1  }
0x97: {  	s17 =	sld [smem:$0x3FFB];
	_ =	sdelay $0x3  }
0x98: {  	_ =	strace s17  }
0x99: {  	s4 =	sld [smem:$0x3FFC];
	_ =	sdelay $0x3  }
0x9a: {  	_ =	strace s4  }
0x9b: {  	s4 =	sld [smem:$0x3FFD];
	_ =	sdelay $0x3  }
0x9c: {  	_ =	strace s4  }
0x9d: {  	_ =	strace $0x8FFFFFFF  }
0x9e: {  	s18 =	sld [smem:$0x3FDB];
	_ =	sdelay $0x1  }
0x9f: {  	s19 =	simm.s32 $_scs_section_size  }
0xa0: {  	s6 =	simm.s32 $_size__tile_overlayer_lowered;
	s7 =	simm.s32 $_tile_overlayer_lowered  }
0xa1: {  	s22 =	simm.s32 $0x1BFF;
	s21 =	sshll.u32 s7, $0x1;
	s4 =	sadd.s32 s19, s18  }
0xa2: {  	s8 =	simm.s32 $0x0;
	s20 =	sshll.u32 s6, $0x1;
	s6 =	sadd.s32 s21, s4  }
0xa3: {  	[timem:s8], [sflag:s22] =	dma.local [hbm:s6], s20  }
0xa4: {  	_ =	swait.ge [sflag:s22], s20  }
0xa5: {  	s5 =	ssub.s32 $0x0, s20;
	[sflag:s22] =	ssyncset.done $0x0  }
0xa6: {  	[sflag:s22] =	ssyncadd.s32 s5;
	_ =	sdelay $0x1  }
0xa7: {  	s23 =	simm.s32 $0x1B8B  }
0xa8: {  	_ =	swait.ge [sflag:s23], $0x1  }
0xa9: {  	[sflag:s23] =	ssyncset.done $0x0  }
0xaa: {  	s25 =	simm.s32 $0x1B8E;
	s24 =	sld [smem:$0x3FFE];
	[sflag:s23] =	ssyncadd.s32 $0xFFFFFFFF  }
0xab: {  	s26 =	simm.s32 $execute0_lowered;
	[smem:$0x3FD2] =	sst s25  }
0xac: {  	s6 =	sshll.u32 s26, $0x1;
	_ =	strace $0x80000046;
	[dreg:$0x1] =	wrdreg $0xFFFFFFFF  }
0xad: {  	s28 =	simm.s32 $_size_execute0_lowered;
	s4 =	sadd.s32 s4, s6;
	[dreg:$0x0] =	wrdreg $0x0  }
0xae: {  	s6 =	sshll.u32 s28, $0x1;
	[dreg:$0x2] =	wrdreg s4  }
0xaf: {  	[dreg:$0x3] =	wrdreg s6  }
0xb0: {  	[dreg:$0x4] =	wrdreg $0xC0  }
0xb1: {  	_ =	task [dreg:s8], $0x5FFFF  }
0xb2: {  	[dreg:$0x1] =	wrdreg $0xFFFFFFFF  }
0xb3: {  	[dreg:$0x0] =	wrdreg $0x60  }
0xb4: {  	[dreg:$0x2] =	wrdreg s24  }
0xb5: {  	[dreg:$0x3] =	wrdreg s15  }
0xb6: {  	[dreg:$0x4] =	wrdreg s16  }
0xb7: {  	[dreg:$0x5] =	wrdreg $0x9  }
0xb8: {  	_ =	task.clear_ibuf [dreg:s8], $0x6FFFF;
	_ =	strace $0x90000046  }
0xb9: {  	s29 =	simm.s32 $0x9;
	_ =	strace $0x80000048  }
0xba: {  	_ =	swait.ge [sflag:s29], $0x1  }
0xbb: {  	[sflag:s29] =	ssyncadd.s32 $0xFFFFFFFF  }
0xbc: {  	_ =	strace $0x90000048  }
0xbd: {  	_ =	sfence  }
0xbe: {  	s30 =	sld [smem:$0x0];
	_ =	sdelay $0x2  }
0xbf: {  	s31 =	sshll.u32 s1, $0xD;
	s1 =	sshrl.u32 s1, $0x2  }
0xc0: {  	s3 =	sand.u32 $0x4000, s31;
	s1 =	sadd.s32 s1, s30  }
0xc1: {  	s0 =	sor.u32 s3, s0;
	s1 =	sshll.u32 s1, $0x11  }
0xc2: {  	s0 =	sor.u32 s1, s0  }
0xc3: {  	s0 =	sadd.s32 $0x8F2B, s0  }
0xc4: {  	[sflag:s0] =	ssyncadd.remote.s32 $0x1  }
0xc5: {  	_ =	sfence.sel $0xFFFF  }
0xc6: {  	[dreg:$0x0] =	wrdreg $0xFFFFFFFF;
	(pc) =	sbr.abs _section_cstart, $3  }
0xc7: {  	[dreg:$0x1] =	wrdreg $0xFFFFFFFF  }
0xc8: {  	_ =	task.clear_ibuf [dreg:s8], $0x2FFFF;
	_ =	strace $0x9FFFFFFF  }
0xc9: {  	(tm) =	ssettm $0x7FFFFFFF  }
tec
execute0_lowered:
.L_overlay_start_1:
0x0: {  	(tag) =	ssettag $0x1  }
0x1: {  	s0 =	rddreg [dreg:$0x0]  }
0x2: {  	s2 =	rddreg [dreg:$0x1];
	s1 =	srdreg.scid  }
0x3: {  	s3 =	stileid.u32;
	s15 =	rddreg [dreg:$0x2]  }
0x4: {  	s16 =	simm.s32 $0x0;
	s28 =	simm.s32 $0x4100;
	s31 =	simm.s32 $0xC900  }
0x5: {  	s30 =	simm.s32 $0x6;
	s1 =	sand.u32 $0x1, s1;
	s3 =	sshll.u32 s3, $0x1  }
0x6: {  	[smem:$0x7FF] =	sst s16;
	s9 =	sadd.s32 $0xC00, s2;
	s10 =	sadd.s32 $0x1000, s2  }
0x7: {  	s11 =	sadd.s32 $0x1400, s2;
	s12 =	sadd.s32 $0x1800, s2;
	s13 =	sadd.s32 $0x1C00, s2  }
0x8: {  	s26 =	sadd.s32 $0x20, s15;
	s29 =	sadd.s32 $0x40, s15;
	s20 =	sadd.s32 $0x60, s15  }
0x9: {  	s3 =	sor.u32 s1, s3;
	_ =	strace $0x80000047;
	s1 =	ssub.s32 $0x2, s1  }
0xa: {  	s4 =	sshll.u32 s3, $0xB;
	s5 =	sshll.u32 s3, $0x5;
	s6 =	sshll.u32 s3, $0xC  }
0xb: {  	s7 =	sshll.u32 s3, $0x4;
	s8 =	sshrl.u32 s1, $0x1;
	s14 =	sshll.u32 s3, $0x12  }
0xc: {  	s4 =	sadd.s32 s4, s0;
	s5 =	sadd.s32 s5, s0;
	s6 =	sadd.s32 s6, s0  }
0xd: {  	s0 =	sadd.s32 s7, s0;
	s1 =	ssub.s32 s1, s8;
	s3 =	sadd.s32 s15, s14  }
0xe: {  	s7 =	sadd.s32 $0x400, s2;
	s4 =	sadd.s32 $0x1000, s4;
	[dreg:$0x6] =	wrdreg s3  }
0xf: {  	s8 =	sadd.s32 $0x800, s2;
	s23 =	sadd.s32 $0xC00, s5;
	[dreg:$0x4] =	wrdreg s4  }
0x10: {  	s24 =	sadd.s32 $0x11000, s6;
	s0 =	sadd.s32 $0x31000, s0;
	[dreg:$0x5] =	wrdreg s23  }
0x11: {  	v0 =	vlaneseq.u32;
	s25 =	smax.u32 s1, $0x1;
	s1 =	simm.s32 $0x9;
	[dreg:$0x7] =	wrdreg s24  }
0x12: {  	v2 =	vshrl.u32 v0, $0x1;
	s5 =	simm.s32 $0x400;
	s3 =	simm.s32 $0x0;
	[dreg:$0x8] =	wrdreg s0  }
0x13: {  	vm0 =	vmmov $0xffff;
	v1 =	vand.u32 $0x1, v0;
	v2 =	vmul.u32 $0x8, v2;
	[dreg:$0x9] =	wrdreg s25;
	s25 =	simm.s32 $0xC100;
	s23 =	simm.s32 $0x100  }
.LBB2_1:
0x14: {  	[dreg:$0xa] =	wrdreg s3  }
0x15: {  	s0 =	rddreg [dreg:$0x4]  }
0x16: {  	[tilespmem:s16], [sflag:$0x9] =	stream.linear.gather [hbm4b:s0+s16], $0x4000, $0x38;
	[tilespmem:$0x1C180] =	vst v63  }
0x17: {  	_ =	swait.ge [sflag:s1], $0x4000  }
0x18: {  	[sflag:s1] =	ssyncset.done $0x0  }
0x19: {  	s18 =	simm.s32 $0x4000;
	s17 =	rddreg [dreg:$0x5];
	[sflag:s1] =	ssyncadd.s32 $0xFFFFC000  }
0x1a: {  	[tilespmem:s18], [sflag:$0x9] =	stream.linear.gather [hbm4b:s17+s16], $0x100, $0x38;
	[tilespmem:$0x1C180] =	vst v63  }
0x1b: {  	_ =	swait.ge [sflag:s1], $0x100  }
0x1c: {  	[sflag:s1] =	ssyncset.done $0x0  }
0x1d: {  	[sflag:s1] =	ssyncadd.s32 $0xFFFFFF00  }
0x1e: {  	v3 =	vld.msk [tilespmem:$0x0], $0x3;
	_ =	sdelay $0x4  }
0x1f: {  	v4 =	vshll.u32 v3, $0x6  }
0x20: {  	v3 =	vand.u32 $0x7, v3;
	v4 =	vand.u32 $0xFFFFFE00, v4  }
0x21: {  	v3 =	vor.u32 v3, v4  }
0x22: {  	v3 =	vperm.xlane v3, v1;
	_ =	sdelay $0x1  }
0x23: {  	v3 =	vadd.s32 v2, v3;
	_ =	sdelay $0x4  }
0x24: {  	[tilespmem:s28], [sflag:$0x1] =	stream.indirect_vreg.gather [hbm4b:s2+s16], $0x80, v3, vm0, $0xb8;
	[tilespmem:$0x1C180] =	vst v63  }
0x25: {  	s19 =	simm.s32 $0x4900  }
0x26: {  	[tilespmem:s19], [sflag:$0x1] =	stream.indirect_vreg.gather [hbm4b:s7+s16], $0x80, v3, vm0, $0xb8;
	[tilespmem:$0x1C180] =	vst v63  }
0x27: {  	s21 =	simm.s32 $0x5100  }
0x28: {  	[tilespmem:s21], [sflag:$0x1] =	stream.indirect_vreg.gather [hbm4b:s8+s16], $0x80, v3, vm0, $0xb8;
	[tilespmem:$0x1C180] =	vst v63  }
0x29: {  	s22 =	simm.s32 $0x5900  }
0x2a: {  	[tilespmem:s22], [sflag:$0x1] =	stream.indirect_vreg.gather [hbm4b:s9+s16], $0x80, v3, vm0, $0xb8;
	[tilespmem:$0x1C180] =	vst v63  }
0x2b: {  	s24 =	simm.s32 $0x6100  }
0x2c: {  	[tilespmem:s24], [sflag:$0x1] =	stream.indirect_vreg.gather [hbm4b:s10+s16], $0x80, v3, vm0, $0xb8;
	[tilespmem:$0x1C180] =	vst v63  }
0x2d: {  	s1 =	simm.s32 $0x6900  }
0x2e: {  	[tilespmem:s1], [sflag:$0x1] =	stream.indirect_vreg.gather [hbm4b:s11+s16], $0x80, v3, vm0, $0xb8;
	[tilespmem:$0x1C180] =	vst v63  }
0x2f: {  	s3 =	simm.s32 $0x7100  }
0x30: {  	[tilespmem:s3], [sflag:$0x1] =	stream.indirect_vreg.gather [hbm4b:s12+s16], $0x80, v3, vm0, $0xb8;
	[tilespmem:$0x1C180] =	vst v63  }
0x31: {  	s4 =	simm.s32 $0x7900  }
0x32: {  	[tilespmem:s4], [sflag:$0x1] =	stream.indirect_vreg.gather [hbm4b:s13+s16], $0x80, v3, vm0, $0xb8;
	[tilespmem:$0x1C180] =	vst v63  }
0x33: {  	v3 =	vld.msk [tilespmem:$0x80], $0x3;
	_ =	sdelay $0x4  }
0x34: {  	v4 =	vshll.u32 v3, $0x6  }
0x35: {  	v3 =	vand.u32 $0x7, v3;
	v4 =	vand.u32 $0xFFFFFE00, v4  }
0x36: {  	v3 =	vor.u32 v3, v4  }
0x37: {  	v3 =	vperm.xlane v3, v1;
	_ =	sdelay $0x1  }
0x38: {  	v3 =	vadd.s32 v2, v3;
	_ =	sdelay $0x3  }
0x39: {  	s6 =	simm.s32 $0x8100  }
0x3a: {  	[tilespmem:s6], [sflag:$0x2] =	stream.indirect_vreg.gather [hbm4b:s2+s16], $0x80, v3, vm0, $0xb8;
	[tilespmem:$0x1C180] =	vst v63  }
0x3b: {  	s15 =	simm.s32 $0x8900  }
0x3c: {  	[tilespmem:s15], [sflag:$0x2] =	stream.indirect_vreg.gather [hbm4b:s7+s16], $0x80, v3, vm0, $0xb8;
	[tilespmem:$0x1C180] =	vst v63  }
0x3d: {  	s17 =	simm.s32 $0x9100  }
0x3e: {  	[tilespmem:s17], [sflag:$0x2] =	stream.indirect_vreg.gather [hbm4b:s8+s16], $0x80, v3, vm0, $0xb8;
	[tilespmem:$0x1C180] =	vst v63  }
0x3f: {  	s18 =	simm.s32 $0x9900  }
0x40: {  	[tilespmem:s18], [sflag:$0x2] =	stream.indirect_vreg.gather [hbm4b:s9+s16], $0x80, v3, vm0, $0xb8;
	[tilespmem:$0x1C180] =	vst v63  }
0x41: {  	s19 =	simm.s32 $0xA100  }
0x42: {  	[tilespmem:s19], [sflag:$0x2] =	stream.indirect_vreg.gather [hbm4b:s10+s16], $0x80, v3, vm0, $0xb8;
	[tilespmem:$0x1C180] =	vst v63  }
0x43: {  	s21 =	simm.s32 $0xA900  }
0x44: {  	[tilespmem:s21], [sflag:$0x2] =	stream.indirect_vreg.gather [hbm4b:s11+s16], $0x80, v3, vm0, $0xb8;
	[tilespmem:$0x1C180] =	vst v63  }
0x45: {  	s22 =	simm.s32 $0xB100  }
0x46: {  	[tilespmem:s22], [sflag:$0x2] =	stream.indirect_vreg.gather [hbm4b:s12+s16], $0x80, v3, vm0, $0xb8;
	[tilespmem:$0x1C180] =	vst v63  }
0x47: {  	s24 =	simm.s32 $0xB900;
	s21 =	simm.s32 $0x0  }
0x48: {  	v5 =	vimm.f32 $0.0e+00;
	[tilespmem:s24], [sflag:$0x2] =	stream.indirect_vreg.gather [hbm4b:s13+s16], $0x80, v3, vm0, $0xb8;
	v3 =	vimm.f32 $0.0e+00;
	[tilespmem:$0x1C180] =	vst v63  }
.LBB2_2:
0x49: {  	s0 =	sshll.u32 s21, $0x4  }
0x4a: {  	p0 =	seq.s32 s21, $0x0;
	s0 =	sand.u32 $0x3FFFFFF0, s0  }
0x4b: {  	s22 =	sshll.u32 s21, $0x3;
	v4 =	vld [tilespmem:s0+$0x4000];
	s0 =	simm.s32 @!p0 $0x7  }
0x4c: {  	s19 =	sor.u32 $0x2, s22;
	_ =	swait.ge @!p0 [sflag:s0], $0x4000  }
0x4d: {  	s1 =	sshll.u32 s19, $0x7;
	[sflag:s0] =	ssyncset.done @!p0 $0x0  }
0x4e: {  	s18 =	sand.u32 $0x3FFFFF80, s1;
	[sflag:s0] =	ssyncadd.s32 @!p0 $0xFFFFC000  }
0x4f: {  	v6 =	vld.msk [tilespmem:s18+$0x0], $0x3;
	_ =	sdelay $0x4  }
0x50: {  	v7 =	vshll.u32 v6, $0x6  }
0x51: {  	v6 =	vand.u32 $0x7, v6;
	v7 =	vand.u32 $0xFFFFFE00, v7  }
0x52: {  	v6 =	vor.u32 v6, v7  }
0x53: {  	v6 =	vperm.xlane v6, v1;
	_ =	sdelay $0x1  }
0x54: {  	v6 =	vadd.s32 v2, v6;
	_ =	sdelay $0x3  }
0x55: {  	s24 =	simm.s32 $0x0  }
0x56: {  	[tilespmem:s25], [sflag:$0x3] =	stream.indirect_vreg.gather [hbm4b:s2+s24], $0x80, v6, vm0, $0xb8;
	[tilespmem:$0x1C180] =	vst v63  }
0x57: {  	_ = 	snop  }
0x58: {  	[tilespmem:s31], [sflag:$0x3] =	stream.indirect_vreg.gather [hbm4b:s7+s24], $0x80, v6, vm0, $0xb8;
	[tilespmem:$0x1C180] =	vst v63  }
0x59: {  	s31 =	simm.s32 $0xD100  }
0x5a: {  	[tilespmem:s31], [sflag:$0x3] =	stream.indirect_vreg.gather [hbm4b:s8+s24], $0x80, v6, vm0, $0xb8;
	[tilespmem:$0x1C180] =	vst v63  }
0x5b: {  	s3 =	simm.s32 $0xD900  }
0x5c: {  	[tilespmem:s3], [sflag:$0x3] =	stream.indirect_vreg.gather [hbm4b:s9+s24], $0x80, v6, vm0, $0xb8;
	[tilespmem:$0x1C180] =	vst v63  }
0x5d: {  	s4 =	simm.s32 $0xE100  }
0x5e: {  	[tilespmem:s4], [sflag:$0x3] =	stream.indirect_vreg.gather [hbm4b:s10+s24], $0x80, v6, vm0, $0xb8;
	[tilespmem:$0x1C180] =	vst v63  }
0x5f: {  	s6 =	simm.s32 $0xE900  }
0x60: {  	[tilespmem:s6], [sflag:$0x3] =	stream.indirect_vreg.gather [hbm4b:s11+s24], $0x80, v6, vm0, $0xb8;
	[tilespmem:$0x1C180] =	vst v63  }
0x61: {  	s15 =	simm.s32 $0xF100  }
0x62: {  	[tilespmem:s15], [sflag:$0x3] =	stream.indirect_vreg.gather [hbm4b:s12+s24], $0x80, v6, vm0, $0xb8;
	[tilespmem:$0x1C180] =	vst v63  }
0x63: {  	s16 =	simm.s32 $0xF900;
	s17 =	simm.s32 $0x1  }
0x64: {  	[tilespmem:s16], [sflag:$0x3] =	stream.indirect_vreg.gather [hbm4b:s13+s24], $0x80, v6, vm0, $0xb8;
	[tilespmem:$0x1C180] =	vst v63  }
0x65: {  	_ =	swait.ge [sflag:s17], $0x4000  }
0x66: {  	[sflag:s17] =	ssyncset.done $0x0  }
0x67: {  	s18 =	sshll.u32 s21, $0xE;
	[sflag:s17] =	ssyncadd.s32 $0xFFFFC000  }
0x68: {  	s0 =	sadd.s32 s14, s18;
	s1 =	rddreg [dreg:$0x2]  }
0x69: {  	s24 =	simm.s32 $0x0;
	s1 =	sadd.s32 s1, s0  }
0x6a: {  	[hbm4b:s1+s23] =	stream.strided.scatter [tilespmem:s28], [sflag:$0x5], $0x4000, s5, s23, $0x38;
	[tilespmem:$0x1C180] =	vst v63  }
0x6b: {  	v6 =	vld [tilespmem:s24+$0x4170]  }
0x6c: {  	v7 =	vld [tilespmem:s24+$0x4100]  }
0x6d: {  	v8 =	vld [tilespmem:s24+$0x4110]  }
0x6e: {  	v9 =	vld [tilespmem:s24+$0x4120]  }
0x6f: {  	v10 =	vld [tilespmem:s24+$0x4130]  }
0x70: {  	v11 =	vld [tilespmem:s24+$0x4140]  }
0x71: {  	v12 =	vld [tilespmem:s24+$0x4150]  }
0x72: {  	s31 =	simm.s32 $0x200;
	v13 =	vld [tilespmem:s24+$0x4160];
	v6 =	vmul.f32 $1.442695020e+00, v6;
	v7 =	vmul.f32 $1.442695020e+00, v7  }
0x73: {  	s3 =	simm.s32 $0x100;
	v17 =	vld [tilespmem:s31+$0x4100];
	v8 =	vmul.f32 $1.442695020e+00, v8;
	v9 =	vmul.f32 $1.442695020e+00, v9  }
0x74: {  	v10 =	vmul.f32 $1.442695020e+00, v10;
	(erf) = vpow2.f32 v6;
	v6 =	vld [tilespmem:s3+$0x4170]  }
0x75: {  	v11 =	vmul.f32 $1.442695020e+00, v11;
	(erf) = vpow2.f32 v7;
	v7 =	vld [tilespmem:s3+$0x4100]  }
0x76: {  	v12 =	vmul.f32 $1.442695020e+00, v12;
	(erf) = vpow2.f32 v8;
	v8 =	vld [tilespmem:s3+$0x4110]  }
0x77: {  	v13 =	vmul.f32 $1.442695020e+00, v13;
	(erf) = vpow2.f32 v9;
	v9 =	vld [tilespmem:s3+$0x4120]  }
0x78: {  	v20 =	vmul.f32 $1.442695020e+00, v17;
	(erf) = vpow2.f32 v10;
	v10 =	vld [tilespmem:s3+$0x4130]  }
0x79: {  	(erf) = vpow2.f32 v11;
	v11 =	vld [tilespmem:s3+$0x4140];
	v6 =	vmul.f32 $1.442695020e+00, v6  }
0x7a: {  	(erf) = vpow2.f32 v12;
	v7 =	vmul.f32 $1.442695020e+00, v7;
	v12 =	vld [tilespmem:s3+$0x4150]  }
0x7b: {  	(erf) = vpow2.f32 v13;
	v8 =	vmul.f32 $1.442695020e+00, v8;
	v13 =	vld [tilespmem:s3+$0x4160]  }
0x7c: {  	v18 =	vld [tilespmem:s31+$0x4110];
	(erf) = vpow2.f32 v6;
	v9 =	vmul.f32 $1.442695020e+00, v9  }
0x7d: {  	v16 =	vld [tilespmem:s31+$0x4170];
	(erf) = vpow2.f32 v7;
	v10 =	vmul.f32 $1.442695020e+00, v10  }
0x7e: {  	v6 =	vpop (erf);
	(erf) = vpow2.f32 v8;
	v8 =	vmul.f32 $1.442695020e+00, v11  }
0x7f: {  	v7 =	vpop (erf);
	(erf) = vpow2.f32 v9;
	v19 =	vmul.f32 $1.442695020e+00, v12  }
0x80: {  	v9 =	vpop (erf);
	(erf) = vpow2.f32 v10;
	v10 =	vmul.f32 $1.442695020e+00, v13  }
0x81: {  	v14 =	vld [tilespmem:s31+$0x4120];
	v21 =	vmul.f32 $1.442695020e+00, v18;
	v11 =	vadd.f32 v9, v3;
	v9 =	vpop (erf);
	(erf) = vpow2.f32 v8  }
0x82: {  	v15 =	vld [tilespmem:s31+$0x4130];
	v13 =	vmul.f32 $1.442695020e+00, v16;
	v8 =	vpop (erf);
	(erf) = vpow2.f32 v19  }
0x83: {  	v16 =	vld [tilespmem:s31+$0x4140];
	v12 =	vadd.f32 v9, v3;
	v9 =	vadd.f32 v8, v3;
	v8 =	vpop (erf);
	(erf) = vpow2.f32 v10  }
0x84: {  	v17 =	vld [tilespmem:s31+$0x4150];
	v6 =	vadd.f32 v6, v3;
	v7 =	vadd.f32 v7, v3;
	v10 =	vpop (erf);
	(erf) = vpow2.f32 v13  }
0x85: {  	s1 =	simm.s32 $0x1000;
	v18 =	vld [tilespmem:s31+$0x4160];
	s3 =	simm.s32 $0x300;
	v8 =	vadd.f32 v8, v3;
	v13 =	vimm.f32 $0.0e+00;
	v10 =	vadd.f32 v10, v3;
	v19 =	vpop (erf)  }
.LBB2_3:
0x86: {  	p1 =	sne.s32 s1, $0xFC00;
	v22 =	vld [tilespmem:s3+$0x4170];
	v14 =	vmul.f32 $1.442695020e+00, v14;
	(erf) = vpow2.f32 v20;
	v20 =	vpop (erf);
	v13 =	vadd.f32 v19, v13  }
0x87: {  	v19 =	vld [tilespmem:s3+$0x4100];
	v15 =	vmul.f32 $1.442695020e+00, v15;
	(erf) = vpow2.f32 v21;
	v6 =	vadd.f32 v20, v6;
	v20 =	vpop (erf)  }
0x88: {  	v21 =	vld [tilespmem:s3+$0x4110];
	v16 =	vmul.f32 $1.442695020e+00, v16;
	(erf) = vpow2.f32 v14;
	v7 =	vadd.f32 v20, v7;
	v20 =	vpop (erf)  }
.Ltmp0:
0x89: {  	v14 =	vld [tilespmem:s3+$0x4120];
	v17 =	vmul.f32 $1.442695020e+00, v17;
	(erf) = vpow2.f32 v15;
	v11 =	vadd.f32 v20, v11;
	v20 =	vpop (erf);
	(pc) =	sbr.rel @p1 .LBB2_3-.Ltmp0, $4  }
0x8a: {  	v15 =	vld [tilespmem:s3+$0x4130];
	v18 =	vmul.f32 $1.442695020e+00, v18;
	(erf) = vpow2.f32 v16;
	v12 =	vadd.f32 v20, v12;
	v20 =	vpop (erf)  }
0x8b: {  	v16 =	vld [tilespmem:s3+$0x4140];
	v22 =	vmul.f32 $1.442695020e+00, v22;
	(erf) = vpow2.f32 v17;
	v9 =	vadd.f32 v20, v9;
	v23 =	vpop (erf)  }
0x8c: {  	v20 =	vmul.f32 $1.442695020e+00, v19;
	v17 =	vld [tilespmem:s3+$0x4150];
	(erf) = vpow2.f32 v18;
	v8 =	vadd.f32 v23, v8;
	v19 =	vpop (erf)  }
0x8d: {  	v21 =	vmul.f32 $1.442695020e+00, v21;
	v18 =	vld [tilespmem:s3+$0x4160];
	s3 =	sshra.s32 s1, $0x2;
	s1 =	sadd.s32 $0x400, s1;
	(erf) = vpow2.f32 v22;
	v10 =	vadd.f32 v19, v10;
	v19 =	vpop (erf)  }
0x8e: {  	v22 =	vld [tilespmem:s3+$0x4170];
	v14 =	vmul.f32 $1.442695020e+00, v14  }
0x8f: {  	v23 =	vld [tilespmem:s3+$0x4100];
	v15 =	vmul.f32 $1.442695020e+00, v15  }
0x90: {  	(erf) = vpow2.f32 v20;
	v20 =	vpop (erf);
	v16 =	vmul.f32 $1.442695020e+00, v16  }
0x91: {  	(erf) = vpow2.f32 v21;
	v21 =	vpop (erf);
	v17 =	vmul.f32 $1.442695020e+00, v17  }
0x92: {  	v24 =	vld [tilespmem:s3+$0x4110];
	(erf) = vpow2.f32 v14;
	v14 =	vpop (erf);
	v18 =	vmul.f32 $1.442695020e+00, v18  }
0x93: {  	(erf) = vpow2.f32 v15;
	v15 =	vpop (erf);
	v22 =	vmul.f32 $1.442695020e+00, v22  }
0x94: {  	v25 =	vld [tilespmem:s3+$0x4120];
	(erf) = vpow2.f32 v16;
	v23 =	vmul.f32 $1.442695020e+00, v23;
	v16 =	vpop (erf)  }
0x95: {  	(erf) = vpow2.f32 v17;
	v17 =	vpop (erf)  }
0x96: {  	v27 =	vld [tilespmem:s3+$0x4140];
	(erf) = vpow2.f32 v18;
	v18 =	vpop (erf)  }
0x97: {  	v26 =	vld [tilespmem:s3+$0x4130];
	v24 =	vmul.f32 $1.442695020e+00, v24;
	(erf) = vpow2.f32 v22;
	v22 =	vpop (erf)  }
0x98: {  	v28 =	vld [tilespmem:s3+$0x4150];
	(erf) = vpow2.f32 v23;
	v23 =	vpop (erf)  }
0x99: {  	v25 =	vmul.f32 $1.442695020e+00, v25;
	(erf) = vpow2.f32 v24;
	v60 =	vpop (erf)  }
0x9a: {  	v29 =	vpop (erf)  }
0x9b: {  	v13 =	vadd.f32 v19, v13;
	v19 =	vmul.f32 $1.442695020e+00, v27;
	(erf) = vpow2.f32 v25;
	v61 =	vpop (erf)  }
0x9c: {  	v26 =	vmul.f32 $1.442695020e+00, v26;
	v31 =	vpop (erf)  }
0x9d: {  	v12 =	vadd.f32 v15, v12;
	v15 =	vmul.f32 $1.442695020e+00, v28;
	v62 =	vpop (erf)  }
0x9e: {  	v30 =	vld [tilespmem:s3+$0x4160];
	v11 =	vadd.f32 v14, v11;
	(erf) = vpow2.f32 v26;
	v14 =	vpop (erf)  }
0x9f: {  	(erf) = vpow2.f32 v19;
	v19 =	vpop (erf)  }
0xa0: {  	v7 =	vadd.f32 v21, v7;
	v21 =	vpop (erf)  }
0xa1: {  	v11 =	vadd.f32 v29, v11;
	(erf) = vpow2.f32 v15;
	v15 =	vpop (erf)  }
0xa2: {  	v9 =	vadd.f32 v16, v9;
	v7 =	vadd.f32 v60, v7;
	v16 =	vpop (erf)  }
0xa3: {  	v63 =	vmul.f32 $1.442695020e+00, v30;
	v12 =	vadd.f32 v61, v12;
	v11 =	vadd.f32 v16, v11  }
0xa4: {  	v7 =	vadd.f32 v15, v7;
	v15 =	vpop (erf)  }
0xa5: {  	v8 =	vadd.f32 v17, v8;
	(erf) = vpow2.f32 v63;
	v12 =	vadd.f32 v15, v12  }
0xa6: {  	v9 =	vadd.f32 v31, v9  }
0xa7: {  	v8 =	vadd.f32 v62, v8;
	v7 =	vadd.f32 v11, v7;
	v11 =	vpop (erf)  }
0xa8: {  	v9 =	vadd.f32 v11, v9;
	v11 =	vadd.f32 v22, v13  }
0xa9: {  	v10 =	vadd.f32 v18, v10;
	v7 =	vadd.f32 v12, v7;
	v12 =	vpop (erf)  }
0xaa: {  	v8 =	vadd.f32 v12, v8  }
0xab: {  	v10 =	vadd.f32 v14, v10;
	v7 =	vadd.f32 v9, v7  }
0xac: {  	v6 =	vadd.f32 v20, v6;
	v9 =	vadd.f32 v19, v11;
	v11 =	vpop (erf)  }
0xad: {  	v7 =	vadd.f32 v8, v7;
	v10 =	vadd.f32 v11, v10  }
0xae: {  	v6 =	vadd.f32 v23, v6;
	v8 =	vpop (erf)  }
0xaf: {  	v8 =	vadd.f32 v8, v9;
	v7 =	vadd.f32 v10, v7;
	_ =	sdelay $0x1  }
0xb0: {  	v6 =	vadd.f32 v21, v6;
	v7 =	vadd.f32 v8, v7;
	_ =	sdelay $0x1  }
0xb1: {  	s1 =	sshll.u32 s21, $0xB;
	v6 =	vadd.f32 v6, v7  }
0xb2: {  	s4 =	sand.u32 $0x3FFFF800, s1  }
0xb3: {  	(v2sf) =	vpush v4, $0x0;
	s18 =	simm.s32 $0x0;
	[tilespmem:s4+$0x14100] =	vst v6  }
0xb4: {  	v7 =	vld [tilespmem:s18+$0x41F0]  }
0xb5: {  	v8 =	vld [tilespmem:s18+$0x4180]  }
0xb6: {  	v9 =	vld [tilespmem:s18+$0x4190]  }
0xb7: {  	v10 =	vld [tilespmem:s18+$0x41A0]  }
0xb8: {  	v11 =	vld [tilespmem:s18+$0x41B0]  }
0xb9: {  	v12 =	vld [tilespmem:s18+$0x41C0]  }
0xba: {  	v13 =	vld [tilespmem:s18+$0x41D0];
	v7 =	vmul.f32 $1.442695020e+00, v7  }
0xbb: {  	s24 =	simm.s32 $0x100;
	v14 =	vld [tilespmem:s18+$0x41E0];
	v8 =	vmul.f32 $1.442695020e+00, v8;
	v9 =	vmul.f32 $1.442695020e+00, v9  }
0xbc: {  	v10 =	vmul.f32 $1.442695020e+00, v10;
	(erf) = vpow2.f32 v7;
	v7 =	vld [tilespmem:s24+$0x41F0]  }
0xbd: {  	v11 =	vmul.f32 $1.442695020e+00, v11;
	(erf) = vpow2.f32 v8;
	v8 =	vld [tilespmem:s24+$0x4180]  }
0xbe: {  	v12 =	vmul.f32 $1.442695020e+00, v12;
	(erf) = vpow2.f32 v9;
	v9 =	vld [tilespmem:s24+$0x4190]  }
0xbf: {  	v13 =	vmul.f32 $1.442695020e+00, v13;
	(erf) = vpow2.f32 v10;
	v10 =	vld [tilespmem:s24+$0x41A0]  }
0xc0: {  	v14 =	vmul.f32 $1.442695020e+00, v14;
	(erf) = vpow2.f32 v11  }
0xc1: {  	v11 =	vld [tilespmem:s24+$0x41B0];
	(erf) = vpow2.f32 v12;
	v7 =	vmul.f32 $1.442695020e+00, v7  }
0xc2: {  	s3 =	spop (v2sf);
	v12 =	vld [tilespmem:s24+$0x41C0];
	(erf) = vpow2.f32 v13;
	v13 =	vmul.f32 $1.442695020e+00, v8  }
0xc3: {  	s6 =	sshll.u32 s3, $0x1;
	v16 =	vld [tilespmem:s24+$0x41D0];
	(erf) = vpow2.f32 v14;
	v9 =	vmul.f32 $1.442695020e+00, v9  }
0xc4: {  	s31 =	simm.s32 $0x200;
	s17 =	sand.u32 $0x70, s3;
	s6 =	sand.u32 $0xFFFFFF00, s6;
	v14 =	vld [tilespmem:s24+$0x41E0];
	(erf) = vpow2.f32 v7;
	v10 =	vmul.f32 $1.442695020e+00, v10  }
0xc5: {  	s1 =	sor.u32 s17, s6;
	v18 =	vld [tilespmem:s31+$0x41F0];
	(erf) = vpow2.f32 v13  }
0xc6: {  	v6 =	vld [tilespmem:s1+$0x4100];
	v7 =	vpop (erf);
	v11 =	vmul.f32 $1.442695020e+00, v11;
	(erf) = vpow2.f32 v9  }
0xc7: {  	v19 =	vld [tilespmem:s31+$0x4180];
	v12 =	vmul.f32 $1.442695020e+00, v12;
	v9 =	vpop (erf);
	(erf) = vpow2.f32 v10  }
0xc8: {  	v20 =	vld [tilespmem:s31+$0x4190];
	v21 =	vmul.f32 $1.442695020e+00, v16;
	v8 =	vimm.f32 $0.0e+00;
	v10 =	vpop (erf);
	(erf) = vpow2.f32 v11  }
0xc9: {  	v15 =	vld [tilespmem:s31+$0x41A0];
	v22 =	vmul.f32 $1.442695020e+00, v14;
	v13 =	vadd.f32 v10, v8;
	v10 =	vpop (erf);
	(erf) = vpow2.f32 v12  }
0xca: {  	v16 =	vld [tilespmem:s31+$0x41B0];
	v12 =	vmul.f32 $1.442695020e+00, v18;
	v14 =	vadd.f32 v10, v8;
	v10 =	vpop (erf);
	(erf) = vpow2.f32 v21  }
0xcb: {  	v17 =	vld [tilespmem:s31+$0x41C0];
	v7 =	vadd.f32 v7, v8;
	v11 =	vadd.f32 v10, v8;
	v10 =	vpop (erf);
	(erf) = vpow2.f32 v22  }
0xcc: {  	v9 =	vadd.f32 v9, v8;
	v18 =	vld [tilespmem:s31+$0x41D0];
	v21 =	vmul.f32 $1.442695020e+00, v19;
	v23 =	vpop (erf);
	(erf) = vpow2.f32 v12  }
0xcd: {  	s15 =	simm.s32 $0x1000;
	s6 =	simm.s32 $0x300;
	v19 =	vld [tilespmem:s31+$0x41E0];
	v22 =	vmul.f32 $1.442695020e+00, v20;
	v10 =	vadd.f32 v10, v8;
	v12 =	vadd.f32 v23, v8;
	v20 =	vpop (erf)  }
.LBB2_5:
0xce: {  	p1 =	sne.s32 s15, $0xFC00;
	v23 =	vld [tilespmem:s6+$0x41F0];
	v15 =	vmul.f32 $1.442695020e+00, v15;
	(erf) = vpow2.f32 v21;
	v21 =	vpop (erf);
	v8 =	vadd.f32 v20, v8  }
0xcf: {  	v20 =	vld [tilespmem:s6+$0x4180];
	v16 =	vmul.f32 $1.442695020e+00, v16;
	(erf) = vpow2.f32 v22;
	v7 =	vadd.f32 v21, v7;
	v21 =	vpop (erf)  }
0xd0: {  	v22 =	vld [tilespmem:s6+$0x4190];
	v17 =	vmul.f32 $1.442695020e+00, v17;
	(erf) = vpow2.f32 v15;
	v9 =	vadd.f32 v21, v9;
	v21 =	vpop (erf)  }
.Ltmp1:
0xd1: {  	v15 =	vld [tilespmem:s6+$0x41A0];
	v18 =	vmul.f32 $1.442695020e+00, v18;
	(erf) = vpow2.f32 v16;
	v13 =	vadd.f32 v21, v13;
	v21 =	vpop (erf);
	(pc) =	sbr.rel @p1 .LBB2_5-.Ltmp1, $4  }
0xd2: {  	v16 =	vld [tilespmem:s6+$0x41B0];
	v19 =	vmul.f32 $1.442695020e+00, v19;
	(erf) = vpow2.f32 v17;
	v14 =	vadd.f32 v21, v14;
	v21 =	vpop (erf)  }
0xd3: {  	v17 =	vld [tilespmem:s6+$0x41C0];
	v23 =	vmul.f32 $1.442695020e+00, v23;
	(erf) = vpow2.f32 v18;
	v11 =	vadd.f32 v21, v11;
	v24 =	vpop (erf)  }
0xd4: {  	v21 =	vmul.f32 $1.442695020e+00, v20;
	v18 =	vld [tilespmem:s6+$0x41D0];
	(erf) = vpow2.f32 v19;
	v10 =	vadd.f32 v24, v10;
	v20 =	vpop (erf)  }
0xd5: {  	v22 =	vmul.f32 $1.442695020e+00, v22;
	v19 =	vld [tilespmem:s6+$0x41E0];
	s6 =	sshra.s32 s15, $0x2;
	s15 =	sadd.s32 $0x400, s15;
	(erf) = vpow2.f32 v23;
	v12 =	vadd.f32 v20, v12;
	v20 =	vpop (erf)  }
0xd6: {  	v23 =	vld [tilespmem:s6+$0x41F0];
	v15 =	vmul.f32 $1.442695020e+00, v15  }
0xd7: {  	v16 =	vmul.f32 $1.442695020e+00, v16  }
0xd8: {  	(erf) = vpow2.f32 v21;
	v21 =	vpop (erf);
	v17 =	vmul.f32 $1.442695020e+00, v17  }
0xd9: {  	v24 =	vld [tilespmem:s6+$0x4180];
	(erf) = vpow2.f32 v22;
	v22 =	vpop (erf);
	v18 =	vmul.f32 $1.442695020e+00, v18  }
0xda: {  	v25 =	vld [tilespmem:s6+$0x4190];
	(erf) = vpow2.f32 v15;
	v15 =	vpop (erf);
	v19 =	vmul.f32 $1.442695020e+00, v19  }
0xdb: {  	(erf) = vpow2.f32 v16;
	v16 =	vpop (erf);
	v23 =	vmul.f32 $1.442695020e+00, v23  }
0xdc: {  	(erf) = vpow2.f32 v17;
	v17 =	vpop (erf)  }
0xdd: {  	v26 =	vld [tilespmem:s6+$0x41A0];
	(erf) = vpow2.f32 v18;
	v18 =	vpop (erf)  }
0xde: {  	v28 =	vld [tilespmem:s6+$0x41C0];
	v24 =	vmul.f32 $1.442695020e+00, v24;
	(erf) = vpow2.f32 v19;
	v19 =	vpop (erf)  }
0xdf: {  	v27 =	vld [tilespmem:s6+$0x41B0];
	v25 =	vmul.f32 $1.442695020e+00, v25;
	(erf) = vpow2.f32 v23;
	v23 =	vpop (erf)  }
0xe0: {  	v29 =	vld [tilespmem:s6+$0x41D0];
	(erf) = vpow2.f32 v24;
	v59 =	vpop (erf)  }
0xe1: {  	(erf) = vpow2.f32 v25;
	v60 =	vpop (erf)  }
0xe2: {  	v30 =	vpop (erf)  }
0xe3: {  	v8 =	vadd.f32 v20, v8;
	v26 =	vmul.f32 $1.442695020e+00, v26;
	v20 =	vmul.f32 $1.442695020e+00, v28;
	v61 =	vpop (erf)  }
0xe4: {  	v27 =	vmul.f32 $1.442695020e+00, v27;
	v32 =	vpop (erf)  }
0xe5: {  	v14 =	vadd.f32 v16, v14;
	v16 =	vmul.f32 $1.442695020e+00, v29;
	(erf) = vpow2.f32 v26;
	v62 =	vpop (erf)  }
0xe6: {  	v31 =	vld [tilespmem:s6+$0x41E0];
	v13 =	vadd.f32 v15, v13;
	(erf) = vpow2.f32 v27;
	v15 =	vpop (erf)  }
0xe7: {  	(erf) = vpow2.f32 v20;
	v20 =	vpop (erf)  }
0xe8: {  	v9 =	vadd.f32 v22, v9;
	v22 =	vpop (erf)  }
0xe9: {  	v13 =	vadd.f32 v30, v13;
	(erf) = vpow2.f32 v16;
	v16 =	vpop (erf)  }
0xea: {  	(v2sf) =	vpush v4, $0x1;
	v11 =	vadd.f32 v17, v11;
	v17 =	vpop (erf)  }
0xeb: {  	v63 =	vmul.f32 $1.442695020e+00, v31;
	v9 =	vadd.f32 v60, v9;
	v13 =	vadd.f32 v17, v13;
	_ =	sdelay $0x1  }
0xec: {  	v14 =	vadd.f32 v61, v14;
	(erf) = vpow2.f32 v63;
	v9 =	vadd.f32 v16, v9  }
0xed: {  	v10 =	vadd.f32 v18, v10;
	v11 =	vadd.f32 v32, v11;
	v16 =	vpop (erf)  }
0xee: {  	v14 =	vadd.f32 v16, v14;
	v9 =	vadd.f32 v13, v9;
	v13 =	vpop (erf)  }
0xef: {  	v10 =	vadd.f32 v62, v10;
	v11 =	vadd.f32 v13, v11  }
0xf0: {  	v12 =	vadd.f32 v19, v12;
	v9 =	vadd.f32 v14, v9;
	v13 =	vpop (erf)  }
0xf1: {  	v8 =	vadd.f32 v23, v8;
	v10 =	vadd.f32 v13, v10  }
0xf2: {  	v12 =	vadd.f32 v15, v12;
	v9 =	vadd.f32 v11, v9  }
0xf3: {  	v7 =	vadd.f32 v21, v7;
	v8 =	vadd.f32 v20, v8;
	v11 =	vpop (erf)  }
0xf4: {  	v9 =	vadd.f32 v10, v9;
	v11 =	vadd.f32 v11, v12  }
0xf5: {  	v7 =	vadd.f32 v59, v7;
	v10 =	vpop (erf)  }
0xf6: {  	v8 =	vadd.f32 v10, v8;
	v9 =	vadd.f32 v11, v9;
	_ =	sdelay $0x1  }
0xf7: {  	v7 =	vadd.f32 v22, v7;
	v8 =	vadd.f32 v8, v9  }
0xf8: {  	s1 =	spop (v2sf)  }
0xf9: {  	s18 =	sshll.u32 s1, $0x1;
	v7 =	vadd.f32 v7, v8  }
0xfa: {  	s15 =	sand.u32 $0x70, s1;
	s6 =	sand.u32 $0xFFFFFF00, s18  }
0xfb: {  	s6 =	sor.u32 s15, s6;
	[tilespmem:s4+$0x14180] =	vst v7  }
0xfc: {  	v7 =	vld [tilespmem:s6+$0x4180];
	s6 =	simm.s32 @!p0 $0x8  }
0xfd: {  	s15 =	sor.u32 $0x3, s22;
	_ =	swait.ge @!p0 [sflag:s6], $0x4000  }
0xfe: {  	s16 =	sshll.u32 s15, $0x7;
	[sflag:s6] =	ssyncset.done @!p0 $0x0  }
0xff: {  	s24 =	sand.u32 $0x3FFFFF80, s16;
	[sflag:s6] =	ssyncadd.s32 @!p0 $0xFFFFC000  }
0x100: {  	v8 =	vld.msk [tilespmem:s24+$0x0], $0x3;
	_ =	sdelay $0x4  }
0x101: {  	v9 =	vshll.u32 v8, $0x6  }
0x102: {  	v8 =	vand.u32 $0x7, v8;
	v9 =	vand.u32 $0xFFFFFE00, v9  }
0x103: {  	v8 =	vor.u32 v8, v9  }
0x104: {  	v8 =	vperm.xlane v8, v1;
	_ =	sdelay $0x1  }
0x105: {  	v8 =	vadd.s32 v2, v8;
	_ =	sdelay $0x3  }
0x106: {  	s31 =	simm.s32 $0x10100;
	s6 =	simm.s32 $0x0  }
0x107: {  	[tilespmem:s31], [sflag:$0x4] =	stream.indirect_vreg.gather [hbm4b:s2+s6], $0x80, v8, vm0, $0xb8;
	[tilespmem:$0x1C180] =	vst v63  }
0x108: {  	s17 =	simm.s32 $0x10900  }
0x109: {  	[tilespmem:s17], [sflag:$0x4] =	stream.indirect_vreg.gather [hbm4b:s7+s6], $0x80, v8, vm0, $0xb8;
	[tilespmem:$0x1C180] =	vst v63  }
0x10a: {  	s18 =	simm.s32 $0x11100  }
0x10b: {  	[tilespmem:s18], [sflag:$0x4] =	stream.indirect_vreg.gather [hbm4b:s8+s6], $0x80, v8, vm0, $0xb8;
	[tilespmem:$0x1C180] =	vst v63  }
0x10c: {  	s24 =	simm.s32 $0x11900  }
0x10d: {  	[tilespmem:s24], [sflag:$0x4] =	stream.indirect_vreg.gather [hbm4b:s9+s6], $0x80, v8, vm0, $0xb8;
	[tilespmem:$0x1C180] =	vst v63  }
0x10e: {  	s31 =	simm.s32 $0x12100  }
0x10f: {  	[tilespmem:s31], [sflag:$0x4] =	stream.indirect_vreg.gather [hbm4b:s10+s6], $0x80, v8, vm0, $0xb8;
	[tilespmem:$0x1C180] =	vst v63  }
0x110: {  	s17 =	simm.s32 $0x12900  }
0x111: {  	[tilespmem:s17], [sflag:$0x4] =	stream.indirect_vreg.gather [hbm4b:s11+s6], $0x80, v8, vm0, $0xb8;
	[tilespmem:$0x1C180] =	vst v63  }
0x112: {  	s18 =	simm.s32 $0x13100  }
0x113: {  	[tilespmem:s18], [sflag:$0x4] =	stream.indirect_vreg.gather [hbm4b:s12+s6], $0x80, v8, vm0, $0xb8;
	[tilespmem:$0x1C180] =	vst v63  }
0x114: {  	s24 =	simm.s32 $0x13900;
	s31 =	simm.s32 $0x2  }
0x115: {  	[tilespmem:s24], [sflag:$0x4] =	stream.indirect_vreg.gather [hbm4b:s13+s6], $0x80, v8, vm0, $0xb8;
	[tilespmem:$0x1C180] =	vst v63  }
0x116: {  	_ =	swait.ge [sflag:s31], $0x4000  }
0x117: {  	s16 =	sadd.s32 s0, s26;
	[sflag:s31] =	ssyncset.done $0x0  }
0x118: {  	s17 =	simm.s32 $0x8100;
	s18 =	simm.s32 $0x0;
	[sflag:s31] =	ssyncadd.s32 $0xFFFFC000  }
0x119: {  	[hbm4b:s16+s23] =	stream.strided.scatter [tilespmem:s17], [sflag:$0x6], $0x4000, s5, s23, $0x38;
	[tilespmem:$0x1C180] =	vst v63  }
0x11a: {  	v8 =	vld [tilespmem:s18+$0x8170]  }
0x11b: {  	v9 =	vld [tilespmem:s18+$0x8100]  }
0x11c: {  	v10 =	vld [tilespmem:s18+$0x8110]  }
0x11d: {  	v11 =	vld [tilespmem:s18+$0x8120]  }
0x11e: {  	v12 =	vld [tilespmem:s18+$0x8130]  }
0x11f: {  	v13 =	vld [tilespmem:s18+$0x8140]  }
0x120: {  	v14 =	vld [tilespmem:s18+$0x8150];
	v8 =	vmul.f32 $1.442695020e+00, v8  }
0x121: {  	s3 =	sand.u32 $0xF, s3;
	s24 =	simm.s32 $0x100;
	v15 =	vld [tilespmem:s18+$0x8160];
	v9 =	vmul.f32 $1.442695020e+00, v9;
	v10 =	vmul.f32 $1.442695020e+00, v10  }
0x122: {  	v16 =	vld [tilespmem:s24+$0x8170];
	v11 =	vmul.f32 $1.442695020e+00, v11;
	(erf) = vpow2.f32 v8;
	v8 =	vmov s3  }
0x123: {  	(erf) = vpow2.f32 v9;
	vm1 =	veq.s32 v8, v0;
	v8 =	vld [tilespmem:s24+$0x8100];
	v9 =	vmul.f32 $1.442695020e+00, v12  }
0x124: {  	v12 =	vmul.f32 $1.442695020e+00, v13;
	v13 =	vld [tilespmem:s24+$0x8130];
	(erf) = vpow2.f32 v10;
	v6 =	vnsel vm1, $0x0, v6  }
0x125: {  	s1 =	sand.u32 $0xF, s1;
	v10 =	vld [tilespmem:s24+$0x8110];
	(erf) = vpow2.f32 v11;
	v5 =	vadd.f32 v6, v5;
	v11 =	vmul.f32 $1.442695020e+00, v14  }
0x126: {  	v6 =	vld [tilespmem:s24+$0x8120];
	v14 =	vmul.f32 $1.442695020e+00, v15;
	(erf) = vpow2.f32 v9;
	v9 =	vmov s1  }
0x127: {  	s31 =	simm.s32 $0x200;
	(erf) = vpow2.f32 v12;
	vm1 =	veq.s32 v9, v0;
	v9 =	vld [tilespmem:s24+$0x8140];
	v12 =	vmul.f32 $1.442695020e+00, v16  }
0x128: {  	v17 =	vld [tilespmem:s31+$0x8170];
	(erf) = vpow2.f32 v11;
	v8 =	vmul.f32 $1.442695020e+00, v8  }
0x129: {  	v11 =	vld [tilespmem:s24+$0x8150];
	v13 =	vmul.f32 $1.442695020e+00, v13;
	(erf) = vpow2.f32 v14  }
0x12a: {  	v16 =	vld [tilespmem:s24+$0x8160];
	v10 =	vmul.f32 $1.442695020e+00, v10;
	(erf) = vpow2.f32 v12  }
0x12b: {  	v18 =	vld [tilespmem:s31+$0x8100];
	v12 =	vmul.f32 $1.442695020e+00, v6;
	(erf) = vpow2.f32 v8  }
0x12c: {  	v7 =	vnsel vm1, $0x0, v7;
	v6 =	vpop (erf);
	(erf) = vpow2.f32 v10;
	v9 =	vmul.f32 $1.442695020e+00, v9  }
0x12d: {  	v22 =	vmul.f32 $1.442695020e+00, v17;
	v5 =	vadd.f32 v7, v5;
	v8 =	vpop (erf);
	(erf) = vpow2.f32 v12  }
0x12e: {  	v19 =	vld [tilespmem:s31+$0x8110];
	v7 =	vimm.f32 $0.0e+00;
	v10 =	vpop (erf);
	v11 =	vmul.f32 $1.442695020e+00, v11;
	(erf) = vpow2.f32 v13  }
0x12f: {  	v14 =	vld [tilespmem:s31+$0x8120];
	v21 =	vmul.f32 $1.442695020e+00, v16;
	v12 =	vadd.f32 v10, v7;
	v10 =	vpop (erf);
	(erf) = vpow2.f32 v9  }
0x130: {  	v20 =	vmul.f32 $1.442695020e+00, v18;
	v15 =	vld [tilespmem:s31+$0x8130];
	v9 =	vpop (erf);
	(erf) = vpow2.f32 v11  }
0x131: {  	v16 =	vld [tilespmem:s31+$0x8140];
	v13 =	vadd.f32 v10, v7;
	v10 =	vadd.f32 v9, v7;
	v9 =	vpop (erf);
	(erf) = vpow2.f32 v21  }
0x132: {  	v17 =	vld [tilespmem:s31+$0x8150];
	v6 =	vadd.f32 v6, v7;
	v8 =	vadd.f32 v8, v7;
	v11 =	vpop (erf);
	(erf) = vpow2.f32 v22  }
0x133: {  	v18 =	vld [tilespmem:s31+$0x8160];
	s3 =	simm.s32 $0x300;
	s1 =	simm.s32 $0x1000;
	v21 =	vmul.f32 $1.442695020e+00, v19;
	v9 =	vadd.f32 v9, v7;
	v11 =	vadd.f32 v11, v7;
	v19 =	vpop (erf)  }
.LBB2_7:
0x134: {  	p0 =	sne.s32 s1, $0xFC00;
	v22 =	vld [tilespmem:s3+$0x8170];
	v14 =	vmul.f32 $1.442695020e+00, v14;
	(erf) = vpow2.f32 v20;
	v20 =	vpop (erf);
	v7 =	vadd.f32 v19, v7  }
0x135: {  	v19 =	vld [tilespmem:s3+$0x8100];
	v15 =	vmul.f32 $1.442695020e+00, v15;
	(erf) = vpow2.f32 v21;
	v6 =	vadd.f32 v20, v6;
	v20 =	vpop (erf)  }
0x136: {  	v21 =	vld [tilespmem:s3+$0x8110];
	v16 =	vmul.f32 $1.442695020e+00, v16;
	(erf) = vpow2.f32 v14;
	v8 =	vadd.f32 v20, v8;
	v20 =	vpop (erf)  }
.Ltmp2:
0x137: {  	v14 =	vld [tilespmem:s3+$0x8120];
	v17 =	vmul.f32 $1.442695020e+00, v17;
	(erf) = vpow2.f32 v15;
	v12 =	vadd.f32 v20, v12;
	v20 =	vpop (erf);
	(pc) =	sbr.rel @p0 .LBB2_7-.Ltmp2, $4  }
0x138: {  	v15 =	vld [tilespmem:s3+$0x8130];
	v18 =	vmul.f32 $1.442695020e+00, v18;
	(erf) = vpow2.f32 v16;
	v13 =	vadd.f32 v20, v13;
	v20 =	vpop (erf)  }
0x139: {  	v16 =	vld [tilespmem:s3+$0x8140];
	v22 =	vmul.f32 $1.442695020e+00, v22;
	(erf) = vpow2.f32 v17;
	v10 =	vadd.f32 v20, v10;
	v23 =	vpop (erf)  }
0x13a: {  	v20 =	vmul.f32 $1.442695020e+00, v19;
	v17 =	vld [tilespmem:s3+$0x8150];
	(erf) = vpow2.f32 v18;
	v9 =	vadd.f32 v23, v9;
	v19 =	vpop (erf)  }
0x13b: {  	v21 =	vmul.f32 $1.442695020e+00, v21;
	v18 =	vld [tilespmem:s3+$0x8160];
	s3 =	sshra.s32 s1, $0x2;
	s1 =	sadd.s32 $0x400, s1;
	(erf) = vpow2.f32 v22;
	v11 =	vadd.f32 v19, v11;
	v19 =	vpop (erf)  }
0x13c: {  	v22 =	vld [tilespmem:s3+$0x8170];
	v14 =	vmul.f32 $1.442695020e+00, v14  }
0x13d: {  	v23 =	vld [tilespmem:s3+$0x8100];
	v15 =	vmul.f32 $1.442695020e+00, v15  }
0x13e: {  	(erf) = vpow2.f32 v20;
	v20 =	vpop (erf);
	v16 =	vmul.f32 $1.442695020e+00, v16  }
0x13f: {  	(erf) = vpow2.f32 v21;
	v21 =	vpop (erf);
	v17 =	vmul.f32 $1.442695020e+00, v17  }
0x140: {  	v24 =	vld [tilespmem:s3+$0x8110];
	(erf) = vpow2.f32 v14;
	v14 =	vpop (erf);
	v18 =	vmul.f32 $1.442695020e+00, v18  }
0x141: {  	(erf) = vpow2.f32 v15;
	v15 =	vpop (erf);
	v22 =	vmul.f32 $1.442695020e+00, v22  }
0x142: {  	(erf) = vpow2.f32 v16;
	v23 =	vmul.f32 $1.442695020e+00, v23;
	v16 =	vpop (erf)  }
0x143: {  	v25 =	vld [tilespmem:s3+$0x8120];
	(erf) = vpow2.f32 v17;
	v17 =	vpop (erf)  }
0x144: {  	v27 =	vld [tilespmem:s3+$0x8140];
	(erf) = vpow2.f32 v18;
	v18 =	vpop (erf)  }
0x145: {  	v26 =	vld [tilespmem:s3+$0x8130];
	v24 =	vmul.f32 $1.442695020e+00, v24;
	(erf) = vpow2.f32 v22;
	v22 =	vpop (erf)  }
0x146: {  	v28 =	vld [tilespmem:s3+$0x8150];
	(erf) = vpow2.f32 v23;
	v23 =	vpop (erf)  }
0x147: {  	(erf) = vpow2.f32 v24;
	v60 =	vpop (erf)  }
0x148: {  	v29 =	vpop (erf)  }
0x149: {  	v7 =	vadd.f32 v19, v7;
	v25 =	vmul.f32 $1.442695020e+00, v25;
	v19 =	vmul.f32 $1.442695020e+00, v27;
	v61 =	vpop (erf)  }
0x14a: {  	v26 =	vmul.f32 $1.442695020e+00, v26;
	v31 =	vpop (erf)  }
0x14b: {  	v13 =	vadd.f32 v15, v13;
	v15 =	vmul.f32 $1.442695020e+00, v28;
	(erf) = vpow2.f32 v25;
	v62 =	vpop (erf)  }
0x14c: {  	v30 =	vld [tilespmem:s3+$0x8160];
	v12 =	vadd.f32 v14, v12;
	(erf) = vpow2.f32 v26;
	v14 =	vpop (erf)  }
0x14d: {  	(erf) = vpow2.f32 v19;
	v19 =	vpop (erf)  }
0x14e: {  	v8 =	vadd.f32 v21, v8;
	v21 =	vpop (erf)  }
0x14f: {  	v12 =	vadd.f32 v29, v12;
	(erf) = vpow2.f32 v15;
	v15 =	vpop (erf)  }
0x150: {  	v10 =	vadd.f32 v16, v10;
	v16 =	vpop (erf)  }
0x151: {  	v63 =	vmul.f32 $1.442695020e+00, v30;
	v8 =	vadd.f32 v60, v8;
	v12 =	vadd.f32 v16, v12;
	_ =	sdelay $0x1  }
0x152: {  	v13 =	vadd.f32 v61, v13;
	(erf) = vpow2.f32 v63;
	v8 =	vadd.f32 v15, v8  }
0x153: {  	v9 =	vadd.f32 v17, v9;
	v10 =	vadd.f32 v31, v10;
	v15 =	vpop (erf)  }
0x154: {  	v13 =	vadd.f32 v15, v13;
	v8 =	vadd.f32 v12, v8;
	v12 =	vpop (erf)  }
0x155: {  	v9 =	vadd.f32 v62, v9;
	v10 =	vadd.f32 v12, v10  }
0x156: {  	v11 =	vadd.f32 v18, v11;
	v8 =	vadd.f32 v13, v8;
	v12 =	vpop (erf)  }
0x157: {  	v7 =	vadd.f32 v22, v7;
	v9 =	vadd.f32 v12, v9  }
0x158: {  	v11 =	vadd.f32 v14, v11;
	v8 =	vadd.f32 v10, v8  }
0x159: {  	v6 =	vadd.f32 v20, v6;
	v7 =	vadd.f32 v19, v7;
	v10 =	vpop (erf)  }
0x15a: {  	v8 =	vadd.f32 v9, v8;
	v10 =	vadd.f32 v10, v11  }
0x15b: {  	v6 =	vadd.f32 v23, v6;
	v9 =	vpop (erf)  }
0x15c: {  	v7 =	vadd.f32 v9, v7;
	v8 =	vadd.f32 v10, v8;
	_ =	sdelay $0x1  }
0x15d: {  	v6 =	vadd.f32 v21, v6;
	v7 =	vadd.f32 v7, v8;
	_ =	sdelay $0x1  }
0x15e: {  	v6 =	vadd.f32 v6, v7;
	_ =	sdelay $0x1  }
0x15f: {  	(v2sf) =	vpush v4, $0x2;
	s17 =	simm.s32 $0x0;
	[tilespmem:s4+$0x14200] =	vst v6  }
0x160: {  	v7 =	vld [tilespmem:s17+$0x81F0]  }
0x161: {  	v8 =	vld [tilespmem:s17+$0x8180]  }
0x162: {  	v9 =	vld [tilespmem:s17+$0x8190]  }
0x163: {  	v10 =	vld [tilespmem:s17+$0x81A0]  }
0x164: {  	v11 =	vld [tilespmem:s17+$0x81B0]  }
0x165: {  	v12 =	vld [tilespmem:s17+$0x81C0]  }
0x166: {  	v13 =	vld [tilespmem:s17+$0x81D0];
	v7 =	vmul.f32 $1.442695020e+00, v7  }
0x167: {  	s24 =	simm.s32 $0x100;
	v14 =	vld [tilespmem:s17+$0x81E0];
	v8 =	vmul.f32 $1.442695020e+00, v8;
	v9 =	vmul.f32 $1.442695020e+00, v9  }
0x168: {  	v10 =	vmul.f32 $1.442695020e+00, v10;
	(erf) = vpow2.f32 v7;
	v7 =	vld [tilespmem:s24+$0x81F0]  }
0x169: {  	v11 =	vmul.f32 $1.442695020e+00, v11;
	(erf) = vpow2.f32 v8;
	v8 =	vld [tilespmem:s24+$0x8180]  }
0x16a: {  	v12 =	vmul.f32 $1.442695020e+00, v12;
	(erf) = vpow2.f32 v9;
	v9 =	vld [tilespmem:s24+$0x8190]  }
0x16b: {  	v13 =	vmul.f32 $1.442695020e+00, v13;
	(erf) = vpow2.f32 v10;
	v10 =	vld [tilespmem:s24+$0x81A0]  }
0x16c: {  	v14 =	vmul.f32 $1.442695020e+00, v14;
	(erf) = vpow2.f32 v11  }
0x16d: {  	v11 =	vld [tilespmem:s24+$0x81B0];
	(erf) = vpow2.f32 v12;
	v7 =	vmul.f32 $1.442695020e+00, v7  }
0x16e: {  	s18 =	spop (v2sf);
	v12 =	vld [tilespmem:s24+$0x81C0];
	(erf) = vpow2.f32 v13;
	v13 =	vmul.f32 $1.442695020e+00, v8  }
0x16f: {  	s1 =	sshll.u32 s18, $0x1;
	v16 =	vld [tilespmem:s24+$0x81D0];
	(erf) = vpow2.f32 v14;
	v9 =	vmul.f32 $1.442695020e+00, v9  }
0x170: {  	s31 =	simm.s32 $0x200;
	s16 =	sand.u32 $0x70, s18;
	s1 =	sand.u32 $0xFFFFFF00, s1;
	v14 =	vld [tilespmem:s24+$0x81E0];
	(erf) = vpow2.f32 v7;
	v10 =	vmul.f32 $1.442695020e+00, v10  }
0x171: {  	s1 =	sor.u32 s16, s1;
	v18 =	vld [tilespmem:s31+$0x81F0];
	(erf) = vpow2.f32 v13  }
0x172: {  	v6 =	vld [tilespmem:s1+$0x8100];
	v7 =	vpop (erf);
	v11 =	vmul.f32 $1.442695020e+00, v11;
	(erf) = vpow2.f32 v9  }
0x173: {  	v19 =	vld [tilespmem:s31+$0x8180];
	v12 =	vmul.f32 $1.442695020e+00, v12;
	v9 =	vpop (erf);
	(erf) = vpow2.f32 v10  }
0x174: {  	v20 =	vld [tilespmem:s31+$0x8190];
	v21 =	vmul.f32 $1.442695020e+00, v16;
	v8 =	vimm.f32 $0.0e+00;
	v10 =	vpop (erf);
	(erf) = vpow2.f32 v11  }
0x175: {  	v15 =	vld [tilespmem:s31+$0x81A0];
	v22 =	vmul.f32 $1.442695020e+00, v14;
	v13 =	vadd.f32 v10, v8;
	v10 =	vpop (erf);
	(erf) = vpow2.f32 v12  }
0x176: {  	v16 =	vld [tilespmem:s31+$0x81B0];
	v12 =	vmul.f32 $1.442695020e+00, v18;
	v14 =	vadd.f32 v10, v8;
	v10 =	vpop (erf);
	(erf) = vpow2.f32 v21  }
0x177: {  	v17 =	vld [tilespmem:s31+$0x81C0];
	v7 =	vadd.f32 v7, v8;
	v11 =	vadd.f32 v10, v8;
	v10 =	vpop (erf);
	(erf) = vpow2.f32 v22  }
0x178: {  	v9 =	vadd.f32 v9, v8;
	v18 =	vld [tilespmem:s31+$0x81D0];
	v21 =	vmul.f32 $1.442695020e+00, v19;
	v23 =	vpop (erf);
	(erf) = vpow2.f32 v12  }
0x179: {  	s3 =	simm.s32 $0x300;
	s6 =	simm.s32 $0x1000;
	v19 =	vld [tilespmem:s31+$0x81E0];
	v22 =	vmul.f32 $1.442695020e+00, v20;
	v10 =	vadd.f32 v10, v8;
	v12 =	vadd.f32 v23, v8;
	v20 =	vpop (erf)  }
.LBB2_9:
0x17a: {  	p0 =	sne.s32 s6, $0xFC00;
	v23 =	vld [tilespmem:s3+$0x81F0];
	v15 =	vmul.f32 $1.442695020e+00, v15;
	(erf) = vpow2.f32 v21;
	v21 =	vpop (erf);
	v8 =	vadd.f32 v20, v8  }
0x17b: {  	v20 =	vld [tilespmem:s3+$0x8180];
	v16 =	vmul.f32 $1.442695020e+00, v16;
	(erf) = vpow2.f32 v22;
	v7 =	vadd.f32 v21, v7;
	v21 =	vpop (erf)  }
0x17c: {  	v22 =	vld [tilespmem:s3+$0x8190];
	v17 =	vmul.f32 $1.442695020e+00, v17;
	(erf) = vpow2.f32 v15;
	v9 =	vadd.f32 v21, v9;
	v21 =	vpop (erf)  }
.Ltmp3:
0x17d: {  	v15 =	vld [tilespmem:s3+$0x81A0];
	v18 =	vmul.f32 $1.442695020e+00, v18;
	(erf) = vpow2.f32 v16;
	v13 =	vadd.f32 v21, v13;
	v21 =	vpop (erf);
	(pc) =	sbr.rel @p0 .LBB2_9-.Ltmp3, $4  }
0x17e: {  	v16 =	vld [tilespmem:s3+$0x81B0];
	v19 =	vmul.f32 $1.442695020e+00, v19;
	(erf) = vpow2.f32 v17;
	v14 =	vadd.f32 v21, v14;
	v21 =	vpop (erf)  }
0x17f: {  	v17 =	vld [tilespmem:s3+$0x81C0];
	v23 =	vmul.f32 $1.442695020e+00, v23;
	(erf) = vpow2.f32 v18;
	v11 =	vadd.f32 v21, v11;
	v24 =	vpop (erf)  }
0x180: {  	v21 =	vmul.f32 $1.442695020e+00, v20;
	v18 =	vld [tilespmem:s3+$0x81D0];
	(erf) = vpow2.f32 v19;
	v10 =	vadd.f32 v24, v10;
	v20 =	vpop (erf)  }
0x181: {  	v22 =	vmul.f32 $1.442695020e+00, v22;
	v19 =	vld [tilespmem:s3+$0x81E0];
	s3 =	sshra.s32 s6, $0x2;
	s6 =	sadd.s32 $0x400, s6;
	(erf) = vpow2.f32 v23;
	v12 =	vadd.f32 v20, v12;
	v20 =	vpop (erf)  }
0x182: {  	v23 =	vld [tilespmem:s3+$0x81F0];
	v15 =	vmul.f32 $1.442695020e+00, v15  }
0x183: {  	v16 =	vmul.f32 $1.442695020e+00, v16  }
0x184: {  	(erf) = vpow2.f32 v21;
	v21 =	vpop (erf);
	v17 =	vmul.f32 $1.442695020e+00, v17  }
0x185: {  	v24 =	vld [tilespmem:s3+$0x8180];
	(erf) = vpow2.f32 v22;
	v22 =	vpop (erf);
	v18 =	vmul.f32 $1.442695020e+00, v18  }
0x186: {  	v25 =	vld [tilespmem:s3+$0x8190];
	(erf) = vpow2.f32 v15;
	v15 =	vpop (erf);
	v19 =	vmul.f32 $1.442695020e+00, v19  }
0x187: {  	(erf) = vpow2.f32 v16;
	v16 =	vpop (erf);
	v23 =	vmul.f32 $1.442695020e+00, v23  }
0x188: {  	(erf) = vpow2.f32 v17;
	v17 =	vpop (erf)  }
0x189: {  	v26 =	vld [tilespmem:s3+$0x81A0];
	(erf) = vpow2.f32 v18;
	v18 =	vpop (erf)  }
0x18a: {  	v28 =	vld [tilespmem:s3+$0x81C0];
	v24 =	vmul.f32 $1.442695020e+00, v24;
	(erf) = vpow2.f32 v19;
	v19 =	vpop (erf)  }
0x18b: {  	v27 =	vld [tilespmem:s3+$0x81B0];
	v25 =	vmul.f32 $1.442695020e+00, v25;
	(erf) = vpow2.f32 v23;
	v23 =	vpop (erf)  }
0x18c: {  	v29 =	vld [tilespmem:s3+$0x81D0];
	(erf) = vpow2.f32 v24;
	v58 =	vpop (erf)  }
0x18d: {  	(erf) = vpow2.f32 v25;
	v59 =	vpop (erf)  }
0x18e: {  	v30 =	vpop (erf)  }
0x18f: {  	v8 =	vadd.f32 v20, v8;
	v26 =	vmul.f32 $1.442695020e+00, v26;
	v20 =	vmul.f32 $1.442695020e+00, v28;
	v60 =	vpop (erf)  }
0x190: {  	v27 =	vmul.f32 $1.442695020e+00, v27;
	v32 =	vpop (erf)  }
0x191: {  	v14 =	vadd.f32 v16, v14;
	v16 =	vmul.f32 $1.442695020e+00, v29;
	(erf) = vpow2.f32 v26;
	v61 =	vpop (erf)  }
0x192: {  	v31 =	vld [tilespmem:s3+$0x81E0];
	v13 =	vadd.f32 v15, v13;
	(erf) = vpow2.f32 v27;
	v15 =	vpop (erf)  }
0x193: {  	(erf) = vpow2.f32 v20;
	v20 =	vpop (erf)  }
0x194: {  	v9 =	vadd.f32 v22, v9;
	v22 =	vpop (erf)  }
0x195: {  	v13 =	vadd.f32 v30, v13;
	(erf) = vpow2.f32 v16;
	v16 =	vpop (erf)  }
0x196: {  	(v2sf) =	vpush v4, $0x3;
	v11 =	vadd.f32 v17, v11;
	v17 =	vpop (erf)  }
0x197: {  	v62 =	vmul.f32 $1.442695020e+00, v31;
	v9 =	vadd.f32 v59, v9;
	v13 =	vadd.f32 v17, v13;
	_ =	sdelay $0x1  }
0x198: {  	v14 =	vadd.f32 v60, v14;
	(erf) = vpow2.f32 v62;
	v9 =	vadd.f32 v16, v9  }
0x199: {  	v10 =	vadd.f32 v18, v10;
	v11 =	vadd.f32 v32, v11;
	v16 =	vpop (erf)  }
0x19a: {  	v14 =	vadd.f32 v16, v14;
	v9 =	vadd.f32 v13, v9;
	v13 =	vpop (erf)  }
0x19b: {  	v10 =	vadd.f32 v61, v10;
	v11 =	vadd.f32 v13, v11  }
0x19c: {  	v12 =	vadd.f32 v19, v12;
	v9 =	vadd.f32 v14, v9;
	v13 =	vpop (erf)  }
0x19d: {  	v8 =	vadd.f32 v23, v8;
	v10 =	vadd.f32 v13, v10  }
0x19e: {  	v12 =	vadd.f32 v15, v12;
	v9 =	vadd.f32 v11, v9  }
0x19f: {  	v7 =	vadd.f32 v21, v7;
	v8 =	vadd.f32 v20, v8;
	v11 =	vpop (erf)  }
0x1a0: {  	v9 =	vadd.f32 v10, v9;
	v11 =	vadd.f32 v11, v12  }
0x1a1: {  	v7 =	vadd.f32 v58, v7;
	v10 =	vpop (erf)  }
0x1a2: {  	v8 =	vadd.f32 v10, v8;
	v9 =	vadd.f32 v11, v9;
	_ =	sdelay $0x1  }
0x1a3: {  	v7 =	vadd.f32 v22, v7;
	v8 =	vadd.f32 v8, v9  }
0x1a4: {  	s3 =	spop (v2sf)  }
0x1a5: {  	s1 =	sshll.u32 s3, $0x1;
	v7 =	vadd.f32 v7, v8  }
0x1a6: {  	s6 =	sand.u32 $0x70, s3;
	s1 =	sand.u32 $0xFFFFFF00, s1  }
0x1a7: {  	s1 =	sor.u32 s6, s1;
	s6 =	simm.s32 $0x5;
	[tilespmem:s4+$0x14280] =	vst v7  }
0x1a8: {  	s17 =	sor.u32 $0x4, s22;
	v7 =	vld [tilespmem:s1+$0x8180];
	_ =	swait.ge [sflag:s6], $0x4000  }
0x1a9: {  	s16 =	sshll.u32 s17, $0x7;
	[sflag:s6] =	ssyncset.done $0x0  }
0x1aa: {  	s1 =	sand.u32 $0x3FFFFF80, s16;
	[sflag:s6] =	ssyncadd.s32 $0xFFFFC000  }
0x1ab: {  	v8 =	vld.msk [tilespmem:s1+$0x0], $0x3;
	_ =	sdelay $0x4  }
0x1ac: {  	v9 =	vshll.u32 v8, $0x6  }
0x1ad: {  	v8 =	vand.u32 $0x7, v8;
	v9 =	vand.u32 $0xFFFFFE00, v9  }
0x1ae: {  	v8 =	vor.u32 v8, v9  }
0x1af: {  	v8 =	vperm.xlane v8, v1;
	_ =	sdelay $0x1  }
0x1b0: {  	v8 =	vadd.s32 v2, v8;
	_ =	sdelay $0x3  }
0x1b1: {  	s1 =	simm.s32 $0x0  }
0x1b2: {  	[tilespmem:s28], [sflag:$0x1] =	stream.indirect_vreg.gather [hbm4b:s2+s1], $0x80, v8, vm0, $0xb8;
	[tilespmem:$0x1C180] =	vst v63  }
0x1b3: {  	s24 =	simm.s32 $0x4900  }
0x1b4: {  	[tilespmem:s24], [sflag:$0x1] =	stream.indirect_vreg.gather [hbm4b:s7+s1], $0x80, v8, vm0, $0xb8;
	[tilespmem:$0x1C180] =	vst v63  }
0x1b5: {  	s6 =	simm.s32 $0x5100  }
0x1b6: {  	[tilespmem:s6], [sflag:$0x1] =	stream.indirect_vreg.gather [hbm4b:s8+s1], $0x80, v8, vm0, $0xb8;
	[tilespmem:$0x1C180] =	vst v63  }
0x1b7: {  	s16 =	simm.s32 $0x5900  }
0x1b8: {  	[tilespmem:s16], [sflag:$0x1] =	stream.indirect_vreg.gather [hbm4b:s9+s1], $0x80, v8, vm0, $0xb8;
	[tilespmem:$0x1C180] =	vst v63  }
0x1b9: {  	s24 =	simm.s32 $0x6100  }
0x1ba: {  	[tilespmem:s24], [sflag:$0x1] =	stream.indirect_vreg.gather [hbm4b:s10+s1], $0x80, v8, vm0, $0xb8;
	[tilespmem:$0x1C180] =	vst v63  }
0x1bb: {  	s6 =	simm.s32 $0x6900  }
0x1bc: {  	[tilespmem:s6], [sflag:$0x1] =	stream.indirect_vreg.gather [hbm4b:s11+s1], $0x80, v8, vm0, $0xb8;
	[tilespmem:$0x1C180] =	vst v63  }
0x1bd: {  	s16 =	simm.s32 $0x7100  }
0x1be: {  	[tilespmem:s16], [sflag:$0x1] =	stream.indirect_vreg.gather [hbm4b:s12+s1], $0x80, v8, vm0, $0xb8;
	[tilespmem:$0x1C180] =	vst v63  }
0x1bf: {  	s4 =	simm.s32 $0x3;
	s24 =	simm.s32 $0x7900  }
0x1c0: {  	[tilespmem:s24], [sflag:$0x1] =	stream.indirect_vreg.gather [hbm4b:s13+s1], $0x80, v8, vm0, $0xb8;
	[tilespmem:$0x1C180] =	vst v63  }
0x1c1: {  	_ =	swait.ge [sflag:s4], $0x4000  }
0x1c2: {  	[sflag:s4] =	ssyncset.done $0x0  }
0x1c3: {  	s6 =	sadd.s32 s0, s29;
	s16 =	simm.s32 $0x0;
	[sflag:s4] =	ssyncadd.s32 $0xFFFFC000  }
0x1c4: {  	[hbm4b:s6+s23] =	stream.strided.scatter [tilespmem:s25], [sflag:$0x7], $0x4000, s5, s23, $0x38;
	[tilespmem:$0x1C180] =	vst v63  }
0x1c5: {  	v8 =	vld [tilespmem:s16+$0xC170]  }
0x1c6: {  	v9 =	vld [tilespmem:s16+$0xC100]  }
0x1c7: {  	v10 =	vld [tilespmem:s16+$0xC110]  }
0x1c8: {  	v11 =	vld [tilespmem:s16+$0xC120]  }
0x1c9: {  	v12 =	vld [tilespmem:s16+$0xC130]  }
0x1ca: {  	v13 =	vld [tilespmem:s16+$0xC140]  }
0x1cb: {  	v14 =	vld [tilespmem:s16+$0xC150];
	v8 =	vmul.f32 $1.442695020e+00, v8  }
0x1cc: {  	s24 =	simm.s32 $0x100;
	v15 =	vld [tilespmem:s16+$0xC160];
	v9 =	vmul.f32 $1.442695020e+00, v9;
	v10 =	vmul.f32 $1.442695020e+00, v10  }
0x1cd: {  	v11 =	vmul.f32 $1.442695020e+00, v11;
	(erf) = vpow2.f32 v8;
	v8 =	vld [tilespmem:s24+$0xC170]  }
0x1ce: {  	v12 =	vmul.f32 $1.442695020e+00, v12;
	(erf) = vpow2.f32 v9;
	v9 =	vld [tilespmem:s24+$0xC100]  }
0x1cf: {  	v13 =	vmul.f32 $1.442695020e+00, v13;
	(erf) = vpow2.f32 v10;
	v10 =	vld [tilespmem:s24+$0xC110]  }
0x1d0: {  	v14 =	vmul.f32 $1.442695020e+00, v14;
	(erf) = vpow2.f32 v11;
	v11 =	vld [tilespmem:s24+$0xC120]  }
0x1d1: {  	v15 =	vmul.f32 $1.442695020e+00, v15;
	(erf) = vpow2.f32 v12  }
0x1d2: {  	v12 =	vld [tilespmem:s24+$0xC130];
	(erf) = vpow2.f32 v13;
	v8 =	vmul.f32 $1.442695020e+00, v8  }
0x1d3: {  	v13 =	vld [tilespmem:s24+$0xC140];
	(erf) = vpow2.f32 v14;
	v14 =	vmul.f32 $1.442695020e+00, v9  }
0x1d4: {  	v17 =	vld [tilespmem:s24+$0xC150];
	(erf) = vpow2.f32 v15;
	v10 =	vmul.f32 $1.442695020e+00, v10  }
0x1d5: {  	s25 =	simm.s32 $0x200;
	v15 =	vld [tilespmem:s24+$0xC160];
	(erf) = vpow2.f32 v8;
	v11 =	vmul.f32 $1.442695020e+00, v11  }
0x1d6: {  	v19 =	vld [tilespmem:s25+$0xC170];
	(erf) = vpow2.f32 v14  }
0x1d7: {  	v8 =	vpop (erf);
	v12 =	vmul.f32 $1.442695020e+00, v12;
	(erf) = vpow2.f32 v10  }
0x1d8: {  	v20 =	vld [tilespmem:s25+$0xC100];
	v13 =	vmul.f32 $1.442695020e+00, v13;
	v10 =	vpop (erf);
	(erf) = vpow2.f32 v11  }
0x1d9: {  	v21 =	vld [tilespmem:s25+$0xC110];
	v22 =	vmul.f32 $1.442695020e+00, v17;
	v9 =	vimm.f32 $0.0e+00;
	v11 =	vpop (erf);
	(erf) = vpow2.f32 v12  }
0x1da: {  	v16 =	vld [tilespmem:s25+$0xC120];
	v23 =	vmul.f32 $1.442695020e+00, v15;
	v14 =	vadd.f32 v11, v9;
	v11 =	vpop (erf);
	(erf) = vpow2.f32 v13  }
0x1db: {  	v17 =	vld [tilespmem:s25+$0xC130];
	v13 =	vmul.f32 $1.442695020e+00, v19;
	v15 =	vadd.f32 v11, v9;
	v11 =	vpop (erf);
	(erf) = vpow2.f32 v22  }
0x1dc: {  	v18 =	vld [tilespmem:s25+$0xC140];
	v8 =	vadd.f32 v8, v9;
	v12 =	vadd.f32 v11, v9;
	v11 =	vpop (erf);
	(erf) = vpow2.f32 v23  }
0x1dd: {  	v10 =	vadd.f32 v10, v9;
	v19 =	vld [tilespmem:s25+$0xC150];
	v22 =	vmul.f32 $1.442695020e+00, v20;
	v63 =	vpop (erf);
	(erf) = vpow2.f32 v13  }
0x1de: {  	s31 =	simm.s32 $0xC100;
	s1 =	simm.s32 $0x1000;
	s4 =	simm.s32 $0x300;
	v20 =	vld [tilespmem:s25+$0xC160];
	v23 =	vmul.f32 $1.442695020e+00, v21;
	v11 =	vadd.f32 v11, v9;
	v13 =	vadd.f32 v63, v9;
	v21 =	vpop (erf)  }
.LBB2_11:
0x1df: {  	p0 =	sne.s32 s1, $0xFC00;
	v24 =	vld [tilespmem:s4+$0xC170];
	v16 =	vmul.f32 $1.442695020e+00, v16;
	(erf) = vpow2.f32 v22;
	v22 =	vpop (erf);
	v9 =	vadd.f32 v21, v9  }
0x1e0: {  	v21 =	vld [tilespmem:s4+$0xC100];
	v17 =	vmul.f32 $1.442695020e+00, v17;
	(erf) = vpow2.f32 v23;
	v8 =	vadd.f32 v22, v8;
	v22 =	vpop (erf)  }
0x1e1: {  	v23 =	vld [tilespmem:s4+$0xC110];
	v18 =	vmul.f32 $1.442695020e+00, v18;
	(erf) = vpow2.f32 v16;
	v10 =	vadd.f32 v22, v10;
	v22 =	vpop (erf)  }
.Ltmp4:
0x1e2: {  	v16 =	vld [tilespmem:s4+$0xC120];
	v19 =	vmul.f32 $1.442695020e+00, v19;
	(erf) = vpow2.f32 v17;
	v14 =	vadd.f32 v22, v14;
	v22 =	vpop (erf);
	(pc) =	sbr.rel @p0 .LBB2_11-.Ltmp4, $4  }
0x1e3: {  	v17 =	vld [tilespmem:s4+$0xC130];
	v20 =	vmul.f32 $1.442695020e+00, v20;
	(erf) = vpow2.f32 v18;
	v15 =	vadd.f32 v22, v15;
	v22 =	vpop (erf)  }
0x1e4: {  	v18 =	vld [tilespmem:s4+$0xC140];
	v24 =	vmul.f32 $1.442695020e+00, v24;
	(erf) = vpow2.f32 v19;
	v12 =	vadd.f32 v22, v12;
	v25 =	vpop (erf)  }
0x1e5: {  	v22 =	vmul.f32 $1.442695020e+00, v21;
	v19 =	vld [tilespmem:s4+$0xC150];
	(erf) = vpow2.f32 v20;
	v11 =	vadd.f32 v25, v11;
	v21 =	vpop (erf)  }
0x1e6: {  	v23 =	vmul.f32 $1.442695020e+00, v23;
	v20 =	vld [tilespmem:s4+$0xC160];
	s4 =	sshra.s32 s1, $0x2;
	s1 =	sadd.s32 $0x400, s1;
	(erf) = vpow2.f32 v24;
	v13 =	vadd.f32 v21, v13;
	v21 =	vpop (erf)  }
0x1e7: {  	v24 =	vld [tilespmem:s4+$0xC170];
	v16 =	vmul.f32 $1.442695020e+00, v16  }
0x1e8: {  	v25 =	vld [tilespmem:s4+$0xC100];
	v17 =	vmul.f32 $1.442695020e+00, v17  }
0x1e9: {  	(erf) = vpow2.f32 v22;
	v22 =	vpop (erf);
	v26 =	vld [tilespmem:s4+$0xC110];
	v18 =	vmul.f32 $1.442695020e+00, v18  }
0x1ea: {  	(erf) = vpow2.f32 v23;
	v23 =	vpop (erf);
	v19 =	vmul.f32 $1.442695020e+00, v19  }
0x1eb: {  	v27 =	vld [tilespmem:s4+$0xC120];
	(erf) = vpow2.f32 v16;
	v16 =	vpop (erf);
	v20 =	vmul.f32 $1.442695020e+00, v20  }
0x1ec: {  	(erf) = vpow2.f32 v17;
	v17 =	vpop (erf);
	v24 =	vmul.f32 $1.442695020e+00, v24  }
0x1ed: {  	(erf) = vpow2.f32 v18;
	v25 =	vmul.f32 $1.442695020e+00, v25;
	v18 =	vpop (erf)  }
0x1ee: {  	v26 =	vmul.f32 $1.442695020e+00, v26;
	(erf) = vpow2.f32 v19;
	v19 =	vpop (erf)  }
0x1ef: {  	v29 =	vld [tilespmem:s4+$0xC140];
	(erf) = vpow2.f32 v20;
	v20 =	vpop (erf)  }
0x1f0: {  	v28 =	vld [tilespmem:s4+$0xC130];
	v27 =	vmul.f32 $1.442695020e+00, v27;
	(erf) = vpow2.f32 v24;
	v24 =	vpop (erf)  }
0x1f1: {  	v30 =	vld [tilespmem:s4+$0xC150];
	(erf) = vpow2.f32 v25;
	v25 =	vpop (erf)  }
0x1f2: {  	(erf) = vpow2.f32 v26;
	v26 =	vpop (erf)  }
0x1f3: {  	v31 =	vpop (erf)  }
0x1f4: {  	v9 =	vadd.f32 v21, v9;
	v21 =	vmul.f32 $1.442695020e+00, v29;
	(erf) = vpow2.f32 v27;
	v27 =	vpop (erf)  }
0x1f5: {  	v28 =	vmul.f32 $1.442695020e+00, v28;
	v33 =	vpop (erf)  }
0x1f6: {  	v15 =	vadd.f32 v17, v15;
	v17 =	vmul.f32 $1.442695020e+00, v30;
	v63 =	vpop (erf)  }
0x1f7: {  	v32 =	vld [tilespmem:s4+$0xC160];
	v14 =	vadd.f32 v16, v14;
	(erf) = vpow2.f32 v28;
	v16 =	vpop (erf)  }
0x1f8: {  	(erf) = vpow2.f32 v21;
	v21 =	vpop (erf)  }
0x1f9: {  	v10 =	vadd.f32 v23, v10;
	v23 =	vpop (erf)  }
0x1fa: {  	v14 =	vadd.f32 v31, v14;
	(erf) = vpow2.f32 v17;
	v17 =	vpop (erf)  }
0x1fb: {  	v12 =	vadd.f32 v18, v12;
	v18 =	vpop (erf)  }
0x1fc: {  	v10 =	vadd.f32 v26, v10;
	v26 =	vmul.f32 $1.442695020e+00, v32;
	v14 =	vadd.f32 v18, v14;
	_ =	sdelay $0x1  }
0x1fd: {  	v15 =	vadd.f32 v27, v15;
	(erf) = vpow2.f32 v26;
	v10 =	vadd.f32 v17, v10  }
0x1fe: {  	v11 =	vadd.f32 v19, v11;
	v12 =	vadd.f32 v33, v12;
	v17 =	vpop (erf)  }
0x1ff: {  	v15 =	vadd.f32 v17, v15;
	v10 =	vadd.f32 v14, v10;
	v14 =	vpop (erf)  }
0x200: {  	v11 =	vadd.f32 v63, v11;
	v12 =	vadd.f32 v14, v12  }
0x201: {  	v13 =	vadd.f32 v20, v13;
	v10 =	vadd.f32 v15, v10;
	v14 =	vpop (erf)  }
0x202: {  	v9 =	vadd.f32 v24, v9;
	v11 =	vadd.f32 v14, v11  }
0x203: {  	v13 =	vadd.f32 v16, v13;
	v10 =	vadd.f32 v12, v10  }
0x204: {  	v8 =	vadd.f32 v22, v8;
	v9 =	vadd.f32 v21, v9;
	v12 =	vpop (erf)  }
0x205: {  	v10 =	vadd.f32 v11, v10;
	v12 =	vadd.f32 v12, v13  }
0x206: {  	v8 =	vadd.f32 v25, v8;
	v11 =	vpop (erf)  }
0x207: {  	v9 =	vadd.f32 v11, v9;
	v10 =	vadd.f32 v12, v10;
	_ =	sdelay $0x1  }
0x208: {  	v8 =	vadd.f32 v23, v8;
	v9 =	vadd.f32 v9, v10;
	_ =	sdelay $0x1  }
0x209: {  	s1 =	sshll.u32 s19, $0x8;
	v8 =	vadd.f32 v8, v9  }
0x20a: {  	(v2sf) =	vpush v4, $0x4;
	s4 =	sand.u32 $0x3FFFFF00, s1  }
0x20b: {  	s16 =	simm.s32 $0x0;
	[tilespmem:s4+$0x14100] =	vst v8  }
0x20c: {  	v9 =	vld [tilespmem:s16+$0xC1F0]  }
0x20d: {  	v10 =	vld [tilespmem:s16+$0xC180]  }
0x20e: {  	v11 =	vld [tilespmem:s16+$0xC190]  }
0x20f: {  	v12 =	vld [tilespmem:s16+$0xC1A0]  }
0x210: {  	v13 =	vld [tilespmem:s16+$0xC1B0]  }
0x211: {  	v14 =	vld [tilespmem:s16+$0xC1C0]  }
0x212: {  	v15 =	vld [tilespmem:s16+$0xC1D0];
	v9 =	vmul.f32 $1.442695020e+00, v9  }
0x213: {  	s19 =	simm.s32 $0x100;
	v16 =	vld [tilespmem:s16+$0xC1E0];
	v10 =	vmul.f32 $1.442695020e+00, v10;
	v11 =	vmul.f32 $1.442695020e+00, v11  }
0x214: {  	v12 =	vmul.f32 $1.442695020e+00, v12;
	(erf) = vpow2.f32 v9;
	v9 =	vld [tilespmem:s19+$0xC1F0]  }
0x215: {  	v13 =	vmul.f32 $1.442695020e+00, v13;
	(erf) = vpow2.f32 v10;
	v10 =	vld [tilespmem:s19+$0xC180]  }
0x216: {  	v14 =	vmul.f32 $1.442695020e+00, v14;
	(erf) = vpow2.f32 v11;
	v11 =	vld [tilespmem:s19+$0xC190]  }
0x217: {  	v15 =	vmul.f32 $1.442695020e+00, v15;
	(erf) = vpow2.f32 v12;
	v12 =	vld [tilespmem:s19+$0xC1A0]  }
0x218: {  	v16 =	vmul.f32 $1.442695020e+00, v16;
	(erf) = vpow2.f32 v13  }
0x219: {  	s25 =	spop (v2sf);
	v13 =	vld [tilespmem:s19+$0xC1B0];
	(erf) = vpow2.f32 v14;
	v9 =	vmul.f32 $1.442695020e+00, v9  }
0x21a: {  	s6 =	sshll.u32 s25, $0x1;
	v14 =	vld [tilespmem:s19+$0xC1C0];
	(erf) = vpow2.f32 v15;
	v15 =	vmul.f32 $1.442695020e+00, v10  }
0x21b: {  	s24 =	sand.u32 $0x70, s25;
	s6 =	sand.u32 $0xFFFFFF00, s6;
	v18 =	vld [tilespmem:s19+$0xC1D0];
	(erf) = vpow2.f32 v16;
	v11 =	vmul.f32 $1.442695020e+00, v11  }
0x21c: {  	s1 =	sor.u32 s24, s6;
	s24 =	simm.s32 $0x200;
	v16 =	vld [tilespmem:s19+$0xC1E0];
	(erf) = vpow2.f32 v9;
	v12 =	vmul.f32 $1.442695020e+00, v12  }
0x21d: {  	v20 =	vld [tilespmem:s24+$0xC1F0];
	(erf) = vpow2.f32 v15  }
0x21e: {  	v8 =	vld [tilespmem:s1+$0xC100];
	v9 =	vpop (erf);
	v13 =	vmul.f32 $1.442695020e+00, v13;
	(erf) = vpow2.f32 v11  }
0x21f: {  	v21 =	vld [tilespmem:s24+$0xC180];
	v14 =	vmul.f32 $1.442695020e+00, v14;
	v11 =	vpop (erf);
	(erf) = vpow2.f32 v12  }
0x220: {  	v22 =	vld [tilespmem:s24+$0xC190];
	v23 =	vmul.f32 $1.442695020e+00, v18;
	v10 =	vimm.f32 $0.0e+00;
	v12 =	vpop (erf);
	(erf) = vpow2.f32 v13  }
0x221: {  	v17 =	vld [tilespmem:s24+$0xC1A0];
	v24 =	vmul.f32 $1.442695020e+00, v16;
	v15 =	vadd.f32 v12, v10;
	v12 =	vpop (erf);
	(erf) = vpow2.f32 v14  }
0x222: {  	v18 =	vld [tilespmem:s24+$0xC1B0];
	v14 =	vmul.f32 $1.442695020e+00, v20;
	v16 =	vadd.f32 v12, v10;
	v12 =	vpop (erf);
	(erf) = vpow2.f32 v23  }
0x223: {  	v19 =	vld [tilespmem:s24+$0xC1C0];
	v9 =	vadd.f32 v9, v10;
	v13 =	vadd.f32 v12, v10;
	v12 =	vpop (erf);
	(erf) = vpow2.f32 v24  }
0x224: {  	v11 =	vadd.f32 v11, v10;
	v20 =	vld [tilespmem:s24+$0xC1D0];
	v23 =	vmul.f32 $1.442695020e+00, v21;
	v25 =	vpop (erf);
	(erf) = vpow2.f32 v14  }
0x225: {  	s6 =	simm.s32 $0x300;
	s16 =	simm.s32 $0x1000;
	v21 =	vld [tilespmem:s24+$0xC1E0];
	v24 =	vmul.f32 $1.442695020e+00, v22;
	v12 =	vadd.f32 v12, v10;
	v14 =	vadd.f32 v25, v10;
	v22 =	vpop (erf)  }
.LBB2_13:
0x226: {  	p0 =	sne.s32 s16, $0xFC00;
	v25 =	vld [tilespmem:s6+$0xC1F0];
	v17 =	vmul.f32 $1.442695020e+00, v17;
	(erf) = vpow2.f32 v23;
	v23 =	vpop (erf);
	v10 =	vadd.f32 v22, v10  }
0x227: {  	v22 =	vld [tilespmem:s6+$0xC180];
	v18 =	vmul.f32 $1.442695020e+00, v18;
	(erf) = vpow2.f32 v24;
	v9 =	vadd.f32 v23, v9;
	v23 =	vpop (erf)  }
0x228: {  	v24 =	vld [tilespmem:s6+$0xC190];
	v19 =	vmul.f32 $1.442695020e+00, v19;
	(erf) = vpow2.f32 v17;
	v11 =	vadd.f32 v23, v11;
	v23 =	vpop (erf)  }
.Ltmp5:
0x229: {  	v17 =	vld [tilespmem:s6+$0xC1A0];
	v20 =	vmul.f32 $1.442695020e+00, v20;
	(erf) = vpow2.f32 v18;
	v15 =	vadd.f32 v23, v15;
	v23 =	vpop (erf);
	(pc) =	sbr.rel @p0 .LBB2_13-.Ltmp5, $4  }
0x22a: {  	v18 =	vld [tilespmem:s6+$0xC1B0];
	v21 =	vmul.f32 $1.442695020e+00, v21;
	(erf) = vpow2.f32 v19;
	v16 =	vadd.f32 v23, v16;
	v23 =	vpop (erf)  }
0x22b: {  	v19 =	vld [tilespmem:s6+$0xC1C0];
	v25 =	vmul.f32 $1.442695020e+00, v25;
	(erf) = vpow2.f32 v20;
	v13 =	vadd.f32 v23, v13;
	v26 =	vpop (erf)  }
0x22c: {  	v23 =	vmul.f32 $1.442695020e+00, v22;
	v20 =	vld [tilespmem:s6+$0xC1D0];
	(erf) = vpow2.f32 v21;
	v12 =	vadd.f32 v26, v12;
	v22 =	vpop (erf)  }
0x22d: {  	v24 =	vmul.f32 $1.442695020e+00, v24;
	v21 =	vld [tilespmem:s6+$0xC1E0];
	s6 =	sshra.s32 s16, $0x2;
	s16 =	sadd.s32 $0x400, s16;
	(erf) = vpow2.f32 v25;
	v14 =	vadd.f32 v22, v14;
	v22 =	vpop (erf)  }
0x22e: {  	v25 =	vld [tilespmem:s6+$0xC1F0];
	v17 =	vmul.f32 $1.442695020e+00, v17  }
0x22f: {  	v26 =	vld [tilespmem:s6+$0xC180];
	v18 =	vmul.f32 $1.442695020e+00, v18  }
0x230: {  	(erf) = vpow2.f32 v23;
	v23 =	vpop (erf);
	v27 =	vld [tilespmem:s6+$0xC190];
	v19 =	vmul.f32 $1.442695020e+00, v19  }
0x231: {  	(erf) = vpow2.f32 v24;
	v24 =	vpop (erf);
	v20 =	vmul.f32 $1.442695020e+00, v20  }
0x232: {  	(erf) = vpow2.f32 v17;
	v17 =	vpop (erf);
	v21 =	vmul.f32 $1.442695020e+00, v21  }
0x233: {  	(erf) = vpow2.f32 v18;
	v18 =	vpop (erf);
	v25 =	vmul.f32 $1.442695020e+00, v25  }
0x234: {  	(erf) = vpow2.f32 v19;
	v26 =	vmul.f32 $1.442695020e+00, v26;
	v19 =	vpop (erf)  }
0x235: {  	v28 =	vld [tilespmem:s6+$0xC1A0];
	v27 =	vmul.f32 $1.442695020e+00, v27;
	(erf) = vpow2.f32 v20;
	v20 =	vpop (erf)  }
0x236: {  	v30 =	vld [tilespmem:s6+$0xC1C0];
	(erf) = vpow2.f32 v21;
	v21 =	vpop (erf)  }
0x237: {  	v29 =	vld [tilespmem:s6+$0xC1B0];
	(erf) = vpow2.f32 v25;
	v25 =	vpop (erf)  }
0x238: {  	v31 =	vld [tilespmem:s6+$0xC1D0];
	(erf) = vpow2.f32 v26;
	v26 =	vpop (erf)  }
0x239: {  	(erf) = vpow2.f32 v27;
	v27 =	vpop (erf)  }
0x23a: {  	v32 =	vpop (erf)  }
0x23b: {  	v10 =	vadd.f32 v22, v10;
	v28 =	vmul.f32 $1.442695020e+00, v28;
	v22 =	vmul.f32 $1.442695020e+00, v30;
	v62 =	vpop (erf)  }
0x23c: {  	v29 =	vmul.f32 $1.442695020e+00, v29;
	v34 =	vpop (erf)  }
0x23d: {  	v16 =	vadd.f32 v18, v16;
	v18 =	vmul.f32 $1.442695020e+00, v31;
	(erf) = vpow2.f32 v28;
	v63 =	vpop (erf)  }
0x23e: {  	v33 =	vld [tilespmem:s6+$0xC1E0];
	v15 =	vadd.f32 v17, v15;
	(erf) = vpow2.f32 v29;
	v17 =	vpop (erf)  }
0x23f: {  	(erf) = vpow2.f32 v22;
	v22 =	vpop (erf)  }
0x240: {  	v11 =	vadd.f32 v24, v11;
	v24 =	vpop (erf)  }
0x241: {  	v15 =	vadd.f32 v32, v15;
	(erf) = vpow2.f32 v18;
	v18 =	vpop (erf)  }
0x242: {  	(v2sf) =	vpush v4, $0x5;
	v13 =	vadd.f32 v19, v13;
	v19 =	vpop (erf)  }
0x243: {  	v11 =	vadd.f32 v27, v11;
	v27 =	vmul.f32 $1.442695020e+00, v33;
	v15 =	vadd.f32 v19, v15;
	_ =	sdelay $0x1  }
0x244: {  	v16 =	vadd.f32 v62, v16;
	(erf) = vpow2.f32 v27;
	v11 =	vadd.f32 v18, v11  }
0x245: {  	v12 =	vadd.f32 v20, v12;
	v13 =	vadd.f32 v34, v13;
	v18 =	vpop (erf)  }
0x246: {  	v16 =	vadd.f32 v18, v16;
	v11 =	vadd.f32 v15, v11;
	v15 =	vpop (erf)  }
0x247: {  	v12 =	vadd.f32 v63, v12;
	v13 =	vadd.f32 v15, v13  }
0x248: {  	v14 =	vadd.f32 v21, v14;
	v11 =	vadd.f32 v16, v11;
	v15 =	vpop (erf)  }
0x249: {  	v10 =	vadd.f32 v25, v10;
	v12 =	vadd.f32 v15, v12  }
0x24a: {  	v14 =	vadd.f32 v17, v14;
	v11 =	vadd.f32 v13, v11  }
0x24b: {  	v9 =	vadd.f32 v23, v9;
	v10 =	vadd.f32 v22, v10;
	v13 =	vpop (erf)  }
0x24c: {  	v11 =	vadd.f32 v12, v11;
	v13 =	vadd.f32 v13, v14  }
0x24d: {  	v9 =	vadd.f32 v26, v9;
	v12 =	vpop (erf)  }
0x24e: {  	v10 =	vadd.f32 v12, v10;
	v11 =	vadd.f32 v13, v11;
	_ =	sdelay $0x1  }
0x24f: {  	v9 =	vadd.f32 v24, v9;
	v10 =	vadd.f32 v10, v11  }
0x250: {  	s24 =	spop (v2sf)  }
0x251: {  	s1 =	sshll.u32 s24, $0x1;
	v9 =	vadd.f32 v9, v10  }
0x252: {  	s19 =	sand.u32 $0x70, s24;
	s1 =	sand.u32 $0xFFFFFF00, s1  }
0x253: {  	s1 =	sor.u32 s19, s1;
	[tilespmem:s4+$0x14180] =	vst v9  }
0x254: {  	s16 =	sor.u32 $0x5, s22;
	v9 =	vld [tilespmem:s1+$0xC180];
	_ =	swait.ge [sflag:s30], $0x4000  }
0x255: {  	s6 =	sshll.u32 s16, $0x7;
	[sflag:s30] =	ssyncset.done $0x0  }
0x256: {  	s1 =	sand.u32 $0x3FFFFF80, s6;
	[sflag:s30] =	ssyncadd.s32 $0xFFFFC000  }
0x257: {  	v10 =	vld.msk [tilespmem:s1+$0x0], $0x3;
	_ =	sdelay $0x4  }
0x258: {  	v11 =	vshll.u32 v10, $0x6  }
0x259: {  	v10 =	vand.u32 $0x7, v10;
	v11 =	vand.u32 $0xFFFFFE00, v11  }
0x25a: {  	v10 =	vor.u32 v10, v11  }
0x25b: {  	v10 =	vperm.xlane v10, v1;
	_ =	sdelay $0x1  }
0x25c: {  	v10 =	vadd.s32 v2, v10;
	_ =	sdelay $0x3  }
0x25d: {  	s19 =	simm.s32 $0x8100;
	s1 =	simm.s32 $0x0  }
0x25e: {  	[tilespmem:s19], [sflag:$0x2] =	stream.indirect_vreg.gather [hbm4b:s2+s1], $0x80, v10, vm0, $0xb8;
	[tilespmem:$0x1C180] =	vst v63  }
0x25f: {  	s6 =	simm.s32 $0x8900  }
0x260: {  	[tilespmem:s6], [sflag:$0x2] =	stream.indirect_vreg.gather [hbm4b:s7+s1], $0x80, v10, vm0, $0xb8;
	[tilespmem:$0x1C180] =	vst v63  }
0x261: {  	s19 =	simm.s32 $0x9100  }
0x262: {  	[tilespmem:s19], [sflag:$0x2] =	stream.indirect_vreg.gather [hbm4b:s8+s1], $0x80, v10, vm0, $0xb8;
	[tilespmem:$0x1C180] =	vst v63  }
0x263: {  	s6 =	simm.s32 $0x9900  }
0x264: {  	[tilespmem:s6], [sflag:$0x2] =	stream.indirect_vreg.gather [hbm4b:s9+s1], $0x80, v10, vm0, $0xb8;
	[tilespmem:$0x1C180] =	vst v63  }
0x265: {  	s19 =	simm.s32 $0xA100  }
0x266: {  	[tilespmem:s19], [sflag:$0x2] =	stream.indirect_vreg.gather [hbm4b:s10+s1], $0x80, v10, vm0, $0xb8;
	[tilespmem:$0x1C180] =	vst v63  }
0x267: {  	s6 =	simm.s32 $0xA900  }
0x268: {  	[tilespmem:s6], [sflag:$0x2] =	stream.indirect_vreg.gather [hbm4b:s11+s1], $0x80, v10, vm0, $0xb8;
	[tilespmem:$0x1C180] =	vst v63  }
0x269: {  	s19 =	simm.s32 $0xB100  }
0x26a: {  	[tilespmem:s19], [sflag:$0x2] =	stream.indirect_vreg.gather [hbm4b:s12+s1], $0x80, v10, vm0, $0xb8;
	[tilespmem:$0x1C180] =	vst v63  }
0x26b: {  	s6 =	simm.s32 $0xB900;
	s19 =	simm.s32 $0x4  }
0x26c: {  	[tilespmem:s6], [sflag:$0x2] =	stream.indirect_vreg.gather [hbm4b:s13+s1], $0x80, v10, vm0, $0xb8;
	[tilespmem:$0x1C180] =	vst v63  }
0x26d: {  	_ =	swait.ge [sflag:s19], $0x4000  }
0x26e: {  	s0 =	sadd.s32 s0, s20;
	[sflag:s19] =	ssyncset.done $0x0  }
0x26f: {  	s4 =	simm.s32 $0x10100;
	s6 =	simm.s32 $0x0;
	[sflag:s19] =	ssyncadd.s32 $0xFFFFC000  }
0x270: {  	[hbm4b:s0+s23] =	stream.strided.scatter [tilespmem:s4], [sflag:$0x8], $0x4000, s5, s23, $0x38;
	[tilespmem:$0x1C180] =	vst v63  }
0x271: {  	v10 =	vld [tilespmem:s6+$0x10170]  }
0x272: {  	v11 =	vld [tilespmem:s6+$0x10100]  }
0x273: {  	v12 =	vld [tilespmem:s6+$0x10110]  }
0x274: {  	v13 =	vld [tilespmem:s6+$0x10120]  }
0x275: {  	v14 =	vld [tilespmem:s6+$0x10130]  }
0x276: {  	v15 =	vld [tilespmem:s6+$0x10140]  }
0x277: {  	v16 =	vld [tilespmem:s6+$0x10150];
	v10 =	vmul.f32 $1.442695020e+00, v10  }
0x278: {  	s19 =	simm.s32 $0x100;
	v17 =	vld [tilespmem:s6+$0x10160];
	v11 =	vmul.f32 $1.442695020e+00, v11;
	v12 =	vmul.f32 $1.442695020e+00, v12  }
0x279: {  	v13 =	vmul.f32 $1.442695020e+00, v13;
	(erf) = vpow2.f32 v10;
	v10 =	vld [tilespmem:s19+$0x10170]  }
0x27a: {  	v14 =	vmul.f32 $1.442695020e+00, v14;
	(erf) = vpow2.f32 v11;
	v11 =	vld [tilespmem:s19+$0x10100]  }
0x27b: {  	v15 =	vmul.f32 $1.442695020e+00, v15;
	(erf) = vpow2.f32 v12;
	v12 =	vld [tilespmem:s19+$0x10110]  }
0x27c: {  	v16 =	vmul.f32 $1.442695020e+00, v16;
	(erf) = vpow2.f32 v13;
	v13 =	vld [tilespmem:s19+$0x10120]  }
0x27d: {  	v17 =	vmul.f32 $1.442695020e+00, v17;
	(erf) = vpow2.f32 v14  }
0x27e: {  	v14 =	vld [tilespmem:s19+$0x10130];
	(erf) = vpow2.f32 v15;
	v10 =	vmul.f32 $1.442695020e+00, v10  }
0x27f: {  	v15 =	vld [tilespmem:s19+$0x10140];
	(erf) = vpow2.f32 v16;
	v16 =	vmul.f32 $1.442695020e+00, v11  }
0x280: {  	v19 =	vld [tilespmem:s19+$0x10150];
	(erf) = vpow2.f32 v17;
	v12 =	vmul.f32 $1.442695020e+00, v12  }
0x281: {  	s30 =	smov.u32 s20;
	s20 =	simm.s32 $0x200;
	v17 =	vld [tilespmem:s19+$0x10160];
	(erf) = vpow2.f32 v10;
	v13 =	vmul.f32 $1.442695020e+00, v13  }
0x282: {  	v21 =	vld [tilespmem:s20+$0x10170];
	(erf) = vpow2.f32 v16  }
0x283: {  	v10 =	vpop (erf);
	v14 =	vmul.f32 $1.442695020e+00, v14;
	(erf) = vpow2.f32 v12  }
0x284: {  	v22 =	vld [tilespmem:s20+$0x10100];
	v15 =	vmul.f32 $1.442695020e+00, v15;
	v12 =	vpop (erf);
	(erf) = vpow2.f32 v13  }
0x285: {  	v23 =	vld [tilespmem:s20+$0x10110];
	v24 =	vmul.f32 $1.442695020e+00, v19;
	v11 =	vimm.f32 $0.0e+00;
	v13 =	vpop (erf);
	(erf) = vpow2.f32 v14  }
0x286: {  	v18 =	vld [tilespmem:s20+$0x10120];
	v25 =	vmul.f32 $1.442695020e+00, v17;
	v16 =	vadd.f32 v13, v11;
	v13 =	vpop (erf);
	(erf) = vpow2.f32 v15  }
0x287: {  	v19 =	vld [tilespmem:s20+$0x10130];
	v15 =	vmul.f32 $1.442695020e+00, v21;
	v17 =	vadd.f32 v13, v11;
	v13 =	vpop (erf);
	(erf) = vpow2.f32 v24  }
0x288: {  	v20 =	vld [tilespmem:s20+$0x10140];
	v10 =	vadd.f32 v10, v11;
	v14 =	vadd.f32 v13, v11;
	v13 =	vpop (erf);
	(erf) = vpow2.f32 v25  }
0x289: {  	v12 =	vadd.f32 v12, v11;
	v21 =	vld [tilespmem:s20+$0x10150];
	v24 =	vmul.f32 $1.442695020e+00, v22;
	v26 =	vpop (erf);
	(erf) = vpow2.f32 v15  }
0x28a: {  	s1 =	simm.s32 $0x1000;
	s0 =	simm.s32 $0x300;
	v22 =	vld [tilespmem:s20+$0x10160];
	v25 =	vmul.f32 $1.442695020e+00, v23;
	v13 =	vadd.f32 v13, v11;
	v15 =	vadd.f32 v26, v11;
	v23 =	vpop (erf)  }
.LBB2_15:
0x28b: {  	p0 =	sne.s32 s1, $0xFC00;
	v26 =	vld [tilespmem:s0+$0x10170];
	v18 =	vmul.f32 $1.442695020e+00, v18;
	(erf) = vpow2.f32 v24;
	v24 =	vpop (erf);
	v11 =	vadd.f32 v23, v11  }
0x28c: {  	v23 =	vld [tilespmem:s0+$0x10100];
	v19 =	vmul.f32 $1.442695020e+00, v19;
	(erf) = vpow2.f32 v25;
	v10 =	vadd.f32 v24, v10;
	v24 =	vpop (erf)  }
0x28d: {  	v25 =	vld [tilespmem:s0+$0x10110];
	v20 =	vmul.f32 $1.442695020e+00, v20;
	(erf) = vpow2.f32 v18;
	v12 =	vadd.f32 v24, v12;
	v24 =	vpop (erf)  }
.Ltmp6:
0x28e: {  	v18 =	vld [tilespmem:s0+$0x10120];
	v21 =	vmul.f32 $1.442695020e+00, v21;
	(erf) = vpow2.f32 v19;
	v16 =	vadd.f32 v24, v16;
	v24 =	vpop (erf);
	(pc) =	sbr.rel @p0 .LBB2_15-.Ltmp6, $4  }
0x28f: {  	v19 =	vld [tilespmem:s0+$0x10130];
	v22 =	vmul.f32 $1.442695020e+00, v22;
	(erf) = vpow2.f32 v20;
	v17 =	vadd.f32 v24, v17;
	v24 =	vpop (erf)  }
0x290: {  	v20 =	vld [tilespmem:s0+$0x10140];
	v26 =	vmul.f32 $1.442695020e+00, v26;
	(erf) = vpow2.f32 v21;
	v14 =	vadd.f32 v24, v14;
	v27 =	vpop (erf)  }
0x291: {  	v24 =	vmul.f32 $1.442695020e+00, v23;
	v21 =	vld [tilespmem:s0+$0x10150];
	(erf) = vpow2.f32 v22;
	v13 =	vadd.f32 v27, v13;
	v23 =	vpop (erf)  }
0x292: {  	v25 =	vmul.f32 $1.442695020e+00, v25;
	v22 =	vld [tilespmem:s0+$0x10160];
	s0 =	sshra.s32 s1, $0x2;
	s1 =	sadd.s32 $0x400, s1;
	(erf) = vpow2.f32 v26;
	v15 =	vadd.f32 v23, v15;
	v23 =	vpop (erf)  }
0x293: {  	v26 =	vld [tilespmem:s0+$0x10170];
	v18 =	vmul.f32 $1.442695020e+00, v18  }
0x294: {  	v27 =	vld [tilespmem:s0+$0x10100];
	v19 =	vmul.f32 $1.442695020e+00, v19  }
0x295: {  	(erf) = vpow2.f32 v24;
	v24 =	vpop (erf);
	v20 =	vmul.f32 $1.442695020e+00, v20  }
0x296: {  	(erf) = vpow2.f32 v25;
	v25 =	vpop (erf);
	v21 =	vmul.f32 $1.442695020e+00, v21  }
0x297: {  	v28 =	vld [tilespmem:s0+$0x10110];
	(erf) = vpow2.f32 v18;
	v18 =	vpop (erf);
	v22 =	vmul.f32 $1.442695020e+00, v22  }
0x298: {  	(erf) = vpow2.f32 v19;
	v19 =	vpop (erf);
	v26 =	vmul.f32 $1.442695020e+00, v26  }
0x299: {  	(erf) = vpow2.f32 v20;
	v27 =	vmul.f32 $1.442695020e+00, v27;
	v20 =	vpop (erf)  }
0x29a: {  	v29 =	vld [tilespmem:s0+$0x10120];
	(erf) = vpow2.f32 v21;
	v21 =	vpop (erf)  }
0x29b: {  	v31 =	vld [tilespmem:s0+$0x10140];
	(erf) = vpow2.f32 v22;
	v22 =	vpop (erf)  }
0x29c: {  	v30 =	vld [tilespmem:s0+$0x10130];
	v28 =	vmul.f32 $1.442695020e+00, v28;
	(erf) = vpow2.f32 v26;
	v26 =	vpop (erf)  }
0x29d: {  	v32 =	vld [tilespmem:s0+$0x10150];
	(erf) = vpow2.f32 v27;
	v27 =	vpop (erf)  }
0x29e: {  	(erf) = vpow2.f32 v28;
	v60 =	vpop (erf)  }
0x29f: {  	v33 =	vpop (erf)  }
0x2a0: {  	v11 =	vadd.f32 v23, v11;
	v29 =	vmul.f32 $1.442695020e+00, v29;
	v23 =	vmul.f32 $1.442695020e+00, v31;
	v61 =	vpop (erf)  }
0x2a1: {  	v30 =	vmul.f32 $1.442695020e+00, v30;
	v35 =	vpop (erf)  }
0x2a2: {  	v17 =	vadd.f32 v19, v17;
	v19 =	vmul.f32 $1.442695020e+00, v32;
	(erf) = vpow2.f32 v29;
	v62 =	vpop (erf)  }
0x2a3: {  	v34 =	vld [tilespmem:s0+$0x10160];
	v16 =	vadd.f32 v18, v16;
	(erf) = vpow2.f32 v30;
	v18 =	vpop (erf)  }
0x2a4: {  	(erf) = vpow2.f32 v23;
	v23 =	vpop (erf)  }
0x2a5: {  	v12 =	vadd.f32 v25, v12;
	v25 =	vpop (erf)  }
0x2a6: {  	v16 =	vadd.f32 v33, v16;
	(erf) = vpow2.f32 v19;
	v19 =	vpop (erf)  }
0x2a7: {  	v14 =	vadd.f32 v20, v14;
	v20 =	vpop (erf)  }
0x2a8: {  	v63 =	vmul.f32 $1.442695020e+00, v34;
	v12 =	vadd.f32 v60, v12;
	v16 =	vadd.f32 v20, v16;
	_ =	sdelay $0x1  }
0x2a9: {  	v17 =	vadd.f32 v61, v17;
	(erf) = vpow2.f32 v63;
	v12 =	vadd.f32 v19, v12  }
0x2aa: {  	v13 =	vadd.f32 v21, v13;
	v14 =	vadd.f32 v35, v14;
	v19 =	vpop (erf)  }
0x2ab: {  	v17 =	vadd.f32 v19, v17;
	v12 =	vadd.f32 v16, v12;
	v16 =	vpop (erf)  }
0x2ac: {  	v13 =	vadd.f32 v62, v13;
	v14 =	vadd.f32 v16, v14  }
0x2ad: {  	v15 =	vadd.f32 v22, v15;
	v12 =	vadd.f32 v17, v12;
	v16 =	vpop (erf)  }
0x2ae: {  	v11 =	vadd.f32 v26, v11;
	v13 =	vadd.f32 v16, v13  }
0x2af: {  	v15 =	vadd.f32 v18, v15;
	v12 =	vadd.f32 v14, v12  }
0x2b0: {  	v10 =	vadd.f32 v24, v10;
	v11 =	vadd.f32 v23, v11;
	v14 =	vpop (erf)  }
0x2b1: {  	v12 =	vadd.f32 v13, v12;
	v14 =	vadd.f32 v14, v15  }
0x2b2: {  	v10 =	vadd.f32 v27, v10;
	v13 =	vpop (erf)  }
0x2b3: {  	v11 =	vadd.f32 v13, v11;
	v12 =	vadd.f32 v14, v12;
	_ =	sdelay $0x1  }
0x2b4: {  	v10 =	vadd.f32 v25, v10;
	v11 =	vadd.f32 v11, v12;
	_ =	sdelay $0x1  }
0x2b5: {  	s4 =	sshll.u32 s15, $0x8;
	v10 =	vadd.f32 v10, v11  }
0x2b6: {  	s0 =	sand.u32 $0x3FFFFF00, s4  }
0x2b7: {  	(v2sf) =	vpush v4, $0x6;
	s6 =	simm.s32 $0x0;
	[tilespmem:s0+$0x14100] =	vst v10  }
0x2b8: {  	v11 =	vld [tilespmem:s6+$0x101F0]  }
0x2b9: {  	v12 =	vld [tilespmem:s6+$0x10180]  }
0x2ba: {  	v13 =	vld [tilespmem:s6+$0x10190]  }
0x2bb: {  	v14 =	vld [tilespmem:s6+$0x101A0]  }
0x2bc: {  	v15 =	vld [tilespmem:s6+$0x101B0]  }
0x2bd: {  	v16 =	vld [tilespmem:s6+$0x101C0]  }
0x2be: {  	v17 =	vld [tilespmem:s6+$0x101D0];
	v11 =	vmul.f32 $1.442695020e+00, v11  }
0x2bf: {  	s15 =	simm.s32 $0x100;
	v18 =	vld [tilespmem:s6+$0x101E0];
	v12 =	vmul.f32 $1.442695020e+00, v12;
	v13 =	vmul.f32 $1.442695020e+00, v13  }
0x2c0: {  	v14 =	vmul.f32 $1.442695020e+00, v14;
	(erf) = vpow2.f32 v11;
	v11 =	vld [tilespmem:s15+$0x101F0]  }
0x2c1: {  	v15 =	vmul.f32 $1.442695020e+00, v15;
	(erf) = vpow2.f32 v12;
	v12 =	vld [tilespmem:s15+$0x10180]  }
0x2c2: {  	v16 =	vmul.f32 $1.442695020e+00, v16;
	(erf) = vpow2.f32 v13;
	v13 =	vld [tilespmem:s15+$0x10190]  }
0x2c3: {  	v17 =	vmul.f32 $1.442695020e+00, v17;
	(erf) = vpow2.f32 v14;
	v14 =	vld [tilespmem:s15+$0x101A0]  }
0x2c4: {  	v18 =	vmul.f32 $1.442695020e+00, v18;
	(erf) = vpow2.f32 v15  }
0x2c5: {  	v15 =	vld [tilespmem:s15+$0x101B0];
	(erf) = vpow2.f32 v16;
	v11 =	vmul.f32 $1.442695020e+00, v11  }
0x2c6: {  	s20 =	spop (v2sf);
	v16 =	vld [tilespmem:s15+$0x101C0];
	(erf) = vpow2.f32 v17;
	v17 =	vmul.f32 $1.442695020e+00, v12  }
0x2c7: {  	s1 =	sshll.u32 s20, $0x1;
	v20 =	vld [tilespmem:s15+$0x101D0];
	(erf) = vpow2.f32 v18;
	v13 =	vmul.f32 $1.442695020e+00, v13  }
0x2c8: {  	s19 =	simm.s32 $0x200;
	s4 =	sand.u32 $0x70, s20;
	s1 =	sand.u32 $0xFFFFFF00, s1;
	v18 =	vld [tilespmem:s15+$0x101E0];
	(erf) = vpow2.f32 v11;
	v14 =	vmul.f32 $1.442695020e+00, v14  }
0x2c9: {  	s1 =	sor.u32 s4, s1;
	v22 =	vld [tilespmem:s19+$0x101F0];
	(erf) = vpow2.f32 v17  }
0x2ca: {  	v10 =	vld [tilespmem:s1+$0x10100];
	v11 =	vpop (erf);
	v15 =	vmul.f32 $1.442695020e+00, v15;
	(erf) = vpow2.f32 v13  }
0x2cb: {  	v23 =	vld [tilespmem:s19+$0x10180];
	v16 =	vmul.f32 $1.442695020e+00, v16;
	v13 =	vpop (erf);
	(erf) = vpow2.f32 v14  }
0x2cc: {  	v24 =	vld [tilespmem:s19+$0x10190];
	v25 =	vmul.f32 $1.442695020e+00, v20;
	v12 =	vimm.f32 $0.0e+00;
	v14 =	vpop (erf);
	(erf) = vpow2.f32 v15  }
0x2cd: {  	v19 =	vld [tilespmem:s19+$0x101A0];
	v26 =	vmul.f32 $1.442695020e+00, v18;
	v17 =	vadd.f32 v14, v12;
	v14 =	vpop (erf);
	(erf) = vpow2.f32 v16  }
0x2ce: {  	v20 =	vld [tilespmem:s19+$0x101B0];
	v16 =	vmul.f32 $1.442695020e+00, v22;
	v18 =	vadd.f32 v14, v12;
	v14 =	vpop (erf);
	(erf) = vpow2.f32 v25  }
0x2cf: {  	v21 =	vld [tilespmem:s19+$0x101C0];
	v11 =	vadd.f32 v11, v12;
	v15 =	vadd.f32 v14, v12;
	v14 =	vpop (erf);
	(erf) = vpow2.f32 v26  }
0x2d0: {  	v13 =	vadd.f32 v13, v12;
	v22 =	vld [tilespmem:s19+$0x101D0];
	v25 =	vmul.f32 $1.442695020e+00, v23;
	v27 =	vpop (erf);
	(erf) = vpow2.f32 v16  }
0x2d1: {  	s4 =	simm.s32 $0x300;
	s6 =	simm.s32 $0x1000;
	v23 =	vld [tilespmem:s19+$0x101E0];
	v26 =	vmul.f32 $1.442695020e+00, v24;
	v14 =	vadd.f32 v14, v12;
	v16 =	vadd.f32 v27, v12;
	v24 =	vpop (erf)  }
.LBB2_17:
0x2d2: {  	p0 =	sne.s32 s6, $0xFC00;
	v27 =	vld [tilespmem:s4+$0x101F0];
	v19 =	vmul.f32 $1.442695020e+00, v19;
	(erf) = vpow2.f32 v25;
	v25 =	vpop (erf);
	v12 =	vadd.f32 v24, v12  }
0x2d3: {  	v24 =	vld [tilespmem:s4+$0x10180];
	v20 =	vmul.f32 $1.442695020e+00, v20;
	(erf) = vpow2.f32 v26;
	v11 =	vadd.f32 v25, v11;
	v25 =	vpop (erf)  }
0x2d4: {  	v26 =	vld [tilespmem:s4+$0x10190];
	v21 =	vmul.f32 $1.442695020e+00, v21;
	(erf) = vpow2.f32 v19;
	v13 =	vadd.f32 v25, v13;
	v25 =	vpop (erf)  }
.Ltmp7:
0x2d5: {  	v19 =	vld [tilespmem:s4+$0x101A0];
	v22 =	vmul.f32 $1.442695020e+00, v22;
	(erf) = vpow2.f32 v20;
	v17 =	vadd.f32 v25, v17;
	v25 =	vpop (erf);
	(pc) =	sbr.rel @p0 .LBB2_17-.Ltmp7, $4  }
0x2d6: {  	v20 =	vld [tilespmem:s4+$0x101B0];
	v23 =	vmul.f32 $1.442695020e+00, v23;
	(erf) = vpow2.f32 v21;
	v18 =	vadd.f32 v25, v18;
	v25 =	vpop (erf)  }
0x2d7: {  	v21 =	vld [tilespmem:s4+$0x101C0];
	v27 =	vmul.f32 $1.442695020e+00, v27;
	(erf) = vpow2.f32 v22;
	v15 =	vadd.f32 v25, v15;
	v28 =	vpop (erf)  }
0x2d8: {  	v25 =	vmul.f32 $1.442695020e+00, v24;
	v22 =	vld [tilespmem:s4+$0x101D0];
	(erf) = vpow2.f32 v23;
	v14 =	vadd.f32 v28, v14;
	v24 =	vpop (erf)  }
0x2d9: {  	v26 =	vmul.f32 $1.442695020e+00, v26;
	v23 =	vld [tilespmem:s4+$0x101E0];
	s4 =	sshra.s32 s6, $0x2;
	s6 =	sadd.s32 $0x400, s6;
	(erf) = vpow2.f32 v27;
	v16 =	vadd.f32 v24, v16;
	v24 =	vpop (erf)  }
0x2da: {  	v27 =	vld [tilespmem:s4+$0x101F0];
	v19 =	vmul.f32 $1.442695020e+00, v19  }
0x2db: {  	v28 =	vld [tilespmem:s4+$0x10180];
	v20 =	vmul.f32 $1.442695020e+00, v20  }
0x2dc: {  	(erf) = vpow2.f32 v25;
	v25 =	vpop (erf);
	v29 =	vld [tilespmem:s4+$0x10190];
	v21 =	vmul.f32 $1.442695020e+00, v21  }
0x2dd: {  	(erf) = vpow2.f32 v26;
	v26 =	vpop (erf);
	v22 =	vmul.f32 $1.442695020e+00, v22  }
0x2de: {  	(erf) = vpow2.f32 v19;
	v19 =	vpop (erf);
	v23 =	vmul.f32 $1.442695020e+00, v23  }
0x2df: {  	(erf) = vpow2.f32 v20;
	v20 =	vpop (erf);
	v27 =	vmul.f32 $1.442695020e+00, v27  }
0x2e0: {  	(erf) = vpow2.f32 v21;
	v28 =	vmul.f32 $1.442695020e+00, v28;
	v21 =	vpop (erf)  }
0x2e1: {  	v30 =	vld [tilespmem:s4+$0x101A0];
	v29 =	vmul.f32 $1.442695020e+00, v29;
	(erf) = vpow2.f32 v22;
	v22 =	vpop (erf)  }
0x2e2: {  	v32 =	vld [tilespmem:s4+$0x101C0];
	(erf) = vpow2.f32 v23;
	v23 =	vpop (erf)  }
0x2e3: {  	v31 =	vld [tilespmem:s4+$0x101B0];
	(erf) = vpow2.f32 v27;
	v27 =	vpop (erf)  }
0x2e4: {  	v33 =	vld [tilespmem:s4+$0x101D0];
	(erf) = vpow2.f32 v28;
	v28 =	vpop (erf)  }
0x2e5: {  	(erf) = vpow2.f32 v29;
	v29 =	vpop (erf)  }
0x2e6: {  	v34 =	vpop (erf)  }
0x2e7: {  	v12 =	vadd.f32 v24, v12;
	v30 =	vmul.f32 $1.442695020e+00, v30;
	v24 =	vmul.f32 $1.442695020e+00, v32;
	v62 =	vpop (erf)  }
0x2e8: {  	v31 =	vmul.f32 $1.442695020e+00, v31;
	v36 =	vpop (erf)  }
0x2e9: {  	v18 =	vadd.f32 v20, v18;
	v20 =	vmul.f32 $1.442695020e+00, v33;
	(erf) = vpow2.f32 v30;
	v63 =	vpop (erf)  }
0x2ea: {  	v35 =	vld [tilespmem:s4+$0x101E0];
	v17 =	vadd.f32 v19, v17;
	(erf) = vpow2.f32 v31;
	v19 =	vpop (erf)  }
0x2eb: {  	(erf) = vpow2.f32 v24;
	v24 =	vpop (erf)  }
0x2ec: {  	v13 =	vadd.f32 v26, v13;
	v26 =	vpop (erf)  }
0x2ed: {  	v17 =	vadd.f32 v34, v17;
	(erf) = vpow2.f32 v20;
	v20 =	vpop (erf)  }
0x2ee: {  	(v2sf) =	vpush v4, $0x7;
	v15 =	vadd.f32 v21, v15;
	v21 =	vpop (erf)  }
0x2ef: {  	v13 =	vadd.f32 v29, v13;
	v29 =	vmul.f32 $1.442695020e+00, v35;
	v17 =	vadd.f32 v21, v17;
	_ =	sdelay $0x1  }
0x2f0: {  	v18 =	vadd.f32 v62, v18;
	(erf) = vpow2.f32 v29;
	v13 =	vadd.f32 v20, v13  }
0x2f1: {  	v14 =	vadd.f32 v22, v14;
	v15 =	vadd.f32 v36, v15;
	v20 =	vpop (erf)  }
0x2f2: {  	v18 =	vadd.f32 v20, v18;
	v13 =	vadd.f32 v17, v13;
	v17 =	vpop (erf)  }
0x2f3: {  	v14 =	vadd.f32 v63, v14;
	v15 =	vadd.f32 v17, v15  }
0x2f4: {  	v16 =	vadd.f32 v23, v16;
	v13 =	vadd.f32 v18, v13;
	v17 =	vpop (erf)  }
0x2f5: {  	v12 =	vadd.f32 v27, v12;
	v14 =	vadd.f32 v17, v14  }
0x2f6: {  	v16 =	vadd.f32 v19, v16;
	v13 =	vadd.f32 v15, v13  }
0x2f7: {  	v11 =	vadd.f32 v25, v11;
	v12 =	vadd.f32 v24, v12;
	v15 =	vpop (erf)  }
0x2f8: {  	v13 =	vadd.f32 v14, v13;
	v15 =	vadd.f32 v15, v16  }
0x2f9: {  	v11 =	vadd.f32 v28, v11;
	v14 =	vpop (erf)  }
0x2fa: {  	v12 =	vadd.f32 v14, v12;
	v13 =	vadd.f32 v15, v13;
	_ =	sdelay $0x1  }
0x2fb: {  	v11 =	vadd.f32 v26, v11;
	v12 =	vadd.f32 v12, v13  }
0x2fc: {  	s15 =	spop (v2sf)  }
0x2fd: {  	s1 =	sshll.u32 s15, $0x1;
	v11 =	vadd.f32 v11, v12  }
0x2fe: {  	s19 =	sand.u32 $0x70, s15;
	s1 =	sand.u32 $0xFFFFFF00, s1  }
0x2ff: {  	s4 =	simm.s32 $0x7;
	s1 =	sor.u32 s19, s1;
	[tilespmem:s0+$0x14180] =	vst v11  }
0x300: {  	s19 =	sor.u32 $0x6, s22;
	v11 =	vld [tilespmem:s1+$0x10180];
	_ =	swait.ge [sflag:s4], $0x4000  }
0x301: {  	s6 =	sshll.u32 s19, $0x7;
	[sflag:s4] =	ssyncset.done $0x0  }
0x302: {  	s0 =	sand.u32 $0x3FFFFF80, s6;
	[sflag:s4] =	ssyncadd.s32 $0xFFFFC000  }
0x303: {  	v12 =	vld.msk [tilespmem:s0+$0x0], $0x3;
	_ =	sdelay $0x4  }
0x304: {  	v13 =	vshll.u32 v12, $0x6  }
0x305: {  	v12 =	vand.u32 $0x7, v12;
	v13 =	vand.u32 $0xFFFFFE00, v13  }
0x306: {  	v12 =	vor.u32 v12, v13  }
0x307: {  	v12 =	vperm.xlane v12, v1;
	_ =	sdelay $0x1  }
0x308: {  	v12 =	vadd.s32 v2, v12;
	_ =	sdelay $0x3  }
0x309: {  	s0 =	simm.s32 $0x0  }
0x30a: {  	[tilespmem:s31], [sflag:$0x3] =	stream.indirect_vreg.gather [hbm4b:s2+s0], $0x80, v12, vm0, $0xb8;
	[tilespmem:$0x1C180] =	vst v63  }
0x30b: {  	s31 =	simm.s32 $0xC900  }
0x30c: {  	[tilespmem:s31], [sflag:$0x3] =	stream.indirect_vreg.gather [hbm4b:s7+s0], $0x80, v12, vm0, $0xb8;
	[tilespmem:$0x1C180] =	vst v63  }
0x30d: {  	s4 =	simm.s32 $0xD100  }
0x30e: {  	[tilespmem:s4], [sflag:$0x3] =	stream.indirect_vreg.gather [hbm4b:s8+s0], $0x80, v12, vm0, $0xb8;
	[tilespmem:$0x1C180] =	vst v63  }
0x30f: {  	s6 =	simm.s32 $0xD900  }
0x310: {  	[tilespmem:s6], [sflag:$0x3] =	stream.indirect_vreg.gather [hbm4b:s9+s0], $0x80, v12, vm0, $0xb8;
	[tilespmem:$0x1C180] =	vst v63  }
0x311: {  	s4 =	simm.s32 $0xE100  }
0x312: {  	[tilespmem:s4], [sflag:$0x3] =	stream.indirect_vreg.gather [hbm4b:s10+s0], $0x80, v12, vm0, $0xb8;
	[tilespmem:$0x1C180] =	vst v63  }
0x313: {  	s6 =	simm.s32 $0xE900  }
0x314: {  	[tilespmem:s6], [sflag:$0x3] =	stream.indirect_vreg.gather [hbm4b:s11+s0], $0x80, v12, vm0, $0xb8;
	[tilespmem:$0x1C180] =	vst v63  }
0x315: {  	s4 =	simm.s32 $0xF100  }
0x316: {  	[tilespmem:s4], [sflag:$0x3] =	stream.indirect_vreg.gather [hbm4b:s12+s0], $0x80, v12, vm0, $0xb8;
	[tilespmem:$0x1C180] =	vst v63  }
0x317: {  	s6 =	simm.s32 $0xF900  }
0x318: {  	[tilespmem:s6], [sflag:$0x3] =	stream.indirect_vreg.gather [hbm4b:s13+s0], $0x80, v12, vm0, $0xb8;
	[tilespmem:$0x1C180] =	vst v63  }
0x319: {  	s0 =	simm.s32 $0x1  }
0x31a: {  	_ =	swait.ge [sflag:s0], $0x4000  }
0x31b: {  	s4 =	sshll.u32 s17, $0xB;
	[sflag:s0] =	ssyncset.done $0x0;
	s6 =	rddreg [dreg:$0x6]  }
0x31c: {  	[sflag:s0] =	ssyncadd.s32 $0xFFFFC000;
	s0 =	sadd.s32 s4, s6;
	s4 =	simm.s32 $0x0  }
0x31d: {  	[hbm4b:s0+s23] =	stream.strided.scatter [tilespmem:s28], [sflag:$0x5], $0x4000, s5, s23, $0x38;
	[tilespmem:$0x1C180] =	vst v63  }
0x31e: {  	v12 =	vld [tilespmem:s4+$0x4170]  }
0x31f: {  	v13 =	vld [tilespmem:s4+$0x4100]  }
0x320: {  	v14 =	vld [tilespmem:s4+$0x4110]  }
0x321: {  	v15 =	vld [tilespmem:s4+$0x4120]  }
0x322: {  	v16 =	vld [tilespmem:s4+$0x4130]  }
0x323: {  	v17 =	vld [tilespmem:s4+$0x4140]  }
0x324: {  	v18 =	vld [tilespmem:s4+$0x4150];
	v12 =	vmul.f32 $1.442695020e+00, v12  }
0x325: {  	s6 =	simm.s32 $0x100;
	v19 =	vld [tilespmem:s4+$0x4160];
	v13 =	vmul.f32 $1.442695020e+00, v13;
	v14 =	vmul.f32 $1.442695020e+00, v14  }
0x326: {  	v15 =	vmul.f32 $1.442695020e+00, v15;
	(erf) = vpow2.f32 v12;
	v12 =	vld [tilespmem:s6+$0x4170]  }
0x327: {  	v16 =	vmul.f32 $1.442695020e+00, v16;
	(erf) = vpow2.f32 v13;
	v13 =	vld [tilespmem:s6+$0x4100]  }
0x328: {  	v17 =	vmul.f32 $1.442695020e+00, v17;
	(erf) = vpow2.f32 v14;
	v14 =	vld [tilespmem:s6+$0x4110]  }
0x329: {  	v18 =	vmul.f32 $1.442695020e+00, v18;
	(erf) = vpow2.f32 v15;
	v15 =	vld [tilespmem:s6+$0x4120]  }
0x32a: {  	v19 =	vmul.f32 $1.442695020e+00, v19;
	(erf) = vpow2.f32 v16  }
0x32b: {  	v16 =	vld [tilespmem:s6+$0x4130];
	(erf) = vpow2.f32 v17;
	v12 =	vmul.f32 $1.442695020e+00, v12  }
0x32c: {  	v17 =	vld [tilespmem:s6+$0x4140];
	(erf) = vpow2.f32 v18;
	v18 =	vmul.f32 $1.442695020e+00, v13  }
0x32d: {  	v21 =	vld [tilespmem:s6+$0x4150];
	(erf) = vpow2.f32 v19;
	v14 =	vmul.f32 $1.442695020e+00, v14  }
0x32e: {  	s28 =	simm.s32 $0x200;
	v19 =	vld [tilespmem:s6+$0x4160];
	(erf) = vpow2.f32 v12;
	v15 =	vmul.f32 $1.442695020e+00, v15  }
0x32f: {  	v23 =	vld [tilespmem:s28+$0x4170];
	(erf) = vpow2.f32 v18  }
0x330: {  	v12 =	vpop (erf);
	v16 =	vmul.f32 $1.442695020e+00, v16;
	(erf) = vpow2.f32 v14  }
0x331: {  	v24 =	vld [tilespmem:s28+$0x4100];
	v17 =	vmul.f32 $1.442695020e+00, v17;
	v14 =	vpop (erf);
	(erf) = vpow2.f32 v15  }
0x332: {  	v25 =	vld [tilespmem:s28+$0x4110];
	v26 =	vmul.f32 $1.442695020e+00, v21;
	v13 =	vimm.f32 $0.0e+00;
	v15 =	vpop (erf);
	(erf) = vpow2.f32 v16  }
0x333: {  	v20 =	vld [tilespmem:s28+$0x4120];
	v27 =	vmul.f32 $1.442695020e+00, v19;
	v18 =	vadd.f32 v15, v13;
	v15 =	vpop (erf);
	(erf) = vpow2.f32 v17  }
0x334: {  	v21 =	vld [tilespmem:s28+$0x4130];
	v17 =	vmul.f32 $1.442695020e+00, v23;
	v19 =	vadd.f32 v15, v13;
	v15 =	vpop (erf);
	(erf) = vpow2.f32 v26  }
0x335: {  	v22 =	vld [tilespmem:s28+$0x4140];
	v12 =	vadd.f32 v12, v13;
	v16 =	vadd.f32 v15, v13;
	v15 =	vpop (erf);
	(erf) = vpow2.f32 v27  }
0x336: {  	v14 =	vadd.f32 v14, v13;
	v23 =	vld [tilespmem:s28+$0x4150];
	v26 =	vmul.f32 $1.442695020e+00, v24;
	v28 =	vpop (erf);
	(erf) = vpow2.f32 v17  }
0x337: {  	s1 =	simm.s32 $0x1000;
	s0 =	simm.s32 $0x300;
	v24 =	vld [tilespmem:s28+$0x4160];
	v27 =	vmul.f32 $1.442695020e+00, v25;
	v15 =	vadd.f32 v15, v13;
	v17 =	vadd.f32 v28, v13;
	v25 =	vpop (erf)  }
.LBB2_19:
0x338: {  	p0 =	sne.s32 s1, $0xFC00;
	v28 =	vld [tilespmem:s0+$0x4170];
	v20 =	vmul.f32 $1.442695020e+00, v20;
	(erf) = vpow2.f32 v26;
	v26 =	vpop (erf);
	v13 =	vadd.f32 v25, v13  }
0x339: {  	v25 =	vld [tilespmem:s0+$0x4100];
	v21 =	vmul.f32 $1.442695020e+00, v21;
	(erf) = vpow2.f32 v27;
	v12 =	vadd.f32 v26, v12;
	v26 =	vpop (erf)  }
0x33a: {  	v27 =	vld [tilespmem:s0+$0x4110];
	v22 =	vmul.f32 $1.442695020e+00, v22;
	(erf) = vpow2.f32 v20;
	v14 =	vadd.f32 v26, v14;
	v26 =	vpop (erf)  }
.Ltmp8:
0x33b: {  	v20 =	vld [tilespmem:s0+$0x4120];
	v23 =	vmul.f32 $1.442695020e+00, v23;
	(erf) = vpow2.f32 v21;
	v18 =	vadd.f32 v26, v18;
	v26 =	vpop (erf);
	(pc) =	sbr.rel @p0 .LBB2_19-.Ltmp8, $4  }
0x33c: {  	v21 =	vld [tilespmem:s0+$0x4130];
	v24 =	vmul.f32 $1.442695020e+00, v24;
	(erf) = vpow2.f32 v22;
	v19 =	vadd.f32 v26, v19;
	v26 =	vpop (erf)  }
0x33d: {  	v22 =	vld [tilespmem:s0+$0x4140];
	v28 =	vmul.f32 $1.442695020e+00, v28;
	(erf) = vpow2.f32 v23;
	v16 =	vadd.f32 v26, v16;
	v29 =	vpop (erf)  }
0x33e: {  	v26 =	vmul.f32 $1.442695020e+00, v25;
	v23 =	vld [tilespmem:s0+$0x4150];
	(erf) = vpow2.f32 v24;
	v15 =	vadd.f32 v29, v15;
	v25 =	vpop (erf)  }
0x33f: {  	v27 =	vmul.f32 $1.442695020e+00, v27;
	v24 =	vld [tilespmem:s0+$0x4160];
	s0 =	sshra.s32 s1, $0x2;
	s1 =	sadd.s32 $0x400, s1;
	(erf) = vpow2.f32 v28;
	v17 =	vadd.f32 v25, v17;
	v25 =	vpop (erf)  }
0x340: {  	v28 =	vld [tilespmem:s0+$0x4170];
	v20 =	vmul.f32 $1.442695020e+00, v20  }
0x341: {  	v29 =	vld [tilespmem:s0+$0x4100];
	v21 =	vmul.f32 $1.442695020e+00, v21  }
0x342: {  	(erf) = vpow2.f32 v26;
	v26 =	vpop (erf);
	v30 =	vld [tilespmem:s0+$0x4110];
	v22 =	vmul.f32 $1.442695020e+00, v22  }
0x343: {  	(erf) = vpow2.f32 v27;
	v27 =	vpop (erf);
	v23 =	vmul.f32 $1.442695020e+00, v23  }
0x344: {  	v31 =	vld [tilespmem:s0+$0x4120];
	(erf) = vpow2.f32 v20;
	v20 =	vpop (erf);
	v24 =	vmul.f32 $1.442695020e+00, v24  }
0x345: {  	(erf) = vpow2.f32 v21;
	v21 =	vpop (erf);
	v28 =	vmul.f32 $1.442695020e+00, v28  }
0x346: {  	(erf) = vpow2.f32 v22;
	v29 =	vmul.f32 $1.442695020e+00, v29;
	v22 =	vpop (erf)  }
0x347: {  	v30 =	vmul.f32 $1.442695020e+00, v30;
	(erf) = vpow2.f32 v23;
	v23 =	vpop (erf)  }
0x348: {  	v33 =	vld [tilespmem:s0+$0x4140];
	(erf) = vpow2.f32 v24;
	v24 =	vpop (erf)  }
0x349: {  	v32 =	vld [tilespmem:s0+$0x4130];
	v31 =	vmul.f32 $1.442695020e+00, v31;
	(erf) = vpow2.f32 v28;
	v28 =	vpop (erf)  }
0x34a: {  	v34 =	vld [tilespmem:s0+$0x4150];
	(erf) = vpow2.f32 v29;
	v29 =	vpop (erf)  }
0x34b: {  	(erf) = vpow2.f32 v30;
	v30 =	vpop (erf)  }
0x34c: {  	v35 =	vpop (erf)  }
0x34d: {  	v13 =	vadd.f32 v25, v13;
	v25 =	vmul.f32 $1.442695020e+00, v33;
	(erf) = vpow2.f32 v31;
	v31 =	vpop (erf)  }
0x34e: {  	v32 =	vmul.f32 $1.442695020e+00, v32;
	v37 =	vpop (erf)  }
0x34f: {  	v19 =	vadd.f32 v21, v19;
	v21 =	vmul.f32 $1.442695020e+00, v34;
	v63 =	vpop (erf)  }
0x350: {  	v36 =	vld [tilespmem:s0+$0x4160];
	v18 =	vadd.f32 v20, v18;
	(erf) = vpow2.f32 v32;
	v20 =	vpop (erf)  }
0x351: {  	(erf) = vpow2.f32 v25;
	v25 =	vpop (erf)  }
0x352: {  	v14 =	vadd.f32 v27, v14;
	v27 =	vpop (erf)  }
0x353: {  	v18 =	vadd.f32 v35, v18;
	(erf) = vpow2.f32 v21;
	v21 =	vpop (erf)  }
0x354: {  	(v2sf) =	vpush v4, $0x8;
	v16 =	vadd.f32 v22, v16;
	v22 =	vpop (erf)  }
0x355: {  	v14 =	vadd.f32 v30, v14;
	v30 =	vmul.f32 $1.442695020e+00, v36;
	v18 =	vadd.f32 v22, v18;
	_ =	sdelay $0x1  }
0x356: {  	v19 =	vadd.f32 v31, v19;
	(erf) = vpow2.f32 v30;
	v14 =	vadd.f32 v21, v14  }
0x357: {  	v15 =	vadd.f32 v23, v15;
	v16 =	vadd.f32 v37, v16;
	v21 =	vpop (erf)  }
0x358: {  	v19 =	vadd.f32 v21, v19;
	v14 =	vadd.f32 v18, v14;
	v18 =	vpop (erf)  }
0x359: {  	v15 =	vadd.f32 v63, v15;
	v16 =	vadd.f32 v18, v16  }
0x35a: {  	v17 =	vadd.f32 v24, v17;
	v14 =	vadd.f32 v19, v14;
	v18 =	vpop (erf)  }
0x35b: {  	v13 =	vadd.f32 v28, v13;
	v15 =	vadd.f32 v18, v15  }
0x35c: {  	v17 =	vadd.f32 v20, v17;
	v14 =	vadd.f32 v16, v14  }
0x35d: {  	v12 =	vadd.f32 v26, v12;
	v13 =	vadd.f32 v25, v13;
	v16 =	vpop (erf)  }
0x35e: {  	v14 =	vadd.f32 v15, v14;
	v16 =	vadd.f32 v16, v17  }
0x35f: {  	v12 =	vadd.f32 v29, v12;
	v15 =	vpop (erf)  }
0x360: {  	v13 =	vadd.f32 v15, v13;
	v14 =	vadd.f32 v16, v14;
	_ =	sdelay $0x1  }
0x361: {  	v12 =	vadd.f32 v27, v12;
	v13 =	vadd.f32 v13, v14  }
0x362: {  	s4 =	spop (v2sf)  }
0x363: {  	s28 =	sshll.u32 s17, $0x8;
	s1 =	sshll.u32 s4, $0x1;
	v12 =	vadd.f32 v12, v13  }
0x364: {  	s0 =	sand.u32 $0x3FFFFF00, s28;
	s6 =	sand.u32 $0x70, s4;
	s1 =	sand.u32 $0xFFFFFF00, s1  }
0x365: {  	s1 =	sor.u32 s6, s1;
	s6 =	simm.s32 $0x0;
	[tilespmem:s0+$0x14100] =	vst v12  }
0x366: {  	v13 =	vld [tilespmem:s6+$0x41F0]  }
0x367: {  	v14 =	vld [tilespmem:s6+$0x4180]  }
0x368: {  	v15 =	vld [tilespmem:s6+$0x4190]  }
0x369: {  	v16 =	vld [tilespmem:s6+$0x41A0]  }
0x36a: {  	v17 =	vld [tilespmem:s6+$0x41B0]  }
0x36b: {  	v18 =	vld [tilespmem:s6+$0x41C0]  }
0x36c: {  	v19 =	vld [tilespmem:s6+$0x41D0];
	v13 =	vmul.f32 $1.442695020e+00, v13  }
0x36d: {  	s17 =	simm.s32 $0x100;
	v20 =	vld [tilespmem:s6+$0x41E0];
	v14 =	vmul.f32 $1.442695020e+00, v14;
	v15 =	vmul.f32 $1.442695020e+00, v15  }
0x36e: {  	v16 =	vmul.f32 $1.442695020e+00, v16;
	(erf) = vpow2.f32 v13;
	v13 =	vld [tilespmem:s17+$0x41F0]  }
0x36f: {  	v17 =	vmul.f32 $1.442695020e+00, v17;
	(erf) = vpow2.f32 v14;
	v14 =	vld [tilespmem:s17+$0x4180]  }
0x370: {  	v18 =	vmul.f32 $1.442695020e+00, v18;
	(erf) = vpow2.f32 v15;
	v15 =	vld [tilespmem:s17+$0x4190]  }
0x371: {  	v19 =	vmul.f32 $1.442695020e+00, v19;
	(erf) = vpow2.f32 v16;
	v16 =	vld [tilespmem:s17+$0x41A0]  }
0x372: {  	v20 =	vmul.f32 $1.442695020e+00, v20;
	(erf) = vpow2.f32 v17  }
0x373: {  	v17 =	vld [tilespmem:s17+$0x41B0];
	(erf) = vpow2.f32 v18;
	v13 =	vmul.f32 $1.442695020e+00, v13  }
0x374: {  	v18 =	vld [tilespmem:s17+$0x41C0];
	(erf) = vpow2.f32 v19;
	v19 =	vmul.f32 $1.442695020e+00, v14  }
0x375: {  	v22 =	vld [tilespmem:s17+$0x41D0];
	(erf) = vpow2.f32 v20;
	v15 =	vmul.f32 $1.442695020e+00, v15  }
0x376: {  	s28 =	simm.s32 $0x200;
	v20 =	vld [tilespmem:s17+$0x41E0];
	(erf) = vpow2.f32 v13;
	v16 =	vmul.f32 $1.442695020e+00, v16  }
0x377: {  	v24 =	vld [tilespmem:s28+$0x41F0];
	(erf) = vpow2.f32 v19  }
0x378: {  	v12 =	vld [tilespmem:s1+$0x4100];
	v13 =	vpop (erf);
	v17 =	vmul.f32 $1.442695020e+00, v17;
	(erf) = vpow2.f32 v15  }
0x379: {  	v25 =	vld [tilespmem:s28+$0x4180];
	v18 =	vmul.f32 $1.442695020e+00, v18;
	v15 =	vpop (erf);
	(erf) = vpow2.f32 v16  }
0x37a: {  	v26 =	vld [tilespmem:s28+$0x4190];
	v27 =	vmul.f32 $1.442695020e+00, v22;
	v14 =	vimm.f32 $0.0e+00;
	v16 =	vpop (erf);
	(erf) = vpow2.f32 v17  }
0x37b: {  	v21 =	vld [tilespmem:s28+$0x41A0];
	v28 =	vmul.f32 $1.442695020e+00, v20;
	v19 =	vadd.f32 v16, v14;
	v16 =	vpop (erf);
	(erf) = vpow2.f32 v18  }
0x37c: {  	v22 =	vld [tilespmem:s28+$0x41B0];
	v18 =	vmul.f32 $1.442695020e+00, v24;
	v20 =	vadd.f32 v16, v14;
	v16 =	vpop (erf);
	(erf) = vpow2.f32 v27  }
0x37d: {  	v23 =	vld [tilespmem:s28+$0x41C0];
	v13 =	vadd.f32 v13, v14;
	v17 =	vadd.f32 v16, v14;
	v16 =	vpop (erf);
	(erf) = vpow2.f32 v28  }
0x37e: {  	v15 =	vadd.f32 v15, v14;
	v24 =	vld [tilespmem:s28+$0x41D0];
	v27 =	vmul.f32 $1.442695020e+00, v25;
	v29 =	vpop (erf);
	(erf) = vpow2.f32 v18  }
0x37f: {  	s6 =	simm.s32 $0x300;
	s17 =	simm.s32 $0x1000;
	v25 =	vld [tilespmem:s28+$0x41E0];
	v28 =	vmul.f32 $1.442695020e+00, v26;
	v16 =	vadd.f32 v16, v14;
	v18 =	vadd.f32 v29, v14;
	v26 =	vpop (erf)  }
.LBB2_21:
0x380: {  	p0 =	sne.s32 s17, $0xFC00;
	v29 =	vld [tilespmem:s6+$0x41F0];
	v21 =	vmul.f32 $1.442695020e+00, v21;
	(erf) = vpow2.f32 v27;
	v27 =	vpop (erf);
	v14 =	vadd.f32 v26, v14  }
0x381: {  	v26 =	vld [tilespmem:s6+$0x4180];
	v22 =	vmul.f32 $1.442695020e+00, v22;
	(erf) = vpow2.f32 v28;
	v13 =	vadd.f32 v27, v13;
	v27 =	vpop (erf)  }
0x382: {  	v28 =	vld [tilespmem:s6+$0x4190];
	v23 =	vmul.f32 $1.442695020e+00, v23;
	(erf) = vpow2.f32 v21;
	v15 =	vadd.f32 v27, v15;
	v27 =	vpop (erf)  }
.Ltmp9:
0x383: {  	v21 =	vld [tilespmem:s6+$0x41A0];
	v24 =	vmul.f32 $1.442695020e+00, v24;
	(erf) = vpow2.f32 v22;
	v19 =	vadd.f32 v27, v19;
	v27 =	vpop (erf);
	(pc) =	sbr.rel @p0 .LBB2_21-.Ltmp9, $4  }
0x384: {  	v22 =	vld [tilespmem:s6+$0x41B0];
	v25 =	vmul.f32 $1.442695020e+00, v25;
	(erf) = vpow2.f32 v23;
	v20 =	vadd.f32 v27, v20;
	v27 =	vpop (erf)  }
0x385: {  	v23 =	vld [tilespmem:s6+$0x41C0];
	v29 =	vmul.f32 $1.442695020e+00, v29;
	(erf) = vpow2.f32 v24;
	v17 =	vadd.f32 v27, v17;
	v30 =	vpop (erf)  }
0x386: {  	v27 =	vmul.f32 $1.442695020e+00, v26;
	v24 =	vld [tilespmem:s6+$0x41D0];
	(erf) = vpow2.f32 v25;
	v16 =	vadd.f32 v30, v16;
	v26 =	vpop (erf)  }
0x387: {  	v28 =	vmul.f32 $1.442695020e+00, v28;
	v25 =	vld [tilespmem:s6+$0x41E0];
	s6 =	sshra.s32 s17, $0x2;
	s17 =	sadd.s32 $0x400, s17;
	(erf) = vpow2.f32 v29;
	v18 =	vadd.f32 v26, v18;
	v26 =	vpop (erf)  }
0x388: {  	v29 =	vld [tilespmem:s6+$0x41F0];
	v21 =	vmul.f32 $1.442695020e+00, v21  }
0x389: {  	v30 =	vld [tilespmem:s6+$0x4180];
	v22 =	vmul.f32 $1.442695020e+00, v22  }
0x38a: {  	(erf) = vpow2.f32 v27;
	v27 =	vpop (erf);
	v31 =	vld [tilespmem:s6+$0x4190];
	v23 =	vmul.f32 $1.442695020e+00, v23  }
0x38b: {  	(erf) = vpow2.f32 v28;
	v28 =	vpop (erf);
	v24 =	vmul.f32 $1.442695020e+00, v24  }
0x38c: {  	(erf) = vpow2.f32 v21;
	v21 =	vpop (erf);
	v25 =	vmul.f32 $1.442695020e+00, v25  }
0x38d: {  	(erf) = vpow2.f32 v22;
	v22 =	vpop (erf);
	v29 =	vmul.f32 $1.442695020e+00, v29  }
0x38e: {  	(erf) = vpow2.f32 v23;
	v30 =	vmul.f32 $1.442695020e+00, v30;
	v23 =	vpop (erf)  }
0x38f: {  	v32 =	vld [tilespmem:s6+$0x41A0];
	v31 =	vmul.f32 $1.442695020e+00, v31;
	(erf) = vpow2.f32 v24;
	v24 =	vpop (erf)  }
0x390: {  	v34 =	vld [tilespmem:s6+$0x41C0];
	(erf) = vpow2.f32 v25;
	v25 =	vpop (erf)  }
0x391: {  	v33 =	vld [tilespmem:s6+$0x41B0];
	(erf) = vpow2.f32 v29;
	v29 =	vpop (erf)  }
0x392: {  	v35 =	vld [tilespmem:s6+$0x41D0];
	(erf) = vpow2.f32 v30;
	v30 =	vpop (erf)  }
0x393: {  	(erf) = vpow2.f32 v31;
	v31 =	vpop (erf)  }
0x394: {  	v36 =	vpop (erf)  }
0x395: {  	v14 =	vadd.f32 v26, v14;
	v32 =	vmul.f32 $1.442695020e+00, v32;
	v26 =	vmul.f32 $1.442695020e+00, v34;
	v62 =	vpop (erf)  }
0x396: {  	v33 =	vmul.f32 $1.442695020e+00, v33;
	v38 =	vpop (erf)  }
0x397: {  	v20 =	vadd.f32 v22, v20;
	v22 =	vmul.f32 $1.442695020e+00, v35;
	(erf) = vpow2.f32 v32;
	v63 =	vpop (erf)  }
0x398: {  	v37 =	vld [tilespmem:s6+$0x41E0];
	v19 =	vadd.f32 v21, v19;
	(erf) = vpow2.f32 v33;
	v21 =	vpop (erf)  }
0x399: {  	(erf) = vpow2.f32 v26;
	v26 =	vpop (erf)  }
0x39a: {  	v15 =	vadd.f32 v28, v15;
	v28 =	vpop (erf)  }
0x39b: {  	v19 =	vadd.f32 v36, v19;
	(erf) = vpow2.f32 v22;
	v22 =	vpop (erf)  }
0x39c: {  	(v2sf) =	vpush v4, $0x9;
	v17 =	vadd.f32 v23, v17;
	v23 =	vpop (erf)  }
0x39d: {  	v15 =	vadd.f32 v31, v15;
	v31 =	vmul.f32 $1.442695020e+00, v37;
	v19 =	vadd.f32 v23, v19;
	_ =	sdelay $0x1  }
0x39e: {  	v20 =	vadd.f32 v62, v20;
	(erf) = vpow2.f32 v31;
	v15 =	vadd.f32 v22, v15  }
0x39f: {  	v16 =	vadd.f32 v24, v16;
	v17 =	vadd.f32 v38, v17;
	v22 =	vpop (erf)  }
0x3a0: {  	v20 =	vadd.f32 v22, v20;
	v15 =	vadd.f32 v19, v15;
	v19 =	vpop (erf)  }
0x3a1: {  	v16 =	vadd.f32 v63, v16;
	v17 =	vadd.f32 v19, v17  }
0x3a2: {  	v18 =	vadd.f32 v25, v18;
	v15 =	vadd.f32 v20, v15;
	v19 =	vpop (erf)  }
0x3a3: {  	v14 =	vadd.f32 v29, v14;
	v16 =	vadd.f32 v19, v16  }
0x3a4: {  	v18 =	vadd.f32 v21, v18;
	v15 =	vadd.f32 v17, v15  }
0x3a5: {  	v13 =	vadd.f32 v27, v13;
	v14 =	vadd.f32 v26, v14;
	v17 =	vpop (erf)  }
0x3a6: {  	v15 =	vadd.f32 v16, v15;
	v17 =	vadd.f32 v17, v18  }
0x3a7: {  	v13 =	vadd.f32 v30, v13;
	v16 =	vpop (erf)  }
0x3a8: {  	v14 =	vadd.f32 v16, v14;
	v15 =	vadd.f32 v17, v15;
	_ =	sdelay $0x1  }
0x3a9: {  	v13 =	vadd.f32 v28, v13;
	v14 =	vadd.f32 v14, v15  }
0x3aa: {  	s17 =	spop (v2sf)  }
0x3ab: {  	s1 =	sshll.u32 s17, $0x1;
	v13 =	vadd.f32 v13, v14  }
0x3ac: {  	s6 =	sand.u32 $0x70, s17;
	s1 =	sand.u32 $0xFFFFFF00, s1  }
0x3ad: {  	s6 =	sor.u32 s6, s1;
	s1 =	simm.s32 $0x8;
	[tilespmem:s0+$0x14180] =	vst v13  }
0x3ae: {  	s0 =	sor.u32 $0x7, s22;
	v13 =	vld [tilespmem:s6+$0x4180];
	_ =	swait.ge [sflag:s1], $0x4000  }
0x3af: {  	s22 =	sshll.u32 s0, $0x7;
	[sflag:s1] =	ssyncset.done $0x0  }
0x3b0: {  	[sflag:s1] =	ssyncadd.s32 $0xFFFFC000;
	s1 =	sand.u32 $0x3FFFFF80, s22  }
0x3b1: {  	v14 =	vld.msk [tilespmem:s1+$0x0], $0x3;
	_ =	sdelay $0x4  }
0x3b2: {  	v15 =	vshll.u32 v14, $0x6  }
0x3b3: {  	v14 =	vand.u32 $0x7, v14;
	v15 =	vand.u32 $0xFFFFFE00, v15  }
0x3b4: {  	v14 =	vor.u32 v14, v15  }
0x3b5: {  	v14 =	vperm.xlane v14, v1;
	_ =	sdelay $0x1  }
0x3b6: {  	v14 =	vadd.s32 v2, v14;
	_ =	sdelay $0x3  }
0x3b7: {  	s22 =	simm.s32 $0x10100;
	s1 =	simm.s32 $0x0  }
0x3b8: {  	[tilespmem:s22], [sflag:$0x4] =	stream.indirect_vreg.gather [hbm4b:s2+s1], $0x80, v14, vm0, $0xb8;
	[tilespmem:$0x1C180] =	vst v63  }
0x3b9: {  	s22 =	simm.s32 $0x10900  }
0x3ba: {  	[tilespmem:s22], [sflag:$0x4] =	stream.indirect_vreg.gather [hbm4b:s7+s1], $0x80, v14, vm0, $0xb8;
	[tilespmem:$0x1C180] =	vst v63  }
0x3bb: {  	s22 =	simm.s32 $0x11100  }
0x3bc: {  	[tilespmem:s22], [sflag:$0x4] =	stream.indirect_vreg.gather [hbm4b:s8+s1], $0x80, v14, vm0, $0xb8;
	[tilespmem:$0x1C180] =	vst v63  }
0x3bd: {  	s22 =	simm.s32 $0x11900  }
0x3be: {  	[tilespmem:s22], [sflag:$0x4] =	stream.indirect_vreg.gather [hbm4b:s9+s1], $0x80, v14, vm0, $0xb8;
	[tilespmem:$0x1C180] =	vst v63  }
0x3bf: {  	s22 =	simm.s32 $0x12100  }
0x3c0: {  	[tilespmem:s22], [sflag:$0x4] =	stream.indirect_vreg.gather [hbm4b:s10+s1], $0x80, v14, vm0, $0xb8;
	[tilespmem:$0x1C180] =	vst v63  }
0x3c1: {  	s22 =	simm.s32 $0x12900  }
0x3c2: {  	[tilespmem:s22], [sflag:$0x4] =	stream.indirect_vreg.gather [hbm4b:s11+s1], $0x80, v14, vm0, $0xb8;
	[tilespmem:$0x1C180] =	vst v63  }
0x3c3: {  	s22 =	simm.s32 $0x13100  }
0x3c4: {  	[tilespmem:s22], [sflag:$0x4] =	stream.indirect_vreg.gather [hbm4b:s12+s1], $0x80, v14, vm0, $0xb8;
	[tilespmem:$0x1C180] =	vst v63  }
0x3c5: {  	s22 =	simm.s32 $0x13900  }
0x3c6: {  	[tilespmem:s22], [sflag:$0x4] =	stream.indirect_vreg.gather [hbm4b:s13+s1], $0x80, v14, vm0, $0xb8;
	[tilespmem:$0x1C180] =	vst v63  }
0x3c7: {  	s6 =	sshll.u32 s16, $0xB;
	s22 =	simm.s32 $0x2  }
0x3c8: {  	s28 =	smov.u32 s26;
	s1 =	sand.u32 $0x3E000, s6;
	_ =	swait.ge [sflag:s22], $0x4000  }
0x3c9: {  	s6 =	simm.s32 $0x0;
	s1 =	sor.u32 s1, s14;
	[sflag:s22] =	ssyncset.done $0x0  }
0x3ca: {  	s1 =	sadd.s32 s1, s26;
	s26 =	simm.s32 $0x8100;
	[sflag:s22] =	ssyncadd.s32 $0xFFFFC000  }
0x3cb: {  	[hbm4b:s1+s23] =	stream.strided.scatter [tilespmem:s26], [sflag:$0x6], $0x4000, s5, s23, $0x38;
	[tilespmem:$0x1C180] =	vst v63  }
0x3cc: {  	v14 =	vld [tilespmem:s6+$0x8170]  }
0x3cd: {  	v15 =	vld [tilespmem:s6+$0x8100]  }
0x3ce: {  	v16 =	vld [tilespmem:s6+$0x8110]  }
0x3cf: {  	v17 =	vld [tilespmem:s6+$0x8120]  }
0x3d0: {  	v18 =	vld [tilespmem:s6+$0x8130]  }
0x3d1: {  	v19 =	vld [tilespmem:s6+$0x8140]  }
0x3d2: {  	v20 =	vld [tilespmem:s6+$0x8150];
	v14 =	vmul.f32 $1.442695020e+00, v14  }
0x3d3: {  	s22 =	simm.s32 $0x100;
	v21 =	vld [tilespmem:s6+$0x8160];
	v15 =	vmul.f32 $1.442695020e+00, v15;
	v16 =	vmul.f32 $1.442695020e+00, v16  }
0x3d4: {  	v17 =	vmul.f32 $1.442695020e+00, v17;
	(erf) = vpow2.f32 v14;
	v14 =	vld [tilespmem:s22+$0x8170]  }
0x3d5: {  	v18 =	vmul.f32 $1.442695020e+00, v18;
	(erf) = vpow2.f32 v15;
	v15 =	vld [tilespmem:s22+$0x8100]  }
0x3d6: {  	v19 =	vmul.f32 $1.442695020e+00, v19;
	(erf) = vpow2.f32 v16;
	v16 =	vld [tilespmem:s22+$0x8110]  }
0x3d7: {  	v20 =	vmul.f32 $1.442695020e+00, v20;
	(erf) = vpow2.f32 v17;
	v17 =	vld [tilespmem:s22+$0x8120]  }
0x3d8: {  	v21 =	vmul.f32 $1.442695020e+00, v21;
	(erf) = vpow2.f32 v18  }
0x3d9: {  	v18 =	vld [tilespmem:s22+$0x8130];
	(erf) = vpow2.f32 v19;
	v14 =	vmul.f32 $1.442695020e+00, v14  }
0x3da: {  	v19 =	vld [tilespmem:s22+$0x8140];
	(erf) = vpow2.f32 v20;
	v20 =	vmul.f32 $1.442695020e+00, v15  }
0x3db: {  	v23 =	vld [tilespmem:s22+$0x8150];
	(erf) = vpow2.f32 v21;
	v16 =	vmul.f32 $1.442695020e+00, v16  }
0x3dc: {  	s26 =	simm.s32 $0x200;
	v21 =	vld [tilespmem:s22+$0x8160];
	(erf) = vpow2.f32 v14;
	v17 =	vmul.f32 $1.442695020e+00, v17  }
0x3dd: {  	v25 =	vld [tilespmem:s26+$0x8170];
	(erf) = vpow2.f32 v20  }
0x3de: {  	v14 =	vpop (erf);
	v18 =	vmul.f32 $1.442695020e+00, v18;
	(erf) = vpow2.f32 v16  }
0x3df: {  	v26 =	vld [tilespmem:s26+$0x8100];
	v19 =	vmul.f32 $1.442695020e+00, v19;
	v16 =	vpop (erf);
	(erf) = vpow2.f32 v17  }
0x3e0: {  	v27 =	vld [tilespmem:s26+$0x8110];
	v28 =	vmul.f32 $1.442695020e+00, v23;
	v15 =	vimm.f32 $0.0e+00;
	v17 =	vpop (erf);
	(erf) = vpow2.f32 v18  }
0x3e1: {  	v22 =	vld [tilespmem:s26+$0x8120];
	v29 =	vmul.f32 $1.442695020e+00, v21;
	v20 =	vadd.f32 v17, v15;
	v17 =	vpop (erf);
	(erf) = vpow2.f32 v19  }
0x3e2: {  	v23 =	vld [tilespmem:s26+$0x8130];
	v19 =	vmul.f32 $1.442695020e+00, v25;
	v21 =	vadd.f32 v17, v15;
	v17 =	vpop (erf);
	(erf) = vpow2.f32 v28  }
0x3e3: {  	v24 =	vld [tilespmem:s26+$0x8140];
	v14 =	vadd.f32 v14, v15;
	v18 =	vadd.f32 v17, v15;
	v17 =	vpop (erf);
	(erf) = vpow2.f32 v29  }
0x3e4: {  	v16 =	vadd.f32 v16, v15;
	v25 =	vld [tilespmem:s26+$0x8150];
	v28 =	vmul.f32 $1.442695020e+00, v26;
	v30 =	vpop (erf);
	(erf) = vpow2.f32 v19  }
0x3e5: {  	s1 =	simm.s32 $0x1000;
	s6 =	simm.s32 $0x300;
	v26 =	vld [tilespmem:s26+$0x8160];
	v29 =	vmul.f32 $1.442695020e+00, v27;
	v17 =	vadd.f32 v17, v15;
	v19 =	vadd.f32 v30, v15;
	v27 =	vpop (erf)  }
.LBB2_23:
0x3e6: {  	p0 =	sne.s32 s1, $0xFC00;
	v30 =	vld [tilespmem:s6+$0x8170];
	v22 =	vmul.f32 $1.442695020e+00, v22;
	(erf) = vpow2.f32 v28;
	v28 =	vpop (erf);
	v15 =	vadd.f32 v27, v15  }
0x3e7: {  	v27 =	vld [tilespmem:s6+$0x8100];
	v23 =	vmul.f32 $1.442695020e+00, v23;
	(erf) = vpow2.f32 v29;
	v14 =	vadd.f32 v28, v14;
	v28 =	vpop (erf)  }
0x3e8: {  	v29 =	vld [tilespmem:s6+$0x8110];
	v24 =	vmul.f32 $1.442695020e+00, v24;
	(erf) = vpow2.f32 v22;
	v16 =	vadd.f32 v28, v16;
	v28 =	vpop (erf)  }
.Ltmp10:
0x3e9: {  	v22 =	vld [tilespmem:s6+$0x8120];
	v25 =	vmul.f32 $1.442695020e+00, v25;
	(erf) = vpow2.f32 v23;
	v20 =	vadd.f32 v28, v20;
	v28 =	vpop (erf);
	(pc) =	sbr.rel @p0 .LBB2_23-.Ltmp10, $4  }
0x3ea: {  	v23 =	vld [tilespmem:s6+$0x8130];
	v26 =	vmul.f32 $1.442695020e+00, v26;
	(erf) = vpow2.f32 v24;
	v21 =	vadd.f32 v28, v21;
	v28 =	vpop (erf)  }
0x3eb: {  	v24 =	vld [tilespmem:s6+$0x8140];
	v30 =	vmul.f32 $1.442695020e+00, v30;
	(erf) = vpow2.f32 v25;
	v18 =	vadd.f32 v28, v18;
	v31 =	vpop (erf)  }
0x3ec: {  	v28 =	vmul.f32 $1.442695020e+00, v27;
	v25 =	vld [tilespmem:s6+$0x8150];
	(erf) = vpow2.f32 v26;
	v17 =	vadd.f32 v31, v17;
	v27 =	vpop (erf)  }
0x3ed: {  	v29 =	vmul.f32 $1.442695020e+00, v29;
	v26 =	vld [tilespmem:s6+$0x8160];
	s6 =	sshra.s32 s1, $0x2;
	s1 =	sadd.s32 $0x400, s1;
	(erf) = vpow2.f32 v30;
	v19 =	vadd.f32 v27, v19;
	v27 =	vpop (erf)  }
0x3ee: {  	v30 =	vld [tilespmem:s6+$0x8170];
	v22 =	vmul.f32 $1.442695020e+00, v22  }
0x3ef: {  	v31 =	vld [tilespmem:s6+$0x8100];
	v23 =	vmul.f32 $1.442695020e+00, v23  }
0x3f0: {  	(erf) = vpow2.f32 v28;
	v28 =	vpop (erf);
	v24 =	vmul.f32 $1.442695020e+00, v24  }
0x3f1: {  	(erf) = vpow2.f32 v29;
	v29 =	vpop (erf);
	v25 =	vmul.f32 $1.442695020e+00, v25  }
0x3f2: {  	v32 =	vld [tilespmem:s6+$0x8110];
	(erf) = vpow2.f32 v22;
	v22 =	vpop (erf);
	v26 =	vmul.f32 $1.442695020e+00, v26  }
0x3f3: {  	(erf) = vpow2.f32 v23;
	v23 =	vpop (erf);
	v30 =	vmul.f32 $1.442695020e+00, v30  }
0x3f4: {  	(erf) = vpow2.f32 v24;
	v31 =	vmul.f32 $1.442695020e+00, v31;
	v24 =	vpop (erf)  }
0x3f5: {  	v33 =	vld [tilespmem:s6+$0x8120];
	(erf) = vpow2.f32 v25;
	v25 =	vpop (erf)  }
0x3f6: {  	v35 =	vld [tilespmem:s6+$0x8140];
	(erf) = vpow2.f32 v26;
	v26 =	vpop (erf)  }
0x3f7: {  	v34 =	vld [tilespmem:s6+$0x8130];
	v32 =	vmul.f32 $1.442695020e+00, v32;
	(erf) = vpow2.f32 v30;
	v30 =	vpop (erf)  }
0x3f8: {  	v36 =	vld [tilespmem:s6+$0x8150];
	(erf) = vpow2.f32 v31;
	v31 =	vpop (erf)  }
0x3f9: {  	(erf) = vpow2.f32 v32;
	v60 =	vpop (erf)  }
0x3fa: {  	v37 =	vpop (erf)  }
0x3fb: {  	v15 =	vadd.f32 v27, v15;
	v33 =	vmul.f32 $1.442695020e+00, v33;
	v27 =	vmul.f32 $1.442695020e+00, v35;
	v61 =	vpop (erf)  }
0x3fc: {  	v34 =	vmul.f32 $1.442695020e+00, v34;
	v39 =	vpop (erf)  }
0x3fd: {  	v21 =	vadd.f32 v23, v21;
	v23 =	vmul.f32 $1.442695020e+00, v36;
	(erf) = vpow2.f32 v33;
	v62 =	vpop (erf)  }
0x3fe: {  	v38 =	vld [tilespmem:s6+$0x8160];
	v20 =	vadd.f32 v22, v20;
	(erf) = vpow2.f32 v34;
	v22 =	vpop (erf)  }
0x3ff: {  	(erf) = vpow2.f32 v27;
	v27 =	vpop (erf)  }
0x400: {  	v16 =	vadd.f32 v29, v16;
	v29 =	vpop (erf)  }
0x401: {  	v20 =	vadd.f32 v37, v20;
	(erf) = vpow2.f32 v23;
	v23 =	vpop (erf)  }
0x402: {  	(v2sf) =	vpush v4, $0xA;
	v18 =	vadd.f32 v24, v18;
	v24 =	vpop (erf)  }
0x403: {  	v63 =	vmul.f32 $1.442695020e+00, v38;
	v16 =	vadd.f32 v60, v16;
	v20 =	vadd.f32 v24, v20;
	_ =	sdelay $0x1  }
0x404: {  	v21 =	vadd.f32 v61, v21;
	(erf) = vpow2.f32 v63;
	v16 =	vadd.f32 v23, v16  }
0x405: {  	v17 =	vadd.f32 v25, v17;
	v18 =	vadd.f32 v39, v18;
	v23 =	vpop (erf)  }
0x406: {  	v21 =	vadd.f32 v23, v21;
	v16 =	vadd.f32 v20, v16;
	v20 =	vpop (erf)  }
0x407: {  	v17 =	vadd.f32 v62, v17;
	v18 =	vadd.f32 v20, v18  }
0x408: {  	v19 =	vadd.f32 v26, v19;
	v16 =	vadd.f32 v21, v16;
	v20 =	vpop (erf)  }
0x409: {  	v15 =	vadd.f32 v30, v15;
	v17 =	vadd.f32 v20, v17  }
0x40a: {  	v19 =	vadd.f32 v22, v19;
	v16 =	vadd.f32 v18, v16  }
0x40b: {  	v14 =	vadd.f32 v28, v14;
	v15 =	vadd.f32 v27, v15;
	v18 =	vpop (erf)  }
0x40c: {  	v16 =	vadd.f32 v17, v16;
	v18 =	vadd.f32 v18, v19  }
0x40d: {  	v14 =	vadd.f32 v31, v14;
	v17 =	vpop (erf)  }
0x40e: {  	v15 =	vadd.f32 v17, v15;
	v16 =	vadd.f32 v18, v16;
	_ =	sdelay $0x1  }
0x40f: {  	v14 =	vadd.f32 v29, v14;
	v15 =	vadd.f32 v15, v16  }
0x410: {  	s22 =	spop (v2sf)  }
0x411: {  	s1 =	sshll.u32 s16, $0x8;
	s6 =	sshll.u32 s22, $0x1;
	v14 =	vadd.f32 v14, v15  }
0x412: {  	s16 =	sand.u32 $0x3FFFFF00, s1;
	s26 =	sand.u32 $0x70, s22;
	s6 =	sand.u32 $0xFFFFFF00, s6  }
0x413: {  	s1 =	sor.u32 s26, s6;
	s26 =	simm.s32 $0x0;
	[tilespmem:s16+$0x14100] =	vst v14  }
0x414: {  	v15 =	vld [tilespmem:s26+$0x81F0]  }
0x415: {  	v16 =	vld [tilespmem:s26+$0x8180]  }
0x416: {  	v17 =	vld [tilespmem:s26+$0x8190]  }
0x417: {  	v18 =	vld [tilespmem:s26+$0x81A0]  }
0x418: {  	v19 =	vld [tilespmem:s26+$0x81B0]  }
0x419: {  	v20 =	vld [tilespmem:s26+$0x81C0]  }
0x41a: {  	v21 =	vld [tilespmem:s26+$0x81D0];
	v15 =	vmul.f32 $1.442695020e+00, v15  }
0x41b: {  	s6 =	simm.s32 $0x100;
	v22 =	vld [tilespmem:s26+$0x81E0];
	v16 =	vmul.f32 $1.442695020e+00, v16;
	v17 =	vmul.f32 $1.442695020e+00, v17  }
0x41c: {  	v18 =	vmul.f32 $1.442695020e+00, v18;
	(erf) = vpow2.f32 v15;
	v15 =	vld [tilespmem:s6+$0x81F0]  }
0x41d: {  	v19 =	vmul.f32 $1.442695020e+00, v19;
	(erf) = vpow2.f32 v16;
	v16 =	vld [tilespmem:s6+$0x8180]  }
0x41e: {  	v20 =	vmul.f32 $1.442695020e+00, v20;
	(erf) = vpow2.f32 v17;
	v17 =	vld [tilespmem:s6+$0x8190]  }
0x41f: {  	v21 =	vmul.f32 $1.442695020e+00, v21;
	(erf) = vpow2.f32 v18;
	v18 =	vld [tilespmem:s6+$0x81A0]  }
0x420: {  	v22 =	vmul.f32 $1.442695020e+00, v22;
	(erf) = vpow2.f32 v19  }
0x421: {  	v19 =	vld [tilespmem:s6+$0x81B0];
	(erf) = vpow2.f32 v20;
	v15 =	vmul.f32 $1.442695020e+00, v15  }
0x422: {  	v20 =	vld [tilespmem:s6+$0x81C0];
	(erf) = vpow2.f32 v21;
	v21 =	vmul.f32 $1.442695020e+00, v16  }
0x423: {  	v24 =	vld [tilespmem:s6+$0x81D0];
	(erf) = vpow2.f32 v22;
	v17 =	vmul.f32 $1.442695020e+00, v17  }
0x424: {  	s26 =	simm.s32 $0x200;
	v22 =	vld [tilespmem:s6+$0x81E0];
	(erf) = vpow2.f32 v15;
	v18 =	vmul.f32 $1.442695020e+00, v18  }
0x425: {  	v26 =	vld [tilespmem:s26+$0x81F0];
	(erf) = vpow2.f32 v21  }
0x426: {  	v14 =	vld [tilespmem:s1+$0x8100];
	v15 =	vpop (erf);
	v19 =	vmul.f32 $1.442695020e+00, v19;
	(erf) = vpow2.f32 v17  }
0x427: {  	v27 =	vld [tilespmem:s26+$0x8180];
	v20 =	vmul.f32 $1.442695020e+00, v20;
	v17 =	vpop (erf);
	(erf) = vpow2.f32 v18  }
0x428: {  	v28 =	vld [tilespmem:s26+$0x8190];
	v29 =	vmul.f32 $1.442695020e+00, v24;
	v16 =	vimm.f32 $0.0e+00;
	v18 =	vpop (erf);
	(erf) = vpow2.f32 v19  }
0x429: {  	v23 =	vld [tilespmem:s26+$0x81A0];
	v30 =	vmul.f32 $1.442695020e+00, v22;
	v21 =	vadd.f32 v18, v16;
	v18 =	vpop (erf);
	(erf) = vpow2.f32 v20  }
0x42a: {  	v24 =	vld [tilespmem:s26+$0x81B0];
	v20 =	vmul.f32 $1.442695020e+00, v26;
	v22 =	vadd.f32 v18, v16;
	v18 =	vpop (erf);
	(erf) = vpow2.f32 v29  }
0x42b: {  	v25 =	vld [tilespmem:s26+$0x81C0];
	v15 =	vadd.f32 v15, v16;
	v19 =	vadd.f32 v18, v16;
	v18 =	vpop (erf);
	(erf) = vpow2.f32 v30  }
0x42c: {  	v17 =	vadd.f32 v17, v16;
	v26 =	vld [tilespmem:s26+$0x81D0];
	v29 =	vmul.f32 $1.442695020e+00, v27;
	v31 =	vpop (erf);
	(erf) = vpow2.f32 v20  }
0x42d: {  	s1 =	simm.s32 $0x1000;
	s6 =	simm.s32 $0x300;
	v27 =	vld [tilespmem:s26+$0x81E0];
	v30 =	vmul.f32 $1.442695020e+00, v28;
	v18 =	vadd.f32 v18, v16;
	v20 =	vadd.f32 v31, v16;
	v28 =	vpop (erf)  }
.LBB2_25:
0x42e: {  	p0 =	sne.s32 s1, $0xFC00;
	v31 =	vld [tilespmem:s6+$0x81F0];
	v23 =	vmul.f32 $1.442695020e+00, v23;
	(erf) = vpow2.f32 v29;
	v29 =	vpop (erf);
	v16 =	vadd.f32 v28, v16  }
0x42f: {  	v28 =	vld [tilespmem:s6+$0x8180];
	v24 =	vmul.f32 $1.442695020e+00, v24;
	(erf) = vpow2.f32 v30;
	v15 =	vadd.f32 v29, v15;
	v29 =	vpop (erf)  }
0x430: {  	v30 =	vld [tilespmem:s6+$0x8190];
	v25 =	vmul.f32 $1.442695020e+00, v25;
	(erf) = vpow2.f32 v23;
	v17 =	vadd.f32 v29, v17;
	v29 =	vpop (erf)  }
.Ltmp11:
0x431: {  	v23 =	vld [tilespmem:s6+$0x81A0];
	v26 =	vmul.f32 $1.442695020e+00, v26;
	(erf) = vpow2.f32 v24;
	v21 =	vadd.f32 v29, v21;
	v29 =	vpop (erf);
	(pc) =	sbr.rel @p0 .LBB2_25-.Ltmp11, $4  }
0x432: {  	v24 =	vld [tilespmem:s6+$0x81B0];
	v27 =	vmul.f32 $1.442695020e+00, v27;
	(erf) = vpow2.f32 v25;
	v22 =	vadd.f32 v29, v22;
	v29 =	vpop (erf)  }
0x433: {  	v25 =	vld [tilespmem:s6+$0x81C0];
	v31 =	vmul.f32 $1.442695020e+00, v31;
	(erf) = vpow2.f32 v26;
	v19 =	vadd.f32 v29, v19;
	v32 =	vpop (erf)  }
0x434: {  	v29 =	vmul.f32 $1.442695020e+00, v28;
	v26 =	vld [tilespmem:s6+$0x81D0];
	(erf) = vpow2.f32 v27;
	v18 =	vadd.f32 v32, v18;
	v28 =	vpop (erf)  }
0x435: {  	v30 =	vmul.f32 $1.442695020e+00, v30;
	v27 =	vld [tilespmem:s6+$0x81E0];
	s6 =	sshra.s32 s1, $0x2;
	s1 =	sadd.s32 $0x400, s1;
	(erf) = vpow2.f32 v31;
	v20 =	vadd.f32 v28, v20;
	v28 =	vpop (erf)  }
0x436: {  	v23 =	vmul.f32 $1.442695020e+00, v23;
	_ =	sdelay $0x1  }
0x437: {  	v31 =	vld [tilespmem:s6+$0x81F0];
	(erf) = vpow2.f32 v29;
	v45 =	vpop (erf)  }
0x438: {  	v32 =	vld [tilespmem:s6+$0x8180];
	v24 =	vmul.f32 $1.442695020e+00, v24;
	(erf) = vpow2.f32 v30;
	v46 =	vpop (erf)  }
0x439: {  	v33 =	vld [tilespmem:s6+$0x8190];
	v25 =	vmul.f32 $1.442695020e+00, v25;
	(erf) = vpow2.f32 v23;
	v23 =	vpop (erf)  }
0x43a: {  	v26 =	vmul.f32 $1.442695020e+00, v26;
	(erf) = vpow2.f32 v24;
	v47 =	vpop (erf)  }
0x43b: {  	v27 =	vmul.f32 $1.442695020e+00, v27;
	(erf) = vpow2.f32 v25;
	v48 =	vpop (erf)  }
0x43c: {  	v31 =	vmul.f32 $1.442695020e+00, v31;
	(erf) = vpow2.f32 v26;
	v49 =	vpop (erf)  }
0x43d: {  	v34 =	vld [tilespmem:s6+$0x81A0];
	v32 =	vmul.f32 $1.442695020e+00, v32;
	(erf) = vpow2.f32 v27;
	v50 =	vpop (erf)  }
0x43e: {  	v35 =	vld [tilespmem:s6+$0x81B0];
	v33 =	vmul.f32 $1.442695020e+00, v33;
	(erf) = vpow2.f32 v31;
	v51 =	vpop (erf)  }
0x43f: {  	(erf) = vpow2.f32 v32;
	v52 =	vpop (erf)  }
0x440: {  	v36 =	vld [tilespmem:s6+$0x81C0];
	(erf) = vpow2.f32 v33;
	v53 =	vpop (erf)  }
0x441: {  	v38 =	vpop (erf)  }
0x442: {  	v34 =	vmul.f32 $1.442695020e+00, v34;
	v54 =	vpop (erf)  }
0x443: {  	v37 =	vld [tilespmem:s6+$0x81D0];
	v35 =	vmul.f32 $1.442695020e+00, v35;
	v40 =	vpop (erf)  }
0x444: {  	v39 =	vld [tilespmem:s6+$0x81E0];
	(erf) = vpow2.f32 v34;
	v56 =	vpop (erf)  }
0x445: {  	v55 =	vmul.f32 $1.442695020e+00, v36;
	v21 =	vadd.f32 v23, v21;
	(erf) = vpow2.f32 v35;
	v23 =	vpop (erf)  }
0x446: {  	v58 =	vpop (erf)  }
0x447: {  	(erf) = vpow2.f32 v55;
	v59 =	vpop (erf)  }
0x448: {  	v17 =	vadd.f32 v46, v17;
	v57 =	vmul.f32 $1.442695020e+00, v37;
	v21 =	vadd.f32 v38, v21;
	v61 =	vpop (erf)  }
0x449: {  	(v2sf) =	vpush v4, $0xB;
	v60 =	vmul.f32 $1.442695020e+00, v39;
	v22 =	vadd.f32 v47, v22;
	v62 =	vpop (erf)  }
0x44a: {  	v17 =	vadd.f32 v53, v17;
	(erf) = vpow2.f32 v57;
	v21 =	vadd.f32 v62, v21  }
0x44b: {  	v16 =	vadd.f32 v28, v16;
	v19 =	vadd.f32 v48, v19  }
0x44c: {  	v22 =	vadd.f32 v54, v22;
	(erf) = vpow2.f32 v60;
	v17 =	vadd.f32 v61, v17  }
0x44d: {  	v18 =	vadd.f32 v49, v18;
	v19 =	vadd.f32 v40, v19;
	v63 =	vpop (erf)  }
0x44e: {  	v22 =	vadd.f32 v63, v22;
	v17 =	vadd.f32 v21, v17;
	v21 =	vpop (erf)  }
0x44f: {  	v18 =	vadd.f32 v56, v18;
	v19 =	vadd.f32 v21, v19  }
0x450: {  	v20 =	vadd.f32 v50, v20;
	v17 =	vadd.f32 v22, v17;
	v21 =	vpop (erf)  }
0x451: {  	v16 =	vadd.f32 v51, v16;
	v18 =	vadd.f32 v21, v18  }
0x452: {  	v20 =	vadd.f32 v23, v20;
	v17 =	vadd.f32 v19, v17  }
0x453: {  	v15 =	vadd.f32 v45, v15;
	v16 =	vadd.f32 v58, v16;
	v19 =	vpop (erf)  }
0x454: {  	v17 =	vadd.f32 v18, v17;
	v19 =	vadd.f32 v19, v20  }
0x455: {  	v15 =	vadd.f32 v52, v15;
	v18 =	vpop (erf)  }
0x456: {  	v16 =	vadd.f32 v18, v16;
	v17 =	vadd.f32 v19, v17;
	_ =	sdelay $0x1  }
0x457: {  	v15 =	vadd.f32 v59, v15;
	v16 =	vadd.f32 v16, v17  }
0x458: {  	s6 =	spop (v2sf)  }
0x459: {  	s1 =	sshll.u32 s6, $0x1;
	v15 =	vadd.f32 v15, v16  }
0x45a: {  	s26 =	sand.u32 $0x70, s6;
	s1 =	sand.u32 $0xFFFFFF00, s1  }
0x45b: {  	s1 =	sor.u32 s26, s1;
	s26 =	simm.s32 $0x5;
	[tilespmem:s16+$0x14180] =	vst v15  }
0x45c: {  	p0 =	seq.s32 s21, $0xF;
	v15 =	vld [tilespmem:s1+$0x8180];
	_ =	swait.ge [sflag:s26], $0x4000  }
0x45d: {  	s1 =	sshll.u32 @!p0 s21, $0xA;
	[sflag:s26] =	ssyncset.done $0x0  }
0x45e: {  	s16 =	sand.u32 @!p0 $0x3FFFFC00, s1;
	[sflag:s26] =	ssyncadd.s32 $0xFFFFC000  }
0x45f: {  	v16 =	vld.msk @!p0 [tilespmem:s16+$0x400], $0x3;
	_ =	sdelay $0x4  }
0x460: {  	v17 =	vshll.u32 @!p0 v16, $0x6  }
0x461: {  	v18 =	vlaneseq.u32 @!p0;
	v16 =	vand.u32 @!p0 $0x7, v16;
	v17 =	vand.u32 @!p0 $0xFFFFFE00, v17  }
0x462: {  	v16 =	vor.u32 @!p0 v16, v17;
	v17 =	vand.u32 @!p0 $0x1, v18;
	v18 =	vshrl.u32 @!p0 v18, $0x1  }
0x463: {  	v16 =	vperm.xlane @!p0 v16, v17;
	v17 =	vmul.u32 @!p0 $0x8, v18;
	_ =	sdelay $0x1  }
0x464: {  	v16 =	vadd.s32 @!p0 v17, v16;
	_ =	sdelay $0x3  }
0x465: {  	vm1 =	vmmov @!p0 $0xffff;
	s1 =	simm.s32 @!p0 $0x0;
	s26 =	simm.s32 @!p0 $0x4100  }
0x466: {  	[tilespmem:s26], [sflag:$0x1] =	stream.indirect_vreg.gather @!p0 [hbm4b:s2+s1], $0x80, v16, vm1, $0xb8;
	[tilespmem:$0x1C180] =	vst v63  }
0x467: {  	s26 =	simm.s32 @!p0 $0x4900  }
0x468: {  	[tilespmem:s26], [sflag:$0x1] =	stream.indirect_vreg.gather @!p0 [hbm4b:s7+s1], $0x80, v16, vm1, $0xb8;
	[tilespmem:$0x1C180] =	vst v63  }
0x469: {  	s26 =	simm.s32 @!p0 $0x5100  }
0x46a: {  	[tilespmem:s26], [sflag:$0x1] =	stream.indirect_vreg.gather @!p0 [hbm4b:s8+s1], $0x80, v16, vm1, $0xb8;
	[tilespmem:$0x1C180] =	vst v63  }
0x46b: {  	s26 =	simm.s32 @!p0 $0x5900  }
0x46c: {  	[tilespmem:s26], [sflag:$0x1] =	stream.indirect_vreg.gather @!p0 [hbm4b:s9+s1], $0x80, v16, vm1, $0xb8;
	[tilespmem:$0x1C180] =	vst v63  }
0x46d: {  	s26 =	simm.s32 @!p0 $0x6100  }
0x46e: {  	[tilespmem:s26], [sflag:$0x1] =	stream.indirect_vreg.gather @!p0 [hbm4b:s10+s1], $0x80, v16, vm1, $0xb8;
	[tilespmem:$0x1C180] =	vst v63  }
0x46f: {  	s26 =	simm.s32 @!p0 $0x6900  }
0x470: {  	[tilespmem:s26], [sflag:$0x1] =	stream.indirect_vreg.gather @!p0 [hbm4b:s11+s1], $0x80, v16, vm1, $0xb8;
	[tilespmem:$0x1C180] =	vst v63  }
0x471: {  	s26 =	simm.s32 @!p0 $0x7100  }
0x472: {  	[tilespmem:s26], [sflag:$0x1] =	stream.indirect_vreg.gather @!p0 [hbm4b:s12+s1], $0x80, v16, vm1, $0xb8;
	[tilespmem:$0x1C180] =	vst v63  }
0x473: {  	s18 =	sand.u32 $0xF, s18;
	s26 =	simm.s32 @!p0 $0x7900  }
0x474: {  	[tilespmem:s26], [sflag:$0x1] =	stream.indirect_vreg.gather @!p0 [hbm4b:s13+s1], $0x80, v16, vm1, $0xb8;
	v16 =	vmov s18;
	[tilespmem:$0x1C180] =	vst v63  }
0x475: {  	s26 =	sand.u32 $0xF, s3;
	vm2 =	veq.s32 v16, v0  }
0x476: {  	s20 =	sand.u32 $0xF, s20;
	v16 =	vmov s26;
	v6 =	vnsel vm2, $0x0, v6  }
0x477: {  	s3 =	sshll.u32 s19, $0xB;
	s18 =	sand.u32 $0xF, s25;
	s25 =	simm.s32 $0x3;
	vm2 =	veq.s32 v16, v0;
	v5 =	vadd.f32 v6, v5  }
0x478: {  	_ =	swait.ge [sflag:s25], $0x4000;
	s1 =	sand.u32 $0x3E000, s3;
	s26 =	sand.u32 $0xF, s24;
	v6 =	vmov s18;
	v7 =	vnsel vm2, $0x0, v7  }
0x479: {  	s24 =	simm.s32 $0x0;
	[sflag:s25] =	ssyncset.done $0x0;
	s1 =	sor.u32 s1, s14;
	vm2 =	veq.s32 v6, v0;
	v5 =	vadd.f32 v7, v5  }
0x47a: {  	[sflag:s25] =	ssyncadd.s32 $0xFFFFC000;
	s1 =	sadd.s32 s1, s29;
	s25 =	simm.s32 $0xC100;
	v6 =	vmov s26;
	v7 =	vnsel vm2, $0x0, v8  }
0x47b: {  	[hbm4b:s1+s23] =	stream.strided.scatter [tilespmem:s25], [sflag:$0x7], $0x4000, s5, s23, $0x38;
	vm2 =	veq.s32 v6, v0;
	v5 =	vadd.f32 v7, v5;
	[tilespmem:$0x1C180] =	vst v63  }
0x47c: {  	s26 =	sand.u32 $0xF, s15;
	v6 =	vnsel vm2, $0x0, v9;
	v9 =	vld [tilespmem:s24+$0xC100];
	v7 =	vmov s20  }
0x47d: {  	vm2 =	veq.s32 v7, v0;
	v7 =	vmov s26;
	v5 =	vadd.f32 v6, v5;
	v6 =	vld [tilespmem:s24+$0xC170]  }
0x47e: {  	s15 =	sand.u32 $0xF, s4;
	v8 =	vnsel vm2, $0x0, v10;
	vm2 =	veq.s32 v7, v0;
	v7 =	vld [tilespmem:s24+$0xC110]  }
0x47f: {  	s18 =	sand.u32 $0xF, s17;
	v10 =	vnsel vm2, $0x0, v11;
	v11 =	vld [tilespmem:s24+$0xC120];
	v5 =	vadd.f32 v8, v5;
	v8 =	vmov s15  }
0x480: {  	v16 =	vmov s18;
	s20 =	sand.u32 $0xF, s22;
	vm2 =	veq.s32 v8, v0;
	v8 =	vld [tilespmem:s24+$0xC130]  }
0x481: {  	v17 =	vld [tilespmem:s24+$0xC140];
	v9 =	vmul.f32 $1.442695020e+00, v9;
	v5 =	vadd.f32 v10, v5;
	v10 =	vmov s20  }
0x482: {  	v12 =	vnsel vm2, $0x0, v12;
	vm2 =	veq.s32 v16, v0;
	v16 =	vld [tilespmem:s24+$0xC160];
	v6 =	vmul.f32 $1.442695020e+00, v6  }
0x483: {  	s22 =	simm.s32 $0x100;
	v13 =	vnsel vm2, $0x0, v13;
	v7 =	vmul.f32 $1.442695020e+00, v7;
	v5 =	vadd.f32 v12, v5;
	v12 =	vld [tilespmem:s24+$0xC150]  }
0x484: {  	vm2 =	veq.s32 v10, v0;
	v10 =	vld [tilespmem:s22+$0xC110];
	v11 =	vmul.f32 $1.442695020e+00, v11;
	(erf) = vpow2.f32 v6  }
0x485: {  	v6 =	vld [tilespmem:s22+$0xC170];
	v5 =	vadd.f32 v13, v5;
	(erf) = vpow2.f32 v9;
	v8 =	vmul.f32 $1.442695020e+00, v8  }
0x486: {  	v9 =	vld [tilespmem:s22+$0xC100];
	v13 =	vmul.f32 $1.442695020e+00, v17;
	(erf) = vpow2.f32 v7;
	v7 =	vnsel vm2, $0x0, v14  }
0x487: {  	s24 =	sand.u32 $0xF, s6;
	v14 =	vmul.f32 $1.442695020e+00, v16;
	(erf) = vpow2.f32 v11;
	v5 =	vadd.f32 v7, v5;
	v11 =	vld [tilespmem:s22+$0xC120]  }
0x488: {  	v7 =	vmul.f32 $1.442695020e+00, v12;
	(erf) = vpow2.f32 v8;
	v8 =	vmov s24;
	v12 =	vld [tilespmem:s22+$0xC130]  }
0x489: {  	v10 =	vmul.f32 $1.442695020e+00, v10;
	(erf) = vpow2.f32 v13;
	vm2 =	veq.s32 v8, v0;
	v8 =	vld [tilespmem:s22+$0xC140]  }
0x48a: {  	v6 =	vmul.f32 $1.442695020e+00, v6;
	v13 =	vld [tilespmem:s22+$0xC150];
	(erf) = vpow2.f32 v7  }
0x48b: {  	v9 =	vmul.f32 $1.442695020e+00, v9;
	(erf) = vpow2.f32 v14  }
0x48c: {  	s26 =	simm.s32 $0x200;
	v16 =	vld [tilespmem:s22+$0xC160];
	(erf) = vpow2.f32 v6;
	v11 =	vmul.f32 $1.442695020e+00, v11  }
0x48d: {  	v17 =	vld [tilespmem:s26+$0xC170];
	v7 =	vnsel vm2, $0x0, v15;
	(erf) = vpow2.f32 v9;
	v12 =	vmul.f32 $1.442695020e+00, v12  }
0x48e: {  	v5 =	vadd.f32 v7, v5;
	v6 =	vpop (erf);
	(erf) = vpow2.f32 v10;
	v18 =	vmul.f32 $1.442695020e+00, v8  }
0x48f: {  	v7 =	vimm.f32 $0.0e+00;
	v9 =	vld [tilespmem:s26+$0xC100];
	v10 =	vpop (erf);
	(erf) = vpow2.f32 v11;
	v11 =	vmul.f32 $1.442695020e+00, v13  }
0x490: {  	v19 =	vld [tilespmem:s26+$0xC110];
	v8 =	vadd.f32 v10, v7;
	v10 =	vpop (erf);
	(erf) = vpow2.f32 v12  }
0x491: {  	v14 =	vld [tilespmem:s26+$0xC120];
	v21 =	vmul.f32 $1.442695020e+00, v16;
	v12 =	vadd.f32 v10, v7;
	v10 =	vpop (erf);
	(erf) = vpow2.f32 v18  }
0x492: {  	v15 =	vld [tilespmem:s26+$0xC130];
	v22 =	vmul.f32 $1.442695020e+00, v17;
	v13 =	vadd.f32 v10, v7;
	v10 =	vpop (erf);
	(erf) = vpow2.f32 v11  }
0x493: {  	v16 =	vld [tilespmem:s26+$0xC140];
	v6 =	vadd.f32 v6, v7;
	v11 =	vpop (erf);
	(erf) = vpow2.f32 v21  }
0x494: {  	v17 =	vld [tilespmem:s26+$0xC150];
	v20 =	vmul.f32 $1.442695020e+00, v9;
	v9 =	vadd.f32 v11, v7;
	v11 =	vpop (erf);
	(erf) = vpow2.f32 v22  }
0x495: {  	s3 =	simm.s32 $0x300;
	s1 =	simm.s32 $0x1000;
	v18 =	vld [tilespmem:s26+$0xC160];
	v10 =	vadd.f32 v10, v7;
	v21 =	vmul.f32 $1.442695020e+00, v19;
	v11 =	vadd.f32 v11, v7;
	v19 =	vpop (erf)  }
.LBB2_27:
0x496: {  	p1 =	sne.s32 s1, $0xFC00;
	v22 =	vld [tilespmem:s3+$0xC170];
	v14 =	vmul.f32 $1.442695020e+00, v14;
	(erf) = vpow2.f32 v20;
	v20 =	vpop (erf);
	v7 =	vadd.f32 v19, v7  }
0x497: {  	v19 =	vld [tilespmem:s3+$0xC100];
	v15 =	vmul.f32 $1.442695020e+00, v15;
	(erf) = vpow2.f32 v21;
	v6 =	vadd.f32 v20, v6;
	v20 =	vpop (erf)  }
0x498: {  	v21 =	vld [tilespmem:s3+$0xC110];
	v16 =	vmul.f32 $1.442695020e+00, v16;
	(erf) = vpow2.f32 v14;
	v8 =	vadd.f32 v20, v8;
	v20 =	vpop (erf)  }
.Ltmp12:
0x499: {  	v14 =	vld [tilespmem:s3+$0xC120];
	v17 =	vmul.f32 $1.442695020e+00, v17;
	(erf) = vpow2.f32 v15;
	v12 =	vadd.f32 v20, v12;
	v20 =	vpop (erf);
	(pc) =	sbr.rel @p1 .LBB2_27-.Ltmp12, $4  }
0x49a: {  	v15 =	vld [tilespmem:s3+$0xC130];
	v18 =	vmul.f32 $1.442695020e+00, v18;
	(erf) = vpow2.f32 v16;
	v13 =	vadd.f32 v20, v13;
	v20 =	vpop (erf)  }
0x49b: {  	v16 =	vld [tilespmem:s3+$0xC140];
	v22 =	vmul.f32 $1.442695020e+00, v22;
	(erf) = vpow2.f32 v17;
	v10 =	vadd.f32 v20, v10;
	v23 =	vpop (erf)  }
0x49c: {  	v20 =	vmul.f32 $1.442695020e+00, v19;
	v17 =	vld [tilespmem:s3+$0xC150];
	(erf) = vpow2.f32 v18;
	v9 =	vadd.f32 v23, v9;
	v19 =	vpop (erf)  }
0x49d: {  	v21 =	vmul.f32 $1.442695020e+00, v21;
	v18 =	vld [tilespmem:s3+$0xC160];
	s3 =	sshra.s32 s1, $0x2;
	s1 =	sadd.s32 $0x400, s1;
	(erf) = vpow2.f32 v22;
	v11 =	vadd.f32 v19, v11;
	v19 =	vpop (erf)  }
0x49e: {  	v22 =	vld [tilespmem:s3+$0xC170];
	v14 =	vmul.f32 $1.442695020e+00, v14  }
0x49f: {  	v23 =	vld [tilespmem:s3+$0xC100];
	v15 =	vmul.f32 $1.442695020e+00, v15  }
0x4a0: {  	(erf) = vpow2.f32 v20;
	v20 =	vpop (erf);
	v16 =	vmul.f32 $1.442695020e+00, v16  }
0x4a1: {  	(erf) = vpow2.f32 v21;
	v21 =	vpop (erf);
	v17 =	vmul.f32 $1.442695020e+00, v17  }
0x4a2: {  	v24 =	vld [tilespmem:s3+$0xC110];
	(erf) = vpow2.f32 v14;
	v14 =	vpop (erf);
	v18 =	vmul.f32 $1.442695020e+00, v18  }
0x4a3: {  	(erf) = vpow2.f32 v15;
	v15 =	vpop (erf);
	v22 =	vmul.f32 $1.442695020e+00, v22  }
0x4a4: {  	(erf) = vpow2.f32 v16;
	v23 =	vmul.f32 $1.442695020e+00, v23;
	v16 =	vpop (erf)  }
0x4a5: {  	v25 =	vld [tilespmem:s3+$0xC120];
	(erf) = vpow2.f32 v17;
	v17 =	vpop (erf)  }
0x4a6: {  	v27 =	vld [tilespmem:s3+$0xC140];
	(erf) = vpow2.f32 v18;
	v18 =	vpop (erf)  }
0x4a7: {  	v26 =	vld [tilespmem:s3+$0xC130];
	v24 =	vmul.f32 $1.442695020e+00, v24;
	(erf) = vpow2.f32 v22;
	v22 =	vpop (erf)  }
0x4a8: {  	v28 =	vld [tilespmem:s3+$0xC150];
	(erf) = vpow2.f32 v23;
	v23 =	vpop (erf)  }
0x4a9: {  	(erf) = vpow2.f32 v24;
	v60 =	vpop (erf)  }
0x4aa: {  	v29 =	vpop (erf)  }
0x4ab: {  	v7 =	vadd.f32 v19, v7;
	v25 =	vmul.f32 $1.442695020e+00, v25;
	v19 =	vmul.f32 $1.442695020e+00, v27;
	v61 =	vpop (erf)  }
0x4ac: {  	v26 =	vmul.f32 $1.442695020e+00, v26;
	v31 =	vpop (erf)  }
0x4ad: {  	v13 =	vadd.f32 v15, v13;
	v15 =	vmul.f32 $1.442695020e+00, v28;
	(erf) = vpow2.f32 v25;
	v62 =	vpop (erf)  }
0x4ae: {  	v30 =	vld [tilespmem:s3+$0xC160];
	v12 =	vadd.f32 v14, v12;
	(erf) = vpow2.f32 v26;
	v14 =	vpop (erf)  }
0x4af: {  	(erf) = vpow2.f32 v19;
	v19 =	vpop (erf)  }
0x4b0: {  	v8 =	vadd.f32 v21, v8;
	v21 =	vpop (erf)  }
0x4b1: {  	v12 =	vadd.f32 v29, v12;
	(erf) = vpow2.f32 v15;
	v15 =	vpop (erf)  }
0x4b2: {  	v10 =	vadd.f32 v16, v10;
	v16 =	vpop (erf)  }
0x4b3: {  	v63 =	vmul.f32 $1.442695020e+00, v30;
	v8 =	vadd.f32 v60, v8;
	v12 =	vadd.f32 v16, v12;
	_ =	sdelay $0x1  }
0x4b4: {  	v13 =	vadd.f32 v61, v13;
	(erf) = vpow2.f32 v63;
	v8 =	vadd.f32 v15, v8  }
0x4b5: {  	v9 =	vadd.f32 v17, v9;
	v10 =	vadd.f32 v31, v10;
	v15 =	vpop (erf)  }
0x4b6: {  	v13 =	vadd.f32 v15, v13;
	v8 =	vadd.f32 v12, v8;
	v12 =	vpop (erf)  }
0x4b7: {  	v9 =	vadd.f32 v62, v9;
	v10 =	vadd.f32 v12, v10  }
0x4b8: {  	v11 =	vadd.f32 v18, v11;
	v8 =	vadd.f32 v13, v8;
	v12 =	vpop (erf)  }
0x4b9: {  	v7 =	vadd.f32 v22, v7;
	v9 =	vadd.f32 v12, v9  }
0x4ba: {  	v11 =	vadd.f32 v14, v11;
	v8 =	vadd.f32 v10, v8  }
0x4bb: {  	v6 =	vadd.f32 v20, v6;
	v7 =	vadd.f32 v19, v7;
	v10 =	vpop (erf)  }
0x4bc: {  	v8 =	vadd.f32 v9, v8;
	v10 =	vadd.f32 v10, v11  }
0x4bd: {  	v6 =	vadd.f32 v23, v6;
	v9 =	vpop (erf)  }
0x4be: {  	v7 =	vadd.f32 v9, v7;
	v8 =	vadd.f32 v10, v8;
	_ =	sdelay $0x1  }
0x4bf: {  	v6 =	vadd.f32 v21, v6;
	v7 =	vadd.f32 v7, v8;
	_ =	sdelay $0x1  }
0x4c0: {  	s1 =	sshll.u32 s19, $0x8;
	v6 =	vadd.f32 v6, v7  }
0x4c1: {  	s4 =	sand.u32 $0x3FFFFF00, s1  }
0x4c2: {  	(v2sf) =	vpush v4, $0xC;
	s24 =	simm.s32 $0x0;
	[tilespmem:s4+$0x14100] =	vst v6  }
0x4c3: {  	v7 =	vld [tilespmem:s24+$0xC1F0]  }
0x4c4: {  	v8 =	vld [tilespmem:s24+$0xC180]  }
0x4c5: {  	v9 =	vld [tilespmem:s24+$0xC190]  }
0x4c6: {  	v10 =	vld [tilespmem:s24+$0xC1A0]  }
0x4c7: {  	v11 =	vld [tilespmem:s24+$0xC1B0]  }
0x4c8: {  	v12 =	vld [tilespmem:s24+$0xC1C0]  }
0x4c9: {  	v13 =	vld [tilespmem:s24+$0xC1D0];
	v7 =	vmul.f32 $1.442695020e+00, v7  }
0x4ca: {  	s26 =	simm.s32 $0x100;
	v14 =	vld [tilespmem:s24+$0xC1E0];
	v8 =	vmul.f32 $1.442695020e+00, v8;
	v9 =	vmul.f32 $1.442695020e+00, v9  }
0x4cb: {  	v10 =	vmul.f32 $1.442695020e+00, v10;
	(erf) = vpow2.f32 v7;
	v7 =	vld [tilespmem:s26+$0xC1F0]  }
0x4cc: {  	v11 =	vmul.f32 $1.442695020e+00, v11;
	(erf) = vpow2.f32 v8;
	v8 =	vld [tilespmem:s26+$0xC180]  }
0x4cd: {  	v12 =	vmul.f32 $1.442695020e+00, v12;
	(erf) = vpow2.f32 v9;
	v9 =	vld [tilespmem:s26+$0xC190]  }
0x4ce: {  	v13 =	vmul.f32 $1.442695020e+00, v13;
	(erf) = vpow2.f32 v10;
	v10 =	vld [tilespmem:s26+$0xC1A0]  }
0x4cf: {  	v14 =	vmul.f32 $1.442695020e+00, v14;
	(erf) = vpow2.f32 v11  }
0x4d0: {  	v11 =	vld [tilespmem:s26+$0xC1B0];
	(erf) = vpow2.f32 v12;
	v7 =	vmul.f32 $1.442695020e+00, v7  }
0x4d1: {  	s3 =	spop (v2sf);
	v12 =	vld [tilespmem:s26+$0xC1C0];
	(erf) = vpow2.f32 v13;
	v13 =	vmul.f32 $1.442695020e+00, v8  }
0x4d2: {  	s6 =	sshll.u32 s3, $0x1;
	v16 =	vld [tilespmem:s26+$0xC1D0];
	(erf) = vpow2.f32 v14;
	v9 =	vmul.f32 $1.442695020e+00, v9  }
0x4d3: {  	s15 =	simm.s32 $0x200;
	s22 =	sand.u32 $0x70, s3;
	s6 =	sand.u32 $0xFFFFFF00, s6;
	v14 =	vld [tilespmem:s26+$0xC1E0];
	(erf) = vpow2.f32 v7;
	v10 =	vmul.f32 $1.442695020e+00, v10  }
0x4d4: {  	s1 =	sor.u32 s22, s6;
	v18 =	vld [tilespmem:s15+$0xC1F0];
	(erf) = vpow2.f32 v13  }
0x4d5: {  	v6 =	vld [tilespmem:s1+$0xC100];
	v7 =	vpop (erf);
	v11 =	vmul.f32 $1.442695020e+00, v11;
	(erf) = vpow2.f32 v9  }
0x4d6: {  	v19 =	vld [tilespmem:s15+$0xC180];
	v12 =	vmul.f32 $1.442695020e+00, v12;
	v9 =	vpop (erf);
	(erf) = vpow2.f32 v10  }
0x4d7: {  	v20 =	vld [tilespmem:s15+$0xC190];
	v21 =	vmul.f32 $1.442695020e+00, v16;
	v8 =	vimm.f32 $0.0e+00;
	v10 =	vpop (erf);
	(erf) = vpow2.f32 v11  }
0x4d8: {  	v15 =	vld [tilespmem:s15+$0xC1A0];
	v22 =	vmul.f32 $1.442695020e+00, v14;
	v13 =	vadd.f32 v10, v8;
	v10 =	vpop (erf);
	(erf) = vpow2.f32 v12  }
0x4d9: {  	v16 =	vld [tilespmem:s15+$0xC1B0];
	v12 =	vmul.f32 $1.442695020e+00, v18;
	v14 =	vadd.f32 v10, v8;
	v10 =	vpop (erf);
	(erf) = vpow2.f32 v21  }
0x4da: {  	v17 =	vld [tilespmem:s15+$0xC1C0];
	v7 =	vadd.f32 v7, v8;
	v11 =	vadd.f32 v10, v8;
	v10 =	vpop (erf);
	(erf) = vpow2.f32 v22  }
0x4db: {  	s20 =	smov.u32 s30;
	v9 =	vadd.f32 v9, v8;
	v18 =	vld [tilespmem:s15+$0xC1D0];
	v21 =	vmul.f32 $1.442695020e+00, v19;
	v23 =	vpop (erf);
	(erf) = vpow2.f32 v12  }
0x4dc: {  	s6 =	simm.s32 $0x300;
	s1 =	simm.s32 $0x1000;
	s26 =	smov.u32 s28;
	v19 =	vld [tilespmem:s15+$0xC1E0];
	v22 =	vmul.f32 $1.442695020e+00, v20;
	v10 =	vadd.f32 v10, v8;
	v12 =	vadd.f32 v23, v8;
	v20 =	vpop (erf)  }
.LBB2_29:
0x4dd: {  	p1 =	sne.s32 s1, $0xFC00;
	v23 =	vld [tilespmem:s6+$0xC1F0];
	v15 =	vmul.f32 $1.442695020e+00, v15;
	(erf) = vpow2.f32 v21;
	v21 =	vpop (erf);
	v8 =	vadd.f32 v20, v8  }
0x4de: {  	v20 =	vld [tilespmem:s6+$0xC180];
	v16 =	vmul.f32 $1.442695020e+00, v16;
	(erf) = vpow2.f32 v22;
	v7 =	vadd.f32 v21, v7;
	v21 =	vpop (erf)  }
0x4df: {  	v22 =	vld [tilespmem:s6+$0xC190];
	v17 =	vmul.f32 $1.442695020e+00, v17;
	(erf) = vpow2.f32 v15;
	v9 =	vadd.f32 v21, v9;
	v21 =	vpop (erf)  }
.Ltmp13:
0x4e0: {  	v15 =	vld [tilespmem:s6+$0xC1A0];
	v18 =	vmul.f32 $1.442695020e+00, v18;
	(erf) = vpow2.f32 v16;
	v13 =	vadd.f32 v21, v13;
	v21 =	vpop (erf);
	(pc) =	sbr.rel @p1 .LBB2_29-.Ltmp13, $4  }
0x4e1: {  	v16 =	vld [tilespmem:s6+$0xC1B0];
	v19 =	vmul.f32 $1.442695020e+00, v19;
	(erf) = vpow2.f32 v17;
	v14 =	vadd.f32 v21, v14;
	v21 =	vpop (erf)  }
0x4e2: {  	v17 =	vld [tilespmem:s6+$0xC1C0];
	v23 =	vmul.f32 $1.442695020e+00, v23;
	(erf) = vpow2.f32 v18;
	v11 =	vadd.f32 v21, v11;
	v24 =	vpop (erf)  }
0x4e3: {  	v21 =	vmul.f32 $1.442695020e+00, v20;
	v18 =	vld [tilespmem:s6+$0xC1D0];
	(erf) = vpow2.f32 v19;
	v10 =	vadd.f32 v24, v10;
	v20 =	vpop (erf)  }
0x4e4: {  	v22 =	vmul.f32 $1.442695020e+00, v22;
	v19 =	vld [tilespmem:s6+$0xC1E0];
	s6 =	sshra.s32 s1, $0x2;
	s1 =	sadd.s32 $0x400, s1;
	(erf) = vpow2.f32 v23;
	v12 =	vadd.f32 v20, v12;
	v20 =	vpop (erf)  }
0x4e5: {  	v23 =	vld [tilespmem:s6+$0xC1F0];
	v15 =	vmul.f32 $1.442695020e+00, v15  }
0x4e6: {  	v16 =	vmul.f32 $1.442695020e+00, v16  }
0x4e7: {  	(erf) = vpow2.f32 v21;
	v21 =	vpop (erf);
	v17 =	vmul.f32 $1.442695020e+00, v17  }
0x4e8: {  	v24 =	vld [tilespmem:s6+$0xC180];
	(erf) = vpow2.f32 v22;
	v22 =	vpop (erf);
	v18 =	vmul.f32 $1.442695020e+00, v18  }
0x4e9: {  	v25 =	vld [tilespmem:s6+$0xC190];
	(erf) = vpow2.f32 v15;
	v15 =	vpop (erf);
	v19 =	vmul.f32 $1.442695020e+00, v19  }
0x4ea: {  	(erf) = vpow2.f32 v16;
	v16 =	vpop (erf);
	v23 =	vmul.f32 $1.442695020e+00, v23  }
0x4eb: {  	(erf) = vpow2.f32 v17;
	v17 =	vpop (erf)  }
0x4ec: {  	v26 =	vld [tilespmem:s6+$0xC1A0];
	(erf) = vpow2.f32 v18;
	v18 =	vpop (erf)  }
0x4ed: {  	v28 =	vld [tilespmem:s6+$0xC1C0];
	v24 =	vmul.f32 $1.442695020e+00, v24;
	(erf) = vpow2.f32 v19;
	v19 =	vpop (erf)  }
0x4ee: {  	v27 =	vld [tilespmem:s6+$0xC1B0];
	v25 =	vmul.f32 $1.442695020e+00, v25;
	(erf) = vpow2.f32 v23;
	v23 =	vpop (erf)  }
0x4ef: {  	v29 =	vld [tilespmem:s6+$0xC1D0];
	(erf) = vpow2.f32 v24;
	v59 =	vpop (erf)  }
0x4f0: {  	(erf) = vpow2.f32 v25;
	v60 =	vpop (erf)  }
0x4f1: {  	v30 =	vpop (erf)  }
0x4f2: {  	v8 =	vadd.f32 v20, v8;
	v26 =	vmul.f32 $1.442695020e+00, v26;
	v20 =	vmul.f32 $1.442695020e+00, v28;
	v61 =	vpop (erf)  }
0x4f3: {  	v27 =	vmul.f32 $1.442695020e+00, v27;
	v32 =	vpop (erf)  }
0x4f4: {  	v14 =	vadd.f32 v16, v14;
	v16 =	vmul.f32 $1.442695020e+00, v29;
	(erf) = vpow2.f32 v26;
	v62 =	vpop (erf)  }
0x4f5: {  	v31 =	vld [tilespmem:s6+$0xC1E0];
	v13 =	vadd.f32 v15, v13;
	(erf) = vpow2.f32 v27;
	v15 =	vpop (erf)  }
0x4f6: {  	(erf) = vpow2.f32 v20;
	v20 =	vpop (erf)  }
0x4f7: {  	v9 =	vadd.f32 v22, v9;
	v22 =	vpop (erf)  }
0x4f8: {  	v13 =	vadd.f32 v30, v13;
	(erf) = vpow2.f32 v16;
	v16 =	vpop (erf)  }
0x4f9: {  	(v2sf) =	vpush v4, $0xD;
	v11 =	vadd.f32 v17, v11;
	v17 =	vpop (erf)  }
0x4fa: {  	v63 =	vmul.f32 $1.442695020e+00, v31;
	v9 =	vadd.f32 v60, v9;
	v13 =	vadd.f32 v17, v13;
	_ =	sdelay $0x1  }
0x4fb: {  	v14 =	vadd.f32 v61, v14;
	(erf) = vpow2.f32 v63;
	v9 =	vadd.f32 v16, v9  }
0x4fc: {  	v10 =	vadd.f32 v18, v10;
	v11 =	vadd.f32 v32, v11;
	v16 =	vpop (erf)  }
0x4fd: {  	v14 =	vadd.f32 v16, v14;
	v9 =	vadd.f32 v13, v9;
	v13 =	vpop (erf)  }
0x4fe: {  	v10 =	vadd.f32 v62, v10;
	v11 =	vadd.f32 v13, v11  }
0x4ff: {  	v12 =	vadd.f32 v19, v12;
	v9 =	vadd.f32 v14, v9;
	v13 =	vpop (erf)  }
0x500: {  	v8 =	vadd.f32 v23, v8;
	v10 =	vadd.f32 v13, v10  }
0x501: {  	v12 =	vadd.f32 v15, v12;
	v9 =	vadd.f32 v11, v9  }
0x502: {  	v7 =	vadd.f32 v21, v7;
	v8 =	vadd.f32 v20, v8;
	v11 =	vpop (erf)  }
0x503: {  	v9 =	vadd.f32 v10, v9;
	v11 =	vadd.f32 v11, v12  }
0x504: {  	v7 =	vadd.f32 v59, v7;
	v10 =	vpop (erf)  }
0x505: {  	v8 =	vadd.f32 v10, v8;
	v9 =	vadd.f32 v11, v9;
	_ =	sdelay $0x1  }
0x506: {  	v7 =	vadd.f32 v22, v7;
	v8 =	vadd.f32 v8, v9  }
0x507: {  	s24 =	spop (v2sf)  }
0x508: {  	s1 =	sshll.u32 s24, $0x1;
	v7 =	vadd.f32 v7, v8  }
0x509: {  	s15 =	sand.u32 $0x70, s24;
	s1 =	sand.u32 $0xFFFFFF00, s1  }
0x50a: {  	s30 =	simm.s32 $0x6;
	s1 =	sor.u32 s15, s1;
	[tilespmem:s4+$0x14180] =	vst v7  }
0x50b: {  	v7 =	vld [tilespmem:s1+$0xC180];
	_ =	swait.ge [sflag:s30], $0x4000  }
0x50c: {  	[sflag:s30] =	ssyncset.done $0x0  }
0x50d: {  	[sflag:s30] =	ssyncadd.s32 $0xFFFFC000  }
0x50e: {  	v8 =	vld.msk @!p0 [tilespmem:s16+$0x480], $0x3;
	_ =	sdelay $0x4  }
0x50f: {  	v9 =	vshll.u32 @!p0 v8, $0x6  }
0x510: {  	v10 =	vlaneseq.u32 @!p0;
	v8 =	vand.u32 @!p0 $0x7, v8;
	v9 =	vand.u32 @!p0 $0xFFFFFE00, v9  }
0x511: {  	v8 =	vor.u32 @!p0 v8, v9;
	v9 =	vand.u32 @!p0 $0x1, v10;
	v10 =	vshrl.u32 @!p0 v10, $0x1  }
0x512: {  	v8 =	vperm.xlane @!p0 v8, v9;
	v9 =	vmul.u32 @!p0 $0x8, v10;
	_ =	sdelay $0x1  }
0x513: {  	v8 =	vadd.s32 @!p0 v9, v8;
	_ =	sdelay $0x3  }
0x514: {  	s4 =	simm.s32 @!p0 $0x8100;
	s1 =	simm.s32 @!p0 $0x0  }
0x515: {  	[tilespmem:s4], [sflag:$0x2] =	stream.indirect_vreg.gather @!p0 [hbm4b:s2+s1], $0x80, v8, vm1, $0xb8;
	[tilespmem:$0x1C180] =	vst v63  }
0x516: {  	s4 =	simm.s32 @!p0 $0x8900  }
0x517: {  	[tilespmem:s4], [sflag:$0x2] =	stream.indirect_vreg.gather @!p0 [hbm4b:s7+s1], $0x80, v8, vm1, $0xb8;
	[tilespmem:$0x1C180] =	vst v63  }
0x518: {  	s4 =	simm.s32 @!p0 $0x9100  }
0x519: {  	[tilespmem:s4], [sflag:$0x2] =	stream.indirect_vreg.gather @!p0 [hbm4b:s8+s1], $0x80, v8, vm1, $0xb8;
	[tilespmem:$0x1C180] =	vst v63  }
0x51a: {  	s4 =	simm.s32 @!p0 $0x9900  }
0x51b: {  	[tilespmem:s4], [sflag:$0x2] =	stream.indirect_vreg.gather @!p0 [hbm4b:s9+s1], $0x80, v8, vm1, $0xb8;
	[tilespmem:$0x1C180] =	vst v63  }
0x51c: {  	s4 =	simm.s32 @!p0 $0xA100  }
0x51d: {  	[tilespmem:s4], [sflag:$0x2] =	stream.indirect_vreg.gather @!p0 [hbm4b:s10+s1], $0x80, v8, vm1, $0xb8;
	[tilespmem:$0x1C180] =	vst v63  }
0x51e: {  	s4 =	simm.s32 @!p0 $0xA900  }
0x51f: {  	[tilespmem:s4], [sflag:$0x2] =	stream.indirect_vreg.gather @!p0 [hbm4b:s11+s1], $0x80, v8, vm1, $0xb8;
	[tilespmem:$0x1C180] =	vst v63  }
0x520: {  	s4 =	simm.s32 @!p0 $0xB100  }
0x521: {  	[tilespmem:s4], [sflag:$0x2] =	stream.indirect_vreg.gather @!p0 [hbm4b:s12+s1], $0x80, v8, vm1, $0xb8;
	[tilespmem:$0x1C180] =	vst v63  }
0x522: {  	s15 =	sshll.u32 s0, $0xB;
	s16 =	simm.s32 $0x4;
	s4 =	simm.s32 @!p0 $0xB900  }
0x523: {  	[tilespmem:s4], [sflag:$0x2] =	stream.indirect_vreg.gather @!p0 [hbm4b:s13+s1], $0x80, v8, vm1, $0xb8;
	[tilespmem:$0x1C180] =	vst v63  }
0x524: {  	s1 =	sand.u32 $0x3E000, s15;
	_ =	swait.ge [sflag:s16], $0x4000  }
0x525: {  	s17 =	simm.s32 $0x10100;
	s1 =	sor.u32 s1, s14;
	[sflag:s16] =	ssyncset.done $0x0  }
0x526: {  	s18 =	simm.s32 $0x0;
	s1 =	sadd.s32 s1, s20;
	[sflag:s16] =	ssyncadd.s32 $0xFFFFC000  }
0x527: {  	[hbm4b:s1+s23] =	stream.strided.scatter [tilespmem:s17], [sflag:$0x8], $0x4000, s5, s23, $0x38;
	[tilespmem:$0x1C180] =	vst v63  }
0x528: {  	v8 =	vld [tilespmem:s18+$0x10170]  }
0x529: {  	v9 =	vld [tilespmem:s18+$0x10100]  }
0x52a: {  	v10 =	vld [tilespmem:s18+$0x10110]  }
0x52b: {  	v11 =	vld [tilespmem:s18+$0x10120]  }
0x52c: {  	v12 =	vld [tilespmem:s18+$0x10130]  }
0x52d: {  	v13 =	vld [tilespmem:s18+$0x10140]  }
0x52e: {  	v14 =	vld [tilespmem:s18+$0x10150];
	v8 =	vmul.f32 $1.442695020e+00, v8  }
0x52f: {  	s3 =	sand.u32 $0xF, s3;
	s19 =	simm.s32 $0x100;
	v15 =	vld [tilespmem:s18+$0x10160];
	v9 =	vmul.f32 $1.442695020e+00, v9;
	v10 =	vmul.f32 $1.442695020e+00, v10  }
0x530: {  	v16 =	vld [tilespmem:s19+$0x10170];
	v11 =	vmul.f32 $1.442695020e+00, v11;
	(erf) = vpow2.f32 v8;
	v8 =	vmov s3  }
0x531: {  	(erf) = vpow2.f32 v9;
	vm1 =	veq.s32 v8, v0;
	v8 =	vld [tilespmem:s19+$0x10100];
	v9 =	vmul.f32 $1.442695020e+00, v12  }
0x532: {  	v12 =	vmul.f32 $1.442695020e+00, v13;
	v13 =	vld [tilespmem:s19+$0x10130];
	(erf) = vpow2.f32 v10;
	v6 =	vnsel vm1, $0x0, v6  }
0x533: {  	s22 =	sand.u32 $0xF, s24;
	v10 =	vld [tilespmem:s19+$0x10110];
	(erf) = vpow2.f32 v11;
	v5 =	vadd.f32 v6, v5;
	v11 =	vmul.f32 $1.442695020e+00, v14  }
0x534: {  	v6 =	vld [tilespmem:s19+$0x10120];
	v14 =	vmul.f32 $1.442695020e+00, v15;
	(erf) = vpow2.f32 v9;
	v9 =	vmov s22  }
0x535: {  	s24 =	simm.s32 $0x200;
	(erf) = vpow2.f32 v12;
	vm1 =	veq.s32 v9, v0;
	v9 =	vld [tilespmem:s19+$0x10140];
	v12 =	vmul.f32 $1.442695020e+00, v16  }
0x536: {  	v17 =	vld [tilespmem:s24+$0x10170];
	(erf) = vpow2.f32 v11;
	v8 =	vmul.f32 $1.442695020e+00, v8  }
0x537: {  	v11 =	vld [tilespmem:s19+$0x10150];
	v13 =	vmul.f32 $1.442695020e+00, v13;
	(erf) = vpow2.f32 v14  }
0x538: {  	v16 =	vld [tilespmem:s19+$0x10160];
	v10 =	vmul.f32 $1.442695020e+00, v10;
	(erf) = vpow2.f32 v12  }
0x539: {  	v18 =	vld [tilespmem:s24+$0x10100];
	v12 =	vmul.f32 $1.442695020e+00, v6;
	(erf) = vpow2.f32 v8  }
0x53a: {  	v7 =	vnsel vm1, $0x0, v7;
	v6 =	vpop (erf);
	(erf) = vpow2.f32 v10;
	v9 =	vmul.f32 $1.442695020e+00, v9  }
0x53b: {  	v22 =	vmul.f32 $1.442695020e+00, v17;
	v5 =	vadd.f32 v7, v5;
	v8 =	vpop (erf);
	(erf) = vpow2.f32 v12  }
0x53c: {  	v19 =	vld [tilespmem:s24+$0x10110];
	v7 =	vimm.f32 $0.0e+00;
	v10 =	vpop (erf);
	v11 =	vmul.f32 $1.442695020e+00, v11;
	(erf) = vpow2.f32 v13  }
0x53d: {  	v14 =	vld [tilespmem:s24+$0x10120];
	v21 =	vmul.f32 $1.442695020e+00, v16;
	v12 =	vadd.f32 v10, v7;
	v10 =	vpop (erf);
	(erf) = vpow2.f32 v9  }
0x53e: {  	v20 =	vmul.f32 $1.442695020e+00, v18;
	v15 =	vld [tilespmem:s24+$0x10130];
	v9 =	vpop (erf);
	(erf) = vpow2.f32 v11  }
0x53f: {  	v16 =	vld [tilespmem:s24+$0x10140];
	v13 =	vadd.f32 v10, v7;
	v10 =	vadd.f32 v9, v7;
	v9 =	vpop (erf);
	(erf) = vpow2.f32 v21  }
0x540: {  	v17 =	vld [tilespmem:s24+$0x10150];
	v6 =	vadd.f32 v6, v7;
	v8 =	vadd.f32 v8, v7;
	v11 =	vpop (erf);
	(erf) = vpow2.f32 v22  }
0x541: {  	s28 =	simm.s32 $0x4100;
	s1 =	simm.s32 $0x1000;
	v18 =	vld [tilespmem:s24+$0x10160];
	s3 =	simm.s32 $0x300;
	v21 =	vmul.f32 $1.442695020e+00, v19;
	v9 =	vadd.f32 v9, v7;
	v11 =	vadd.f32 v11, v7;
	v19 =	vpop (erf)  }
.LBB2_31:
0x542: {  	p0 =	sne.s32 s1, $0xFC00;
	v22 =	vld [tilespmem:s3+$0x10170];
	v14 =	vmul.f32 $1.442695020e+00, v14;
	(erf) = vpow2.f32 v20;
	v20 =	vpop (erf);
	v7 =	vadd.f32 v19, v7  }
0x543: {  	v19 =	vld [tilespmem:s3+$0x10100];
	v15 =	vmul.f32 $1.442695020e+00, v15;
	(erf) = vpow2.f32 v21;
	v6 =	vadd.f32 v20, v6;
	v20 =	vpop (erf)  }
0x544: {  	v21 =	vld [tilespmem:s3+$0x10110];
	v16 =	vmul.f32 $1.442695020e+00, v16;
	(erf) = vpow2.f32 v14;
	v8 =	vadd.f32 v20, v8;
	v20 =	vpop (erf)  }
.Ltmp14:
0x545: {  	v14 =	vld [tilespmem:s3+$0x10120];
	v17 =	vmul.f32 $1.442695020e+00, v17;
	(erf) = vpow2.f32 v15;
	v12 =	vadd.f32 v20, v12;
	v20 =	vpop (erf);
	(pc) =	sbr.rel @p0 .LBB2_31-.Ltmp14, $4  }
0x546: {  	v15 =	vld [tilespmem:s3+$0x10130];
	v18 =	vmul.f32 $1.442695020e+00, v18;
	(erf) = vpow2.f32 v16;
	v13 =	vadd.f32 v20, v13;
	v20 =	vpop (erf)  }
0x547: {  	v16 =	vld [tilespmem:s3+$0x10140];
	v22 =	vmul.f32 $1.442695020e+00, v22;
	(erf) = vpow2.f32 v17;
	v10 =	vadd.f32 v20, v10;
	v23 =	vpop (erf)  }
0x548: {  	v20 =	vmul.f32 $1.442695020e+00, v19;
	v17 =	vld [tilespmem:s3+$0x10150];
	(erf) = vpow2.f32 v18;
	v9 =	vadd.f32 v23, v9;
	v19 =	vpop (erf)  }
0x549: {  	v21 =	vmul.f32 $1.442695020e+00, v21;
	v18 =	vld [tilespmem:s3+$0x10160];
	s3 =	sshra.s32 s1, $0x2;
	s1 =	sadd.s32 $0x400, s1;
	(erf) = vpow2.f32 v22;
	v11 =	vadd.f32 v19, v11;
	v19 =	vpop (erf)  }
0x54a: {  	v22 =	vld [tilespmem:s3+$0x10170];
	v14 =	vmul.f32 $1.442695020e+00, v14  }
0x54b: {  	v23 =	vld [tilespmem:s3+$0x10100];
	v15 =	vmul.f32 $1.442695020e+00, v15  }
0x54c: {  	(erf) = vpow2.f32 v20;
	v20 =	vpop (erf);
	v16 =	vmul.f32 $1.442695020e+00, v16  }
0x54d: {  	(erf) = vpow2.f32 v21;
	v21 =	vpop (erf);
	v17 =	vmul.f32 $1.442695020e+00, v17  }
0x54e: {  	v24 =	vld [tilespmem:s3+$0x10110];
	(erf) = vpow2.f32 v14;
	v14 =	vpop (erf);
	v18 =	vmul.f32 $1.442695020e+00, v18  }
0x54f: {  	(erf) = vpow2.f32 v15;
	v15 =	vpop (erf);
	v22 =	vmul.f32 $1.442695020e+00, v22  }
0x550: {  	(erf) = vpow2.f32 v16;
	v23 =	vmul.f32 $1.442695020e+00, v23;
	v16 =	vpop (erf)  }
0x551: {  	v25 =	vld [tilespmem:s3+$0x10120];
	(erf) = vpow2.f32 v17;
	v17 =	vpop (erf)  }
0x552: {  	v27 =	vld [tilespmem:s3+$0x10140];
	(erf) = vpow2.f32 v18;
	v18 =	vpop (erf)  }
0x553: {  	v26 =	vld [tilespmem:s3+$0x10130];
	v24 =	vmul.f32 $1.442695020e+00, v24;
	(erf) = vpow2.f32 v22;
	v22 =	vpop (erf)  }
0x554: {  	v28 =	vld [tilespmem:s3+$0x10150];
	(erf) = vpow2.f32 v23;
	v23 =	vpop (erf)  }
0x555: {  	(erf) = vpow2.f32 v24;
	v60 =	vpop (erf)  }
0x556: {  	v29 =	vpop (erf)  }
0x557: {  	v7 =	vadd.f32 v19, v7;
	v25 =	vmul.f32 $1.442695020e+00, v25;
	v19 =	vmul.f32 $1.442695020e+00, v27;
	v61 =	vpop (erf)  }
0x558: {  	v26 =	vmul.f32 $1.442695020e+00, v26;
	v31 =	vpop (erf)  }
0x559: {  	v13 =	vadd.f32 v15, v13;
	v15 =	vmul.f32 $1.442695020e+00, v28;
	(erf) = vpow2.f32 v25;
	v62 =	vpop (erf)  }
0x55a: {  	v30 =	vld [tilespmem:s3+$0x10160];
	v12 =	vadd.f32 v14, v12;
	(erf) = vpow2.f32 v26;
	v14 =	vpop (erf)  }
0x55b: {  	(erf) = vpow2.f32 v19;
	v19 =	vpop (erf)  }
0x55c: {  	v8 =	vadd.f32 v21, v8;
	v21 =	vpop (erf)  }
0x55d: {  	v12 =	vadd.f32 v29, v12;
	(erf) = vpow2.f32 v15;
	v15 =	vpop (erf)  }
0x55e: {  	v10 =	vadd.f32 v16, v10;
	v16 =	vpop (erf)  }
0x55f: {  	v63 =	vmul.f32 $1.442695020e+00, v30;
	v8 =	vadd.f32 v60, v8;
	v12 =	vadd.f32 v16, v12;
	_ =	sdelay $0x1  }
0x560: {  	v13 =	vadd.f32 v61, v13;
	(erf) = vpow2.f32 v63;
	v8 =	vadd.f32 v15, v8  }
0x561: {  	v9 =	vadd.f32 v17, v9;
	v10 =	vadd.f32 v31, v10;
	v15 =	vpop (erf)  }
0x562: {  	v13 =	vadd.f32 v15, v13;
	v8 =	vadd.f32 v12, v8;
	v12 =	vpop (erf)  }
0x563: {  	v9 =	vadd.f32 v62, v9;
	v10 =	vadd.f32 v12, v10  }
0x564: {  	v11 =	vadd.f32 v18, v11;
	v8 =	vadd.f32 v13, v8;
	v12 =	vpop (erf)  }
0x565: {  	v7 =	vadd.f32 v22, v7;
	v9 =	vadd.f32 v12, v9  }
0x566: {  	v11 =	vadd.f32 v14, v11;
	v8 =	vadd.f32 v10, v8  }
0x567: {  	v6 =	vadd.f32 v20, v6;
	v7 =	vadd.f32 v19, v7;
	v10 =	vpop (erf)  }
0x568: {  	v8 =	vadd.f32 v9, v8;
	v10 =	vadd.f32 v10, v11  }
0x569: {  	v6 =	vadd.f32 v23, v6;
	v9 =	vpop (erf)  }
0x56a: {  	v7 =	vadd.f32 v9, v7;
	v8 =	vadd.f32 v10, v8;
	_ =	sdelay $0x1  }
0x56b: {  	v6 =	vadd.f32 v21, v6;
	v7 =	vadd.f32 v7, v8;
	_ =	sdelay $0x1  }
0x56c: {  	s0 =	sshll.u32 s0, $0x8;
	v6 =	vadd.f32 v6, v7  }
0x56d: {  	s0 =	sand.u32 $0x3FFFFF00, s0  }
0x56e: {  	(v2sf) =	vpush v4, $0xE;
	s22 =	simm.s32 $0x0;
	[tilespmem:s0+$0x14100] =	vst v6  }
0x56f: {  	v7 =	vld [tilespmem:s22+$0x101F0]  }
0x570: {  	v8 =	vld [tilespmem:s22+$0x10180]  }
0x571: {  	v9 =	vld [tilespmem:s22+$0x10190]  }
0x572: {  	v10 =	vld [tilespmem:s22+$0x101A0]  }
0x573: {  	v11 =	vld [tilespmem:s22+$0x101B0]  }
0x574: {  	v12 =	vld [tilespmem:s22+$0x101C0]  }
0x575: {  	v13 =	vld [tilespmem:s22+$0x101D0];
	v7 =	vmul.f32 $1.442695020e+00, v7  }
0x576: {  	s24 =	simm.s32 $0x100;
	v14 =	vld [tilespmem:s22+$0x101E0];
	v8 =	vmul.f32 $1.442695020e+00, v8;
	v9 =	vmul.f32 $1.442695020e+00, v9  }
0x577: {  	v10 =	vmul.f32 $1.442695020e+00, v10;
	(erf) = vpow2.f32 v7;
	v7 =	vld [tilespmem:s24+$0x101F0]  }
0x578: {  	v11 =	vmul.f32 $1.442695020e+00, v11;
	(erf) = vpow2.f32 v8;
	v8 =	vld [tilespmem:s24+$0x10180]  }
0x579: {  	v12 =	vmul.f32 $1.442695020e+00, v12;
	(erf) = vpow2.f32 v9;
	v9 =	vld [tilespmem:s24+$0x10190]  }
0x57a: {  	v13 =	vmul.f32 $1.442695020e+00, v13;
	(erf) = vpow2.f32 v10;
	v10 =	vld [tilespmem:s24+$0x101A0]  }
0x57b: {  	v14 =	vmul.f32 $1.442695020e+00, v14;
	(erf) = vpow2.f32 v11  }
0x57c: {  	v11 =	vld [tilespmem:s24+$0x101B0];
	(erf) = vpow2.f32 v12;
	v7 =	vmul.f32 $1.442695020e+00, v7  }
0x57d: {  	s3 =	spop (v2sf);
	v12 =	vld [tilespmem:s24+$0x101C0];
	(erf) = vpow2.f32 v13;
	v13 =	vmul.f32 $1.442695020e+00, v8  }
0x57e: {  	s1 =	sshll.u32 s3, $0x1;
	v16 =	vld [tilespmem:s24+$0x101D0];
	(erf) = vpow2.f32 v14;
	v9 =	vmul.f32 $1.442695020e+00, v9  }
0x57f: {  	s6 =	simm.s32 $0x200;
	s4 =	sand.u32 $0x70, s3;
	s1 =	sand.u32 $0xFFFFFF00, s1;
	v14 =	vld [tilespmem:s24+$0x101E0];
	(erf) = vpow2.f32 v7;
	v10 =	vmul.f32 $1.442695020e+00, v10  }
0x580: {  	s1 =	sor.u32 s4, s1;
	v18 =	vld [tilespmem:s6+$0x101F0];
	(erf) = vpow2.f32 v13  }
0x581: {  	v6 =	vld [tilespmem:s1+$0x10100];
	v7 =	vpop (erf);
	v11 =	vmul.f32 $1.442695020e+00, v11;
	(erf) = vpow2.f32 v9  }
0x582: {  	v19 =	vld [tilespmem:s6+$0x10180];
	v12 =	vmul.f32 $1.442695020e+00, v12;
	v9 =	vpop (erf);
	(erf) = vpow2.f32 v10  }
0x583: {  	v20 =	vld [tilespmem:s6+$0x10190];
	v21 =	vmul.f32 $1.442695020e+00, v16;
	v8 =	vimm.f32 $0.0e+00;
	v10 =	vpop (erf);
	(erf) = vpow2.f32 v11  }
0x584: {  	v15 =	vld [tilespmem:s6+$0x101A0];
	v22 =	vmul.f32 $1.442695020e+00, v14;
	v13 =	vadd.f32 v10, v8;
	v10 =	vpop (erf);
	(erf) = vpow2.f32 v12  }
0x585: {  	v16 =	vld [tilespmem:s6+$0x101B0];
	v12 =	vmul.f32 $1.442695020e+00, v18;
	v14 =	vadd.f32 v10, v8;
	v10 =	vpop (erf);
	(erf) = vpow2.f32 v21  }
0x586: {  	v17 =	vld [tilespmem:s6+$0x101C0];
	v7 =	vadd.f32 v7, v8;
	v11 =	vadd.f32 v10, v8;
	v10 =	vpop (erf);
	(erf) = vpow2.f32 v22  }
0x587: {  	v9 =	vadd.f32 v9, v8;
	v18 =	vld [tilespmem:s6+$0x101D0];
	v21 =	vmul.f32 $1.442695020e+00, v19;
	v23 =	vpop (erf);
	(erf) = vpow2.f32 v12  }
0x588: {  	s4 =	simm.s32 $0x300;
	s1 =	simm.s32 $0x1000;
	v19 =	vld [tilespmem:s6+$0x101E0];
	v22 =	vmul.f32 $1.442695020e+00, v20;
	v10 =	vadd.f32 v10, v8;
	v12 =	vadd.f32 v23, v8;
	v20 =	vpop (erf)  }
.LBB2_33:
0x589: {  	p0 =	sne.s32 s1, $0xFC00;
	v23 =	vld [tilespmem:s4+$0x101F0];
	v15 =	vmul.f32 $1.442695020e+00, v15;
	(erf) = vpow2.f32 v21;
	v21 =	vpop (erf);
	v8 =	vadd.f32 v20, v8  }
0x58a: {  	v20 =	vld [tilespmem:s4+$0x10180];
	v16 =	vmul.f32 $1.442695020e+00, v16;
	(erf) = vpow2.f32 v22;
	v7 =	vadd.f32 v21, v7;
	v21 =	vpop (erf)  }
0x58b: {  	v22 =	vld [tilespmem:s4+$0x10190];
	v17 =	vmul.f32 $1.442695020e+00, v17;
	(erf) = vpow2.f32 v15;
	v9 =	vadd.f32 v21, v9;
	v21 =	vpop (erf)  }
.Ltmp15:
0x58c: {  	v15 =	vld [tilespmem:s4+$0x101A0];
	v18 =	vmul.f32 $1.442695020e+00, v18;
	(erf) = vpow2.f32 v16;
	v13 =	vadd.f32 v21, v13;
	v21 =	vpop (erf);
	(pc) =	sbr.rel @p0 .LBB2_33-.Ltmp15, $4  }
0x58d: {  	v16 =	vld [tilespmem:s4+$0x101B0];
	v19 =	vmul.f32 $1.442695020e+00, v19;
	(erf) = vpow2.f32 v17;
	v14 =	vadd.f32 v21, v14;
	v21 =	vpop (erf)  }
0x58e: {  	v17 =	vld [tilespmem:s4+$0x101C0];
	v23 =	vmul.f32 $1.442695020e+00, v23;
	(erf) = vpow2.f32 v18;
	v11 =	vadd.f32 v21, v11;
	v24 =	vpop (erf)  }
0x58f: {  	v21 =	vmul.f32 $1.442695020e+00, v20;
	v18 =	vld [tilespmem:s4+$0x101D0];
	(erf) = vpow2.f32 v19;
	v10 =	vadd.f32 v24, v10;
	v20 =	vpop (erf)  }
0x590: {  	v22 =	vmul.f32 $1.442695020e+00, v22;
	v19 =	vld [tilespmem:s4+$0x101E0];
	s4 =	sshra.s32 s1, $0x2;
	s1 =	sadd.s32 $0x400, s1;
	(erf) = vpow2.f32 v23;
	v12 =	vadd.f32 v20, v12;
	v20 =	vpop (erf)  }
0x591: {  	v23 =	vld [tilespmem:s4+$0x101F0];
	v15 =	vmul.f32 $1.442695020e+00, v15;
	(erf) = vpow2.f32 v21;
	v38 =	vpop (erf)  }
0x592: {  	v24 =	vld [tilespmem:s4+$0x10180];
	v16 =	vmul.f32 $1.442695020e+00, v16;
	(erf) = vpow2.f32 v22;
	v39 =	vpop (erf)  }
0x593: {  	v25 =	vld [tilespmem:s4+$0x10190];
	v17 =	vmul.f32 $1.442695020e+00, v17;
	(erf) = vpow2.f32 v15;
	v40 =	vpop (erf)  }
0x594: {  	v18 =	vmul.f32 $1.442695020e+00, v18;
	(erf) = vpow2.f32 v16;
	v41 =	vpop (erf)  }
0x595: {  	v26 =	vld [tilespmem:s4+$0x101A0];
	v19 =	vmul.f32 $1.442695020e+00, v19;
	(erf) = vpow2.f32 v17;
	v42 =	vpop (erf)  }
0x596: {  	v23 =	vmul.f32 $1.442695020e+00, v23;
	(erf) = vpow2.f32 v18;
	v43 =	vpop (erf)  }
0x597: {  	v27 =	vld [tilespmem:s4+$0x101B0];
	v24 =	vmul.f32 $1.442695020e+00, v24;
	(erf) = vpow2.f32 v19;
	v44 =	vpop (erf)  }
0x598: {  	v25 =	vmul.f32 $1.442695020e+00, v25;
	(erf) = vpow2.f32 v23;
	v45 =	vpop (erf)  }
0x599: {  	v28 =	vld [tilespmem:s4+$0x101C0];
	(erf) = vpow2.f32 v24;
	v46 =	vpop (erf)  }
0x59a: {  	v26 =	vmul.f32 $1.442695020e+00, v26;
	(erf) = vpow2.f32 v25;
	v47 =	vpop (erf)  }
0x59b: {  	v29 =	vld [tilespmem:s4+$0x101D0];
	v30 =	vpop (erf)  }
0x59c: {  	v31 =	vld [tilespmem:s4+$0x101E0];
	v27 =	vmul.f32 $1.442695020e+00, v27;
	(erf) = vpow2.f32 v26;
	v48 =	vpop (erf)  }
0x59d: {  	v32 =	vpop (erf)  }
0x59e: {  	v49 =	vmul.f32 $1.442695020e+00, v28;
	(erf) = vpow2.f32 v27;
	v50 =	vpop (erf)  }
0x59f: {  	v8 =	vadd.f32 v20, v8;
	v9 =	vadd.f32 v39, v9;
	v51 =	vpop (erf)  }
0x5a0: {  	v13 =	vadd.f32 v40, v13;
	v52 =	vmul.f32 $1.442695020e+00, v29;
	(erf) = vpow2.f32 v49;
	v53 =	vpop (erf)  }
0x5a1: {  	(v2sf) =	vpush v4, $0xF;
	v14 =	vadd.f32 v41, v14;
	v55 =	vmul.f32 $1.442695020e+00, v31;
	v54 =	vpop (erf)  }
0x5a2: {  	v9 =	vadd.f32 v47, v9;
	v13 =	vadd.f32 v30, v13;
	(erf) = vpow2.f32 v52;
	v4 =	vpop (erf)  }
0x5a3: {  	v11 =	vadd.f32 v42, v11;
	v14 =	vadd.f32 v48, v14;
	v56 =	vpop (erf)  }
0x5a4: {  	(erf) = vpow2.f32 v55;
	v4 =	vadd.f32 v4, v9;
	v57 =	vadd.f32 v56, v13  }
0x5a5: {  	v10 =	vadd.f32 v43, v10;
	v11 =	vadd.f32 v32, v11;
	v58 =	vpop (erf)  }
0x5a6: {  	v13 =	vadd.f32 v58, v14;
	v4 =	vadd.f32 v57, v4  }
0x5a7: {  	v59 =	vadd.f32 v44, v12;
	v10 =	vadd.f32 v50, v10;
	v60 =	vpop (erf)  }
0x5a8: {  	v11 =	vadd.f32 v60, v11;
	v4 =	vadd.f32 v13, v4  }
0x5a9: {  	v8 =	vadd.f32 v45, v8;
	v9 =	vadd.f32 v51, v59;
	v61 =	vpop (erf)  }
0x5aa: {  	v10 =	vadd.f32 v61, v10;
	v4 =	vadd.f32 v11, v4  }
0x5ab: {  	v7 =	vadd.f32 v38, v7;
	v8 =	vadd.f32 v53, v8;
	v62 =	vpop (erf)  }
0x5ac: {  	v9 =	vadd.f32 v62, v9;
	v4 =	vadd.f32 v10, v4  }
0x5ad: {  	v7 =	vadd.f32 v46, v7;
	v63 =	vpop (erf)  }
0x5ae: {  	v8 =	vadd.f32 v63, v8;
	v4 =	vadd.f32 v9, v4;
	_ =	sdelay $0x1  }
0x5af: {  	v7 =	vadd.f32 v54, v7;
	v4 =	vadd.f32 v8, v4  }
0x5b0: {  	s1 =	spop (v2sf)  }
0x5b1: {  	s19 =	sshll.u32 s1, $0x1;
	v4 =	vadd.f32 v7, v4  }
0x5b2: {  	s6 =	sand.u32 $0x70, s1;
	s4 =	sand.u32 $0xFFFFFF00, s19  }
0x5b3: {  	s22 =	sor.u32 s6, s4;
	[tilespmem:s0+$0x14180] =	vst v4  }
0x5b4: {  	s3 =	sand.u32 $0xF, s3;
	s21 =	sadd.s32 $0x1, s21;
	v4 =	vld [tilespmem:s22+$0x10180]  }
0x5b5: {  	p0 =	sne.s32 s21, $0x10;
	v7 =	vmov s3  }
.Ltmp16:
0x5b6: {  	s24 =	sand.u32 $0xF, s1;
	vm1 =	veq.s32 v7, v0;
	(pc) =	sbr.rel @p0 .LBB2_2-.Ltmp16, $4  }
0x5b7: {  	v7 =	vmov s24;
	v6 =	vnsel vm1, $0x0, v6  }
0x5b8: {  	vm1 =	veq.s32 v7, v0;
	v5 =	vadd.f32 v6, v5  }
0x5b9: {  	v4 =	vnsel vm1, $0x0, v4  }
0x5ba: {  	v5 =	vadd.f32 v4, v5  }
0x5bb: {  	_ = 	snop  }
0x5bc: {  	s0 =	simm.s32 $0x7;
	[tilespmem:$0x1C100] =	vst v5  }
0x5bd: {  	_ =	swait.ge [sflag:s0], $0x4000  }
0x5be: {  	[sflag:s0] =	ssyncset.done $0x0  }
0x5bf: {  	s18 =	simm.s32 $0x8;
	[sflag:s0] =	ssyncadd.s32 $0xFFFFC000  }
0x5c0: {  	_ =	swait.ge [sflag:s18], $0x4000  }
0x5c1: {  	s16 =	simm.s32 $0x0;
	[sflag:s18] =	ssyncset.done $0x0  }
0x5c2: {  	s1 =	simm.s32 $0x14100;
	s19 =	rddreg [dreg:$0x7];
	[sflag:s18] =	ssyncadd.s32 $0xFFFFC000  }
0x5c3: {  	[hbm4b:s19+s16] =	stream.linear.scatter [tilespmem:s1], [sflag:$0x9], $0x8000, $0x38;
	[tilespmem:$0x1C180] =	vst v63  }
0x5c4: {  	s1 =	simm.s32 $0x9  }
0x5c5: {  	_ =	swait.ge [sflag:s1], $0x8000  }
0x5c6: {  	[sflag:s1] =	ssyncset.done $0x0  }
0x5c7: {  	s3 =	simm.s32 $0x1C100;
	s21 =	rddreg [dreg:$0x8];
	[sflag:s1] =	ssyncadd.s32 $0xFFFF8000  }
0x5c8: {  	[hbm4b:s21+s16] =	stream.linear.scatter [tilespmem:s3], [sflag:$0x9], $0x80, $0x38;
	[tilespmem:$0x1C180] =	vst v63  }
0x5c9: {  	_ =	swait.ge [sflag:s1], $0x80  }
0x5ca: {  	s22 =	rddreg [dreg:$0xa]  }
0x5cb: {  	s24 =	rddreg [dreg:$0x9];
	s3 =	sadd.s32 $0x1, s22  }
0x5cc: {  	p0 =	sne.s32 s3, s24  }
.Ltmp17:
0x5cd: {  	_ = 	snop;
	(pc) =	sbr.rel @p0 .LBB2_1-.Ltmp17, $3  }
0x5ce: {  	_ =	sdelay $0x1  }
0x5cf: {  	[sflag:s1] =	ssyncset.done $0x0  }
0x5d0: {  	[sflag:s1] =	ssyncadd.s32 $0xFFFFFF80  }
0x5d1: {  	_ =	sfence.sel $0x180000  }
0x5d2: {  	[bflag:$0x0] =	sbarrier.arrive $0xFFFF  }
0x5d3: {  	_ =	strace $0x90000047  }
0x5d4: {  	s0 =	stileid.u32;
	[bflag:$0x2] =	sbarrier.arrive $0xFFFF  }
0x5d5: {  	p0 =	sne.s32 s0, $0x0;
	s0 =	rddreg [dreg:$0x3]  }
0x5d6: {  	s0 =	sadd.s32 @!p0 $0x100000, s0  }
0x5d7: {  	[sflag:s0] =	ssyncadd.tile.s32 @!p0 $0x1;
	_ =	shalt  }
.Lfunc_end2:
_tile_overlayer_lowered:
.L_overlay_start_2:
0x5d8: {  	(tag) =	ssettag $0x2  }
0x5d9: {  	s0 =	rddreg [dreg:$0x0];
	s2 =	stileid.u32  }
0x5da: {  	s1 =	rddreg [dreg:$0x1];
	p0 =	sne.s32 s2, $0x0  }
0x5db: {  	s3 =	rddreg [dreg:$0x2];
	[bflag:$0x3] =	sbarrier.arrive $0xFFFF;
	s2 =	simm.s32 @!p0 $0x1C09  }
0x5dc: {  	[timem:s3], [sflag:s2] =	dma.local @!p0 [hbm:s0], s1  }
0x5dd: {  	s0 =	simm.s32 @!p0 $0x9  }
0x5de: {  	_ =	swait.ge @!p0 [sflag:s0], s1  }
0x5df: {  	s1 =	ssub.s32 @!p0 $0x0, s1;
	[sflag:s0] =	ssyncset.done @!p0 $0x0  }
0x5e0: {  	[sflag:s0] =	ssyncadd.s32 @!p0 s1  }
0x5e1: {  	[bflag:$0x3] =	sbarrier.arrive $0xFFFF  }
0x5e2: {  	_ =	shalt  }

</sc_bundles>
